<compile_context>
chip_gen: v7x
topology: tpu7x:2x2x1
jax: 0.10.2.dev20260603
libtpu: 0.0.44.dev20260713+nightly
codegen_flags: <defaults>
</compile_context>

<pallas_src>
import functools

import jax
import jax.numpy as jnp
from jax import lax
from jax.experimental import pallas as pl
from jax.experimental.pallas import tpu as pltpu
from jax.experimental.pallas import tpu_sc as plsc

CLIP_LIMIT = 2.0
TILES_Y, TILES_X = 8, 8
L = 16
NC, NS = 2, 16
NW = NC * NS


@functools.lru_cache(maxsize=None)
def _build(B, H, W):
    th = H // TILES_Y
    tw = W // TILES_X
    n_pairs = B * TILES_Y * (TILES_X // 2)
    ppw = n_pairs // NW
    assert n_pairs % NW == 0 and tw % L == 0 and ppw % 2 == 0
    nbins = 256
    clip_count = float(th * tw) * CLIP_LIMIT / nbins
    px = TILES_X // 2

    mesh = plsc.VectorSubcoreMesh(
        core_axis_name="c", subcore_axis_name="s", num_cores=NC, num_subcores=NS
    )

    @functools.partial(
        pl.kernel,
        out_type=jax.ShapeDtypeStruct((B, H, W), jnp.float32),
        mesh=mesh,
        compiler_params=pltpu.CompilerParams(needs_layout_passes=False),
        scratch_types=[
            pltpu.VMEM((th, 2 * tw), jnp.float32),
            pltpu.VMEM((th, 2 * tw), jnp.float32),
            pltpu.VMEM((th, 2 * tw), jnp.float32),
            pltpu.VMEM((th, 2 * tw), jnp.float32),
            pltpu.VMEM((nbins * L,), jnp.float32),
            pltpu.VMEM((nbins * L,), jnp.float32),
            pltpu.VMEM((2 * nbins,), jnp.float32),
            pltpu.VMEM((nbins,), jnp.float32),
            pltpu.VMEM((nbins,), jnp.float32),
            pltpu.VMEM_SHARED((nbins * L,), jnp.float32),
            pltpu.SemaphoreType.DMA,
            pltpu.SemaphoreType.DMA,
            pltpu.SemaphoreType.DMA,
            pltpu.SemaphoreType.DMA,
            pltpu.SemaphoreType.DMA,
        ],
    )
    def clahe_kernel(img_hbm, out_hbm, in0, in1, out0, out1, hist_l, hist_r,
                     clipped, table_l, table_r, zeros_sp, si0, si1, so0,
                     so1, sz):
        cid = lax.axis_index("c")
        sid = lax.axis_index("s")
        wid = sid * NC + cid
        p_base = wid * ppw
        lanes = lax.iota(jnp.int32, L)
        lane_base = lanes * nbins
        zeros16 = jnp.zeros((L,), jnp.float32)
        ones16 = jnp.ones((L,), jnp.float32)

        def pair_slice(p):
            b = p // (TILES_Y * px)
            rem = p % (TILES_Y * px)
            ry = pl.ds((rem // px) * th, th)
            rx = pl.ds((rem % px) * (2 * tw), 2 * tw)
            return b, ry, rx

        slice_w = nbins * L // NS
        @pl.loop(0, slice_w // L)
        def _zstage(i):
            hist_l[pl.ds(i * L, L)] = zeros16
        pltpu.sync_copy(hist_l.at[pl.ds(0, slice_w)],
                        zeros_sp.at[pl.ds(sid * slice_w, slice_w)])
        plsc.subcore_barrier()
        pltpu.make_async_copy(zeros_sp, hist_l, sz).start()
        pltpu.make_async_copy(zeros_sp, hist_r, sz).start()

        b, ry, rx = pair_slice(p_base)
        pltpu.make_async_copy(img_hbm.at[b, ry, rx], in0, si0).start()
        b, ry, rx = pair_slice(p_base + 1)
        pltpu.make_async_copy(img_hbm.at[b, ry, rx], in1, si1).start()

        scale = 1.0 / float(th * tw)
        sclip = clip_count * scale

        def build_tables():
            @plsc.parallel_loop(0, nbins // L, carry=(zeros16, zeros16))
            def _reduce(c, excs):
                exc_l, exc_r = excs
                out = []
                for hist, cl_off in ((hist_l, 0), (hist_r, nbins)):
                    rows = []
                    for i in range(L):
                        base = i * nbins + c * L
                        rows.append(hist[pl.ds(base, L)])
                    while len(rows) > 1:
                        rows = [a + b2 for a, b2 in zip(rows[::2], rows[1::2])]
                    hch = rows[0] * scale
                    clipped[pl.ds(cl_off + c * L, L)] = jnp.minimum(hch, sclip)
                    out.append(jnp.maximum(hch - sclip, 0.0))
                return exc_l + out[0], exc_r + out[1]

            exc_l, exc_r = _reduce
            add_l = jnp.sum(exc_l) * (1.0 / float(nbins))
            add_r = jnp.sum(exc_r) * (1.0 / float(nbins))

            def _cdf(c, runs):
                run_l, run_r = runs
                v_l = clipped[pl.ds(c * L, L)] + add_l
                v_r = clipped[pl.ds(nbins + c * L, L)] + add_r
                cs_l = plsc.cumsum(v_l)
                cs_r = plsc.cumsum(v_r)
                table_l[pl.ds(c * L, L)] = cs_l + run_l
                table_r[pl.ds(c * L, L)] = cs_r + run_r
                return run_l + cs_l[L - 1], run_r + cs_r[L - 1]

            lax.fori_loop(0, nbins // L, _cdf,
                          (jnp.float32(0.0), jnp.float32(0.0)))

        @pl.loop(0, ppw, step=2)
        def _pair(j):
            for bsel, tin, tout, si, so in (
                (0, in0, out0, si0, so0),
                (1, in1, out1, si1, so1),
            ):
                jj = j + bsel
                p = p_base + jj
                b, ry, rx = pair_slice(p)
                pltpu.make_async_copy(img_hbm.at[b, ry, rx], tin, si).wait()
                pltpu.make_async_copy(zeros_sp, hist_l, sz).wait()
                pltpu.make_async_copy(zeros_sp, hist_r, sz).wait()

                @plsc.parallel_loop(0, th, unroll=4)
                def _row(r):
                    for cc in range(2 * tw // L):
                        v = tin[r, pl.ds(cc * L, L)]
                        bi = (v * 256.0).astype(jnp.int32)
                        h = hist_l if cc < tw // L else hist_r
                        plsc.addupdate_scatter(h, [lane_base + bi], ones16)

                build_tables()
                pltpu.make_async_copy(zeros_sp, hist_l, sz).start()
                pltpu.make_async_copy(zeros_sp, hist_r, sz).start()

                @pl.when(jj >= 2)
                def _drain_out():
                    pltpu.make_async_copy(tout, out_hbm.at[b, ry, rx], so).wait()

                @plsc.parallel_loop(0, th, unroll=4)
                def _lookup(r):
                    for cc in range(2 * tw // L):
                        v = tin[r, pl.ds(cc * L, L)]
                        ii = (v * 255.0).astype(jnp.int32)
                        tab = table_l if cc < tw // L else table_r
                        tout[r, pl.ds(cc * L, L)] = plsc.load_gather(tab, [ii])

                @pl.when(jj + 2 < ppw)
                def _prefetch():
                    b2, ry2, rx2 = pair_slice(p + 2)
                    pltpu.make_async_copy(img_hbm.at[b2, ry2, rx2], tin, si).start()

                pltpu.make_async_copy(tout, out_hbm.at[b, ry, rx], so).start()

        for tout, so, off in ((out0, so0, 0), (out1, so1, 1)):
            b, ry, rx = pair_slice(p_base + ppw - 2 + off)
            pltpu.make_async_copy(tout, out_hbm.at[b, ry, rx], so).wait()
        pltpu.make_async_copy(zeros_sp, hist_l, sz).wait()
        pltpu.make_async_copy(zeros_sp, hist_r, sz).wait()

    return clahe_kernel


@jax.jit
def kernel(image):
    B, C, H, W = image.shape
    out = _build(B, H, W)(image[:, 0])
    return out[:, None]

# --- scband reference (transcript-rebuilt; emitter-appended) ---
"""Pipeline reference for scband-clahe-20151986553106 (READ-ONLY COPY).

The authoritative reference and input builder live on the scoring server;
editing this copy changes nothing except your own understanding.
"""

import jax, jax.numpy as jnp
import numpy as np

CLIP_LIMIT = 2.0
TILES_Y, TILES_X = 8, 8

def setup_inputs(seed: int = 0) -> dict:
    key = jax.random.key(seed)
    image = jax.random.uniform(key, (16, 1, 512, 512), dtype=jnp.float32)
    return {"image": image}

def _clahe_tile(tile):
    # tile: float32[th, tw] in [0, 1]
    flat = tile.reshape(-1)
    # torch.histc(flat, bins=256, min=0, max=1) equivalent for values in [0,1)
    bin_idx = jnp.clip(jnp.floor(flat * 256.0).astype(jnp.int32), 0, 255)
    hist = jnp.bincount(bin_idx, length=256).astype(jnp.float32)
    clip_count = hist.sum() * CLIP_LIMIT / 256.0
    excess = jnp.maximum(hist - clip_count, 0.0).sum()
    hist = jnp.minimum(hist, clip_count)
    hist = hist + excess / 256.0
    cdf = jnp.cumsum(hist)
    cdf = cdf / cdf[-1]
    # torch: (tile.flatten() * 255).long().clamp(0, 255)
    indices = jnp.clip((flat * 255.0).astype(jnp.int32), 0, 255)
    mapped = cdf[indices].reshape(tile.shape)
    return mapped

def reference(image):
    B, C, H, W = image.shape
    th = H // TILES_Y
    tw = W // TILES_X
    img = image[:, 0]  # (B, H, W)
    # split into non-overlapping tiles (H, W divisible by grid here)
    tiles = img.reshape(B, TILES_Y, th, TILES_X, tw)
    tiles = jnp.transpose(tiles, (0, 1, 3, 2, 4)).reshape(B * TILES_Y * TILES_X, th, tw)
    mapped = jax.vmap(_clahe_tile)(tiles)
    out = mapped.reshape(B, TILES_Y, TILES_X, th, tw)
    out = jnp.transpose(out, (0, 1, 3, 2, 4)).reshape(B, H, W)
    return out[:, None, :, :]

if __name__ == "__main__":
    import jax
    _d = setup_inputs()
    print(jax.jit(kernel)(*tuple(_d.values())))

</pallas_src>

<mosaic_0001>
#map = affine_map<(d0, d1) -> (0, 0, 0)>
module attributes {stable_mosaic.version = 14 : i64} {
  func.func @clahe_kernel(%arg0: i32, %arg1: i32, %arg2: memref<16x512x512xf32, #tpu.memory_space<hbm>>, %arg3: memref<16x512x512xf32, #tpu.memory_space<hbm>>, %arg4: memref<64x128xf32, #tpu.memory_space<vmem>>, %arg5: memref<64x128xf32, #tpu.memory_space<vmem>>, %arg6: memref<64x128xf32, #tpu.memory_space<vmem>>, %arg7: memref<64x128xf32, #tpu.memory_space<vmem>>, %arg8: memref<4096xf32, #tpu.memory_space<vmem>>, %arg9: memref<4096xf32, #tpu.memory_space<vmem>>, %arg10: memref<512xf32, #tpu.memory_space<vmem>>, %arg11: memref<256xf32, #tpu.memory_space<vmem>>, %arg12: memref<256xf32, #tpu.memory_space<vmem>>, %arg13: memref<4096xf32, #tpu.memory_space<vmem_shared>>, %arg14: memref<!tpu.dma_semaphore, #tpu.memory_space<semaphore_mem>>, %arg15: memref<!tpu.dma_semaphore, #tpu.memory_space<semaphore_mem>>, %arg16: memref<!tpu.dma_semaphore, #tpu.memory_space<semaphore_mem>>, %arg17: memref<!tpu.dma_semaphore, #tpu.memory_space<semaphore_mem>>, %arg18: memref<!tpu.dma_semaphore, #tpu.memory_space<semaphore_mem>>) attributes {dimension_semantics = [#tpu.dimension_semantics<core_parallel>, #tpu.dimension_semantics<subcore_parallel>], iteration_bounds = array<i64: 2, 16>, scalar_prefetch = 0 : i64, scratch_operands = 15 : i64, tpu.core_type = #tpu.core_type<sc_vector_subcore>, window_params = [{transform_indices = #map}, {transform_indices = #map}]} {
    %mul3A = arith.constant 2 : i32
    %mul3A_0 = arith.muli %arg1, %mul3A : i32
    %add3A = arith.addi %mul3A_0, %arg0 : i32
    %mul3A_1 = arith.constant 16 : i32
    %mul3A_2 = arith.muli %add3A, %mul3A_1 : i32
    %iota3A = tpu.iota {dimensions = array<i32: 0>} : vector<16xi32>
    %mul3A_3 = arith.constant 256 : i32
    %mul3A_4 = vector.broadcast %mul3A_3 : i32 to vector<16xi32>
    %mul3A_5 = arith.muli %iota3A, %mul3A_4 : vector<16xi32>
    %broadcast_in_dim3A = arith.constant 0.000000e+00 : f32
    %broadcast_in_dim3A_6 = vector.broadcast %broadcast_in_dim3A : f32 to vector<16xf32>
    %broadcast_in_dim3A_7 = arith.constant 1.000000e+00 : f32
    %broadcast_in_dim3A_8 = vector.broadcast %broadcast_in_dim3A_7 : f32 to vector<16xf32>
    %scan3A = arith.constant 0 : i32
    %scan3A_9 = arith.constant 16 : i32
    %scan3A_10 = arith.addi %scan3A, %scan3A_9 : i32
    %scan3A_11 = arith.constant 1 : i32
    scf.for %scan3A_374 = %scan3A to %scan3A_10 step %scan3A_11  : i32 {
      %mul3A_375 = arith.constant 1 : i32
      %mul3A_376 = arith.muli %scan3A_374, %mul3A_375 : i32
      %add3A_377 = arith.constant 0 : i32
      %add3A_378 = arith.addi %add3A_377, %mul3A_376 : i32
      %mul3A_379 = arith.constant 16 : i32
      %mul3A_380 = arith.muli %add3A_378, %mul3A_379 : i32
      %swap3A = arith.index_cast %mul3A_380 : i32 to index
      %swap3A_381 = tpu.vector_load %arg8[%swap3A] {strides = array<i32>} : memref<4096xf32, #tpu.memory_space<vmem>>, vector<16xf32>,
      tpu.vector_store %arg8[%swap3A], %broadcast_in_dim3A_6 {strides = array<i32>} : memref<4096xf32, #tpu.memory_space<vmem>>, vector<16xf32>,
    }
    %scan3A_12 = arith.constant 16 : i32
    %mul3A_13 = arith.constant 256 : i32
    %mul3A_14 = arith.muli %arg1, %mul3A_13 : i32
    "tpu.region"() ({
      %run_scoped3A = tpu.sem_alloc : memref<!tpu.dma_semaphore, #tpu.memory_space<semaphore_mem>>
      %dma_start3A_374 = arith.constant 0 : i32
      %dma_start3A_375 = tpu.memref_slice %arg8[%dma_start3A_374] : memref<4096xf32, #tpu.memory_space<vmem>> -> memref<256xf32, #tpu.memory_space<vmem>>
      %dma_start3A_376 = tpu.memref_slice %arg13[%mul3A_14] : memref<4096xf32, #tpu.memory_space<vmem_shared>> -> memref<256xf32, #tpu.memory_space<vmem_shared>>
      %dma_start3A_377 = tpu.memref_slice %arg13[%mul3A_14] : memref<4096xf32, #tpu.memory_space<vmem_shared>> -> memref<256xf32, #tpu.memory_space<vmem_shared>>
      %dma_start3A_378 = arith.constant 0 : i32
      %dma_start3A_379 = tpu.memref_slice %arg8[%dma_start3A_378] : memref<4096xf32, #tpu.memory_space<vmem>> -> memref<256xf32, #tpu.memory_space<vmem>>
      tpu.enqueue_dma source(%dma_start3A_379 : memref<256xf32, #tpu.memory_space<vmem>>) target(%dma_start3A_377 : memref<256xf32, #tpu.memory_space<vmem_shared>>) target_semaphore(%run_scoped3A : memref<!tpu.dma_semaphore, #tpu.memory_space<semaphore_mem>>)
      %dma_wait3A_380 = arith.constant 0 : i32
      %dma_wait3A_381 = tpu.memref_slice %arg8[%dma_wait3A_380] : memref<4096xf32, #tpu.memory_space<vmem>> -> memref<256xf32, #tpu.memory_space<vmem>>
      %dma_wait3A_382 = tpu.memref_slice %arg13[%mul3A_14] : memref<4096xf32, #tpu.memory_space<vmem_shared>> -> memref<256xf32, #tpu.memory_space<vmem_shared>>
      %dma_wait3A_383 = tpu.memref_slice %arg13[%mul3A_14] : memref<4096xf32, #tpu.memory_space<vmem_shared>> -> memref<256xf32, #tpu.memory_space<vmem_shared>>
      %dma_wait3A_384 = arith.constant 0 : i32
      %dma_wait3A_385 = tpu.memref_slice %arg8[%dma_wait3A_384] : memref<4096xf32, #tpu.memory_space<vmem>> -> memref<256xf32, #tpu.memory_space<vmem>>
      tpu.wait_dma2 semaphore(%run_scoped3A : memref<!tpu.dma_semaphore, #tpu.memory_space<semaphore_mem>>) src(%dma_wait3A_385 : memref<256xf32, #tpu.memory_space<vmem>>) dst(%dma_wait3A_383 : memref<256xf32, #tpu.memory_space<vmem_shared>>)
      tpu.yield
    }) : () -> ()
    %barrier3A = arith.constant 0 : index
    tpu.barrier barrier_id(%barrier3A)
    tpu.enqueue_dma source(%arg13 : memref<4096xf32, #tpu.memory_space<vmem_shared>>) target(%arg8 : memref<4096xf32, #tpu.memory_space<vmem>>) target_semaphore(%arg18 : memref<!tpu.dma_semaphore, #tpu.memory_space<semaphore_mem>>)
    tpu.enqueue_dma source(%arg13 : memref<4096xf32, #tpu.memory_space<vmem_shared>>) target(%arg9 : memref<4096xf32, #tpu.memory_space<vmem>>) target_semaphore(%arg18 : memref<!tpu.dma_semaphore, #tpu.memory_space<semaphore_mem>>)
    %jit3A = arith.constant 32 : i32
    %div3A = arith.divsi %mul3A_2, %jit3A : i32
    %sign3A = arith.constant 0 : i32
    %sign3A_15 = arith.cmpi sgt, %mul3A_2, %sign3A : i32
    %sign3A_16 = arith.extui %sign3A_15 : i1 to i32
    %sign3A_17 = arith.constant 0 : i32
    %sign3A_18 = arith.cmpi slt, %mul3A_2, %sign3A_17 : i32
    %sign3A_19 = arith.extui %sign3A_18 : i1 to i32
    %sign3A_20 = arith.subi %sign3A_16, %sign3A_19 : i32
    %sign3A_21 = arith.constant 0 : i32
    %sign3A_22 = arith.cmpi sgt, %jit3A, %sign3A_21 : i32
    %sign3A_23 = arith.extui %sign3A_22 : i1 to i32
    %sign3A_24 = arith.constant 0 : i32
    %sign3A_25 = arith.cmpi slt, %jit3A, %sign3A_24 : i32
    %sign3A_26 = arith.extui %sign3A_25 : i1 to i32
    %sign3A_27 = arith.subi %sign3A_23, %sign3A_26 : i32
    %ne3A = arith.cmpi ne, %sign3A_20, %sign3A_27 : i32
    %rem3A = arith.remsi %mul3A_2, %jit3A : i32
    %ne3A_28 = arith.constant 0 : i32
    %ne3A_29 = arith.cmpi ne, %rem3A, %ne3A_28 : i32
    %and3A = arith.andi %ne3A, %ne3A_29 : i1
    %sub3A = arith.constant 1 : i32
    %sub3A_30 = arith.subi %div3A, %sub3A : i32
    %select_n3A = arith.select %and3A, %sub3A_30, %div3A : i32
    %jit3A_31 = arith.constant 32 : i32
    %eq3A = arith.constant 0 : i32
    %eq3A_32 = arith.cmpi eq, %jit3A_31, %eq3A : i32
    %jit3A_33 = arith.constant 1 : i32
    %select_n3A_34 = arith.select %eq3A_32, %jit3A_33, %jit3A_31 : i32
    %rem3A_35 = arith.remsi %mul3A_2, %select_n3A_34 : i32
    %ne3A_36 = arith.constant 0 : i32
    %ne3A_37 = arith.cmpi ne, %rem3A_35, %ne3A_36 : i32
    %lt3A = arith.constant 0 : i32
    %lt3A_38 = arith.cmpi slt, %rem3A_35, %lt3A : i32
    %lt3A_39 = arith.constant 0 : i32
    %lt3A_40 = arith.cmpi slt, %select_n3A_34, %lt3A_39 : i32
    %ne3A_41 = arith.xori %lt3A_38, %lt3A_40 : i1
    %and3A_42 = arith.andi %ne3A_41, %ne3A_37 : i1
    %add3A_43 = arith.addi %rem3A_35, %select_n3A_34 : i32
    %select_n3A_44 = arith.select %and3A_42, %add3A_43, %rem3A_35 : i32
    %jit3A_45 = arith.constant 4 : i32
    %div3A_46 = arith.divsi %select_n3A_44, %jit3A_45 : i32
    %sign3A_47 = arith.constant 0 : i32
    %sign3A_48 = arith.cmpi sgt, %select_n3A_44, %sign3A_47 : i32
    %sign3A_49 = arith.extui %sign3A_48 : i1 to i32
    %sign3A_50 = arith.constant 0 : i32
    %sign3A_51 = arith.cmpi slt, %select_n3A_44, %sign3A_50 : i32
    %sign3A_52 = arith.extui %sign3A_51 : i1 to i32
    %sign3A_53 = arith.subi %sign3A_49, %sign3A_52 : i32
    %sign3A_54 = arith.constant 0 : i32
    %sign3A_55 = arith.cmpi sgt, %jit3A_45, %sign3A_54 : i32
    %sign3A_56 = arith.extui %sign3A_55 : i1 to i32
    %sign3A_57 = arith.constant 0 : i32
    %sign3A_58 = arith.cmpi slt, %jit3A_45, %sign3A_57 : i32
    %sign3A_59 = arith.extui %sign3A_58 : i1 to i32
    %sign3A_60 = arith.subi %sign3A_56, %sign3A_59 : i32
    %ne3A_61 = arith.cmpi ne, %sign3A_53, %sign3A_60 : i32
    %rem3A_62 = arith.remsi %select_n3A_44, %jit3A_45 : i32
    %ne3A_63 = arith.constant 0 : i32
    %ne3A_64 = arith.cmpi ne, %rem3A_62, %ne3A_63 : i32
    %and3A_65 = arith.andi %ne3A_61, %ne3A_64 : i1
    %sub3A_66 = arith.constant 1 : i32
    %sub3A_67 = arith.subi %div3A_46, %sub3A_66 : i32
    %select_n3A_68 = arith.select %and3A_65, %sub3A_67, %div3A_46 : i32
    %mul3A_69 = arith.constant 64 : i32
    %mul3A_70 = arith.muli %select_n3A_68, %mul3A_69 : i32
    %jit3A_71 = arith.constant 4 : i32
    %eq3A_72 = arith.constant 0 : i32
    %eq3A_73 = arith.cmpi eq, %jit3A_71, %eq3A_72 : i32
    %jit3A_74 = arith.constant 1 : i32
    %select_n3A_75 = arith.select %eq3A_73, %jit3A_74, %jit3A_71 : i32
    %rem3A_76 = arith.remsi %select_n3A_44, %select_n3A_75 : i32
    %ne3A_77 = arith.constant 0 : i32
    %ne3A_78 = arith.cmpi ne, %rem3A_76, %ne3A_77 : i32
    %lt3A_79 = arith.constant 0 : i32
    %lt3A_80 = arith.cmpi slt, %rem3A_76, %lt3A_79 : i32
    %lt3A_81 = arith.constant 0 : i32
    %lt3A_82 = arith.cmpi slt, %select_n3A_75, %lt3A_81 : i32
    %ne3A_83 = arith.xori %lt3A_80, %lt3A_82 : i1
    %and3A_84 = arith.andi %ne3A_83, %ne3A_78 : i1
    %add3A_85 = arith.addi %rem3A_76, %select_n3A_75 : i32
    %select_n3A_86 = arith.select %and3A_84, %add3A_85, %rem3A_76 : i32
    %mul3A_87 = arith.constant 128 : i32
    %mul3A_88 = arith.muli %select_n3A_86, %mul3A_87 : i32
    %dma_start3A = tpu.memref_slice %arg2[%select_n3A, %mul3A_70, %mul3A_88] : memref<16x512x512xf32, #tpu.memory_space<hbm>> -> memref<1x64x128xf32, #tpu.memory_space<hbm>>
    %dma_start3A_89 = tpu.memref_squeeze %dma_start3A : memref<1x64x128xf32, #tpu.memory_space<hbm>> -> memref<64x128xf32, #tpu.memory_space<hbm>>
    %dma_start3A_90 = tpu.memref_slice %arg2[%select_n3A, %mul3A_70, %mul3A_88] : memref<16x512x512xf32, #tpu.memory_space<hbm>> -> memref<1x64x128xf32, #tpu.memory_space<hbm>>
    %dma_start3A_91 = tpu.memref_squeeze %dma_start3A_90 : memref<1x64x128xf32, #tpu.memory_space<hbm>> -> memref<64x128xf32, #tpu.memory_space<hbm>>
    tpu.enqueue_dma source(%dma_start3A_91 : memref<64x128xf32, #tpu.memory_space<hbm>>) target(%arg4 : memref<64x128xf32, #tpu.memory_space<vmem>>) target_semaphore(%arg14 : memref<!tpu.dma_semaphore, #tpu.memory_space<semaphore_mem>>)
    %add3A_92 = arith.constant 1 : i32
    %add3A_93 = arith.addi %mul3A_2, %add3A_92 : i32
    %jit3A_94 = arith.constant 32 : i32
    %div3A_95 = arith.divsi %add3A_93, %jit3A_94 : i32
    %sign3A_96 = arith.constant 0 : i32
    %sign3A_97 = arith.cmpi sgt, %add3A_93, %sign3A_96 : i32
    %sign3A_98 = arith.extui %sign3A_97 : i1 to i32
    %sign3A_99 = arith.constant 0 : i32
    %sign3A_100 = arith.cmpi slt, %add3A_93, %sign3A_99 : i32
    %sign3A_101 = arith.extui %sign3A_100 : i1 to i32
    %sign3A_102 = arith.subi %sign3A_98, %sign3A_101 : i32
    %sign3A_103 = arith.constant 0 : i32
    %sign3A_104 = arith.cmpi sgt, %jit3A_94, %sign3A_103 : i32
    %sign3A_105 = arith.extui %sign3A_104 : i1 to i32
    %sign3A_106 = arith.constant 0 : i32
    %sign3A_107 = arith.cmpi slt, %jit3A_94, %sign3A_106 : i32
    %sign3A_108 = arith.extui %sign3A_107 : i1 to i32
    %sign3A_109 = arith.subi %sign3A_105, %sign3A_108 : i32
    %ne3A_110 = arith.cmpi ne, %sign3A_102, %sign3A_109 : i32
    %rem3A_111 = arith.remsi %add3A_93, %jit3A_94 : i32
    %ne3A_112 = arith.constant 0 : i32
    %ne3A_113 = arith.cmpi ne, %rem3A_111, %ne3A_112 : i32
    %and3A_114 = arith.andi %ne3A_110, %ne3A_113 : i1
    %sub3A_115 = arith.constant 1 : i32
    %sub3A_116 = arith.subi %div3A_95, %sub3A_115 : i32
    %select_n3A_117 = arith.select %and3A_114, %sub3A_116, %div3A_95 : i32
    %jit3A_118 = arith.constant 32 : i32
    %eq3A_119 = arith.constant 0 : i32
    %eq3A_120 = arith.cmpi eq, %jit3A_118, %eq3A_119 : i32
    %jit3A_121 = arith.constant 1 : i32
    %select_n3A_122 = arith.select %eq3A_120, %jit3A_121, %jit3A_118 : i32
    %rem3A_123 = arith.remsi %add3A_93, %select_n3A_122 : i32
    %ne3A_124 = arith.constant 0 : i32
    %ne3A_125 = arith.cmpi ne, %rem3A_123, %ne3A_124 : i32
    %lt3A_126 = arith.constant 0 : i32
    %lt3A_127 = arith.cmpi slt, %rem3A_123, %lt3A_126 : i32
    %lt3A_128 = arith.constant 0 : i32
    %lt3A_129 = arith.cmpi slt, %select_n3A_122, %lt3A_128 : i32
    %ne3A_130 = arith.xori %lt3A_127, %lt3A_129 : i1
    %and3A_131 = arith.andi %ne3A_130, %ne3A_125 : i1
    %add3A_132 = arith.addi %rem3A_123, %select_n3A_122 : i32
    %select_n3A_133 = arith.select %and3A_131, %add3A_132, %rem3A_123 : i32
    %jit3A_134 = arith.constant 4 : i32
    %div3A_135 = arith.divsi %select_n3A_133, %jit3A_134 : i32
    %sign3A_136 = arith.constant 0 : i32
    %sign3A_137 = arith.cmpi sgt, %select_n3A_133, %sign3A_136 : i32
    %sign3A_138 = arith.extui %sign3A_137 : i1 to i32
    %sign3A_139 = arith.constant 0 : i32
    %sign3A_140 = arith.cmpi slt, %select_n3A_133, %sign3A_139 : i32
    %sign3A_141 = arith.extui %sign3A_140 : i1 to i32
    %sign3A_142 = arith.subi %sign3A_138, %sign3A_141 : i32
    %sign3A_143 = arith.constant 0 : i32
    %sign3A_144 = arith.cmpi sgt, %jit3A_134, %sign3A_143 : i32
    %sign3A_145 = arith.extui %sign3A_144 : i1 to i32
    %sign3A_146 = arith.constant 0 : i32
    %sign3A_147 = arith.cmpi slt, %jit3A_134, %sign3A_146 : i32
    %sign3A_148 = arith.extui %sign3A_147 : i1 to i32
    %sign3A_149 = arith.subi %sign3A_145, %sign3A_148 : i32
    %ne3A_150 = arith.cmpi ne, %sign3A_142, %sign3A_149 : i32
    %rem3A_151 = arith.remsi %select_n3A_133, %jit3A_134 : i32
    %ne3A_152 = arith.constant 0 : i32
    %ne3A_153 = arith.cmpi ne, %rem3A_151, %ne3A_152 : i32
    %and3A_154 = arith.andi %ne3A_150, %ne3A_153 : i1
    %sub3A_155 = arith.constant 1 : i32
    %sub3A_156 = arith.subi %div3A_135, %sub3A_155 : i32
    %select_n3A_157 = arith.select %and3A_154, %sub3A_156, %div3A_135 : i32
    %mul3A_158 = arith.constant 64 : i32
    %mul3A_159 = arith.muli %select_n3A_157, %mul3A_158 : i32
    %jit3A_160 = arith.constant 4 : i32
    %eq3A_161 = arith.constant 0 : i32
    %eq3A_162 = arith.cmpi eq, %jit3A_160, %eq3A_161 : i32
    %jit3A_163 = arith.constant 1 : i32
    %select_n3A_164 = arith.select %eq3A_162, %jit3A_163, %jit3A_160 : i32
    %rem3A_165 = arith.remsi %select_n3A_133, %select_n3A_164 : i32
    %ne3A_166 = arith.constant 0 : i32
    %ne3A_167 = arith.cmpi ne, %rem3A_165, %ne3A_166 : i32
    %lt3A_168 = arith.constant 0 : i32
    %lt3A_169 = arith.cmpi slt, %rem3A_165, %lt3A_168 : i32
    %lt3A_170 = arith.constant 0 : i32
    %lt3A_171 = arith.cmpi slt, %select_n3A_164, %lt3A_170 : i32
    %ne3A_172 = arith.xori %lt3A_169, %lt3A_171 : i1
    %and3A_173 = arith.andi %ne3A_172, %ne3A_167 : i1
    %add3A_174 = arith.addi %rem3A_165, %select_n3A_164 : i32
    %select_n3A_175 = arith.select %and3A_173, %add3A_174, %rem3A_165 : i32
    %mul3A_176 = arith.constant 128 : i32
    %mul3A_177 = arith.muli %select_n3A_175, %mul3A_176 : i32
    %dma_start3A_178 = tpu.memref_slice %arg2[%select_n3A_117, %mul3A_159, %mul3A_177] : memref<16x512x512xf32, #tpu.memory_space<hbm>> -> memref<1x64x128xf32, #tpu.memory_space<hbm>>
    %dma_start3A_179 = tpu.memref_squeeze %dma_start3A_178 : memref<1x64x128xf32, #tpu.memory_space<hbm>> -> memref<64x128xf32, #tpu.memory_space<hbm>>
    %dma_start3A_180 = tpu.memref_slice %arg2[%select_n3A_117, %mul3A_159, %mul3A_177] : memref<16x512x512xf32, #tpu.memory_space<hbm>> -> memref<1x64x128xf32, #tpu.memory_space<hbm>>
    %dma_start3A_181 = tpu.memref_squeeze %dma_start3A_180 : memref<1x64x128xf32, #tpu.memory_space<hbm>> -> memref<64x128xf32, #tpu.memory_space<hbm>>
    tpu.enqueue_dma source(%dma_start3A_181 : memref<64x128xf32, #tpu.memory_space<hbm>>) target(%arg5 : memref<64x128xf32, #tpu.memory_space<vmem>>) target_semaphore(%arg15 : memref<!tpu.dma_semaphore, #tpu.memory_space<semaphore_mem>>)
    %scan3A_182 = arith.constant 0 : i32
    %scan3A_183 = arith.constant 8 : i32
    %scan3A_184 = arith.addi %scan3A_182, %scan3A_183 : i32
    %scan3A_185 = arith.constant 1 : i32
    scf.for %scan3A_374 = %scan3A_182 to %scan3A_184 step %scan3A_185  : i32 {
      %mul3A_375 = arith.constant 2 : i32
      %mul3A_376 = arith.muli %scan3A_374, %mul3A_375 : i32
      %add3A_377 = arith.constant 0 : i32
      %add3A_378 = arith.addi %add3A_377, %mul3A_376 : i32
      %add3A_379 = arith.constant 0 : i32
      %add3A_380 = arith.addi %add3A_378, %add3A_379 : i32
      %add3A_381 = arith.addi %mul3A_2, %add3A_380 : i32
      %jit3A_382 = arith.constant 32 : i32
      %div3A_383 = arith.divsi %add3A_381, %jit3A_382 : i32
      %sign3A_384 = arith.constant 0 : i32
      %sign3A_385 = arith.cmpi sgt, %add3A_381, %sign3A_384 : i32
      %sign3A_386 = arith.extui %sign3A_385 : i1 to i32
      %sign3A_387 = arith.constant 0 : i32
      %sign3A_388 = arith.cmpi slt, %add3A_381, %sign3A_387 : i32
      %sign3A_389 = arith.extui %sign3A_388 : i1 to i32
      %sign3A_390 = arith.subi %sign3A_386, %sign3A_389 : i32
      %sign3A_391 = arith.constant 0 : i32
      %sign3A_392 = arith.cmpi sgt, %jit3A_382, %sign3A_391 : i32
      %sign3A_393 = arith.extui %sign3A_392 : i1 to i32
      %sign3A_394 = arith.constant 0 : i32
      %sign3A_395 = arith.cmpi slt, %jit3A_382, %sign3A_394 : i32
      %sign3A_396 = arith.extui %sign3A_395 : i1 to i32
      %sign3A_397 = arith.subi %sign3A_393, %sign3A_396 : i32
      %ne3A_398 = arith.cmpi ne, %sign3A_390, %sign3A_397 : i32
      %rem3A_399 = arith.remsi %add3A_381, %jit3A_382 : i32
      %ne3A_400 = arith.constant 0 : i32
      %ne3A_401 = arith.cmpi ne, %rem3A_399, %ne3A_400 : i32
      %and3A_402 = arith.andi %ne3A_398, %ne3A_401 : i1
      %sub3A_403 = arith.constant 1 : i32
      %sub3A_404 = arith.subi %div3A_383, %sub3A_403 : i32
      %select_n3A_405 = arith.select %and3A_402, %sub3A_404, %div3A_383 : i32
      %jit3A_406 = arith.constant 32 : i32
      %eq3A_407 = arith.constant 0 : i32
      %eq3A_408 = arith.cmpi eq, %jit3A_406, %eq3A_407 : i32
      %jit3A_409 = arith.constant 1 : i32
      %select_n3A_410 = arith.select %eq3A_408, %jit3A_409, %jit3A_406 : i32
      %rem3A_411 = arith.remsi %add3A_381, %select_n3A_410 : i32
      %ne3A_412 = arith.constant 0 : i32
      %ne3A_413 = arith.cmpi ne, %rem3A_411, %ne3A_412 : i32
      %lt3A_414 = arith.constant 0 : i32
      %lt3A_415 = arith.cmpi slt, %rem3A_411, %lt3A_414 : i32
      %lt3A_416 = arith.constant 0 : i32
      %lt3A_417 = arith.cmpi slt, %select_n3A_410, %lt3A_416 : i32
      %ne3A_418 = arith.xori %lt3A_415, %lt3A_417 : i1
      %and3A_419 = arith.andi %ne3A_418, %ne3A_413 : i1
      %add3A_420 = arith.addi %rem3A_411, %select_n3A_410 : i32
      %select_n3A_421 = arith.select %and3A_419, %add3A_420, %rem3A_411 : i32
      %jit3A_422 = arith.constant 4 : i32
      %div3A_423 = arith.divsi %select_n3A_421, %jit3A_422 : i32
      %sign3A_424 = arith.constant 0 : i32
      %sign3A_425 = arith.cmpi sgt, %select_n3A_421, %sign3A_424 : i32
      %sign3A_426 = arith.extui %sign3A_425 : i1 to i32
      %sign3A_427 = arith.constant 0 : i32
      %sign3A_428 = arith.cmpi slt, %select_n3A_421, %sign3A_427 : i32
      %sign3A_429 = arith.extui %sign3A_428 : i1 to i32
      %sign3A_430 = arith.subi %sign3A_426, %sign3A_429 : i32
      %sign3A_431 = arith.constant 0 : i32
      %sign3A_432 = arith.cmpi sgt, %jit3A_422, %sign3A_431 : i32
      %sign3A_433 = arith.extui %sign3A_432 : i1 to i32
      %sign3A_434 = arith.constant 0 : i32
      %sign3A_435 = arith.cmpi slt, %jit3A_422, %sign3A_434 : i32
      %sign3A_436 = arith.extui %sign3A_435 : i1 to i32
      %sign3A_437 = arith.subi %sign3A_433, %sign3A_436 : i32
      %ne3A_438 = arith.cmpi ne, %sign3A_430, %sign3A_437 : i32
      %rem3A_439 = arith.remsi %select_n3A_421, %jit3A_422 : i32
      %ne3A_440 = arith.constant 0 : i32
      %ne3A_441 = arith.cmpi ne, %rem3A_439, %ne3A_440 : i32
      %and3A_442 = arith.andi %ne3A_438, %ne3A_441 : i1
      %sub3A_443 = arith.constant 1 : i32
      %sub3A_444 = arith.subi %div3A_423, %sub3A_443 : i32
      %select_n3A_445 = arith.select %and3A_442, %sub3A_444, %div3A_423 : i32
      %mul3A_446 = arith.constant 64 : i32
      %mul3A_447 = arith.muli %select_n3A_445, %mul3A_446 : i32
      %jit3A_448 = arith.constant 4 : i32
      %eq3A_449 = arith.constant 0 : i32
      %eq3A_450 = arith.cmpi eq, %jit3A_448, %eq3A_449 : i32
      %jit3A_451 = arith.constant 1 : i32
      %select_n3A_452 = arith.select %eq3A_450, %jit3A_451, %jit3A_448 : i32
      %rem3A_453 = arith.remsi %select_n3A_421, %select_n3A_452 : i32
      %ne3A_454 = arith.constant 0 : i32
      %ne3A_455 = arith.cmpi ne, %rem3A_453, %ne3A_454 : i32
      %lt3A_456 = arith.constant 0 : i32
      %lt3A_457 = arith.cmpi slt, %rem3A_453, %lt3A_456 : i32
      %lt3A_458 = arith.constant 0 : i32
      %lt3A_459 = arith.cmpi slt, %select_n3A_452, %lt3A_458 : i32
      %ne3A_460 = arith.xori %lt3A_457, %lt3A_459 : i1
      %and3A_461 = arith.andi %ne3A_460, %ne3A_455 : i1
      %add3A_462 = arith.addi %rem3A_453, %select_n3A_452 : i32
      %select_n3A_463 = arith.select %and3A_461, %add3A_462, %rem3A_453 : i32
      %mul3A_464 = arith.constant 128 : i32
      %mul3A_465 = arith.muli %select_n3A_463, %mul3A_464 : i32
      %dma_wait3A_466 = tpu.memref_slice %arg2[%select_n3A_405, %mul3A_447, %mul3A_465] : memref<16x512x512xf32, #tpu.memory_space<hbm>> -> memref<1x64x128xf32, #tpu.memory_space<hbm>>
      %dma_wait3A_467 = tpu.memref_squeeze %dma_wait3A_466 : memref<1x64x128xf32, #tpu.memory_space<hbm>> -> memref<64x128xf32, #tpu.memory_space<hbm>>
      %dma_wait3A_468 = tpu.memref_slice %arg2[%select_n3A_405, %mul3A_447, %mul3A_465] : memref<16x512x512xf32, #tpu.memory_space<hbm>> -> memref<1x64x128xf32, #tpu.memory_space<hbm>>
      %dma_wait3A_469 = tpu.memref_squeeze %dma_wait3A_468 : memref<1x64x128xf32, #tpu.memory_space<hbm>> -> memref<64x128xf32, #tpu.memory_space<hbm>>
      tpu.wait_dma2 semaphore(%arg14 : memref<!tpu.dma_semaphore, #tpu.memory_space<semaphore_mem>>) src(%dma_wait3A_469 : memref<64x128xf32, #tpu.memory_space<hbm>>) dst(%arg4 : memref<64x128xf32, #tpu.memory_space<vmem>>)
      tpu.wait_dma2 semaphore(%arg18 : memref<!tpu.dma_semaphore, #tpu.memory_space<semaphore_mem>>) src(%arg13 : memref<4096xf32, #tpu.memory_space<vmem_shared>>) dst(%arg8 : memref<4096xf32, #tpu.memory_space<vmem>>)
      tpu.wait_dma2 semaphore(%arg18 : memref<!tpu.dma_semaphore, #tpu.memory_space<semaphore_mem>>) src(%arg13 : memref<4096xf32, #tpu.memory_space<vmem_shared>>) dst(%arg9 : memref<4096xf32, #tpu.memory_space<vmem>>)
      %parallel_loop3A = arith.constant 0 : i32
      %parallel_loop3A_470 = arith.constant 64 : i32
      %parallel_loop3A_471 = arith.constant 1 : i32
      scf.for %parallel_loop3A_648 = %parallel_loop3A to %parallel_loop3A_470 step %parallel_loop3A_471  : i32 {
        %parallel_loop3A_649 = arith.index_cast %parallel_loop3A_648 : i32 to index
        %parallel_loop3A_650 = arith.constant 0 : index
        %parallel_loop3A_651 = tpu.vector_load %arg4[%parallel_loop3A_649, %parallel_loop3A_650] {strides = array<i32>} : memref<64x128xf32, #tpu.memory_space<vmem>>, vector<16xf32>,
        %parallel_loop3A_652 = arith.constant 2.560000e+02 : f32
        %parallel_loop3A_653 = vector.broadcast %parallel_loop3A_652 : f32 to vector<16xf32>
        %parallel_loop3A_654 = arith.mulf %parallel_loop3A_651, %parallel_loop3A_653 : vector<16xf32>
        %parallel_loop3A_655 = arith.fptosi %parallel_loop3A_654 : vector<16xf32> to vector<16xi32>
        %parallel_loop3A_656 = arith.addi %mul3A_5, %parallel_loop3A_655 : vector<16xi32>
        tpu.vector_store_idx %arg8[%parallel_loop3A_656], %broadcast_in_dim3A_8 {add = true} : memref<4096xf32, #tpu.memory_space<vmem>>[vector<16xi32>], vector<16xf32>,
        %parallel_loop3A_657 = arith.index_cast %parallel_loop3A_648 : i32 to index
        %parallel_loop3A_658 = arith.constant 16 : index
        %parallel_loop3A_659 = tpu.vector_load %arg4[%parallel_loop3A_657, %parallel_loop3A_658] {strides = array<i32>} : memref<64x128xf32, #tpu.memory_space<vmem>>, vector<16xf32>,
        %parallel_loop3A_660 = arith.constant 2.560000e+02 : f32
        %parallel_loop3A_661 = vector.broadcast %parallel_loop3A_660 : f32 to vector<16xf32>
        %parallel_loop3A_662 = arith.mulf %parallel_loop3A_659, %parallel_loop3A_661 : vector<16xf32>
        %parallel_loop3A_663 = arith.fptosi %parallel_loop3A_662 : vector<16xf32> to vector<16xi32>
        %parallel_loop3A_664 = arith.addi %mul3A_5, %parallel_loop3A_663 : vector<16xi32>
        tpu.vector_store_idx %arg8[%parallel_loop3A_664], %broadcast_in_dim3A_8 {add = true} : memref<4096xf32, #tpu.memory_space<vmem>>[vector<16xi32>], vector<16xf32>,
        %parallel_loop3A_665 = arith.index_cast %parallel_loop3A_648 : i32 to index
        %parallel_loop3A_666 = arith.constant 32 : index
        %parallel_loop3A_667 = tpu.vector_load %arg4[%parallel_loop3A_665, %parallel_loop3A_666] {strides = array<i32>} : memref<64x128xf32, #tpu.memory_space<vmem>>, vector<16xf32>,
        %parallel_loop3A_668 = arith.constant 2.560000e+02 : f32
        %parallel_loop3A_669 = vector.broadcast %parallel_loop3A_668 : f32 to vector<16xf32>
        %parallel_loop3A_670 = arith.mulf %parallel_loop3A_667, %parallel_loop3A_669 : vector<16xf32>
        %parallel_loop3A_671 = arith.fptosi %parallel_loop3A_670 : vector<16xf32> to vector<16xi32>
        %parallel_loop3A_672 = arith.addi %mul3A_5, %parallel_loop3A_671 : vector<16xi32>
        tpu.vector_store_idx %arg8[%parallel_loop3A_672], %broadcast_in_dim3A_8 {add = true} : memref<4096xf32, #tpu.memory_space<vmem>>[vector<16xi32>], vector<16xf32>,
        %parallel_loop3A_673 = arith.index_cast %parallel_loop3A_648 : i32 to index
        %parallel_loop3A_674 = arith.constant 48 : index
        %parallel_loop3A_675 = tpu.vector_load %arg4[%parallel_loop3A_673, %parallel_loop3A_674] {strides = array<i32>} : memref<64x128xf32, #tpu.memory_space<vmem>>, vector<16xf32>,
        %parallel_loop3A_676 = arith.constant 2.560000e+02 : f32
        %parallel_loop3A_677 = vector.broadcast %parallel_loop3A_676 : f32 to vector<16xf32>
        %parallel_loop3A_678 = arith.mulf %parallel_loop3A_675, %parallel_loop3A_677 : vector<16xf32>
        %parallel_loop3A_679 = arith.fptosi %parallel_loop3A_678 : vector<16xf32> to vector<16xi32>
        %parallel_loop3A_680 = arith.addi %mul3A_5, %parallel_loop3A_679 : vector<16xi32>
        tpu.vector_store_idx %arg8[%parallel_loop3A_680], %broadcast_in_dim3A_8 {add = true} : memref<4096xf32, #tpu.memory_space<vmem>>[vector<16xi32>], vector<16xf32>,
        %parallel_loop3A_681 = arith.index_cast %parallel_loop3A_648 : i32 to index
        %parallel_loop3A_682 = arith.constant 64 : index
        %parallel_loop3A_683 = tpu.vector_load %arg4[%parallel_loop3A_681, %parallel_loop3A_682] {strides = array<i32>} : memref<64x128xf32, #tpu.memory_space<vmem>>, vector<16xf32>,
        %parallel_loop3A_684 = arith.constant 2.560000e+02 : f32
        %parallel_loop3A_685 = vector.broadcast %parallel_loop3A_684 : f32 to vector<16xf32>
        %parallel_loop3A_686 = arith.mulf %parallel_loop3A_683, %parallel_loop3A_685 : vector<16xf32>
        %parallel_loop3A_687 = arith.fptosi %parallel_loop3A_686 : vector<16xf32> to vector<16xi32>
        %parallel_loop3A_688 = arith.addi %mul3A_5, %parallel_loop3A_687 : vector<16xi32>
        tpu.vector_store_idx %arg9[%parallel_loop3A_688], %broadcast_in_dim3A_8 {add = true} : memref<4096xf32, #tpu.memory_space<vmem>>[vector<16xi32>], vector<16xf32>,
        %parallel_loop3A_689 = arith.index_cast %parallel_loop3A_648 : i32 to index
        %parallel_loop3A_690 = arith.constant 80 : index
        %parallel_loop3A_691 = tpu.vector_load %arg4[%parallel_loop3A_689, %parallel_loop3A_690] {strides = array<i32>} : memref<64x128xf32, #tpu.memory_space<vmem>>, vector<16xf32>,
        %parallel_loop3A_692 = arith.constant 2.560000e+02 : f32
        %parallel_loop3A_693 = vector.broadcast %parallel_loop3A_692 : f32 to vector<16xf32>
        %parallel_loop3A_694 = arith.mulf %parallel_loop3A_691, %parallel_loop3A_693 : vector<16xf32>
        %parallel_loop3A_695 = arith.fptosi %parallel_loop3A_694 : vector<16xf32> to vector<16xi32>
        %parallel_loop3A_696 = arith.addi %mul3A_5, %parallel_loop3A_695 : vector<16xi32>
        tpu.vector_store_idx %arg9[%parallel_loop3A_696], %broadcast_in_dim3A_8 {add = true} : memref<4096xf32, #tpu.memory_space<vmem>>[vector<16xi32>], vector<16xf32>,
        %parallel_loop3A_697 = arith.index_cast %parallel_loop3A_648 : i32 to index
        %parallel_loop3A_698 = arith.constant 96 : index
        %parallel_loop3A_699 = tpu.vector_load %arg4[%parallel_loop3A_697, %parallel_loop3A_698] {strides = array<i32>} : memref<64x128xf32, #tpu.memory_space<vmem>>, vector<16xf32>,
        %parallel_loop3A_700 = arith.constant 2.560000e+02 : f32
        %parallel_loop3A_701 = vector.broadcast %parallel_loop3A_700 : f32 to vector<16xf32>
        %parallel_loop3A_702 = arith.mulf %parallel_loop3A_699, %parallel_loop3A_701 : vector<16xf32>
        %parallel_loop3A_703 = arith.fptosi %parallel_loop3A_702 : vector<16xf32> to vector<16xi32>
        %parallel_loop3A_704 = arith.addi %mul3A_5, %parallel_loop3A_703 : vector<16xi32>
        tpu.vector_store_idx %arg9[%parallel_loop3A_704], %broadcast_in_dim3A_8 {add = true} : memref<4096xf32, #tpu.memory_space<vmem>>[vector<16xi32>], vector<16xf32>,
        %parallel_loop3A_705 = arith.index_cast %parallel_loop3A_648 : i32 to index
        %parallel_loop3A_706 = arith.constant 112 : index
        %parallel_loop3A_707 = tpu.vector_load %arg4[%parallel_loop3A_705, %parallel_loop3A_706] {strides = array<i32>} : memref<64x128xf32, #tpu.memory_space<vmem>>, vector<16xf32>,
        %parallel_loop3A_708 = arith.constant 2.560000e+02 : f32
        %parallel_loop3A_709 = vector.broadcast %parallel_loop3A_708 : f32 to vector<16xf32>
        %parallel_loop3A_710 = arith.mulf %parallel_loop3A_707, %parallel_loop3A_709 : vector<16xf32>
        %parallel_loop3A_711 = arith.fptosi %parallel_loop3A_710 : vector<16xf32> to vector<16xi32>
        %parallel_loop3A_712 = arith.addi %mul3A_5, %parallel_loop3A_711 : vector<16xi32>
        tpu.vector_store_idx %arg9[%parallel_loop3A_712], %broadcast_in_dim3A_8 {add = true} : memref<4096xf32, #tpu.memory_space<vmem>>[vector<16xi32>], vector<16xf32>,
      } {sc.loop_unroll_factor = 4 : i64, sc.parallel_access}
      %parallel_loop3A_472 = arith.constant 0 : i32
      %parallel_loop3A_473 = arith.constant 16 : i32
      %parallel_loop3A_474 = arith.constant 1 : i32
      %parallel_loop3A_475:2 = scf.for %parallel_loop3A_648 = %parallel_loop3A_472 to %parallel_loop3A_473 step %parallel_loop3A_474 iter_args(%parallel_loop3A_649 = %broadcast_in_dim3A_6, %parallel_loop3A_650 = %broadcast_in_dim3A_6) -> (vector<16xf32>, vector<16xf32>)  : i32 {
        %parallel_loop3A_651 = arith.constant 16 : i32
        %parallel_loop3A_652 = arith.muli %parallel_loop3A_648, %parallel_loop3A_651 : i32
        %parallel_loop3A_653 = arith.constant 0 : i32
        %parallel_loop3A_654 = arith.addi %parallel_loop3A_653, %parallel_loop3A_652 : i32
        %parallel_loop3A_655 = arith.index_cast %parallel_loop3A_654 : i32 to index
        %parallel_loop3A_656 = tpu.vector_load %arg8[%parallel_loop3A_655] {strides = array<i32>} : memref<4096xf32, #tpu.memory_space<vmem>>, vector<16xf32>,
        %parallel_loop3A_657 = arith.constant 16 : i32
        %parallel_loop3A_658 = arith.muli %parallel_loop3A_648, %parallel_loop3A_657 : i32
        %parallel_loop3A_659 = arith.constant 256 : i32
        %parallel_loop3A_660 = arith.addi %parallel_loop3A_659, %parallel_loop3A_658 : i32
        %parallel_loop3A_661 = arith.index_cast %parallel_loop3A_660 : i32 to index
        %parallel_loop3A_662 = tpu.vector_load %arg8[%parallel_loop3A_661] {strides = array<i32>} : memref<4096xf32, #tpu.memory_space<vmem>>, vector<16xf32>,
        %parallel_loop3A_663 = arith.constant 16 : i32
        %parallel_loop3A_664 = arith.muli %parallel_loop3A_648, %parallel_loop3A_663 : i32
        %parallel_loop3A_665 = arith.constant 512 : i32
        %parallel_loop3A_666 = arith.addi %parallel_loop3A_665, %parallel_loop3A_664 : i32
        %parallel_loop3A_667 = arith.index_cast %parallel_loop3A_666 : i32 to index
        %parallel_loop3A_668 = tpu.vector_load %arg8[%parallel_loop3A_667] {strides = array<i32>} : memref<4096xf32, #tpu.memory_space<vmem>>, vector<16xf32>,
        %parallel_loop3A_669 = arith.constant 16 : i32
        %parallel_loop3A_670 = arith.muli %parallel_loop3A_648, %parallel_loop3A_669 : i32
        %parallel_loop3A_671 = arith.constant 768 : i32
        %parallel_loop3A_672 = arith.addi %parallel_loop3A_671, %parallel_loop3A_670 : i32
        %parallel_loop3A_673 = arith.index_cast %parallel_loop3A_672 : i32 to index
        %parallel_loop3A_674 = tpu.vector_load %arg8[%parallel_loop3A_673] {strides = array<i32>} : memref<4096xf32, #tpu.memory_space<vmem>>, vector<16xf32>,
        %parallel_loop3A_675 = arith.constant 16 : i32
        %parallel_loop3A_676 = arith.muli %parallel_loop3A_648, %parallel_loop3A_675 : i32
        %parallel_loop3A_677 = arith.constant 1024 : i32
        %parallel_loop3A_678 = arith.addi %parallel_loop3A_677, %parallel_loop3A_676 : i32
        %parallel_loop3A_679 = arith.index_cast %parallel_loop3A_678 : i32 to index
        %parallel_loop3A_680 = tpu.vector_load %arg8[%parallel_loop3A_679] {strides = array<i32>} : memref<4096xf32, #tpu.memory_space<vmem>>, vector<16xf32>,
        %parallel_loop3A_681 = arith.constant 16 : i32
        %parallel_loop3A_682 = arith.muli %parallel_loop3A_648, %parallel_loop3A_681 : i32
        %parallel_loop3A_683 = arith.constant 1280 : i32
        %parallel_loop3A_684 = arith.addi %parallel_loop3A_683, %parallel_loop3A_682 : i32
        %parallel_loop3A_685 = arith.index_cast %parallel_loop3A_684 : i32 to index
        %parallel_loop3A_686 = tpu.vector_load %arg8[%parallel_loop3A_685] {strides = array<i32>} : memref<4096xf32, #tpu.memory_space<vmem>>, vector<16xf32>,
        %parallel_loop3A_687 = arith.constant 16 : i32
        %parallel_loop3A_688 = arith.muli %parallel_loop3A_648, %parallel_loop3A_687 : i32
        %parallel_loop3A_689 = arith.constant 1536 : i32
        %parallel_loop3A_690 = arith.addi %parallel_loop3A_689, %parallel_loop3A_688 : i32
        %parallel_loop3A_691 = arith.index_cast %parallel_loop3A_690 : i32 to index
        %parallel_loop3A_692 = tpu.vector_load %arg8[%parallel_loop3A_691] {strides = array<i32>} : memref<4096xf32, #tpu.memory_space<vmem>>, vector<16xf32>,
        %parallel_loop3A_693 = arith.constant 16 : i32
        %parallel_loop3A_694 = arith.muli %parallel_loop3A_648, %parallel_loop3A_693 : i32
        %parallel_loop3A_695 = arith.constant 1792 : i32
        %parallel_loop3A_696 = arith.addi %parallel_loop3A_695, %parallel_loop3A_694 : i32
        %parallel_loop3A_697 = arith.index_cast %parallel_loop3A_696 : i32 to index
        %parallel_loop3A_698 = tpu.vector_load %arg8[%parallel_loop3A_697] {strides = array<i32>} : memref<4096xf32, #tpu.memory_space<vmem>>, vector<16xf32>,
        %parallel_loop3A_699 = arith.constant 16 : i32
        %parallel_loop3A_700 = arith.muli %parallel_loop3A_648, %parallel_loop3A_699 : i32
        %parallel_loop3A_701 = arith.constant 2048 : i32
        %parallel_loop3A_702 = arith.addi %parallel_loop3A_701, %parallel_loop3A_700 : i32
        %parallel_loop3A_703 = arith.index_cast %parallel_loop3A_702 : i32 to index
        %parallel_loop3A_704 = tpu.vector_load %arg8[%parallel_loop3A_703] {strides = array<i32>} : memref<4096xf32, #tpu.memory_space<vmem>>, vector<16xf32>,
        %parallel_loop3A_705 = arith.constant 16 : i32
        %parallel_loop3A_706 = arith.muli %parallel_loop3A_648, %parallel_loop3A_705 : i32
        %parallel_loop3A_707 = arith.constant 2304 : i32
        %parallel_loop3A_708 = arith.addi %parallel_loop3A_707, %parallel_loop3A_706 : i32
        %parallel_loop3A_709 = arith.index_cast %parallel_loop3A_708 : i32 to index
        %parallel_loop3A_710 = tpu.vector_load %arg8[%parallel_loop3A_709] {strides = array<i32>} : memref<4096xf32, #tpu.memory_space<vmem>>, vector<16xf32>,
        %parallel_loop3A_711 = arith.constant 16 : i32
        %parallel_loop3A_712 = arith.muli %parallel_loop3A_648, %parallel_loop3A_711 : i32
        %parallel_loop3A_713 = arith.constant 2560 : i32
        %parallel_loop3A_714 = arith.addi %parallel_loop3A_713, %parallel_loop3A_712 : i32
        %parallel_loop3A_715 = arith.index_cast %parallel_loop3A_714 : i32 to index
        %parallel_loop3A_716 = tpu.vector_load %arg8[%parallel_loop3A_715] {strides = array<i32>} : memref<4096xf32, #tpu.memory_space<vmem>>, vector<16xf32>,
        %parallel_loop3A_717 = arith.constant 16 : i32
        %parallel_loop3A_718 = arith.muli %parallel_loop3A_648, %parallel_loop3A_717 : i32
        %parallel_loop3A_719 = arith.constant 2816 : i32
        %parallel_loop3A_720 = arith.addi %parallel_loop3A_719, %parallel_loop3A_718 : i32
        %parallel_loop3A_721 = arith.index_cast %parallel_loop3A_720 : i32 to index
        %parallel_loop3A_722 = tpu.vector_load %arg8[%parallel_loop3A_721] {strides = array<i32>} : memref<4096xf32, #tpu.memory_space<vmem>>, vector<16xf32>,
        %parallel_loop3A_723 = arith.constant 16 : i32
        %parallel_loop3A_724 = arith.muli %parallel_loop3A_648, %parallel_loop3A_723 : i32
        %parallel_loop3A_725 = arith.constant 3072 : i32
        %parallel_loop3A_726 = arith.addi %parallel_loop3A_725, %parallel_loop3A_724 : i32
        %parallel_loop3A_727 = arith.index_cast %parallel_loop3A_726 : i32 to index
        %parallel_loop3A_728 = tpu.vector_load %arg8[%parallel_loop3A_727] {strides = array<i32>} : memref<4096xf32, #tpu.memory_space<vmem>>, vector<16xf32>,
        %parallel_loop3A_729 = arith.constant 16 : i32
        %parallel_loop3A_730 = arith.muli %parallel_loop3A_648, %parallel_loop3A_729 : i32
        %parallel_loop3A_731 = arith.constant 3328 : i32
        %parallel_loop3A_732 = arith.addi %parallel_loop3A_731, %parallel_loop3A_730 : i32
        %parallel_loop3A_733 = arith.index_cast %parallel_loop3A_732 : i32 to index
        %parallel_loop3A_734 = tpu.vector_load %arg8[%parallel_loop3A_733] {strides = array<i32>} : memref<4096xf32, #tpu.memory_space<vmem>>, vector<16xf32>,
        %parallel_loop3A_735 = arith.constant 16 : i32
        %parallel_loop3A_736 = arith.muli %parallel_loop3A_648, %parallel_loop3A_735 : i32
        %parallel_loop3A_737 = arith.constant 3584 : i32
        %parallel_loop3A_738 = arith.addi %parallel_loop3A_737, %parallel_loop3A_736 : i32
        %parallel_loop3A_739 = arith.index_cast %parallel_loop3A_738 : i32 to index
        %parallel_loop3A_740 = tpu.vector_load %arg8[%parallel_loop3A_739] {strides = array<i32>} : memref<4096xf32, #tpu.memory_space<vmem>>, vector<16xf32>,
        %parallel_loop3A_741 = arith.constant 16 : i32
        %parallel_loop3A_742 = arith.muli %parallel_loop3A_648, %parallel_loop3A_741 : i32
        %parallel_loop3A_743 = arith.constant 3840 : i32
        %parallel_loop3A_744 = arith.addi %parallel_loop3A_743, %parallel_loop3A_742 : i32
        %parallel_loop3A_745 = arith.index_cast %parallel_loop3A_744 : i32 to index
        %parallel_loop3A_746 = tpu.vector_load %arg8[%parallel_loop3A_745] {strides = array<i32>} : memref<4096xf32, #tpu.memory_space<vmem>>, vector<16xf32>,
        %parallel_loop3A_747 = arith.addf %parallel_loop3A_656, %parallel_loop3A_662 : vector<16xf32>
        %parallel_loop3A_748 = arith.addf %parallel_loop3A_668, %parallel_loop3A_674 : vector<16xf32>
        %parallel_loop3A_749 = arith.addf %parallel_loop3A_680, %parallel_loop3A_686 : vector<16xf32>
        %parallel_loop3A_750 = arith.addf %parallel_loop3A_692, %parallel_loop3A_698 : vector<16xf32>
        %parallel_loop3A_751 = arith.addf %parallel_loop3A_704, %parallel_loop3A_710 : vector<16xf32>
        %parallel_loop3A_752 = arith.addf %parallel_loop3A_716, %parallel_loop3A_722 : vector<16xf32>
        %parallel_loop3A_753 = arith.addf %parallel_loop3A_728, %parallel_loop3A_734 : vector<16xf32>
        %parallel_loop3A_754 = arith.addf %parallel_loop3A_740, %parallel_loop3A_746 : vector<16xf32>
        %parallel_loop3A_755 = arith.addf %parallel_loop3A_747, %parallel_loop3A_748 : vector<16xf32>
        %parallel_loop3A_756 = arith.addf %parallel_loop3A_749, %parallel_loop3A_750 : vector<16xf32>
        %parallel_loop3A_757 = arith.addf %parallel_loop3A_751, %parallel_loop3A_752 : vector<16xf32>
        %parallel_loop3A_758 = arith.addf %parallel_loop3A_753, %parallel_loop3A_754 : vector<16xf32>
        %parallel_loop3A_759 = arith.addf %parallel_loop3A_755, %parallel_loop3A_756 : vector<16xf32>
        %parallel_loop3A_760 = arith.addf %parallel_loop3A_757, %parallel_loop3A_758 : vector<16xf32>
        %parallel_loop3A_761 = arith.addf %parallel_loop3A_759, %parallel_loop3A_760 : vector<16xf32>
        %parallel_loop3A_762 = arith.constant 2.44140625E-4 : f32
        %parallel_loop3A_763 = vector.broadcast %parallel_loop3A_762 : f32 to vector<16xf32>
        %parallel_loop3A_764 = arith.mulf %parallel_loop3A_761, %parallel_loop3A_763 : vector<16xf32>
        %parallel_loop3A_765 = arith.constant 7.812500e-03 : f32
        %parallel_loop3A_766 = vector.broadcast %parallel_loop3A_765 : f32 to vector<16xf32>
        %parallel_loop3A_767 = arith.minimumf %parallel_loop3A_764, %parallel_loop3A_766 : vector<16xf32>
        %parallel_loop3A_768 = arith.constant 16 : i32
        %parallel_loop3A_769 = arith.muli %parallel_loop3A_648, %parallel_loop3A_768 : i32
        %parallel_loop3A_770 = arith.constant 0 : i32
        %parallel_loop3A_771 = arith.addi %parallel_loop3A_770, %parallel_loop3A_769 : i32
        %parallel_loop3A_772 = arith.index_cast %parallel_loop3A_771 : i32 to index
        %parallel_loop3A_773 = tpu.vector_load %arg10[%parallel_loop3A_772] {strides = array<i32>} : memref<512xf32, #tpu.memory_space<vmem>>, vector<16xf32>,
        tpu.vector_store %arg10[%parallel_loop3A_772], %parallel_loop3A_767 {strides = array<i32>} : memref<512xf32, #tpu.memory_space<vmem>>, vector<16xf32>,
        %parallel_loop3A_774 = arith.constant 7.812500e-03 : f32
        %parallel_loop3A_775 = vector.broadcast %parallel_loop3A_774 : f32 to vector<16xf32>
        %parallel_loop3A_776 = arith.subf %parallel_loop3A_764, %parallel_loop3A_775 : vector<16xf32>
        %parallel_loop3A_777 = arith.constant 0.000000e+00 : f32
        %parallel_loop3A_778 = vector.broadcast %parallel_loop3A_777 : f32 to vector<16xf32>
        %parallel_loop3A_779 = arith.maximumf %parallel_loop3A_776, %parallel_loop3A_778 : vector<16xf32>
        %parallel_loop3A_780 = arith.constant 16 : i32
        %parallel_loop3A_781 = arith.muli %parallel_loop3A_648, %parallel_loop3A_780 : i32
        %parallel_loop3A_782 = arith.constant 0 : i32
        %parallel_loop3A_783 = arith.addi %parallel_loop3A_782, %parallel_loop3A_781 : i32
        %parallel_loop3A_784 = arith.index_cast %parallel_loop3A_783 : i32 to index
        %parallel_loop3A_785 = tpu.vector_load %arg9[%parallel_loop3A_784] {strides = array<i32>} : memref<4096xf32, #tpu.memory_space<vmem>>, vector<16xf32>,
        %parallel_loop3A_786 = arith.constant 16 : i32
        %parallel_loop3A_787 = arith.muli %parallel_loop3A_648, %parallel_loop3A_786 : i32
        %parallel_loop3A_788 = arith.constant 256 : i32
        %parallel_loop3A_789 = arith.addi %parallel_loop3A_788, %parallel_loop3A_787 : i32
        %parallel_loop3A_790 = arith.index_cast %parallel_loop3A_789 : i32 to index
        %parallel_loop3A_791 = tpu.vector_load %arg9[%parallel_loop3A_790] {strides = array<i32>} : memref<4096xf32, #tpu.memory_space<vmem>>, vector<16xf32>,
        %parallel_loop3A_792 = arith.constant 16 : i32
        %parallel_loop3A_793 = arith.muli %parallel_loop3A_648, %parallel_loop3A_792 : i32
        %parallel_loop3A_794 = arith.constant 512 : i32
        %parallel_loop3A_795 = arith.addi %parallel_loop3A_794, %parallel_loop3A_793 : i32
        %parallel_loop3A_796 = arith.index_cast %parallel_loop3A_795 : i32 to index
        %parallel_loop3A_797 = tpu.vector_load %arg9[%parallel_loop3A_796] {strides = array<i32>} : memref<4096xf32, #tpu.memory_space<vmem>>, vector<16xf32>,
        %parallel_loop3A_798 = arith.constant 16 : i32
        %parallel_loop3A_799 = arith.muli %parallel_loop3A_648, %parallel_loop3A_798 : i32
        %parallel_loop3A_800 = arith.constant 768 : i32
        %parallel_loop3A_801 = arith.addi %parallel_loop3A_800, %parallel_loop3A_799 : i32
        %parallel_loop3A_802 = arith.index_cast %parallel_loop3A_801 : i32 to index
        %parallel_loop3A_803 = tpu.vector_load %arg9[%parallel_loop3A_802] {strides = array<i32>} : memref<4096xf32, #tpu.memory_space<vmem>>, vector<16xf32>,
        %parallel_loop3A_804 = arith.constant 16 : i32
        %parallel_loop3A_805 = arith.muli %parallel_loop3A_648, %parallel_loop3A_804 : i32
        %parallel_loop3A_806 = arith.constant 1024 : i32
        %parallel_loop3A_807 = arith.addi %parallel_loop3A_806, %parallel_loop3A_805 : i32
        %parallel_loop3A_808 = arith.index_cast %parallel_loop3A_807 : i32 to index
        %parallel_loop3A_809 = tpu.vector_load %arg9[%parallel_loop3A_808] {strides = array<i32>} : memref<4096xf32, #tpu.memory_space<vmem>>, vector<16xf32>,
        %parallel_loop3A_810 = arith.constant 16 : i32
        %parallel_loop3A_811 = arith.muli %parallel_loop3A_648, %parallel_loop3A_810 : i32
        %parallel_loop3A_812 = arith.constant 1280 : i32
        %parallel_loop3A_813 = arith.addi %parallel_loop3A_812, %parallel_loop3A_811 : i32
        %parallel_loop3A_814 = arith.index_cast %parallel_loop3A_813 : i32 to index
        %parallel_loop3A_815 = tpu.vector_load %arg9[%parallel_loop3A_814] {strides = array<i32>} : memref<4096xf32, #tpu.memory_space<vmem>>, vector<16xf32>,
        %parallel_loop3A_816 = arith.constant 16 : i32
        %parallel_loop3A_817 = arith.muli %parallel_loop3A_648, %parallel_loop3A_816 : i32
        %parallel_loop3A_818 = arith.constant 1536 : i32
        %parallel_loop3A_819 = arith.addi %parallel_loop3A_818, %parallel_loop3A_817 : i32
        %parallel_loop3A_820 = arith.index_cast %parallel_loop3A_819 : i32 to index
        %parallel_loop3A_821 = tpu.vector_load %arg9[%parallel_loop3A_820] {strides = array<i32>} : memref<4096xf32, #tpu.memory_space<vmem>>, vector<16xf32>,
        %parallel_loop3A_822 = arith.constant 16 : i32
        %parallel_loop3A_823 = arith.muli %parallel_loop3A_648, %parallel_loop3A_822 : i32
        %parallel_loop3A_824 = arith.constant 1792 : i32
        %parallel_loop3A_825 = arith.addi %parallel_loop3A_824, %parallel_loop3A_823 : i32
        %parallel_loop3A_826 = arith.index_cast %parallel_loop3A_825 : i32 to index
        %parallel_loop3A_827 = tpu.vector_load %arg9[%parallel_loop3A_826] {strides = array<i32>} : memref<4096xf32, #tpu.memory_space<vmem>>, vector<16xf32>,
        %parallel_loop3A_828 = arith.constant 16 : i32
        %parallel_loop3A_829 = arith.muli %parallel_loop3A_648, %parallel_loop3A_828 : i32
        %parallel_loop3A_830 = arith.constant 2048 : i32
        %parallel_loop3A_831 = arith.addi %parallel_loop3A_830, %parallel_loop3A_829 : i32
        %parallel_loop3A_832 = arith.index_cast %parallel_loop3A_831 : i32 to index
        %parallel_loop3A_833 = tpu.vector_load %arg9[%parallel_loop3A_832] {strides = array<i32>} : memref<4096xf32, #tpu.memory_space<vmem>>, vector<16xf32>,
        %parallel_loop3A_834 = arith.constant 16 : i32
        %parallel_loop3A_835 = arith.muli %parallel_loop3A_648, %parallel_loop3A_834 : i32
        %parallel_loop3A_836 = arith.constant 2304 : i32
        %parallel_loop3A_837 = arith.addi %parallel_loop3A_836, %parallel_loop3A_835 : i32
        %parallel_loop3A_838 = arith.index_cast %parallel_loop3A_837 : i32 to index
        %parallel_loop3A_839 = tpu.vector_load %arg9[%parallel_loop3A_838] {strides = array<i32>} : memref<4096xf32, #tpu.memory_space<vmem>>, vector<16xf32>,
        %parallel_loop3A_840 = arith.constant 16 : i32
        %parallel_loop3A_841 = arith.muli %parallel_loop3A_648, %parallel_loop3A_840 : i32
        %parallel_loop3A_842 = arith.constant 2560 : i32
        %parallel_loop3A_843 = arith.addi %parallel_loop3A_842, %parallel_loop3A_841 : i32
        %parallel_loop3A_844 = arith.index_cast %parallel_loop3A_843 : i32 to index
        %parallel_loop3A_845 = tpu.vector_load %arg9[%parallel_loop3A_844] {strides = array<i32>} : memref<4096xf32, #tpu.memory_space<vmem>>, vector<16xf32>,
        %parallel_loop3A_846 = arith.constant 16 : i32
        %parallel_loop3A_847 = arith.muli %parallel_loop3A_648, %parallel_loop3A_846 : i32
        %parallel_loop3A_848 = arith.constant 2816 : i32
        %parallel_loop3A_849 = arith.addi %parallel_loop3A_848, %parallel_loop3A_847 : i32
        %parallel_loop3A_850 = arith.index_cast %parallel_loop3A_849 : i32 to index
        %parallel_loop3A_851 = tpu.vector_load %arg9[%parallel_loop3A_850] {strides = array<i32>} : memref<4096xf32, #tpu.memory_space<vmem>>, vector<16xf32>,
        %parallel_loop3A_852 = arith.constant 16 : i32
        %parallel_loop3A_853 = arith.muli %parallel_loop3A_648, %parallel_loop3A_852 : i32
        %parallel_loop3A_854 = arith.constant 3072 : i32
        %parallel_loop3A_855 = arith.addi %parallel_loop3A_854, %parallel_loop3A_853 : i32
        %parallel_loop3A_856 = arith.index_cast %parallel_loop3A_855 : i32 to index
        %parallel_loop3A_857 = tpu.vector_load %arg9[%parallel_loop3A_856] {strides = array<i32>} : memref<4096xf32, #tpu.memory_space<vmem>>, vector<16xf32>,
        %parallel_loop3A_858 = arith.constant 16 : i32
        %parallel_loop3A_859 = arith.muli %parallel_loop3A_648, %parallel_loop3A_858 : i32
        %parallel_loop3A_860 = arith.constant 3328 : i32
        %parallel_loop3A_861 = arith.addi %parallel_loop3A_860, %parallel_loop3A_859 : i32
        %parallel_loop3A_862 = arith.index_cast %parallel_loop3A_861 : i32 to index
        %parallel_loop3A_863 = tpu.vector_load %arg9[%parallel_loop3A_862] {strides = array<i32>} : memref<4096xf32, #tpu.memory_space<vmem>>, vector<16xf32>,
        %parallel_loop3A_864 = arith.constant 16 : i32
        %parallel_loop3A_865 = arith.muli %parallel_loop3A_648, %parallel_loop3A_864 : i32
        %parallel_loop3A_866 = arith.constant 3584 : i32
        %parallel_loop3A_867 = arith.addi %parallel_loop3A_866, %parallel_loop3A_865 : i32
        %parallel_loop3A_868 = arith.index_cast %parallel_loop3A_867 : i32 to index
        %parallel_loop3A_869 = tpu.vector_load %arg9[%parallel_loop3A_868] {strides = array<i32>} : memref<4096xf32, #tpu.memory_space<vmem>>, vector<16xf32>,
        %parallel_loop3A_870 = arith.constant 16 : i32
        %parallel_loop3A_871 = arith.muli %parallel_loop3A_648, %parallel_loop3A_870 : i32
        %parallel_loop3A_872 = arith.constant 3840 : i32
        %parallel_loop3A_873 = arith.addi %parallel_loop3A_872, %parallel_loop3A_871 : i32
        %parallel_loop3A_874 = arith.index_cast %parallel_loop3A_873 : i32 to index
        %parallel_loop3A_875 = tpu.vector_load %arg9[%parallel_loop3A_874] {strides = array<i32>} : memref<4096xf32, #tpu.memory_space<vmem>>, vector<16xf32>,
        %parallel_loop3A_876 = arith.addf %parallel_loop3A_785, %parallel_loop3A_791 : vector<16xf32>
        %parallel_loop3A_877 = arith.addf %parallel_loop3A_797, %parallel_loop3A_803 : vector<16xf32>
        %parallel_loop3A_878 = arith.addf %parallel_loop3A_809, %parallel_loop3A_815 : vector<16xf32>
        %parallel_loop3A_879 = arith.addf %parallel_loop3A_821, %parallel_loop3A_827 : vector<16xf32>
        %parallel_loop3A_880 = arith.addf %parallel_loop3A_833, %parallel_loop3A_839 : vector<16xf32>
        %parallel_loop3A_881 = arith.addf %parallel_loop3A_845, %parallel_loop3A_851 : vector<16xf32>
        %parallel_loop3A_882 = arith.addf %parallel_loop3A_857, %parallel_loop3A_863 : vector<16xf32>
        %parallel_loop3A_883 = arith.addf %parallel_loop3A_869, %parallel_loop3A_875 : vector<16xf32>
        %parallel_loop3A_884 = arith.addf %parallel_loop3A_876, %parallel_loop3A_877 : vector<16xf32>
        %parallel_loop3A_885 = arith.addf %parallel_loop3A_878, %parallel_loop3A_879 : vector<16xf32>
        %parallel_loop3A_886 = arith.addf %parallel_loop3A_880, %parallel_loop3A_881 : vector<16xf32>
        %parallel_loop3A_887 = arith.addf %parallel_loop3A_882, %parallel_loop3A_883 : vector<16xf32>
        %parallel_loop3A_888 = arith.addf %parallel_loop3A_884, %parallel_loop3A_885 : vector<16xf32>
        %parallel_loop3A_889 = arith.addf %parallel_loop3A_886, %parallel_loop3A_887 : vector<16xf32>
        %parallel_loop3A_890 = arith.addf %parallel_loop3A_888, %parallel_loop3A_889 : vector<16xf32>
        %parallel_loop3A_891 = arith.constant 2.44140625E-4 : f32
        %parallel_loop3A_892 = vector.broadcast %parallel_loop3A_891 : f32 to vector<16xf32>
        %parallel_loop3A_893 = arith.mulf %parallel_loop3A_890, %parallel_loop3A_892 : vector<16xf32>
        %parallel_loop3A_894 = arith.constant 7.812500e-03 : f32
        %parallel_loop3A_895 = vector.broadcast %parallel_loop3A_894 : f32 to vector<16xf32>
        %parallel_loop3A_896 = arith.minimumf %parallel_loop3A_893, %parallel_loop3A_895 : vector<16xf32>
        %parallel_loop3A_897 = arith.constant 16 : i32
        %parallel_loop3A_898 = arith.muli %parallel_loop3A_648, %parallel_loop3A_897 : i32
        %parallel_loop3A_899 = arith.constant 256 : i32
        %parallel_loop3A_900 = arith.addi %parallel_loop3A_899, %parallel_loop3A_898 : i32
        %parallel_loop3A_901 = arith.index_cast %parallel_loop3A_900 : i32 to index
        %parallel_loop3A_902 = tpu.vector_load %arg10[%parallel_loop3A_901] {strides = array<i32>} : memref<512xf32, #tpu.memory_space<vmem>>, vector<16xf32>,
        tpu.vector_store %arg10[%parallel_loop3A_901], %parallel_loop3A_896 {strides = array<i32>} : memref<512xf32, #tpu.memory_space<vmem>>, vector<16xf32>,
        %parallel_loop3A_903 = arith.constant 7.812500e-03 : f32
        %parallel_loop3A_904 = vector.broadcast %parallel_loop3A_903 : f32 to vector<16xf32>
        %parallel_loop3A_905 = arith.subf %parallel_loop3A_893, %parallel_loop3A_904 : vector<16xf32>
        %parallel_loop3A_906 = arith.constant 0.000000e+00 : f32
        %parallel_loop3A_907 = vector.broadcast %parallel_loop3A_906 : f32 to vector<16xf32>
        %parallel_loop3A_908 = arith.maximumf %parallel_loop3A_905, %parallel_loop3A_907 : vector<16xf32>
        %parallel_loop3A_909 = arith.addf %parallel_loop3A_649, %parallel_loop3A_779 : vector<16xf32>
        %parallel_loop3A_910 = arith.addf %parallel_loop3A_650, %parallel_loop3A_908 : vector<16xf32>
        scf.yield %parallel_loop3A_909, %parallel_loop3A_910 : vector<16xf32>, vector<16xf32>
      } {sc.loop_unroll_factor = 1 : i64, sc.parallel_access}
      %reduce_sum3A = arith.constant true
      %reduce_sum3A_476 = vector.broadcast %reduce_sum3A : i1 to vector<16xi1>
      %reduce_sum3A_477 = tpu.scan <sum>, %parallel_loop3A_475#0 masked %reduce_sum3A_476 : vector<16xf32>, vector<16xi1> -> vector<16xf32>
      %reduce_sum3A_478 = vector.extract %reduce_sum3A_477[15] : f32 from vector<16xf32>
      %mul3A_479 = arith.constant 3.906250e-03 : f32
      %mul3A_480 = arith.mulf %reduce_sum3A_478, %mul3A_479 : f32
      %reduce_sum3A_481 = arith.constant true
      %reduce_sum3A_482 = vector.broadcast %reduce_sum3A_481 : i1 to vector<16xi1>
      %reduce_sum3A_483 = tpu.scan <sum>, %parallel_loop3A_475#1 masked %reduce_sum3A_482 : vector<16xf32>, vector<16xi1> -> vector<16xf32>
      %reduce_sum3A_484 = vector.extract %reduce_sum3A_483[15] : f32 from vector<16xf32>
      %mul3A_485 = arith.constant 3.906250e-03 : f32
      %mul3A_486 = arith.mulf %reduce_sum3A_484, %mul3A_485 : f32
      %scan3A_487 = arith.constant 0.000000e+00 : f32
      %scan3A_488 = arith.constant 0.000000e+00 : f32
      %scan3A_489 = arith.constant 0 : i32
      %scan3A_490 = arith.constant 16 : i32
      %scan3A_491 = arith.addi %scan3A_489, %scan3A_490 : i32
      %scan3A_492 = arith.constant 1 : i32
      %scan3A_493:2 = scf.for %scan3A_648 = %scan3A_489 to %scan3A_491 step %scan3A_492 iter_args(%scan3A_649 = %scan3A_487, %scan3A_650 = %scan3A_488) -> (f32, f32)  : i32 {
        %mul3A_651 = arith.constant 16 : i32
        %mul3A_652 = arith.muli %scan3A_648, %mul3A_651 : i32
        %get3A = arith.index_cast %mul3A_652 : i32 to index
        %get3A_653 = tpu.vector_load %arg10[%get3A] {strides = array<i32>} : memref<512xf32, #tpu.memory_space<vmem>>, vector<16xf32>,
        %add3A_654 = vector.broadcast %mul3A_480 : f32 to vector<16xf32>
        %add3A_655 = arith.addf %get3A_653, %add3A_654 : vector<16xf32>
        %mul3A_656 = arith.constant 16 : i32
        %mul3A_657 = arith.muli %scan3A_648, %mul3A_656 : i32
        %add3A_658 = arith.constant 256 : i32
        %add3A_659 = arith.addi %add3A_658, %mul3A_657 : i32
        %get3A_660 = arith.index_cast %add3A_659 : i32 to index
        %get3A_661 = tpu.vector_load %arg10[%get3A_660] {strides = array<i32>} : memref<512xf32, #tpu.memory_space<vmem>>, vector<16xf32>,
        %add3A_662 = vector.broadcast %mul3A_486 : f32 to vector<16xf32>
        %add3A_663 = arith.addf %get3A_661, %add3A_662 : vector<16xf32>
        %broadcast_in_dim3A_664 = arith.constant true
        %broadcast_in_dim3A_665 = vector.broadcast %broadcast_in_dim3A_664 : i1 to vector<16xi1>
        %masked_cumsum3A = tpu.scan <sum>, %add3A_655 masked %broadcast_in_dim3A_665 : vector<16xf32>, vector<16xi1> -> vector<16xf32>
        %broadcast_in_dim3A_666 = arith.constant true
        %broadcast_in_dim3A_667 = vector.broadcast %broadcast_in_dim3A_666 : i1 to vector<16xi1>
        %masked_cumsum3A_668 = tpu.scan <sum>, %add3A_663 masked %broadcast_in_dim3A_667 : vector<16xf32>, vector<16xi1> -> vector<16xf32>
        %add3A_669 = vector.broadcast %scan3A_649 : f32 to vector<16xf32>
        %add3A_670 = arith.addf %masked_cumsum3A, %add3A_669 : vector<16xf32>
        %mul3A_671 = arith.constant 16 : i32
        %mul3A_672 = arith.muli %scan3A_648, %mul3A_671 : i32
        %swap3A = arith.index_cast %mul3A_672 : i32 to index
        %swap3A_673 = tpu.vector_load %arg11[%swap3A] {strides = array<i32>} : memref<256xf32, #tpu.memory_space<vmem>>, vector<16xf32>,
        tpu.vector_store %arg11[%swap3A], %add3A_670 {strides = array<i32>} : memref<256xf32, #tpu.memory_space<vmem>>, vector<16xf32>,
        %add3A_674 = vector.broadcast %scan3A_650 : f32 to vector<16xf32>
        %add3A_675 = arith.addf %masked_cumsum3A_668, %add3A_674 : vector<16xf32>
        %mul3A_676 = arith.constant 16 : i32
        %mul3A_677 = arith.muli %scan3A_648, %mul3A_676 : i32
        %swap3A_678 = arith.index_cast %mul3A_677 : i32 to index
        %swap3A_679 = tpu.vector_load %arg12[%swap3A_678] {strides = array<i32>} : memref<256xf32, #tpu.memory_space<vmem>>, vector<16xf32>,
        tpu.vector_store %arg12[%swap3A_678], %add3A_675 {strides = array<i32>} : memref<256xf32, #tpu.memory_space<vmem>>, vector<16xf32>,
        %slice3A = vector.extract_strided_slice %masked_cumsum3A {offsets = [15], sizes = [1], strides = [1]} : vector<16xf32> to vector<1xf32>
        %squeeze3A = vector.extract %slice3A[0] : f32 from vector<1xf32>
        %add3A_680 = arith.addf %scan3A_649, %squeeze3A : f32
        %slice3A_681 = vector.extract_strided_slice %masked_cumsum3A_668 {offsets = [15], sizes = [1], strides = [1]} : vector<16xf32> to vector<1xf32>
        %squeeze3A_682 = vector.extract %slice3A_681[0] : f32 from vector<1xf32>
        %add3A_683 = arith.addf %scan3A_650, %squeeze3A_682 : f32
        scf.yield %add3A_680, %add3A_683 : f32, f32
      }
      %scan3A_494 = arith.constant 16 : i32
      tpu.enqueue_dma source(%arg13 : memref<4096xf32, #tpu.memory_space<vmem_shared>>) target(%arg8 : memref<4096xf32, #tpu.memory_space<vmem>>) target_semaphore(%arg18 : memref<!tpu.dma_semaphore, #tpu.memory_space<semaphore_mem>>)
      tpu.enqueue_dma source(%arg13 : memref<4096xf32, #tpu.memory_space<vmem_shared>>) target(%arg9 : memref<4096xf32, #tpu.memory_space<vmem>>) target_semaphore(%arg18 : memref<!tpu.dma_semaphore, #tpu.memory_space<semaphore_mem>>)
      %ge3A = arith.constant 2 : i32
      %ge3A_495 = arith.cmpi sge, %add3A_380, %ge3A : i32
      %convert_element_type3A = arith.extui %ge3A_495 : i1 to i32
      %cond3A = arith.constant 0 : i32
      %cond3A_496 = arith.cmpi ne, %convert_element_type3A, %cond3A : i32
      scf.if %cond3A_496 {
        %dma_wait3A_648 = tpu.memref_slice %arg3[%select_n3A_405, %mul3A_447, %mul3A_465] : memref<16x512x512xf32, #tpu.memory_space<hbm>> -> memref<1x64x128xf32, #tpu.memory_space<hbm>>
        %dma_wait3A_649 = tpu.memref_squeeze %dma_wait3A_648 : memref<1x64x128xf32, #tpu.memory_space<hbm>> -> memref<64x128xf32, #tpu.memory_space<hbm>>
        %dma_wait3A_650 = tpu.memref_slice %arg3[%select_n3A_405, %mul3A_447, %mul3A_465] : memref<16x512x512xf32, #tpu.memory_space<hbm>> -> memref<1x64x128xf32, #tpu.memory_space<hbm>>
        %dma_wait3A_651 = tpu.memref_squeeze %dma_wait3A_650 : memref<1x64x128xf32, #tpu.memory_space<hbm>> -> memref<64x128xf32, #tpu.memory_space<hbm>>
        tpu.wait_dma2 semaphore(%arg16 : memref<!tpu.dma_semaphore, #tpu.memory_space<semaphore_mem>>) src(%arg6 : memref<64x128xf32, #tpu.memory_space<vmem>>) dst(%dma_wait3A_651 : memref<64x128xf32, #tpu.memory_space<hbm>>)
      } else {
      }
      %parallel_loop3A_497 = arith.constant 0 : i32
      %parallel_loop3A_498 = arith.constant 64 : i32
      %parallel_loop3A_499 = arith.constant 1 : i32
      scf.for %parallel_loop3A_648 = %parallel_loop3A_497 to %parallel_loop3A_498 step %parallel_loop3A_499  : i32 {
        %parallel_loop3A_649 = arith.index_cast %parallel_loop3A_648 : i32 to index
        %parallel_loop3A_650 = arith.constant 0 : index
        %parallel_loop3A_651 = tpu.vector_load %arg4[%parallel_loop3A_649, %parallel_loop3A_650] {strides = array<i32>} : memref<64x128xf32, #tpu.memory_space<vmem>>, vector<16xf32>,
        %parallel_loop3A_652 = arith.constant 2.550000e+02 : f32
        %parallel_loop3A_653 = vector.broadcast %parallel_loop3A_652 : f32 to vector<16xf32>
        %parallel_loop3A_654 = arith.mulf %parallel_loop3A_651, %parallel_loop3A_653 : vector<16xf32>
        %parallel_loop3A_655 = arith.fptosi %parallel_loop3A_654 : vector<16xf32> to vector<16xi32>
        %parallel_loop3A_656 = tpu.vector_load_idx %arg11[%parallel_loop3A_655] : memref<256xf32, #tpu.memory_space<vmem>>[vector<16xi32>], vector<16xf32>,
        %parallel_loop3A_657 = arith.index_cast %parallel_loop3A_648 : i32 to index
        %parallel_loop3A_658 = arith.constant 0 : index
        %parallel_loop3A_659 = tpu.vector_load %arg6[%parallel_loop3A_657, %parallel_loop3A_658] {strides = array<i32>} : memref<64x128xf32, #tpu.memory_space<vmem>>, vector<16xf32>,
        tpu.vector_store %arg6[%parallel_loop3A_657, %parallel_loop3A_658], %parallel_loop3A_656 {strides = array<i32>} : memref<64x128xf32, #tpu.memory_space<vmem>>, vector<16xf32>,
        %parallel_loop3A_660 = arith.index_cast %parallel_loop3A_648 : i32 to index
        %parallel_loop3A_661 = arith.constant 16 : index
        %parallel_loop3A_662 = tpu.vector_load %arg4[%parallel_loop3A_660, %parallel_loop3A_661] {strides = array<i32>} : memref<64x128xf32, #tpu.memory_space<vmem>>, vector<16xf32>,
        %parallel_loop3A_663 = arith.constant 2.550000e+02 : f32
        %parallel_loop3A_664 = vector.broadcast %parallel_loop3A_663 : f32 to vector<16xf32>
        %parallel_loop3A_665 = arith.mulf %parallel_loop3A_662, %parallel_loop3A_664 : vector<16xf32>
        %parallel_loop3A_666 = arith.fptosi %parallel_loop3A_665 : vector<16xf32> to vector<16xi32>
        %parallel_loop3A_667 = tpu.vector_load_idx %arg11[%parallel_loop3A_666] : memref<256xf32, #tpu.memory_space<vmem>>[vector<16xi32>], vector<16xf32>,
        %parallel_loop3A_668 = arith.index_cast %parallel_loop3A_648 : i32 to index
        %parallel_loop3A_669 = arith.constant 16 : index
        %parallel_loop3A_670 = tpu.vector_load %arg6[%parallel_loop3A_668, %parallel_loop3A_669] {strides = array<i32>} : memref<64x128xf32, #tpu.memory_space<vmem>>, vector<16xf32>,
        tpu.vector_store %arg6[%parallel_loop3A_668, %parallel_loop3A_669], %parallel_loop3A_667 {strides = array<i32>} : memref<64x128xf32, #tpu.memory_space<vmem>>, vector<16xf32>,
        %parallel_loop3A_671 = arith.index_cast %parallel_loop3A_648 : i32 to index
        %parallel_loop3A_672 = arith.constant 32 : index
        %parallel_loop3A_673 = tpu.vector_load %arg4[%parallel_loop3A_671, %parallel_loop3A_672] {strides = array<i32>} : memref<64x128xf32, #tpu.memory_space<vmem>>, vector<16xf32>,
        %parallel_loop3A_674 = arith.constant 2.550000e+02 : f32
        %parallel_loop3A_675 = vector.broadcast %parallel_loop3A_674 : f32 to vector<16xf32>
        %parallel_loop3A_676 = arith.mulf %parallel_loop3A_673, %parallel_loop3A_675 : vector<16xf32>
        %parallel_loop3A_677 = arith.fptosi %parallel_loop3A_676 : vector<16xf32> to vector<16xi32>
        %parallel_loop3A_678 = tpu.vector_load_idx %arg11[%parallel_loop3A_677] : memref<256xf32, #tpu.memory_space<vmem>>[vector<16xi32>], vector<16xf32>,
        %parallel_loop3A_679 = arith.index_cast %parallel_loop3A_648 : i32 to index
        %parallel_loop3A_680 = arith.constant 32 : index
        %parallel_loop3A_681 = tpu.vector_load %arg6[%parallel_loop3A_679, %parallel_loop3A_680] {strides = array<i32>} : memref<64x128xf32, #tpu.memory_space<vmem>>, vector<16xf32>,
        tpu.vector_store %arg6[%parallel_loop3A_679, %parallel_loop3A_680], %parallel_loop3A_678 {strides = array<i32>} : memref<64x128xf32, #tpu.memory_space<vmem>>, vector<16xf32>,
        %parallel_loop3A_682 = arith.index_cast %parallel_loop3A_648 : i32 to index
        %parallel_loop3A_683 = arith.constant 48 : index
        %parallel_loop3A_684 = tpu.vector_load %arg4[%parallel_loop3A_682, %parallel_loop3A_683] {strides = array<i32>} : memref<64x128xf32, #tpu.memory_space<vmem>>, vector<16xf32>,
        %parallel_loop3A_685 = arith.constant 2.550000e+02 : f32
        %parallel_loop3A_686 = vector.broadcast %parallel_loop3A_685 : f32 to vector<16xf32>
        %parallel_loop3A_687 = arith.mulf %parallel_loop3A_684, %parallel_loop3A_686 : vector<16xf32>
        %parallel_loop3A_688 = arith.fptosi %parallel_loop3A_687 : vector<16xf32> to vector<16xi32>
        %parallel_loop3A_689 = tpu.vector_load_idx %arg11[%parallel_loop3A_688] : memref<256xf32, #tpu.memory_space<vmem>>[vector<16xi32>], vector<16xf32>,
        %parallel_loop3A_690 = arith.index_cast %parallel_loop3A_648 : i32 to index
        %parallel_loop3A_691 = arith.constant 48 : index
        %parallel_loop3A_692 = tpu.vector_load %arg6[%parallel_loop3A_690, %parallel_loop3A_691] {strides = array<i32>} : memref<64x128xf32, #tpu.memory_space<vmem>>, vector<16xf32>,
        tpu.vector_store %arg6[%parallel_loop3A_690, %parallel_loop3A_691], %parallel_loop3A_689 {strides = array<i32>} : memref<64x128xf32, #tpu.memory_space<vmem>>, vector<16xf32>,
        %parallel_loop3A_693 = arith.index_cast %parallel_loop3A_648 : i32 to index
        %parallel_loop3A_694 = arith.constant 64 : index
        %parallel_loop3A_695 = tpu.vector_load %arg4[%parallel_loop3A_693, %parallel_loop3A_694] {strides = array<i32>} : memref<64x128xf32, #tpu.memory_space<vmem>>, vector<16xf32>,
        %parallel_loop3A_696 = arith.constant 2.550000e+02 : f32
        %parallel_loop3A_697 = vector.broadcast %parallel_loop3A_696 : f32 to vector<16xf32>
        %parallel_loop3A_698 = arith.mulf %parallel_loop3A_695, %parallel_loop3A_697 : vector<16xf32>
        %parallel_loop3A_699 = arith.fptosi %parallel_loop3A_698 : vector<16xf32> to vector<16xi32>
        %parallel_loop3A_700 = tpu.vector_load_idx %arg12[%parallel_loop3A_699] : memref<256xf32, #tpu.memory_space<vmem>>[vector<16xi32>], vector<16xf32>,
        %parallel_loop3A_701 = arith.index_cast %parallel_loop3A_648 : i32 to index
        %parallel_loop3A_702 = arith.constant 64 : index
        %parallel_loop3A_703 = tpu.vector_load %arg6[%parallel_loop3A_701, %parallel_loop3A_702] {strides = array<i32>} : memref<64x128xf32, #tpu.memory_space<vmem>>, vector<16xf32>,
        tpu.vector_store %arg6[%parallel_loop3A_701, %parallel_loop3A_702], %parallel_loop3A_700 {strides = array<i32>} : memref<64x128xf32, #tpu.memory_space<vmem>>, vector<16xf32>,
        %parallel_loop3A_704 = arith.index_cast %parallel_loop3A_648 : i32 to index
        %parallel_loop3A_705 = arith.constant 80 : index
        %parallel_loop3A_706 = tpu.vector_load %arg4[%parallel_loop3A_704, %parallel_loop3A_705] {strides = array<i32>} : memref<64x128xf32, #tpu.memory_space<vmem>>, vector<16xf32>,
        %parallel_loop3A_707 = arith.constant 2.550000e+02 : f32
        %parallel_loop3A_708 = vector.broadcast %parallel_loop3A_707 : f32 to vector<16xf32>
        %parallel_loop3A_709 = arith.mulf %parallel_loop3A_706, %parallel_loop3A_708 : vector<16xf32>
        %parallel_loop3A_710 = arith.fptosi %parallel_loop3A_709 : vector<16xf32> to vector<16xi32>
        %parallel_loop3A_711 = tpu.vector_load_idx %arg12[%parallel_loop3A_710] : memref<256xf32, #tpu.memory_space<vmem>>[vector<16xi32>], vector<16xf32>,
        %parallel_loop3A_712 = arith.index_cast %parallel_loop3A_648 : i32 to index
        %parallel_loop3A_713 = arith.constant 80 : index
        %parallel_loop3A_714 = tpu.vector_load %arg6[%parallel_loop3A_712, %parallel_loop3A_713] {strides = array<i32>} : memref<64x128xf32, #tpu.memory_space<vmem>>, vector<16xf32>,
        tpu.vector_store %arg6[%parallel_loop3A_712, %parallel_loop3A_713], %parallel_loop3A_711 {strides = array<i32>} : memref<64x128xf32, #tpu.memory_space<vmem>>, vector<16xf32>,
        %parallel_loop3A_715 = arith.index_cast %parallel_loop3A_648 : i32 to index
        %parallel_loop3A_716 = arith.constant 96 : index
        %parallel_loop3A_717 = tpu.vector_load %arg4[%parallel_loop3A_715, %parallel_loop3A_716] {strides = array<i32>} : memref<64x128xf32, #tpu.memory_space<vmem>>, vector<16xf32>,
        %parallel_loop3A_718 = arith.constant 2.550000e+02 : f32
        %parallel_loop3A_719 = vector.broadcast %parallel_loop3A_718 : f32 to vector<16xf32>
        %parallel_loop3A_720 = arith.mulf %parallel_loop3A_717, %parallel_loop3A_719 : vector<16xf32>
        %parallel_loop3A_721 = arith.fptosi %parallel_loop3A_720 : vector<16xf32> to vector<16xi32>
        %parallel_loop3A_722 = tpu.vector_load_idx %arg12[%parallel_loop3A_721] : memref<256xf32, #tpu.memory_space<vmem>>[vector<16xi32>], vector<16xf32>,
        %parallel_loop3A_723 = arith.index_cast %parallel_loop3A_648 : i32 to index
        %parallel_loop3A_724 = arith.constant 96 : index
        %parallel_loop3A_725 = tpu.vector_load %arg6[%parallel_loop3A_723, %parallel_loop3A_724] {strides = array<i32>} : memref<64x128xf32, #tpu.memory_space<vmem>>, vector<16xf32>,
        tpu.vector_store %arg6[%parallel_loop3A_723, %parallel_loop3A_724], %parallel_loop3A_722 {strides = array<i32>} : memref<64x128xf32, #tpu.memory_space<vmem>>, vector<16xf32>,
        %parallel_loop3A_726 = arith.index_cast %parallel_loop3A_648 : i32 to index
        %parallel_loop3A_727 = arith.constant 112 : index
        %parallel_loop3A_728 = tpu.vector_load %arg4[%parallel_loop3A_726, %parallel_loop3A_727] {strides = array<i32>} : memref<64x128xf32, #tpu.memory_space<vmem>>, vector<16xf32>,
        %parallel_loop3A_729 = arith.constant 2.550000e+02 : f32
        %parallel_loop3A_730 = vector.broadcast %parallel_loop3A_729 : f32 to vector<16xf32>
        %parallel_loop3A_731 = arith.mulf %parallel_loop3A_728, %parallel_loop3A_730 : vector<16xf32>
        %parallel_loop3A_732 = arith.fptosi %parallel_loop3A_731 : vector<16xf32> to vector<16xi32>
        %parallel_loop3A_733 = tpu.vector_load_idx %arg12[%parallel_loop3A_732] : memref<256xf32, #tpu.memory_space<vmem>>[vector<16xi32>], vector<16xf32>,
        %parallel_loop3A_734 = arith.index_cast %parallel_loop3A_648 : i32 to index
        %parallel_loop3A_735 = arith.constant 112 : index
        %parallel_loop3A_736 = tpu.vector_load %arg6[%parallel_loop3A_734, %parallel_loop3A_735] {strides = array<i32>} : memref<64x128xf32, #tpu.memory_space<vmem>>, vector<16xf32>,
        tpu.vector_store %arg6[%parallel_loop3A_734, %parallel_loop3A_735], %parallel_loop3A_733 {strides = array<i32>} : memref<64x128xf32, #tpu.memory_space<vmem>>, vector<16xf32>,
      } {sc.loop_unroll_factor = 4 : i64, sc.parallel_access}
      %add3A_500 = arith.constant 2 : i32
      %add3A_501 = arith.addi %add3A_380, %add3A_500 : i32
      %lt3A_502 = arith.constant 16 : i32
      %lt3A_503 = arith.cmpi slt, %add3A_501, %lt3A_502 : i32
      %convert_element_type3A_504 = arith.extui %lt3A_503 : i1 to i32
      %cond3A_505 = arith.constant 0 : i32
      %cond3A_506 = arith.cmpi ne, %convert_element_type3A_504, %cond3A_505 : i32
      scf.if %cond3A_506 {
        %add3A_648 = arith.constant 2 : i32
        %add3A_649 = arith.addi %add3A_381, %add3A_648 : i32
        %jit3A_650 = arith.constant 32 : i32
        %div3A_651 = arith.divsi %add3A_649, %jit3A_650 : i32
        %sign3A_652 = arith.constant 0 : i32
        %sign3A_653 = arith.cmpi sgt, %add3A_649, %sign3A_652 : i32
        %sign3A_654 = arith.extui %sign3A_653 : i1 to i32
        %sign3A_655 = arith.constant 0 : i32
        %sign3A_656 = arith.cmpi slt, %add3A_649, %sign3A_655 : i32
        %sign3A_657 = arith.extui %sign3A_656 : i1 to i32
        %sign3A_658 = arith.subi %sign3A_654, %sign3A_657 : i32
        %sign3A_659 = arith.constant 0 : i32
        %sign3A_660 = arith.cmpi sgt, %jit3A_650, %sign3A_659 : i32
        %sign3A_661 = arith.extui %sign3A_660 : i1 to i32
        %sign3A_662 = arith.constant 0 : i32
        %sign3A_663 = arith.cmpi slt, %jit3A_650, %sign3A_662 : i32
        %sign3A_664 = arith.extui %sign3A_663 : i1 to i32
        %sign3A_665 = arith.subi %sign3A_661, %sign3A_664 : i32
        %ne3A_666 = arith.cmpi ne, %sign3A_658, %sign3A_665 : i32
        %rem3A_667 = arith.remsi %add3A_649, %jit3A_650 : i32
        %ne3A_668 = arith.constant 0 : i32
        %ne3A_669 = arith.cmpi ne, %rem3A_667, %ne3A_668 : i32
        %and3A_670 = arith.andi %ne3A_666, %ne3A_669 : i1
        %sub3A_671 = arith.constant 1 : i32
        %sub3A_672 = arith.subi %div3A_651, %sub3A_671 : i32
        %select_n3A_673 = arith.select %and3A_670, %sub3A_672, %div3A_651 : i32
        %jit3A_674 = arith.constant 32 : i32
        %eq3A_675 = arith.constant 0 : i32
        %eq3A_676 = arith.cmpi eq, %jit3A_674, %eq3A_675 : i32
        %jit3A_677 = arith.constant 1 : i32
        %select_n3A_678 = arith.select %eq3A_676, %jit3A_677, %jit3A_674 : i32
        %rem3A_679 = arith.remsi %add3A_649, %select_n3A_678 : i32
        %ne3A_680 = arith.constant 0 : i32
        %ne3A_681 = arith.cmpi ne, %rem3A_679, %ne3A_680 : i32
        %lt3A_682 = arith.constant 0 : i32
        %lt3A_683 = arith.cmpi slt, %rem3A_679, %lt3A_682 : i32
        %lt3A_684 = arith.constant 0 : i32
        %lt3A_685 = arith.cmpi slt, %select_n3A_678, %lt3A_684 : i32
        %ne3A_686 = arith.xori %lt3A_683, %lt3A_685 : i1
        %and3A_687 = arith.andi %ne3A_686, %ne3A_681 : i1
        %add3A_688 = arith.addi %rem3A_679, %select_n3A_678 : i32
        %select_n3A_689 = arith.select %and3A_687, %add3A_688, %rem3A_679 : i32
        %jit3A_690 = arith.constant 4 : i32
        %div3A_691 = arith.divsi %select_n3A_689, %jit3A_690 : i32
        %sign3A_692 = arith.constant 0 : i32
        %sign3A_693 = arith.cmpi sgt, %select_n3A_689, %sign3A_692 : i32
        %sign3A_694 = arith.extui %sign3A_693 : i1 to i32
        %sign3A_695 = arith.constant 0 : i32
        %sign3A_696 = arith.cmpi slt, %select_n3A_689, %sign3A_695 : i32
        %sign3A_697 = arith.extui %sign3A_696 : i1 to i32
        %sign3A_698 = arith.subi %sign3A_694, %sign3A_697 : i32
        %sign3A_699 = arith.constant 0 : i32
        %sign3A_700 = arith.cmpi sgt, %jit3A_690, %sign3A_699 : i32
        %sign3A_701 = arith.extui %sign3A_700 : i1 to i32
        %sign3A_702 = arith.constant 0 : i32
        %sign3A_703 = arith.cmpi slt, %jit3A_690, %sign3A_702 : i32
        %sign3A_704 = arith.extui %sign3A_703 : i1 to i32
        %sign3A_705 = arith.subi %sign3A_701, %sign3A_704 : i32
        %ne3A_706 = arith.cmpi ne, %sign3A_698, %sign3A_705 : i32
        %rem3A_707 = arith.remsi %select_n3A_689, %jit3A_690 : i32
        %ne3A_708 = arith.constant 0 : i32
        %ne3A_709 = arith.cmpi ne, %rem3A_707, %ne3A_708 : i32
        %and3A_710 = arith.andi %ne3A_706, %ne3A_709 : i1
        %sub3A_711 = arith.constant 1 : i32
        %sub3A_712 = arith.subi %div3A_691, %sub3A_711 : i32
        %select_n3A_713 = arith.select %and3A_710, %sub3A_712, %div3A_691 : i32
        %mul3A_714 = arith.constant 64 : i32
        %mul3A_715 = arith.muli %select_n3A_713, %mul3A_714 : i32
        %jit3A_716 = arith.constant 4 : i32
        %eq3A_717 = arith.constant 0 : i32
        %eq3A_718 = arith.cmpi eq, %jit3A_716, %eq3A_717 : i32
        %jit3A_719 = arith.constant 1 : i32
        %select_n3A_720 = arith.select %eq3A_718, %jit3A_719, %jit3A_716 : i32
        %rem3A_721 = arith.remsi %select_n3A_689, %select_n3A_720 : i32
        %ne3A_722 = arith.constant 0 : i32
        %ne3A_723 = arith.cmpi ne, %rem3A_721, %ne3A_722 : i32
        %lt3A_724 = arith.constant 0 : i32
        %lt3A_725 = arith.cmpi slt, %rem3A_721, %lt3A_724 : i32
        %lt3A_726 = arith.constant 0 : i32
        %lt3A_727 = arith.cmpi slt, %select_n3A_720, %lt3A_726 : i32
        %ne3A_728 = arith.xori %lt3A_725, %lt3A_727 : i1
        %and3A_729 = arith.andi %ne3A_728, %ne3A_723 : i1
        %add3A_730 = arith.addi %rem3A_721, %select_n3A_720 : i32
        %select_n3A_731 = arith.select %and3A_729, %add3A_730, %rem3A_721 : i32
        %mul3A_732 = arith.constant 128 : i32
        %mul3A_733 = arith.muli %select_n3A_731, %mul3A_732 : i32
        %dma_start3A_734 = tpu.memref_slice %arg2[%select_n3A_673, %mul3A_715, %mul3A_733] : memref<16x512x512xf32, #tpu.memory_space<hbm>> -> memref<1x64x128xf32, #tpu.memory_space<hbm>>
        %dma_start3A_735 = tpu.memref_squeeze %dma_start3A_734 : memref<1x64x128xf32, #tpu.memory_space<hbm>> -> memref<64x128xf32, #tpu.memory_space<hbm>>
        %dma_start3A_736 = tpu.memref_slice %arg2[%select_n3A_673, %mul3A_715, %mul3A_733] : memref<16x512x512xf32, #tpu.memory_space<hbm>> -> memref<1x64x128xf32, #tpu.memory_space<hbm>>
        %dma_start3A_737 = tpu.memref_squeeze %dma_start3A_736 : memref<1x64x128xf32, #tpu.memory_space<hbm>> -> memref<64x128xf32, #tpu.memory_space<hbm>>
        tpu.enqueue_dma source(%dma_start3A_737 : memref<64x128xf32, #tpu.memory_space<hbm>>) target(%arg4 : memref<64x128xf32, #tpu.memory_space<vmem>>) target_semaphore(%arg14 : memref<!tpu.dma_semaphore, #tpu.memory_space<semaphore_mem>>)
      } else {
      }
      %dma_start3A_507 = tpu.memref_slice %arg3[%select_n3A_405, %mul3A_447, %mul3A_465] : memref<16x512x512xf32, #tpu.memory_space<hbm>> -> memref<1x64x128xf32, #tpu.memory_space<hbm>>
      %dma_start3A_508 = tpu.memref_squeeze %dma_start3A_507 : memref<1x64x128xf32, #tpu.memory_space<hbm>> -> memref<64x128xf32, #tpu.memory_space<hbm>>
      %dma_start3A_509 = tpu.memref_slice %arg3[%select_n3A_405, %mul3A_447, %mul3A_465] : memref<16x512x512xf32, #tpu.memory_space<hbm>> -> memref<1x64x128xf32, #tpu.memory_space<hbm>>
      %dma_start3A_510 = tpu.memref_squeeze %dma_start3A_509 : memref<1x64x128xf32, #tpu.memory_space<hbm>> -> memref<64x128xf32, #tpu.memory_space<hbm>>
      tpu.enqueue_dma source(%arg6 : memref<64x128xf32, #tpu.memory_space<vmem>>) target(%dma_start3A_510 : memref<64x128xf32, #tpu.memory_space<hbm>>) target_semaphore(%arg16 : memref<!tpu.dma_semaphore, #tpu.memory_space<semaphore_mem>>)
      %add3A_511 = arith.constant 1 : i32
      %add3A_512 = arith.addi %add3A_378, %add3A_511 : i32
      %add3A_513 = arith.addi %mul3A_2, %add3A_512 : i32
      %jit3A_514 = arith.constant 32 : i32
      %div3A_515 = arith.divsi %add3A_513, %jit3A_514 : i32
      %sign3A_516 = arith.constant 0 : i32
      %sign3A_517 = arith.cmpi sgt, %add3A_513, %sign3A_516 : i32
      %sign3A_518 = arith.extui %sign3A_517 : i1 to i32
      %sign3A_519 = arith.constant 0 : i32
      %sign3A_520 = arith.cmpi slt, %add3A_513, %sign3A_519 : i32
      %sign3A_521 = arith.extui %sign3A_520 : i1 to i32
      %sign3A_522 = arith.subi %sign3A_518, %sign3A_521 : i32
      %sign3A_523 = arith.constant 0 : i32
      %sign3A_524 = arith.cmpi sgt, %jit3A_514, %sign3A_523 : i32
      %sign3A_525 = arith.extui %sign3A_524 : i1 to i32
      %sign3A_526 = arith.constant 0 : i32
      %sign3A_527 = arith.cmpi slt, %jit3A_514, %sign3A_526 : i32
      %sign3A_528 = arith.extui %sign3A_527 : i1 to i32
      %sign3A_529 = arith.subi %sign3A_525, %sign3A_528 : i32
      %ne3A_530 = arith.cmpi ne, %sign3A_522, %sign3A_529 : i32
      %rem3A_531 = arith.remsi %add3A_513, %jit3A_514 : i32
      %ne3A_532 = arith.constant 0 : i32
      %ne3A_533 = arith.cmpi ne, %rem3A_531, %ne3A_532 : i32
      %and3A_534 = arith.andi %ne3A_530, %ne3A_533 : i1
      %sub3A_535 = arith.constant 1 : i32
      %sub3A_536 = arith.subi %div3A_515, %sub3A_535 : i32
      %select_n3A_537 = arith.select %and3A_534, %sub3A_536, %div3A_515 : i32
      %jit3A_538 = arith.constant 32 : i32
      %eq3A_539 = arith.constant 0 : i32
      %eq3A_540 = arith.cmpi eq, %jit3A_538, %eq3A_539 : i32
      %jit3A_541 = arith.constant 1 : i32
      %select_n3A_542 = arith.select %eq3A_540, %jit3A_541, %jit3A_538 : i32
      %rem3A_543 = arith.remsi %add3A_513, %select_n3A_542 : i32
      %ne3A_544 = arith.constant 0 : i32
      %ne3A_545 = arith.cmpi ne, %rem3A_543, %ne3A_544 : i32
      %lt3A_546 = arith.constant 0 : i32
      %lt3A_547 = arith.cmpi slt, %rem3A_543, %lt3A_546 : i32
      %lt3A_548 = arith.constant 0 : i32
      %lt3A_549 = arith.cmpi slt, %select_n3A_542, %lt3A_548 : i32
      %ne3A_550 = arith.xori %lt3A_547, %lt3A_549 : i1
      %and3A_551 = arith.andi %ne3A_550, %ne3A_545 : i1
      %add3A_552 = arith.addi %rem3A_543, %select_n3A_542 : i32
      %select_n3A_553 = arith.select %and3A_551, %add3A_552, %rem3A_543 : i32
      %jit3A_554 = arith.constant 4 : i32
      %div3A_555 = arith.divsi %select_n3A_553, %jit3A_554 : i32
      %sign3A_556 = arith.constant 0 : i32
      %sign3A_557 = arith.cmpi sgt, %select_n3A_553, %sign3A_556 : i32
      %sign3A_558 = arith.extui %sign3A_557 : i1 to i32
      %sign3A_559 = arith.constant 0 : i32
      %sign3A_560 = arith.cmpi slt, %select_n3A_553, %sign3A_559 : i32
      %sign3A_561 = arith.extui %sign3A_560 : i1 to i32
      %sign3A_562 = arith.subi %sign3A_558, %sign3A_561 : i32
      %sign3A_563 = arith.constant 0 : i32
      %sign3A_564 = arith.cmpi sgt, %jit3A_554, %sign3A_563 : i32
      %sign3A_565 = arith.extui %sign3A_564 : i1 to i32
      %sign3A_566 = arith.constant 0 : i32
      %sign3A_567 = arith.cmpi slt, %jit3A_554, %sign3A_566 : i32
      %sign3A_568 = arith.extui %sign3A_567 : i1 to i32
      %sign3A_569 = arith.subi %sign3A_565, %sign3A_568 : i32
      %ne3A_570 = arith.cmpi ne, %sign3A_562, %sign3A_569 : i32
      %rem3A_571 = arith.remsi %select_n3A_553, %jit3A_554 : i32
      %ne3A_572 = arith.constant 0 : i32
      %ne3A_573 = arith.cmpi ne, %rem3A_571, %ne3A_572 : i32
      %and3A_574 = arith.andi %ne3A_570, %ne3A_573 : i1
      %sub3A_575 = arith.constant 1 : i32
      %sub3A_576 = arith.subi %div3A_555, %sub3A_575 : i32
      %select_n3A_577 = arith.select %and3A_574, %sub3A_576, %div3A_555 : i32
      %mul3A_578 = arith.constant 64 : i32
      %mul3A_579 = arith.muli %select_n3A_577, %mul3A_578 : i32
      %jit3A_580 = arith.constant 4 : i32
      %eq3A_581 = arith.constant 0 : i32
      %eq3A_582 = arith.cmpi eq, %jit3A_580, %eq3A_581 : i32
      %jit3A_583 = arith.constant 1 : i32
      %select_n3A_584 = arith.select %eq3A_582, %jit3A_583, %jit3A_580 : i32
      %rem3A_585 = arith.remsi %select_n3A_553, %select_n3A_584 : i32
      %ne3A_586 = arith.constant 0 : i32
      %ne3A_587 = arith.cmpi ne, %rem3A_585, %ne3A_586 : i32
      %lt3A_588 = arith.constant 0 : i32
      %lt3A_589 = arith.cmpi slt, %rem3A_585, %lt3A_588 : i32
      %lt3A_590 = arith.constant 0 : i32
      %lt3A_591 = arith.cmpi slt, %select_n3A_584, %lt3A_590 : i32
      %ne3A_592 = arith.xori %lt3A_589, %lt3A_591 : i1
      %and3A_593 = arith.andi %ne3A_592, %ne3A_587 : i1
      %add3A_594 = arith.addi %rem3A_585, %select_n3A_584 : i32
      %select_n3A_595 = arith.select %and3A_593, %add3A_594, %rem3A_585 : i32
      %mul3A_596 = arith.constant 128 : i32
      %mul3A_597 = arith.muli %select_n3A_595, %mul3A_596 : i32
      %dma_wait3A_598 = tpu.memref_slice %arg2[%select_n3A_537, %mul3A_579, %mul3A_597] : memref<16x512x512xf32, #tpu.memory_space<hbm>> -> memref<1x64x128xf32, #tpu.memory_space<hbm>>
      %dma_wait3A_599 = tpu.memref_squeeze %dma_wait3A_598 : memref<1x64x128xf32, #tpu.memory_space<hbm>> -> memref<64x128xf32, #tpu.memory_space<hbm>>
      %dma_wait3A_600 = tpu.memref_slice %arg2[%select_n3A_537, %mul3A_579, %mul3A_597] : memref<16x512x512xf32, #tpu.memory_space<hbm>> -> memref<1x64x128xf32, #tpu.memory_space<hbm>>
      %dma_wait3A_601 = tpu.memref_squeeze %dma_wait3A_600 : memref<1x64x128xf32, #tpu.memory_space<hbm>> -> memref<64x128xf32, #tpu.memory_space<hbm>>
      tpu.wait_dma2 semaphore(%arg15 : memref<!tpu.dma_semaphore, #tpu.memory_space<semaphore_mem>>) src(%dma_wait3A_601 : memref<64x128xf32, #tpu.memory_space<hbm>>) dst(%arg5 : memref<64x128xf32, #tpu.memory_space<vmem>>)
      tpu.wait_dma2 semaphore(%arg18 : memref<!tpu.dma_semaphore, #tpu.memory_space<semaphore_mem>>) src(%arg13 : memref<4096xf32, #tpu.memory_space<vmem_shared>>) dst(%arg8 : memref<4096xf32, #tpu.memory_space<vmem>>)
      tpu.wait_dma2 semaphore(%arg18 : memref<!tpu.dma_semaphore, #tpu.memory_space<semaphore_mem>>) src(%arg13 : memref<4096xf32, #tpu.memory_space<vmem_shared>>) dst(%arg9 : memref<4096xf32, #tpu.memory_space<vmem>>)
      %parallel_loop3A_602 = arith.constant 0 : i32
      %parallel_loop3A_603 = arith.constant 64 : i32
      %parallel_loop3A_604 = arith.constant 1 : i32
      scf.for %parallel_loop3A_648 = %parallel_loop3A_602 to %parallel_loop3A_603 step %parallel_loop3A_604  : i32 {
        %parallel_loop3A_649 = arith.index_cast %parallel_loop3A_648 : i32 to index
        %parallel_loop3A_650 = arith.constant 0 : index
        %parallel_loop3A_651 = tpu.vector_load %arg5[%parallel_loop3A_649, %parallel_loop3A_650] {strides = array<i32>} : memref<64x128xf32, #tpu.memory_space<vmem>>, vector<16xf32>,
        %parallel_loop3A_652 = arith.constant 2.560000e+02 : f32
        %parallel_loop3A_653 = vector.broadcast %parallel_loop3A_652 : f32 to vector<16xf32>
        %parallel_loop3A_654 = arith.mulf %parallel_loop3A_651, %parallel_loop3A_653 : vector<16xf32>
        %parallel_loop3A_655 = arith.fptosi %parallel_loop3A_654 : vector<16xf32> to vector<16xi32>
        %parallel_loop3A_656 = arith.addi %mul3A_5, %parallel_loop3A_655 : vector<16xi32>
        tpu.vector_store_idx %arg8[%parallel_loop3A_656], %broadcast_in_dim3A_8 {add = true} : memref<4096xf32, #tpu.memory_space<vmem>>[vector<16xi32>], vector<16xf32>,
        %parallel_loop3A_657 = arith.index_cast %parallel_loop3A_648 : i32 to index
        %parallel_loop3A_658 = arith.constant 16 : index
        %parallel_loop3A_659 = tpu.vector_load %arg5[%parallel_loop3A_657, %parallel_loop3A_658] {strides = array<i32>} : memref<64x128xf32, #tpu.memory_space<vmem>>, vector<16xf32>,
        %parallel_loop3A_660 = arith.constant 2.560000e+02 : f32
        %parallel_loop3A_661 = vector.broadcast %parallel_loop3A_660 : f32 to vector<16xf32>
        %parallel_loop3A_662 = arith.mulf %parallel_loop3A_659, %parallel_loop3A_661 : vector<16xf32>
        %parallel_loop3A_663 = arith.fptosi %parallel_loop3A_662 : vector<16xf32> to vector<16xi32>
        %parallel_loop3A_664 = arith.addi %mul3A_5, %parallel_loop3A_663 : vector<16xi32>
        tpu.vector_store_idx %arg8[%parallel_loop3A_664], %broadcast_in_dim3A_8 {add = true} : memref<4096xf32, #tpu.memory_space<vmem>>[vector<16xi32>], vector<16xf32>,
        %parallel_loop3A_665 = arith.index_cast %parallel_loop3A_648 : i32 to index
        %parallel_loop3A_666 = arith.constant 32 : index
        %parallel_loop3A_667 = tpu.vector_load %arg5[%parallel_loop3A_665, %parallel_loop3A_666] {strides = array<i32>} : memref<64x128xf32, #tpu.memory_space<vmem>>, vector<16xf32>,
        %parallel_loop3A_668 = arith.constant 2.560000e+02 : f32
        %parallel_loop3A_669 = vector.broadcast %parallel_loop3A_668 : f32 to vector<16xf32>
        %parallel_loop3A_670 = arith.mulf %parallel_loop3A_667, %parallel_loop3A_669 : vector<16xf32>
        %parallel_loop3A_671 = arith.fptosi %parallel_loop3A_670 : vector<16xf32> to vector<16xi32>
        %parallel_loop3A_672 = arith.addi %mul3A_5, %parallel_loop3A_671 : vector<16xi32>
        tpu.vector_store_idx %arg8[%parallel_loop3A_672], %broadcast_in_dim3A_8 {add = true} : memref<4096xf32, #tpu.memory_space<vmem>>[vector<16xi32>], vector<16xf32>,
        %parallel_loop3A_673 = arith.index_cast %parallel_loop3A_648 : i32 to index
        %parallel_loop3A_674 = arith.constant 48 : index
        %parallel_loop3A_675 = tpu.vector_load %arg5[%parallel_loop3A_673, %parallel_loop3A_674] {strides = array<i32>} : memref<64x128xf32, #tpu.memory_space<vmem>>, vector<16xf32>,
        %parallel_loop3A_676 = arith.constant 2.560000e+02 : f32
        %parallel_loop3A_677 = vector.broadcast %parallel_loop3A_676 : f32 to vector<16xf32>
        %parallel_loop3A_678 = arith.mulf %parallel_loop3A_675, %parallel_loop3A_677 : vector<16xf32>
        %parallel_loop3A_679 = arith.fptosi %parallel_loop3A_678 : vector<16xf32> to vector<16xi32>
        %parallel_loop3A_680 = arith.addi %mul3A_5, %parallel_loop3A_679 : vector<16xi32>
        tpu.vector_store_idx %arg8[%parallel_loop3A_680], %broadcast_in_dim3A_8 {add = true} : memref<4096xf32, #tpu.memory_space<vmem>>[vector<16xi32>], vector<16xf32>,
        %parallel_loop3A_681 = arith.index_cast %parallel_loop3A_648 : i32 to index
        %parallel_loop3A_682 = arith.constant 64 : index
        %parallel_loop3A_683 = tpu.vector_load %arg5[%parallel_loop3A_681, %parallel_loop3A_682] {strides = array<i32>} : memref<64x128xf32, #tpu.memory_space<vmem>>, vector<16xf32>,
        %parallel_loop3A_684 = arith.constant 2.560000e+02 : f32
        %parallel_loop3A_685 = vector.broadcast %parallel_loop3A_684 : f32 to vector<16xf32>
        %parallel_loop3A_686 = arith.mulf %parallel_loop3A_683, %parallel_loop3A_685 : vector<16xf32>
        %parallel_loop3A_687 = arith.fptosi %parallel_loop3A_686 : vector<16xf32> to vector<16xi32>
        %parallel_loop3A_688 = arith.addi %mul3A_5, %parallel_loop3A_687 : vector<16xi32>
        tpu.vector_store_idx %arg9[%parallel_loop3A_688], %broadcast_in_dim3A_8 {add = true} : memref<4096xf32, #tpu.memory_space<vmem>>[vector<16xi32>], vector<16xf32>,
        %parallel_loop3A_689 = arith.index_cast %parallel_loop3A_648 : i32 to index
        %parallel_loop3A_690 = arith.constant 80 : index
        %parallel_loop3A_691 = tpu.vector_load %arg5[%parallel_loop3A_689, %parallel_loop3A_690] {strides = array<i32>} : memref<64x128xf32, #tpu.memory_space<vmem>>, vector<16xf32>,
        %parallel_loop3A_692 = arith.constant 2.560000e+02 : f32
        %parallel_loop3A_693 = vector.broadcast %parallel_loop3A_692 : f32 to vector<16xf32>
        %parallel_loop3A_694 = arith.mulf %parallel_loop3A_691, %parallel_loop3A_693 : vector<16xf32>
        %parallel_loop3A_695 = arith.fptosi %parallel_loop3A_694 : vector<16xf32> to vector<16xi32>
        %parallel_loop3A_696 = arith.addi %mul3A_5, %parallel_loop3A_695 : vector<16xi32>
        tpu.vector_store_idx %arg9[%parallel_loop3A_696], %broadcast_in_dim3A_8 {add = true} : memref<4096xf32, #tpu.memory_space<vmem>>[vector<16xi32>], vector<16xf32>,
        %parallel_loop3A_697 = arith.index_cast %parallel_loop3A_648 : i32 to index
        %parallel_loop3A_698 = arith.constant 96 : index
        %parallel_loop3A_699 = tpu.vector_load %arg5[%parallel_loop3A_697, %parallel_loop3A_698] {strides = array<i32>} : memref<64x128xf32, #tpu.memory_space<vmem>>, vector<16xf32>,
        %parallel_loop3A_700 = arith.constant 2.560000e+02 : f32
        %parallel_loop3A_701 = vector.broadcast %parallel_loop3A_700 : f32 to vector<16xf32>
        %parallel_loop3A_702 = arith.mulf %parallel_loop3A_699, %parallel_loop3A_701 : vector<16xf32>
        %parallel_loop3A_703 = arith.fptosi %parallel_loop3A_702 : vector<16xf32> to vector<16xi32>
        %parallel_loop3A_704 = arith.addi %mul3A_5, %parallel_loop3A_703 : vector<16xi32>
        tpu.vector_store_idx %arg9[%parallel_loop3A_704], %broadcast_in_dim3A_8 {add = true} : memref<4096xf32, #tpu.memory_space<vmem>>[vector<16xi32>], vector<16xf32>,
        %parallel_loop3A_705 = arith.index_cast %parallel_loop3A_648 : i32 to index
        %parallel_loop3A_706 = arith.constant 112 : index
        %parallel_loop3A_707 = tpu.vector_load %arg5[%parallel_loop3A_705, %parallel_loop3A_706] {strides = array<i32>} : memref<64x128xf32, #tpu.memory_space<vmem>>, vector<16xf32>,
        %parallel_loop3A_708 = arith.constant 2.560000e+02 : f32
        %parallel_loop3A_709 = vector.broadcast %parallel_loop3A_708 : f32 to vector<16xf32>
        %parallel_loop3A_710 = arith.mulf %parallel_loop3A_707, %parallel_loop3A_709 : vector<16xf32>
        %parallel_loop3A_711 = arith.fptosi %parallel_loop3A_710 : vector<16xf32> to vector<16xi32>
        %parallel_loop3A_712 = arith.addi %mul3A_5, %parallel_loop3A_711 : vector<16xi32>
        tpu.vector_store_idx %arg9[%parallel_loop3A_712], %broadcast_in_dim3A_8 {add = true} : memref<4096xf32, #tpu.memory_space<vmem>>[vector<16xi32>], vector<16xf32>,
      } {sc.loop_unroll_factor = 4 : i64, sc.parallel_access}
      %parallel_loop3A_605 = arith.constant 0 : i32
      %parallel_loop3A_606 = arith.constant 16 : i32
      %parallel_loop3A_607 = arith.constant 1 : i32
      %parallel_loop3A_608:2 = scf.for %parallel_loop3A_648 = %parallel_loop3A_605 to %parallel_loop3A_606 step %parallel_loop3A_607 iter_args(%parallel_loop3A_649 = %broadcast_in_dim3A_6, %parallel_loop3A_650 = %broadcast_in_dim3A_6) -> (vector<16xf32>, vector<16xf32>)  : i32 {
        %parallel_loop3A_651 = arith.constant 16 : i32
        %parallel_loop3A_652 = arith.muli %parallel_loop3A_648, %parallel_loop3A_651 : i32
        %parallel_loop3A_653 = arith.constant 0 : i32
        %parallel_loop3A_654 = arith.addi %parallel_loop3A_653, %parallel_loop3A_652 : i32
        %parallel_loop3A_655 = arith.index_cast %parallel_loop3A_654 : i32 to index
        %parallel_loop3A_656 = tpu.vector_load %arg8[%parallel_loop3A_655] {strides = array<i32>} : memref<4096xf32, #tpu.memory_space<vmem>>, vector<16xf32>,
        %parallel_loop3A_657 = arith.constant 16 : i32
        %parallel_loop3A_658 = arith.muli %parallel_loop3A_648, %parallel_loop3A_657 : i32
        %parallel_loop3A_659 = arith.constant 256 : i32
        %parallel_loop3A_660 = arith.addi %parallel_loop3A_659, %parallel_loop3A_658 : i32
        %parallel_loop3A_661 = arith.index_cast %parallel_loop3A_660 : i32 to index
        %parallel_loop3A_662 = tpu.vector_load %arg8[%parallel_loop3A_661] {strides = array<i32>} : memref<4096xf32, #tpu.memory_space<vmem>>, vector<16xf32>,
        %parallel_loop3A_663 = arith.constant 16 : i32
        %parallel_loop3A_664 = arith.muli %parallel_loop3A_648, %parallel_loop3A_663 : i32
        %parallel_loop3A_665 = arith.constant 512 : i32
        %parallel_loop3A_666 = arith.addi %parallel_loop3A_665, %parallel_loop3A_664 : i32
        %parallel_loop3A_667 = arith.index_cast %parallel_loop3A_666 : i32 to index
        %parallel_loop3A_668 = tpu.vector_load %arg8[%parallel_loop3A_667] {strides = array<i32>} : memref<4096xf32, #tpu.memory_space<vmem>>, vector<16xf32>,
        %parallel_loop3A_669 = arith.constant 16 : i32
        %parallel_loop3A_670 = arith.muli %parallel_loop3A_648, %parallel_loop3A_669 : i32
        %parallel_loop3A_671 = arith.constant 768 : i32
        %parallel_loop3A_672 = arith.addi %parallel_loop3A_671, %parallel_loop3A_670 : i32
        %parallel_loop3A_673 = arith.index_cast %parallel_loop3A_672 : i32 to index
        %parallel_loop3A_674 = tpu.vector_load %arg8[%parallel_loop3A_673] {strides = array<i32>} : memref<4096xf32, #tpu.memory_space<vmem>>, vector<16xf32>,
        %parallel_loop3A_675 = arith.constant 16 : i32
        %parallel_loop3A_676 = arith.muli %parallel_loop3A_648, %parallel_loop3A_675 : i32
        %parallel_loop3A_677 = arith.constant 1024 : i32
        %parallel_loop3A_678 = arith.addi %parallel_loop3A_677, %parallel_loop3A_676 : i32
        %parallel_loop3A_679 = arith.index_cast %parallel_loop3A_678 : i32 to index
        %parallel_loop3A_680 = tpu.vector_load %arg8[%parallel_loop3A_679] {strides = array<i32>} : memref<4096xf32, #tpu.memory_space<vmem>>, vector<16xf32>,
        %parallel_loop3A_681 = arith.constant 16 : i32
        %parallel_loop3A_682 = arith.muli %parallel_loop3A_648, %parallel_loop3A_681 : i32
        %parallel_loop3A_683 = arith.constant 1280 : i32
        %parallel_loop3A_684 = arith.addi %parallel_loop3A_683, %parallel_loop3A_682 : i32
        %parallel_loop3A_685 = arith.index_cast %parallel_loop3A_684 : i32 to index
        %parallel_loop3A_686 = tpu.vector_load %arg8[%parallel_loop3A_685] {strides = array<i32>} : memref<4096xf32, #tpu.memory_space<vmem>>, vector<16xf32>,
        %parallel_loop3A_687 = arith.constant 16 : i32
        %parallel_loop3A_688 = arith.muli %parallel_loop3A_648, %parallel_loop3A_687 : i32
        %parallel_loop3A_689 = arith.constant 1536 : i32
        %parallel_loop3A_690 = arith.addi %parallel_loop3A_689, %parallel_loop3A_688 : i32
        %parallel_loop3A_691 = arith.index_cast %parallel_loop3A_690 : i32 to index
        %parallel_loop3A_692 = tpu.vector_load %arg8[%parallel_loop3A_691] {strides = array<i32>} : memref<4096xf32, #tpu.memory_space<vmem>>, vector<16xf32>,
        %parallel_loop3A_693 = arith.constant 16 : i32
        %parallel_loop3A_694 = arith.muli %parallel_loop3A_648, %parallel_loop3A_693 : i32
        %parallel_loop3A_695 = arith.constant 1792 : i32
        %parallel_loop3A_696 = arith.addi %parallel_loop3A_695, %parallel_loop3A_694 : i32
        %parallel_loop3A_697 = arith.index_cast %parallel_loop3A_696 : i32 to index
        %parallel_loop3A_698 = tpu.vector_load %arg8[%parallel_loop3A_697] {strides = array<i32>} : memref<4096xf32, #tpu.memory_space<vmem>>, vector<16xf32>,
        %parallel_loop3A_699 = arith.constant 16 : i32
        %parallel_loop3A_700 = arith.muli %parallel_loop3A_648, %parallel_loop3A_699 : i32
        %parallel_loop3A_701 = arith.constant 2048 : i32
        %parallel_loop3A_702 = arith.addi %parallel_loop3A_701, %parallel_loop3A_700 : i32
        %parallel_loop3A_703 = arith.index_cast %parallel_loop3A_702 : i32 to index
        %parallel_loop3A_704 = tpu.vector_load %arg8[%parallel_loop3A_703] {strides = array<i32>} : memref<4096xf32, #tpu.memory_space<vmem>>, vector<16xf32>,
        %parallel_loop3A_705 = arith.constant 16 : i32
        %parallel_loop3A_706 = arith.muli %parallel_loop3A_648, %parallel_loop3A_705 : i32
        %parallel_loop3A_707 = arith.constant 2304 : i32
        %parallel_loop3A_708 = arith.addi %parallel_loop3A_707, %parallel_loop3A_706 : i32
        %parallel_loop3A_709 = arith.index_cast %parallel_loop3A_708 : i32 to index
        %parallel_loop3A_710 = tpu.vector_load %arg8[%parallel_loop3A_709] {strides = array<i32>} : memref<4096xf32, #tpu.memory_space<vmem>>, vector<16xf32>,
        %parallel_loop3A_711 = arith.constant 16 : i32
        %parallel_loop3A_712 = arith.muli %parallel_loop3A_648, %parallel_loop3A_711 : i32
        %parallel_loop3A_713 = arith.constant 2560 : i32
        %parallel_loop3A_714 = arith.addi %parallel_loop3A_713, %parallel_loop3A_712 : i32
        %parallel_loop3A_715 = arith.index_cast %parallel_loop3A_714 : i32 to index
        %parallel_loop3A_716 = tpu.vector_load %arg8[%parallel_loop3A_715] {strides = array<i32>} : memref<4096xf32, #tpu.memory_space<vmem>>, vector<16xf32>,
        %parallel_loop3A_717 = arith.constant 16 : i32
        %parallel_loop3A_718 = arith.muli %parallel_loop3A_648, %parallel_loop3A_717 : i32
        %parallel_loop3A_719 = arith.constant 2816 : i32
        %parallel_loop3A_720 = arith.addi %parallel_loop3A_719, %parallel_loop3A_718 : i32
        %parallel_loop3A_721 = arith.index_cast %parallel_loop3A_720 : i32 to index
        %parallel_loop3A_722 = tpu.vector_load %arg8[%parallel_loop3A_721] {strides = array<i32>} : memref<4096xf32, #tpu.memory_space<vmem>>, vector<16xf32>,
        %parallel_loop3A_723 = arith.constant 16 : i32
        %parallel_loop3A_724 = arith.muli %parallel_loop3A_648, %parallel_loop3A_723 : i32
        %parallel_loop3A_725 = arith.constant 3072 : i32
        %parallel_loop3A_726 = arith.addi %parallel_loop3A_725, %parallel_loop3A_724 : i32
        %parallel_loop3A_727 = arith.index_cast %parallel_loop3A_726 : i32 to index
        %parallel_loop3A_728 = tpu.vector_load %arg8[%parallel_loop3A_727] {strides = array<i32>} : memref<4096xf32, #tpu.memory_space<vmem>>, vector<16xf32>,
        %parallel_loop3A_729 = arith.constant 16 : i32
        %parallel_loop3A_730 = arith.muli %parallel_loop3A_648, %parallel_loop3A_729 : i32
        %parallel_loop3A_731 = arith.constant 3328 : i32
        %parallel_loop3A_732 = arith.addi %parallel_loop3A_731, %parallel_loop3A_730 : i32
        %parallel_loop3A_733 = arith.index_cast %parallel_loop3A_732 : i32 to index
        %parallel_loop3A_734 = tpu.vector_load %arg8[%parallel_loop3A_733] {strides = array<i32>} : memref<4096xf32, #tpu.memory_space<vmem>>, vector<16xf32>,
        %parallel_loop3A_735 = arith.constant 16 : i32
        %parallel_loop3A_736 = arith.muli %parallel_loop3A_648, %parallel_loop3A_735 : i32
        %parallel_loop3A_737 = arith.constant 3584 : i32
        %parallel_loop3A_738 = arith.addi %parallel_loop3A_737, %parallel_loop3A_736 : i32
        %parallel_loop3A_739 = arith.index_cast %parallel_loop3A_738 : i32 to index
        %parallel_loop3A_740 = tpu.vector_load %arg8[%parallel_loop3A_739] {strides = array<i32>} : memref<4096xf32, #tpu.memory_space<vmem>>, vector<16xf32>,
        %parallel_loop3A_741 = arith.constant 16 : i32
        %parallel_loop3A_742 = arith.muli %parallel_loop3A_648, %parallel_loop3A_741 : i32
        %parallel_loop3A_743 = arith.constant 3840 : i32
        %parallel_loop3A_744 = arith.addi %parallel_loop3A_743, %parallel_loop3A_742 : i32
        %parallel_loop3A_745 = arith.index_cast %parallel_loop3A_744 : i32 to index
        %parallel_loop3A_746 = tpu.vector_load %arg8[%parallel_loop3A_745] {strides = array<i32>} : memref<4096xf32, #tpu.memory_space<vmem>>, vector<16xf32>,
        %parallel_loop3A_747 = arith.addf %parallel_loop3A_656, %parallel_loop3A_662 : vector<16xf32>
        %parallel_loop3A_748 = arith.addf %parallel_loop3A_668, %parallel_loop3A_674 : vector<16xf32>
        %parallel_loop3A_749 = arith.addf %parallel_loop3A_680, %parallel_loop3A_686 : vector<16xf32>
        %parallel_loop3A_750 = arith.addf %parallel_loop3A_692, %parallel_loop3A_698 : vector<16xf32>
        %parallel_loop3A_751 = arith.addf %parallel_loop3A_704, %parallel_loop3A_710 : vector<16xf32>
        %parallel_loop3A_752 = arith.addf %parallel_loop3A_716, %parallel_loop3A_722 : vector<16xf32>
        %parallel_loop3A_753 = arith.addf %parallel_loop3A_728, %parallel_loop3A_734 : vector<16xf32>
        %parallel_loop3A_754 = arith.addf %parallel_loop3A_740, %parallel_loop3A_746 : vector<16xf32>
        %parallel_loop3A_755 = arith.addf %parallel_loop3A_747, %parallel_loop3A_748 : vector<16xf32>
        %parallel_loop3A_756 = arith.addf %parallel_loop3A_749, %parallel_loop3A_750 : vector<16xf32>
        %parallel_loop3A_757 = arith.addf %parallel_loop3A_751, %parallel_loop3A_752 : vector<16xf32>
        %parallel_loop3A_758 = arith.addf %parallel_loop3A_753, %parallel_loop3A_754 : vector<16xf32>
        %parallel_loop3A_759 = arith.addf %parallel_loop3A_755, %parallel_loop3A_756 : vector<16xf32>
        %parallel_loop3A_760 = arith.addf %parallel_loop3A_757, %parallel_loop3A_758 : vector<16xf32>
        %parallel_loop3A_761 = arith.addf %parallel_loop3A_759, %parallel_loop3A_760 : vector<16xf32>
        %parallel_loop3A_762 = arith.constant 2.44140625E-4 : f32
        %parallel_loop3A_763 = vector.broadcast %parallel_loop3A_762 : f32 to vector<16xf32>
        %parallel_loop3A_764 = arith.mulf %parallel_loop3A_761, %parallel_loop3A_763 : vector<16xf32>
        %parallel_loop3A_765 = arith.constant 7.812500e-03 : f32
        %parallel_loop3A_766 = vector.broadcast %parallel_loop3A_765 : f32 to vector<16xf32>
        %parallel_loop3A_767 = arith.minimumf %parallel_loop3A_764, %parallel_loop3A_766 : vector<16xf32>
        %parallel_loop3A_768 = arith.constant 16 : i32
        %parallel_loop3A_769 = arith.muli %parallel_loop3A_648, %parallel_loop3A_768 : i32
        %parallel_loop3A_770 = arith.constant 0 : i32
        %parallel_loop3A_771 = arith.addi %parallel_loop3A_770, %parallel_loop3A_769 : i32
        %parallel_loop3A_772 = arith.index_cast %parallel_loop3A_771 : i32 to index
        %parallel_loop3A_773 = tpu.vector_load %arg10[%parallel_loop3A_772] {strides = array<i32>} : memref<512xf32, #tpu.memory_space<vmem>>, vector<16xf32>,
        tpu.vector_store %arg10[%parallel_loop3A_772], %parallel_loop3A_767 {strides = array<i32>} : memref<512xf32, #tpu.memory_space<vmem>>, vector<16xf32>,
        %parallel_loop3A_774 = arith.constant 7.812500e-03 : f32
        %parallel_loop3A_775 = vector.broadcast %parallel_loop3A_774 : f32 to vector<16xf32>
        %parallel_loop3A_776 = arith.subf %parallel_loop3A_764, %parallel_loop3A_775 : vector<16xf32>
        %parallel_loop3A_777 = arith.constant 0.000000e+00 : f32
        %parallel_loop3A_778 = vector.broadcast %parallel_loop3A_777 : f32 to vector<16xf32>
        %parallel_loop3A_779 = arith.maximumf %parallel_loop3A_776, %parallel_loop3A_778 : vector<16xf32>
        %parallel_loop3A_780 = arith.constant 16 : i32
        %parallel_loop3A_781 = arith.muli %parallel_loop3A_648, %parallel_loop3A_780 : i32
        %parallel_loop3A_782 = arith.constant 0 : i32
        %parallel_loop3A_783 = arith.addi %parallel_loop3A_782, %parallel_loop3A_781 : i32
        %parallel_loop3A_784 = arith.index_cast %parallel_loop3A_783 : i32 to index
        %parallel_loop3A_785 = tpu.vector_load %arg9[%parallel_loop3A_784] {strides = array<i32>} : memref<4096xf32, #tpu.memory_space<vmem>>, vector<16xf32>,
        %parallel_loop3A_786 = arith.constant 16 : i32
        %parallel_loop3A_787 = arith.muli %parallel_loop3A_648, %parallel_loop3A_786 : i32
        %parallel_loop3A_788 = arith.constant 256 : i32
        %parallel_loop3A_789 = arith.addi %parallel_loop3A_788, %parallel_loop3A_787 : i32
        %parallel_loop3A_790 = arith.index_cast %parallel_loop3A_789 : i32 to index
        %parallel_loop3A_791 = tpu.vector_load %arg9[%parallel_loop3A_790] {strides = array<i32>} : memref<4096xf32, #tpu.memory_space<vmem>>, vector<16xf32>,
        %parallel_loop3A_792 = arith.constant 16 : i32
        %parallel_loop3A_793 = arith.muli %parallel_loop3A_648, %parallel_loop3A_792 : i32
        %parallel_loop3A_794 = arith.constant 512 : i32
        %parallel_loop3A_795 = arith.addi %parallel_loop3A_794, %parallel_loop3A_793 : i32
        %parallel_loop3A_796 = arith.index_cast %parallel_loop3A_795 : i32 to index
        %parallel_loop3A_797 = tpu.vector_load %arg9[%parallel_loop3A_796] {strides = array<i32>} : memref<4096xf32, #tpu.memory_space<vmem>>, vector<16xf32>,
        %parallel_loop3A_798 = arith.constant 16 : i32
        %parallel_loop3A_799 = arith.muli %parallel_loop3A_648, %parallel_loop3A_798 : i32
        %parallel_loop3A_800 = arith.constant 768 : i32
        %parallel_loop3A_801 = arith.addi %parallel_loop3A_800, %parallel_loop3A_799 : i32
        %parallel_loop3A_802 = arith.index_cast %parallel_loop3A_801 : i32 to index
        %parallel_loop3A_803 = tpu.vector_load %arg9[%parallel_loop3A_802] {strides = array<i32>} : memref<4096xf32, #tpu.memory_space<vmem>>, vector<16xf32>,
        %parallel_loop3A_804 = arith.constant 16 : i32
        %parallel_loop3A_805 = arith.muli %parallel_loop3A_648, %parallel_loop3A_804 : i32
        %parallel_loop3A_806 = arith.constant 1024 : i32
        %parallel_loop3A_807 = arith.addi %parallel_loop3A_806, %parallel_loop3A_805 : i32
        %parallel_loop3A_808 = arith.index_cast %parallel_loop3A_807 : i32 to index
        %parallel_loop3A_809 = tpu.vector_load %arg9[%parallel_loop3A_808] {strides = array<i32>} : memref<4096xf32, #tpu.memory_space<vmem>>, vector<16xf32>,
        %parallel_loop3A_810 = arith.constant 16 : i32
        %parallel_loop3A_811 = arith.muli %parallel_loop3A_648, %parallel_loop3A_810 : i32
        %parallel_loop3A_812 = arith.constant 1280 : i32
        %parallel_loop3A_813 = arith.addi %parallel_loop3A_812, %parallel_loop3A_811 : i32
        %parallel_loop3A_814 = arith.index_cast %parallel_loop3A_813 : i32 to index
        %parallel_loop3A_815 = tpu.vector_load %arg9[%parallel_loop3A_814] {strides = array<i32>} : memref<4096xf32, #tpu.memory_space<vmem>>, vector<16xf32>,
        %parallel_loop3A_816 = arith.constant 16 : i32
        %parallel_loop3A_817 = arith.muli %parallel_loop3A_648, %parallel_loop3A_816 : i32
        %parallel_loop3A_818 = arith.constant 1536 : i32
        %parallel_loop3A_819 = arith.addi %parallel_loop3A_818, %parallel_loop3A_817 : i32
        %parallel_loop3A_820 = arith.index_cast %parallel_loop3A_819 : i32 to index
        %parallel_loop3A_821 = tpu.vector_load %arg9[%parallel_loop3A_820] {strides = array<i32>} : memref<4096xf32, #tpu.memory_space<vmem>>, vector<16xf32>,
        %parallel_loop3A_822 = arith.constant 16 : i32
        %parallel_loop3A_823 = arith.muli %parallel_loop3A_648, %parallel_loop3A_822 : i32
        %parallel_loop3A_824 = arith.constant 1792 : i32
        %parallel_loop3A_825 = arith.addi %parallel_loop3A_824, %parallel_loop3A_823 : i32
        %parallel_loop3A_826 = arith.index_cast %parallel_loop3A_825 : i32 to index
        %parallel_loop3A_827 = tpu.vector_load %arg9[%parallel_loop3A_826] {strides = array<i32>} : memref<4096xf32, #tpu.memory_space<vmem>>, vector<16xf32>,
        %parallel_loop3A_828 = arith.constant 16 : i32
        %parallel_loop3A_829 = arith.muli %parallel_loop3A_648, %parallel_loop3A_828 : i32
        %parallel_loop3A_830 = arith.constant 2048 : i32
        %parallel_loop3A_831 = arith.addi %parallel_loop3A_830, %parallel_loop3A_829 : i32
        %parallel_loop3A_832 = arith.index_cast %parallel_loop3A_831 : i32 to index
        %parallel_loop3A_833 = tpu.vector_load %arg9[%parallel_loop3A_832] {strides = array<i32>} : memref<4096xf32, #tpu.memory_space<vmem>>, vector<16xf32>,
        %parallel_loop3A_834 = arith.constant 16 : i32
        %parallel_loop3A_835 = arith.muli %parallel_loop3A_648, %parallel_loop3A_834 : i32
        %parallel_loop3A_836 = arith.constant 2304 : i32
        %parallel_loop3A_837 = arith.addi %parallel_loop3A_836, %parallel_loop3A_835 : i32
        %parallel_loop3A_838 = arith.index_cast %parallel_loop3A_837 : i32 to index
        %parallel_loop3A_839 = tpu.vector_load %arg9[%parallel_loop3A_838] {strides = array<i32>} : memref<4096xf32, #tpu.memory_space<vmem>>, vector<16xf32>,
        %parallel_loop3A_840 = arith.constant 16 : i32
        %parallel_loop3A_841 = arith.muli %parallel_loop3A_648, %parallel_loop3A_840 : i32
        %parallel_loop3A_842 = arith.constant 2560 : i32
        %parallel_loop3A_843 = arith.addi %parallel_loop3A_842, %parallel_loop3A_841 : i32
        %parallel_loop3A_844 = arith.index_cast %parallel_loop3A_843 : i32 to index
        %parallel_loop3A_845 = tpu.vector_load %arg9[%parallel_loop3A_844] {strides = array<i32>} : memref<4096xf32, #tpu.memory_space<vmem>>, vector<16xf32>,
        %parallel_loop3A_846 = arith.constant 16 : i32
        %parallel_loop3A_847 = arith.muli %parallel_loop3A_648, %parallel_loop3A_846 : i32
        %parallel_loop3A_848 = arith.constant 2816 : i32
        %parallel_loop3A_849 = arith.addi %parallel_loop3A_848, %parallel_loop3A_847 : i32
        %parallel_loop3A_850 = arith.index_cast %parallel_loop3A_849 : i32 to index
        %parallel_loop3A_851 = tpu.vector_load %arg9[%parallel_loop3A_850] {strides = array<i32>} : memref<4096xf32, #tpu.memory_space<vmem>>, vector<16xf32>,
        %parallel_loop3A_852 = arith.constant 16 : i32
        %parallel_loop3A_853 = arith.muli %parallel_loop3A_648, %parallel_loop3A_852 : i32
        %parallel_loop3A_854 = arith.constant 3072 : i32
        %parallel_loop3A_855 = arith.addi %parallel_loop3A_854, %parallel_loop3A_853 : i32
        %parallel_loop3A_856 = arith.index_cast %parallel_loop3A_855 : i32 to index
        %parallel_loop3A_857 = tpu.vector_load %arg9[%parallel_loop3A_856] {strides = array<i32>} : memref<4096xf32, #tpu.memory_space<vmem>>, vector<16xf32>,
        %parallel_loop3A_858 = arith.constant 16 : i32
        %parallel_loop3A_859 = arith.muli %parallel_loop3A_648, %parallel_loop3A_858 : i32
        %parallel_loop3A_860 = arith.constant 3328 : i32
        %parallel_loop3A_861 = arith.addi %parallel_loop3A_860, %parallel_loop3A_859 : i32
        %parallel_loop3A_862 = arith.index_cast %parallel_loop3A_861 : i32 to index
        %parallel_loop3A_863 = tpu.vector_load %arg9[%parallel_loop3A_862] {strides = array<i32>} : memref<4096xf32, #tpu.memory_space<vmem>>, vector<16xf32>,
        %parallel_loop3A_864 = arith.constant 16 : i32
        %parallel_loop3A_865 = arith.muli %parallel_loop3A_648, %parallel_loop3A_864 : i32
        %parallel_loop3A_866 = arith.constant 3584 : i32
        %parallel_loop3A_867 = arith.addi %parallel_loop3A_866, %parallel_loop3A_865 : i32
        %parallel_loop3A_868 = arith.index_cast %parallel_loop3A_867 : i32 to index
        %parallel_loop3A_869 = tpu.vector_load %arg9[%parallel_loop3A_868] {strides = array<i32>} : memref<4096xf32, #tpu.memory_space<vmem>>, vector<16xf32>,
        %parallel_loop3A_870 = arith.constant 16 : i32
        %parallel_loop3A_871 = arith.muli %parallel_loop3A_648, %parallel_loop3A_870 : i32
        %parallel_loop3A_872 = arith.constant 3840 : i32
        %parallel_loop3A_873 = arith.addi %parallel_loop3A_872, %parallel_loop3A_871 : i32
        %parallel_loop3A_874 = arith.index_cast %parallel_loop3A_873 : i32 to index
        %parallel_loop3A_875 = tpu.vector_load %arg9[%parallel_loop3A_874] {strides = array<i32>} : memref<4096xf32, #tpu.memory_space<vmem>>, vector<16xf32>,
        %parallel_loop3A_876 = arith.addf %parallel_loop3A_785, %parallel_loop3A_791 : vector<16xf32>
        %parallel_loop3A_877 = arith.addf %parallel_loop3A_797, %parallel_loop3A_803 : vector<16xf32>
        %parallel_loop3A_878 = arith.addf %parallel_loop3A_809, %parallel_loop3A_815 : vector<16xf32>
        %parallel_loop3A_879 = arith.addf %parallel_loop3A_821, %parallel_loop3A_827 : vector<16xf32>
        %parallel_loop3A_880 = arith.addf %parallel_loop3A_833, %parallel_loop3A_839 : vector<16xf32>
        %parallel_loop3A_881 = arith.addf %parallel_loop3A_845, %parallel_loop3A_851 : vector<16xf32>
        %parallel_loop3A_882 = arith.addf %parallel_loop3A_857, %parallel_loop3A_863 : vector<16xf32>
        %parallel_loop3A_883 = arith.addf %parallel_loop3A_869, %parallel_loop3A_875 : vector<16xf32>
        %parallel_loop3A_884 = arith.addf %parallel_loop3A_876, %parallel_loop3A_877 : vector<16xf32>
        %parallel_loop3A_885 = arith.addf %parallel_loop3A_878, %parallel_loop3A_879 : vector<16xf32>
        %parallel_loop3A_886 = arith.addf %parallel_loop3A_880, %parallel_loop3A_881 : vector<16xf32>
        %parallel_loop3A_887 = arith.addf %parallel_loop3A_882, %parallel_loop3A_883 : vector<16xf32>
        %parallel_loop3A_888 = arith.addf %parallel_loop3A_884, %parallel_loop3A_885 : vector<16xf32>
        %parallel_loop3A_889 = arith.addf %parallel_loop3A_886, %parallel_loop3A_887 : vector<16xf32>
        %parallel_loop3A_890 = arith.addf %parallel_loop3A_888, %parallel_loop3A_889 : vector<16xf32>
        %parallel_loop3A_891 = arith.constant 2.44140625E-4 : f32
        %parallel_loop3A_892 = vector.broadcast %parallel_loop3A_891 : f32 to vector<16xf32>
        %parallel_loop3A_893 = arith.mulf %parallel_loop3A_890, %parallel_loop3A_892 : vector<16xf32>
        %parallel_loop3A_894 = arith.constant 7.812500e-03 : f32
        %parallel_loop3A_895 = vector.broadcast %parallel_loop3A_894 : f32 to vector<16xf32>
        %parallel_loop3A_896 = arith.minimumf %parallel_loop3A_893, %parallel_loop3A_895 : vector<16xf32>
        %parallel_loop3A_897 = arith.constant 16 : i32
        %parallel_loop3A_898 = arith.muli %parallel_loop3A_648, %parallel_loop3A_897 : i32
        %parallel_loop3A_899 = arith.constant 256 : i32
        %parallel_loop3A_900 = arith.addi %parallel_loop3A_899, %parallel_loop3A_898 : i32
        %parallel_loop3A_901 = arith.index_cast %parallel_loop3A_900 : i32 to index
        %parallel_loop3A_902 = tpu.vector_load %arg10[%parallel_loop3A_901] {strides = array<i32>} : memref<512xf32, #tpu.memory_space<vmem>>, vector<16xf32>,
        tpu.vector_store %arg10[%parallel_loop3A_901], %parallel_loop3A_896 {strides = array<i32>} : memref<512xf32, #tpu.memory_space<vmem>>, vector<16xf32>,
        %parallel_loop3A_903 = arith.constant 7.812500e-03 : f32
        %parallel_loop3A_904 = vector.broadcast %parallel_loop3A_903 : f32 to vector<16xf32>
        %parallel_loop3A_905 = arith.subf %parallel_loop3A_893, %parallel_loop3A_904 : vector<16xf32>
        %parallel_loop3A_906 = arith.constant 0.000000e+00 : f32
        %parallel_loop3A_907 = vector.broadcast %parallel_loop3A_906 : f32 to vector<16xf32>
        %parallel_loop3A_908 = arith.maximumf %parallel_loop3A_905, %parallel_loop3A_907 : vector<16xf32>
        %parallel_loop3A_909 = arith.addf %parallel_loop3A_649, %parallel_loop3A_779 : vector<16xf32>
        %parallel_loop3A_910 = arith.addf %parallel_loop3A_650, %parallel_loop3A_908 : vector<16xf32>
        scf.yield %parallel_loop3A_909, %parallel_loop3A_910 : vector<16xf32>, vector<16xf32>
      } {sc.loop_unroll_factor = 1 : i64, sc.parallel_access}
      %reduce_sum3A_609 = arith.constant true
      %reduce_sum3A_610 = vector.broadcast %reduce_sum3A_609 : i1 to vector<16xi1>
      %reduce_sum3A_611 = tpu.scan <sum>, %parallel_loop3A_608#0 masked %reduce_sum3A_610 : vector<16xf32>, vector<16xi1> -> vector<16xf32>
      %reduce_sum3A_612 = vector.extract %reduce_sum3A_611[15] : f32 from vector<16xf32>
      %mul3A_613 = arith.constant 3.906250e-03 : f32
      %mul3A_614 = arith.mulf %reduce_sum3A_612, %mul3A_613 : f32
      %reduce_sum3A_615 = arith.constant true
      %reduce_sum3A_616 = vector.broadcast %reduce_sum3A_615 : i1 to vector<16xi1>
      %reduce_sum3A_617 = tpu.scan <sum>, %parallel_loop3A_608#1 masked %reduce_sum3A_616 : vector<16xf32>, vector<16xi1> -> vector<16xf32>
      %reduce_sum3A_618 = vector.extract %reduce_sum3A_617[15] : f32 from vector<16xf32>
      %mul3A_619 = arith.constant 3.906250e-03 : f32
      %mul3A_620 = arith.mulf %reduce_sum3A_618, %mul3A_619 : f32
      %scan3A_621 = arith.constant 0.000000e+00 : f32
      %scan3A_622 = arith.constant 0.000000e+00 : f32
      %scan3A_623 = arith.constant 0 : i32
      %scan3A_624 = arith.constant 16 : i32
      %scan3A_625 = arith.addi %scan3A_623, %scan3A_624 : i32
      %scan3A_626 = arith.constant 1 : i32
      %scan3A_627:2 = scf.for %scan3A_648 = %scan3A_623 to %scan3A_625 step %scan3A_626 iter_args(%scan3A_649 = %scan3A_621, %scan3A_650 = %scan3A_622) -> (f32, f32)  : i32 {
        %mul3A_651 = arith.constant 16 : i32
        %mul3A_652 = arith.muli %scan3A_648, %mul3A_651 : i32
        %get3A = arith.index_cast %mul3A_652 : i32 to index
        %get3A_653 = tpu.vector_load %arg10[%get3A] {strides = array<i32>} : memref<512xf32, #tpu.memory_space<vmem>>, vector<16xf32>,
        %add3A_654 = vector.broadcast %mul3A_614 : f32 to vector<16xf32>
        %add3A_655 = arith.addf %get3A_653, %add3A_654 : vector<16xf32>
        %mul3A_656 = arith.constant 16 : i32
        %mul3A_657 = arith.muli %scan3A_648, %mul3A_656 : i32
        %add3A_658 = arith.constant 256 : i32
        %add3A_659 = arith.addi %add3A_658, %mul3A_657 : i32
        %get3A_660 = arith.index_cast %add3A_659 : i32 to index
        %get3A_661 = tpu.vector_load %arg10[%get3A_660] {strides = array<i32>} : memref<512xf32, #tpu.memory_space<vmem>>, vector<16xf32>,
        %add3A_662 = vector.broadcast %mul3A_620 : f32 to vector<16xf32>
        %add3A_663 = arith.addf %get3A_661, %add3A_662 : vector<16xf32>
        %broadcast_in_dim3A_664 = arith.constant true
        %broadcast_in_dim3A_665 = vector.broadcast %broadcast_in_dim3A_664 : i1 to vector<16xi1>
        %masked_cumsum3A = tpu.scan <sum>, %add3A_655 masked %broadcast_in_dim3A_665 : vector<16xf32>, vector<16xi1> -> vector<16xf32>
        %broadcast_in_dim3A_666 = arith.constant true
        %broadcast_in_dim3A_667 = vector.broadcast %broadcast_in_dim3A_666 : i1 to vector<16xi1>
        %masked_cumsum3A_668 = tpu.scan <sum>, %add3A_663 masked %broadcast_in_dim3A_667 : vector<16xf32>, vector<16xi1> -> vector<16xf32>
        %add3A_669 = vector.broadcast %scan3A_649 : f32 to vector<16xf32>
        %add3A_670 = arith.addf %masked_cumsum3A, %add3A_669 : vector<16xf32>
        %mul3A_671 = arith.constant 16 : i32
        %mul3A_672 = arith.muli %scan3A_648, %mul3A_671 : i32
        %swap3A = arith.index_cast %mul3A_672 : i32 to index
        %swap3A_673 = tpu.vector_load %arg11[%swap3A] {strides = array<i32>} : memref<256xf32, #tpu.memory_space<vmem>>, vector<16xf32>,
        tpu.vector_store %arg11[%swap3A], %add3A_670 {strides = array<i32>} : memref<256xf32, #tpu.memory_space<vmem>>, vector<16xf32>,
        %add3A_674 = vector.broadcast %scan3A_650 : f32 to vector<16xf32>
        %add3A_675 = arith.addf %masked_cumsum3A_668, %add3A_674 : vector<16xf32>
        %mul3A_676 = arith.constant 16 : i32
        %mul3A_677 = arith.muli %scan3A_648, %mul3A_676 : i32
        %swap3A_678 = arith.index_cast %mul3A_677 : i32 to index
        %swap3A_679 = tpu.vector_load %arg12[%swap3A_678] {strides = array<i32>} : memref<256xf32, #tpu.memory_space<vmem>>, vector<16xf32>,
        tpu.vector_store %arg12[%swap3A_678], %add3A_675 {strides = array<i32>} : memref<256xf32, #tpu.memory_space<vmem>>, vector<16xf32>,
        %slice3A = vector.extract_strided_slice %masked_cumsum3A {offsets = [15], sizes = [1], strides = [1]} : vector<16xf32> to vector<1xf32>
        %squeeze3A = vector.extract %slice3A[0] : f32 from vector<1xf32>
        %add3A_680 = arith.addf %scan3A_649, %squeeze3A : f32
        %slice3A_681 = vector.extract_strided_slice %masked_cumsum3A_668 {offsets = [15], sizes = [1], strides = [1]} : vector<16xf32> to vector<1xf32>
        %squeeze3A_682 = vector.extract %slice3A_681[0] : f32 from vector<1xf32>
        %add3A_683 = arith.addf %scan3A_650, %squeeze3A_682 : f32
        scf.yield %add3A_680, %add3A_683 : f32, f32
      }
      %scan3A_628 = arith.constant 16 : i32
      tpu.enqueue_dma source(%arg13 : memref<4096xf32, #tpu.memory_space<vmem_shared>>) target(%arg8 : memref<4096xf32, #tpu.memory_space<vmem>>) target_semaphore(%arg18 : memref<!tpu.dma_semaphore, #tpu.memory_space<semaphore_mem>>)
      tpu.enqueue_dma source(%arg13 : memref<4096xf32, #tpu.memory_space<vmem_shared>>) target(%arg9 : memref<4096xf32, #tpu.memory_space<vmem>>) target_semaphore(%arg18 : memref<!tpu.dma_semaphore, #tpu.memory_space<semaphore_mem>>)
      %ge3A_629 = arith.constant 2 : i32
      %ge3A_630 = arith.cmpi sge, %add3A_512, %ge3A_629 : i32
      %convert_element_type3A_631 = arith.extui %ge3A_630 : i1 to i32
      %cond3A_632 = arith.constant 0 : i32
      %cond3A_633 = arith.cmpi ne, %convert_element_type3A_631, %cond3A_632 : i32
      scf.if %cond3A_633 {
        %dma_wait3A_648 = tpu.memref_slice %arg3[%select_n3A_537, %mul3A_579, %mul3A_597] : memref<16x512x512xf32, #tpu.memory_space<hbm>> -> memref<1x64x128xf32, #tpu.memory_space<hbm>>
        %dma_wait3A_649 = tpu.memref_squeeze %dma_wait3A_648 : memref<1x64x128xf32, #tpu.memory_space<hbm>> -> memref<64x128xf32, #tpu.memory_space<hbm>>
        %dma_wait3A_650 = tpu.memref_slice %arg3[%select_n3A_537, %mul3A_579, %mul3A_597] : memref<16x512x512xf32, #tpu.memory_space<hbm>> -> memref<1x64x128xf32, #tpu.memory_space<hbm>>
        %dma_wait3A_651 = tpu.memref_squeeze %dma_wait3A_650 : memref<1x64x128xf32, #tpu.memory_space<hbm>> -> memref<64x128xf32, #tpu.memory_space<hbm>>
        tpu.wait_dma2 semaphore(%arg17 : memref<!tpu.dma_semaphore, #tpu.memory_space<semaphore_mem>>) src(%arg7 : memref<64x128xf32, #tpu.memory_space<vmem>>) dst(%dma_wait3A_651 : memref<64x128xf32, #tpu.memory_space<hbm>>)
      } else {
      }
      %parallel_loop3A_634 = arith.constant 0 : i32
      %parallel_loop3A_635 = arith.constant 64 : i32
      %parallel_loop3A_636 = arith.constant 1 : i32
      scf.for %parallel_loop3A_648 = %parallel_loop3A_634 to %parallel_loop3A_635 step %parallel_loop3A_636  : i32 {
        %parallel_loop3A_649 = arith.index_cast %parallel_loop3A_648 : i32 to index
        %parallel_loop3A_650 = arith.constant 0 : index
        %parallel_loop3A_651 = tpu.vector_load %arg5[%parallel_loop3A_649, %parallel_loop3A_650] {strides = array<i32>} : memref<64x128xf32, #tpu.memory_space<vmem>>, vector<16xf32>,
        %parallel_loop3A_652 = arith.constant 2.550000e+02 : f32
        %parallel_loop3A_653 = vector.broadcast %parallel_loop3A_652 : f32 to vector<16xf32>
        %parallel_loop3A_654 = arith.mulf %parallel_loop3A_651, %parallel_loop3A_653 : vector<16xf32>
        %parallel_loop3A_655 = arith.fptosi %parallel_loop3A_654 : vector<16xf32> to vector<16xi32>
        %parallel_loop3A_656 = tpu.vector_load_idx %arg11[%parallel_loop3A_655] : memref<256xf32, #tpu.memory_space<vmem>>[vector<16xi32>], vector<16xf32>,
        %parallel_loop3A_657 = arith.index_cast %parallel_loop3A_648 : i32 to index
        %parallel_loop3A_658 = arith.constant 0 : index
        %parallel_loop3A_659 = tpu.vector_load %arg7[%parallel_loop3A_657, %parallel_loop3A_658] {strides = array<i32>} : memref<64x128xf32, #tpu.memory_space<vmem>>, vector<16xf32>,
        tpu.vector_store %arg7[%parallel_loop3A_657, %parallel_loop3A_658], %parallel_loop3A_656 {strides = array<i32>} : memref<64x128xf32, #tpu.memory_space<vmem>>, vector<16xf32>,
        %parallel_loop3A_660 = arith.index_cast %parallel_loop3A_648 : i32 to index
        %parallel_loop3A_661 = arith.constant 16 : index
        %parallel_loop3A_662 = tpu.vector_load %arg5[%parallel_loop3A_660, %parallel_loop3A_661] {strides = array<i32>} : memref<64x128xf32, #tpu.memory_space<vmem>>, vector<16xf32>,
        %parallel_loop3A_663 = arith.constant 2.550000e+02 : f32
        %parallel_loop3A_664 = vector.broadcast %parallel_loop3A_663 : f32 to vector<16xf32>
        %parallel_loop3A_665 = arith.mulf %parallel_loop3A_662, %parallel_loop3A_664 : vector<16xf32>
        %parallel_loop3A_666 = arith.fptosi %parallel_loop3A_665 : vector<16xf32> to vector<16xi32>
        %parallel_loop3A_667 = tpu.vector_load_idx %arg11[%parallel_loop3A_666] : memref<256xf32, #tpu.memory_space<vmem>>[vector<16xi32>], vector<16xf32>,
        %parallel_loop3A_668 = arith.index_cast %parallel_loop3A_648 : i32 to index
        %parallel_loop3A_669 = arith.constant 16 : index
        %parallel_loop3A_670 = tpu.vector_load %arg7[%parallel_loop3A_668, %parallel_loop3A_669] {strides = array<i32>} : memref<64x128xf32, #tpu.memory_space<vmem>>, vector<16xf32>,
        tpu.vector_store %arg7[%parallel_loop3A_668, %parallel_loop3A_669], %parallel_loop3A_667 {strides = array<i32>} : memref<64x128xf32, #tpu.memory_space<vmem>>, vector<16xf32>,
        %parallel_loop3A_671 = arith.index_cast %parallel_loop3A_648 : i32 to index
        %parallel_loop3A_672 = arith.constant 32 : index
        %parallel_loop3A_673 = tpu.vector_load %arg5[%parallel_loop3A_671, %parallel_loop3A_672] {strides = array<i32>} : memref<64x128xf32, #tpu.memory_space<vmem>>, vector<16xf32>,
        %parallel_loop3A_674 = arith.constant 2.550000e+02 : f32
        %parallel_loop3A_675 = vector.broadcast %parallel_loop3A_674 : f32 to vector<16xf32>
        %parallel_loop3A_676 = arith.mulf %parallel_loop3A_673, %parallel_loop3A_675 : vector<16xf32>
        %parallel_loop3A_677 = arith.fptosi %parallel_loop3A_676 : vector<16xf32> to vector<16xi32>
        %parallel_loop3A_678 = tpu.vector_load_idx %arg11[%parallel_loop3A_677] : memref<256xf32, #tpu.memory_space<vmem>>[vector<16xi32>], vector<16xf32>,
        %parallel_loop3A_679 = arith.index_cast %parallel_loop3A_648 : i32 to index
        %parallel_loop3A_680 = arith.constant 32 : index
        %parallel_loop3A_681 = tpu.vector_load %arg7[%parallel_loop3A_679, %parallel_loop3A_680] {strides = array<i32>} : memref<64x128xf32, #tpu.memory_space<vmem>>, vector<16xf32>,
        tpu.vector_store %arg7[%parallel_loop3A_679, %parallel_loop3A_680], %parallel_loop3A_678 {strides = array<i32>} : memref<64x128xf32, #tpu.memory_space<vmem>>, vector<16xf32>,
        %parallel_loop3A_682 = arith.index_cast %parallel_loop3A_648 : i32 to index
        %parallel_loop3A_683 = arith.constant 48 : index
        %parallel_loop3A_684 = tpu.vector_load %arg5[%parallel_loop3A_682, %parallel_loop3A_683] {strides = array<i32>} : memref<64x128xf32, #tpu.memory_space<vmem>>, vector<16xf32>,
        %parallel_loop3A_685 = arith.constant 2.550000e+02 : f32
        %parallel_loop3A_686 = vector.broadcast %parallel_loop3A_685 : f32 to vector<16xf32>
        %parallel_loop3A_687 = arith.mulf %parallel_loop3A_684, %parallel_loop3A_686 : vector<16xf32>
        %parallel_loop3A_688 = arith.fptosi %parallel_loop3A_687 : vector<16xf32> to vector<16xi32>
        %parallel_loop3A_689 = tpu.vector_load_idx %arg11[%parallel_loop3A_688] : memref<256xf32, #tpu.memory_space<vmem>>[vector<16xi32>], vector<16xf32>,
        %parallel_loop3A_690 = arith.index_cast %parallel_loop3A_648 : i32 to index
        %parallel_loop3A_691 = arith.constant 48 : index
        %parallel_loop3A_692 = tpu.vector_load %arg7[%parallel_loop3A_690, %parallel_loop3A_691] {strides = array<i32>} : memref<64x128xf32, #tpu.memory_space<vmem>>, vector<16xf32>,
        tpu.vector_store %arg7[%parallel_loop3A_690, %parallel_loop3A_691], %parallel_loop3A_689 {strides = array<i32>} : memref<64x128xf32, #tpu.memory_space<vmem>>, vector<16xf32>,
        %parallel_loop3A_693 = arith.index_cast %parallel_loop3A_648 : i32 to index
        %parallel_loop3A_694 = arith.constant 64 : index
        %parallel_loop3A_695 = tpu.vector_load %arg5[%parallel_loop3A_693, %parallel_loop3A_694] {strides = array<i32>} : memref<64x128xf32, #tpu.memory_space<vmem>>, vector<16xf32>,
        %parallel_loop3A_696 = arith.constant 2.550000e+02 : f32
        %parallel_loop3A_697 = vector.broadcast %parallel_loop3A_696 : f32 to vector<16xf32>
        %parallel_loop3A_698 = arith.mulf %parallel_loop3A_695, %parallel_loop3A_697 : vector<16xf32>
        %parallel_loop3A_699 = arith.fptosi %parallel_loop3A_698 : vector<16xf32> to vector<16xi32>
        %parallel_loop3A_700 = tpu.vector_load_idx %arg12[%parallel_loop3A_699] : memref<256xf32, #tpu.memory_space<vmem>>[vector<16xi32>], vector<16xf32>,
        %parallel_loop3A_701 = arith.index_cast %parallel_loop3A_648 : i32 to index
        %parallel_loop3A_702 = arith.constant 64 : index
        %parallel_loop3A_703 = tpu.vector_load %arg7[%parallel_loop3A_701, %parallel_loop3A_702] {strides = array<i32>} : memref<64x128xf32, #tpu.memory_space<vmem>>, vector<16xf32>,
        tpu.vector_store %arg7[%parallel_loop3A_701, %parallel_loop3A_702], %parallel_loop3A_700 {strides = array<i32>} : memref<64x128xf32, #tpu.memory_space<vmem>>, vector<16xf32>,
        %parallel_loop3A_704 = arith.index_cast %parallel_loop3A_648 : i32 to index
        %parallel_loop3A_705 = arith.constant 80 : index
        %parallel_loop3A_706 = tpu.vector_load %arg5[%parallel_loop3A_704, %parallel_loop3A_705] {strides = array<i32>} : memref<64x128xf32, #tpu.memory_space<vmem>>, vector<16xf32>,
        %parallel_loop3A_707 = arith.constant 2.550000e+02 : f32
        %parallel_loop3A_708 = vector.broadcast %parallel_loop3A_707 : f32 to vector<16xf32>
        %parallel_loop3A_709 = arith.mulf %parallel_loop3A_706, %parallel_loop3A_708 : vector<16xf32>
        %parallel_loop3A_710 = arith.fptosi %parallel_loop3A_709 : vector<16xf32> to vector<16xi32>
        %parallel_loop3A_711 = tpu.vector_load_idx %arg12[%parallel_loop3A_710] : memref<256xf32, #tpu.memory_space<vmem>>[vector<16xi32>], vector<16xf32>,
        %parallel_loop3A_712 = arith.index_cast %parallel_loop3A_648 : i32 to index
        %parallel_loop3A_713 = arith.constant 80 : index
        %parallel_loop3A_714 = tpu.vector_load %arg7[%parallel_loop3A_712, %parallel_loop3A_713] {strides = array<i32>} : memref<64x128xf32, #tpu.memory_space<vmem>>, vector<16xf32>,
        tpu.vector_store %arg7[%parallel_loop3A_712, %parallel_loop3A_713], %parallel_loop3A_711 {strides = array<i32>} : memref<64x128xf32, #tpu.memory_space<vmem>>, vector<16xf32>,
        %parallel_loop3A_715 = arith.index_cast %parallel_loop3A_648 : i32 to index
        %parallel_loop3A_716 = arith.constant 96 : index
        %parallel_loop3A_717 = tpu.vector_load %arg5[%parallel_loop3A_715, %parallel_loop3A_716] {strides = array<i32>} : memref<64x128xf32, #tpu.memory_space<vmem>>, vector<16xf32>,
        %parallel_loop3A_718 = arith.constant 2.550000e+02 : f32
        %parallel_loop3A_719 = vector.broadcast %parallel_loop3A_718 : f32 to vector<16xf32>
        %parallel_loop3A_720 = arith.mulf %parallel_loop3A_717, %parallel_loop3A_719 : vector<16xf32>
        %parallel_loop3A_721 = arith.fptosi %parallel_loop3A_720 : vector<16xf32> to vector<16xi32>
        %parallel_loop3A_722 = tpu.vector_load_idx %arg12[%parallel_loop3A_721] : memref<256xf32, #tpu.memory_space<vmem>>[vector<16xi32>], vector<16xf32>,
        %parallel_loop3A_723 = arith.index_cast %parallel_loop3A_648 : i32 to index
        %parallel_loop3A_724 = arith.constant 96 : index
        %parallel_loop3A_725 = tpu.vector_load %arg7[%parallel_loop3A_723, %parallel_loop3A_724] {strides = array<i32>} : memref<64x128xf32, #tpu.memory_space<vmem>>, vector<16xf32>,
        tpu.vector_store %arg7[%parallel_loop3A_723, %parallel_loop3A_724], %parallel_loop3A_722 {strides = array<i32>} : memref<64x128xf32, #tpu.memory_space<vmem>>, vector<16xf32>,
        %parallel_loop3A_726 = arith.index_cast %parallel_loop3A_648 : i32 to index
        %parallel_loop3A_727 = arith.constant 112 : index
        %parallel_loop3A_728 = tpu.vector_load %arg5[%parallel_loop3A_726, %parallel_loop3A_727] {strides = array<i32>} : memref<64x128xf32, #tpu.memory_space<vmem>>, vector<16xf32>,
        %parallel_loop3A_729 = arith.constant 2.550000e+02 : f32
        %parallel_loop3A_730 = vector.broadcast %parallel_loop3A_729 : f32 to vector<16xf32>
        %parallel_loop3A_731 = arith.mulf %parallel_loop3A_728, %parallel_loop3A_730 : vector<16xf32>
        %parallel_loop3A_732 = arith.fptosi %parallel_loop3A_731 : vector<16xf32> to vector<16xi32>
        %parallel_loop3A_733 = tpu.vector_load_idx %arg12[%parallel_loop3A_732] : memref<256xf32, #tpu.memory_space<vmem>>[vector<16xi32>], vector<16xf32>,
        %parallel_loop3A_734 = arith.index_cast %parallel_loop3A_648 : i32 to index
        %parallel_loop3A_735 = arith.constant 112 : index
        %parallel_loop3A_736 = tpu.vector_load %arg7[%parallel_loop3A_734, %parallel_loop3A_735] {strides = array<i32>} : memref<64x128xf32, #tpu.memory_space<vmem>>, vector<16xf32>,
        tpu.vector_store %arg7[%parallel_loop3A_734, %parallel_loop3A_735], %parallel_loop3A_733 {strides = array<i32>} : memref<64x128xf32, #tpu.memory_space<vmem>>, vector<16xf32>,
      } {sc.loop_unroll_factor = 4 : i64, sc.parallel_access}
      %add3A_637 = arith.constant 2 : i32
      %add3A_638 = arith.addi %add3A_512, %add3A_637 : i32
      %lt3A_639 = arith.constant 16 : i32
      %lt3A_640 = arith.cmpi slt, %add3A_638, %lt3A_639 : i32
      %convert_element_type3A_641 = arith.extui %lt3A_640 : i1 to i32
      %cond3A_642 = arith.constant 0 : i32
      %cond3A_643 = arith.cmpi ne, %convert_element_type3A_641, %cond3A_642 : i32
      scf.if %cond3A_643 {
        %add3A_648 = arith.constant 2 : i32
        %add3A_649 = arith.addi %add3A_513, %add3A_648 : i32
        %jit3A_650 = arith.constant 32 : i32
        %div3A_651 = arith.divsi %add3A_649, %jit3A_650 : i32
        %sign3A_652 = arith.constant 0 : i32
        %sign3A_653 = arith.cmpi sgt, %add3A_649, %sign3A_652 : i32
        %sign3A_654 = arith.extui %sign3A_653 : i1 to i32
        %sign3A_655 = arith.constant 0 : i32
        %sign3A_656 = arith.cmpi slt, %add3A_649, %sign3A_655 : i32
        %sign3A_657 = arith.extui %sign3A_656 : i1 to i32
        %sign3A_658 = arith.subi %sign3A_654, %sign3A_657 : i32
        %sign3A_659 = arith.constant 0 : i32
        %sign3A_660 = arith.cmpi sgt, %jit3A_650, %sign3A_659 : i32
        %sign3A_661 = arith.extui %sign3A_660 : i1 to i32
        %sign3A_662 = arith.constant 0 : i32
        %sign3A_663 = arith.cmpi slt, %jit3A_650, %sign3A_662 : i32
        %sign3A_664 = arith.extui %sign3A_663 : i1 to i32
        %sign3A_665 = arith.subi %sign3A_661, %sign3A_664 : i32
        %ne3A_666 = arith.cmpi ne, %sign3A_658, %sign3A_665 : i32
        %rem3A_667 = arith.remsi %add3A_649, %jit3A_650 : i32
        %ne3A_668 = arith.constant 0 : i32
        %ne3A_669 = arith.cmpi ne, %rem3A_667, %ne3A_668 : i32
        %and3A_670 = arith.andi %ne3A_666, %ne3A_669 : i1
        %sub3A_671 = arith.constant 1 : i32
        %sub3A_672 = arith.subi %div3A_651, %sub3A_671 : i32
        %select_n3A_673 = arith.select %and3A_670, %sub3A_672, %div3A_651 : i32
        %jit3A_674 = arith.constant 32 : i32
        %eq3A_675 = arith.constant 0 : i32
        %eq3A_676 = arith.cmpi eq, %jit3A_674, %eq3A_675 : i32
        %jit3A_677 = arith.constant 1 : i32
        %select_n3A_678 = arith.select %eq3A_676, %jit3A_677, %jit3A_674 : i32
        %rem3A_679 = arith.remsi %add3A_649, %select_n3A_678 : i32
        %ne3A_680 = arith.constant 0 : i32
        %ne3A_681 = arith.cmpi ne, %rem3A_679, %ne3A_680 : i32
        %lt3A_682 = arith.constant 0 : i32
        %lt3A_683 = arith.cmpi slt, %rem3A_679, %lt3A_682 : i32
        %lt3A_684 = arith.constant 0 : i32
        %lt3A_685 = arith.cmpi slt, %select_n3A_678, %lt3A_684 : i32
        %ne3A_686 = arith.xori %lt3A_683, %lt3A_685 : i1
        %and3A_687 = arith.andi %ne3A_686, %ne3A_681 : i1
        %add3A_688 = arith.addi %rem3A_679, %select_n3A_678 : i32
        %select_n3A_689 = arith.select %and3A_687, %add3A_688, %rem3A_679 : i32
        %jit3A_690 = arith.constant 4 : i32
        %div3A_691 = arith.divsi %select_n3A_689, %jit3A_690 : i32
        %sign3A_692 = arith.constant 0 : i32
        %sign3A_693 = arith.cmpi sgt, %select_n3A_689, %sign3A_692 : i32
        %sign3A_694 = arith.extui %sign3A_693 : i1 to i32
        %sign3A_695 = arith.constant 0 : i32
        %sign3A_696 = arith.cmpi slt, %select_n3A_689, %sign3A_695 : i32
        %sign3A_697 = arith.extui %sign3A_696 : i1 to i32
        %sign3A_698 = arith.subi %sign3A_694, %sign3A_697 : i32
        %sign3A_699 = arith.constant 0 : i32
        %sign3A_700 = arith.cmpi sgt, %jit3A_690, %sign3A_699 : i32
        %sign3A_701 = arith.extui %sign3A_700 : i1 to i32
        %sign3A_702 = arith.constant 0 : i32
        %sign3A_703 = arith.cmpi slt, %jit3A_690, %sign3A_702 : i32
        %sign3A_704 = arith.extui %sign3A_703 : i1 to i32
        %sign3A_705 = arith.subi %sign3A_701, %sign3A_704 : i32
        %ne3A_706 = arith.cmpi ne, %sign3A_698, %sign3A_705 : i32
        %rem3A_707 = arith.remsi %select_n3A_689, %jit3A_690 : i32
        %ne3A_708 = arith.constant 0 : i32
        %ne3A_709 = arith.cmpi ne, %rem3A_707, %ne3A_708 : i32
        %and3A_710 = arith.andi %ne3A_706, %ne3A_709 : i1
        %sub3A_711 = arith.constant 1 : i32
        %sub3A_712 = arith.subi %div3A_691, %sub3A_711 : i32
        %select_n3A_713 = arith.select %and3A_710, %sub3A_712, %div3A_691 : i32
        %mul3A_714 = arith.constant 64 : i32
        %mul3A_715 = arith.muli %select_n3A_713, %mul3A_714 : i32
        %jit3A_716 = arith.constant 4 : i32
        %eq3A_717 = arith.constant 0 : i32
        %eq3A_718 = arith.cmpi eq, %jit3A_716, %eq3A_717 : i32
        %jit3A_719 = arith.constant 1 : i32
        %select_n3A_720 = arith.select %eq3A_718, %jit3A_719, %jit3A_716 : i32
        %rem3A_721 = arith.remsi %select_n3A_689, %select_n3A_720 : i32
        %ne3A_722 = arith.constant 0 : i32
        %ne3A_723 = arith.cmpi ne, %rem3A_721, %ne3A_722 : i32
        %lt3A_724 = arith.constant 0 : i32
        %lt3A_725 = arith.cmpi slt, %rem3A_721, %lt3A_724 : i32
        %lt3A_726 = arith.constant 0 : i32
        %lt3A_727 = arith.cmpi slt, %select_n3A_720, %lt3A_726 : i32
        %ne3A_728 = arith.xori %lt3A_725, %lt3A_727 : i1
        %and3A_729 = arith.andi %ne3A_728, %ne3A_723 : i1
        %add3A_730 = arith.addi %rem3A_721, %select_n3A_720 : i32
        %select_n3A_731 = arith.select %and3A_729, %add3A_730, %rem3A_721 : i32
        %mul3A_732 = arith.constant 128 : i32
        %mul3A_733 = arith.muli %select_n3A_731, %mul3A_732 : i32
        %dma_start3A_734 = tpu.memref_slice %arg2[%select_n3A_673, %mul3A_715, %mul3A_733] : memref<16x512x512xf32, #tpu.memory_space<hbm>> -> memref<1x64x128xf32, #tpu.memory_space<hbm>>
        %dma_start3A_735 = tpu.memref_squeeze %dma_start3A_734 : memref<1x64x128xf32, #tpu.memory_space<hbm>> -> memref<64x128xf32, #tpu.memory_space<hbm>>
        %dma_start3A_736 = tpu.memref_slice %arg2[%select_n3A_673, %mul3A_715, %mul3A_733] : memref<16x512x512xf32, #tpu.memory_space<hbm>> -> memref<1x64x128xf32, #tpu.memory_space<hbm>>
        %dma_start3A_737 = tpu.memref_squeeze %dma_start3A_736 : memref<1x64x128xf32, #tpu.memory_space<hbm>> -> memref<64x128xf32, #tpu.memory_space<hbm>>
        tpu.enqueue_dma source(%dma_start3A_737 : memref<64x128xf32, #tpu.memory_space<hbm>>) target(%arg5 : memref<64x128xf32, #tpu.memory_space<vmem>>) target_semaphore(%arg15 : memref<!tpu.dma_semaphore, #tpu.memory_space<semaphore_mem>>)
      } else {
      }
      %dma_start3A_644 = tpu.memref_slice %arg3[%select_n3A_537, %mul3A_579, %mul3A_597] : memref<16x512x512xf32, #tpu.memory_space<hbm>> -> memref<1x64x128xf32, #tpu.memory_space<hbm>>
      %dma_start3A_645 = tpu.memref_squeeze %dma_start3A_644 : memref<1x64x128xf32, #tpu.memory_space<hbm>> -> memref<64x128xf32, #tpu.memory_space<hbm>>
      %dma_start3A_646 = tpu.memref_slice %arg3[%select_n3A_537, %mul3A_579, %mul3A_597] : memref<16x512x512xf32, #tpu.memory_space<hbm>> -> memref<1x64x128xf32, #tpu.memory_space<hbm>>
      %dma_start3A_647 = tpu.memref_squeeze %dma_start3A_646 : memref<1x64x128xf32, #tpu.memory_space<hbm>> -> memref<64x128xf32, #tpu.memory_space<hbm>>
      tpu.enqueue_dma source(%arg7 : memref<64x128xf32, #tpu.memory_space<vmem>>) target(%dma_start3A_647 : memref<64x128xf32, #tpu.memory_space<hbm>>) target_semaphore(%arg17 : memref<!tpu.dma_semaphore, #tpu.memory_space<semaphore_mem>>)
    }
    %scan3A_186 = arith.constant 8 : i32
    %add3A_187 = arith.constant 16 : i32
    %add3A_188 = arith.addi %mul3A_2, %add3A_187 : i32
    %sub3A_189 = arith.constant 2 : i32
    %sub3A_190 = arith.subi %add3A_188, %sub3A_189 : i32
    %add3A_191 = arith.constant 0 : i32
    %add3A_192 = arith.addi %sub3A_190, %add3A_191 : i32
    %jit3A_193 = arith.constant 32 : i32
    %div3A_194 = arith.divsi %add3A_192, %jit3A_193 : i32
    %sign3A_195 = arith.constant 0 : i32
    %sign3A_196 = arith.cmpi sgt, %add3A_192, %sign3A_195 : i32
    %sign3A_197 = arith.extui %sign3A_196 : i1 to i32
    %sign3A_198 = arith.constant 0 : i32
    %sign3A_199 = arith.cmpi slt, %add3A_192, %sign3A_198 : i32
    %sign3A_200 = arith.extui %sign3A_199 : i1 to i32
    %sign3A_201 = arith.subi %sign3A_197, %sign3A_200 : i32
    %sign3A_202 = arith.constant 0 : i32
    %sign3A_203 = arith.cmpi sgt, %jit3A_193, %sign3A_202 : i32
    %sign3A_204 = arith.extui %sign3A_203 : i1 to i32
    %sign3A_205 = arith.constant 0 : i32
    %sign3A_206 = arith.cmpi slt, %jit3A_193, %sign3A_205 : i32
    %sign3A_207 = arith.extui %sign3A_206 : i1 to i32
    %sign3A_208 = arith.subi %sign3A_204, %sign3A_207 : i32
    %ne3A_209 = arith.cmpi ne, %sign3A_201, %sign3A_208 : i32
    %rem3A_210 = arith.remsi %add3A_192, %jit3A_193 : i32
    %ne3A_211 = arith.constant 0 : i32
    %ne3A_212 = arith.cmpi ne, %rem3A_210, %ne3A_211 : i32
    %and3A_213 = arith.andi %ne3A_209, %ne3A_212 : i1
    %sub3A_214 = arith.constant 1 : i32
    %sub3A_215 = arith.subi %div3A_194, %sub3A_214 : i32
    %select_n3A_216 = arith.select %and3A_213, %sub3A_215, %div3A_194 : i32
    %jit3A_217 = arith.constant 32 : i32
    %eq3A_218 = arith.constant 0 : i32
    %eq3A_219 = arith.cmpi eq, %jit3A_217, %eq3A_218 : i32
    %jit3A_220 = arith.constant 1 : i32
    %select_n3A_221 = arith.select %eq3A_219, %jit3A_220, %jit3A_217 : i32
    %rem3A_222 = arith.remsi %add3A_192, %select_n3A_221 : i32
    %ne3A_223 = arith.constant 0 : i32
    %ne3A_224 = arith.cmpi ne, %rem3A_222, %ne3A_223 : i32
    %lt3A_225 = arith.constant 0 : i32
    %lt3A_226 = arith.cmpi slt, %rem3A_222, %lt3A_225 : i32
    %lt3A_227 = arith.constant 0 : i32
    %lt3A_228 = arith.cmpi slt, %select_n3A_221, %lt3A_227 : i32
    %ne3A_229 = arith.xori %lt3A_226, %lt3A_228 : i1
    %and3A_230 = arith.andi %ne3A_229, %ne3A_224 : i1
    %add3A_231 = arith.addi %rem3A_222, %select_n3A_221 : i32
    %select_n3A_232 = arith.select %and3A_230, %add3A_231, %rem3A_222 : i32
    %jit3A_233 = arith.constant 4 : i32
    %div3A_234 = arith.divsi %select_n3A_232, %jit3A_233 : i32
    %sign3A_235 = arith.constant 0 : i32
    %sign3A_236 = arith.cmpi sgt, %select_n3A_232, %sign3A_235 : i32
    %sign3A_237 = arith.extui %sign3A_236 : i1 to i32
    %sign3A_238 = arith.constant 0 : i32
    %sign3A_239 = arith.cmpi slt, %select_n3A_232, %sign3A_238 : i32
    %sign3A_240 = arith.extui %sign3A_239 : i1 to i32
    %sign3A_241 = arith.subi %sign3A_237, %sign3A_240 : i32
    %sign3A_242 = arith.constant 0 : i32
    %sign3A_243 = arith.cmpi sgt, %jit3A_233, %sign3A_242 : i32
    %sign3A_244 = arith.extui %sign3A_243 : i1 to i32
    %sign3A_245 = arith.constant 0 : i32
    %sign3A_246 = arith.cmpi slt, %jit3A_233, %sign3A_245 : i32
    %sign3A_247 = arith.extui %sign3A_246 : i1 to i32
    %sign3A_248 = arith.subi %sign3A_244, %sign3A_247 : i32
    %ne3A_249 = arith.cmpi ne, %sign3A_241, %sign3A_248 : i32
    %rem3A_250 = arith.remsi %select_n3A_232, %jit3A_233 : i32
    %ne3A_251 = arith.constant 0 : i32
    %ne3A_252 = arith.cmpi ne, %rem3A_250, %ne3A_251 : i32
    %and3A_253 = arith.andi %ne3A_249, %ne3A_252 : i1
    %sub3A_254 = arith.constant 1 : i32
    %sub3A_255 = arith.subi %div3A_234, %sub3A_254 : i32
    %select_n3A_256 = arith.select %and3A_253, %sub3A_255, %div3A_234 : i32
    %mul3A_257 = arith.constant 64 : i32
    %mul3A_258 = arith.muli %select_n3A_256, %mul3A_257 : i32
    %jit3A_259 = arith.constant 4 : i32
    %eq3A_260 = arith.constant 0 : i32
    %eq3A_261 = arith.cmpi eq, %jit3A_259, %eq3A_260 : i32
    %jit3A_262 = arith.constant 1 : i32
    %select_n3A_263 = arith.select %eq3A_261, %jit3A_262, %jit3A_259 : i32
    %rem3A_264 = arith.remsi %select_n3A_232, %select_n3A_263 : i32
    %ne3A_265 = arith.constant 0 : i32
    %ne3A_266 = arith.cmpi ne, %rem3A_264, %ne3A_265 : i32
    %lt3A_267 = arith.constant 0 : i32
    %lt3A_268 = arith.cmpi slt, %rem3A_264, %lt3A_267 : i32
    %lt3A_269 = arith.constant 0 : i32
    %lt3A_270 = arith.cmpi slt, %select_n3A_263, %lt3A_269 : i32
    %ne3A_271 = arith.xori %lt3A_268, %lt3A_270 : i1
    %and3A_272 = arith.andi %ne3A_271, %ne3A_266 : i1
    %add3A_273 = arith.addi %rem3A_264, %select_n3A_263 : i32
    %select_n3A_274 = arith.select %and3A_272, %add3A_273, %rem3A_264 : i32
    %mul3A_275 = arith.constant 128 : i32
    %mul3A_276 = arith.muli %select_n3A_274, %mul3A_275 : i32
    %dma_wait3A = tpu.memref_slice %arg3[%select_n3A_216, %mul3A_258, %mul3A_276] : memref<16x512x512xf32, #tpu.memory_space<hbm>> -> memref<1x64x128xf32, #tpu.memory_space<hbm>>
    %dma_wait3A_277 = tpu.memref_squeeze %dma_wait3A : memref<1x64x128xf32, #tpu.memory_space<hbm>> -> memref<64x128xf32, #tpu.memory_space<hbm>>
    %dma_wait3A_278 = tpu.memref_slice %arg3[%select_n3A_216, %mul3A_258, %mul3A_276] : memref<16x512x512xf32, #tpu.memory_space<hbm>> -> memref<1x64x128xf32, #tpu.memory_space<hbm>>
    %dma_wait3A_279 = tpu.memref_squeeze %dma_wait3A_278 : memref<1x64x128xf32, #tpu.memory_space<hbm>> -> memref<64x128xf32, #tpu.memory_space<hbm>>
    tpu.wait_dma2 semaphore(%arg16 : memref<!tpu.dma_semaphore, #tpu.memory_space<semaphore_mem>>) src(%arg6 : memref<64x128xf32, #tpu.memory_space<vmem>>) dst(%dma_wait3A_279 : memref<64x128xf32, #tpu.memory_space<hbm>>)
    %add3A_280 = arith.constant 16 : i32
    %add3A_281 = arith.addi %mul3A_2, %add3A_280 : i32
    %sub3A_282 = arith.constant 2 : i32
    %sub3A_283 = arith.subi %add3A_281, %sub3A_282 : i32
    %add3A_284 = arith.constant 1 : i32
    %add3A_285 = arith.addi %sub3A_283, %add3A_284 : i32
    %jit3A_286 = arith.constant 32 : i32
    %div3A_287 = arith.divsi %add3A_285, %jit3A_286 : i32
    %sign3A_288 = arith.constant 0 : i32
    %sign3A_289 = arith.cmpi sgt, %add3A_285, %sign3A_288 : i32
    %sign3A_290 = arith.extui %sign3A_289 : i1 to i32
    %sign3A_291 = arith.constant 0 : i32
    %sign3A_292 = arith.cmpi slt, %add3A_285, %sign3A_291 : i32
    %sign3A_293 = arith.extui %sign3A_292 : i1 to i32
    %sign3A_294 = arith.subi %sign3A_290, %sign3A_293 : i32
    %sign3A_295 = arith.constant 0 : i32
    %sign3A_296 = arith.cmpi sgt, %jit3A_286, %sign3A_295 : i32
    %sign3A_297 = arith.extui %sign3A_296 : i1 to i32
    %sign3A_298 = arith.constant 0 : i32
    %sign3A_299 = arith.cmpi slt, %jit3A_286, %sign3A_298 : i32
    %sign3A_300 = arith.extui %sign3A_299 : i1 to i32
    %sign3A_301 = arith.subi %sign3A_297, %sign3A_300 : i32
    %ne3A_302 = arith.cmpi ne, %sign3A_294, %sign3A_301 : i32
    %rem3A_303 = arith.remsi %add3A_285, %jit3A_286 : i32
    %ne3A_304 = arith.constant 0 : i32
    %ne3A_305 = arith.cmpi ne, %rem3A_303, %ne3A_304 : i32
    %and3A_306 = arith.andi %ne3A_302, %ne3A_305 : i1
    %sub3A_307 = arith.constant 1 : i32
    %sub3A_308 = arith.subi %div3A_287, %sub3A_307 : i32
    %select_n3A_309 = arith.select %and3A_306, %sub3A_308, %div3A_287 : i32
    %jit3A_310 = arith.constant 32 : i32
    %eq3A_311 = arith.constant 0 : i32
    %eq3A_312 = arith.cmpi eq, %jit3A_310, %eq3A_311 : i32
    %jit3A_313 = arith.constant 1 : i32
    %select_n3A_314 = arith.select %eq3A_312, %jit3A_313, %jit3A_310 : i32
    %rem3A_315 = arith.remsi %add3A_285, %select_n3A_314 : i32
    %ne3A_316 = arith.constant 0 : i32
    %ne3A_317 = arith.cmpi ne, %rem3A_315, %ne3A_316 : i32
    %lt3A_318 = arith.constant 0 : i32
    %lt3A_319 = arith.cmpi slt, %rem3A_315, %lt3A_318 : i32
    %lt3A_320 = arith.constant 0 : i32
    %lt3A_321 = arith.cmpi slt, %select_n3A_314, %lt3A_320 : i32
    %ne3A_322 = arith.xori %lt3A_319, %lt3A_321 : i1
    %and3A_323 = arith.andi %ne3A_322, %ne3A_317 : i1
    %add3A_324 = arith.addi %rem3A_315, %select_n3A_314 : i32
    %select_n3A_325 = arith.select %and3A_323, %add3A_324, %rem3A_315 : i32
    %jit3A_326 = arith.constant 4 : i32
    %div3A_327 = arith.divsi %select_n3A_325, %jit3A_326 : i32
    %sign3A_328 = arith.constant 0 : i32
    %sign3A_329 = arith.cmpi sgt, %select_n3A_325, %sign3A_328 : i32
    %sign3A_330 = arith.extui %sign3A_329 : i1 to i32
    %sign3A_331 = arith.constant 0 : i32
    %sign3A_332 = arith.cmpi slt, %select_n3A_325, %sign3A_331 : i32
    %sign3A_333 = arith.extui %sign3A_332 : i1 to i32
    %sign3A_334 = arith.subi %sign3A_330, %sign3A_333 : i32
    %sign3A_335 = arith.constant 0 : i32
    %sign3A_336 = arith.cmpi sgt, %jit3A_326, %sign3A_335 : i32
    %sign3A_337 = arith.extui %sign3A_336 : i1 to i32
    %sign3A_338 = arith.constant 0 : i32
    %sign3A_339 = arith.cmpi slt, %jit3A_326, %sign3A_338 : i32
    %sign3A_340 = arith.extui %sign3A_339 : i1 to i32
    %sign3A_341 = arith.subi %sign3A_337, %sign3A_340 : i32
    %ne3A_342 = arith.cmpi ne, %sign3A_334, %sign3A_341 : i32
    %rem3A_343 = arith.remsi %select_n3A_325, %jit3A_326 : i32
    %ne3A_344 = arith.constant 0 : i32
    %ne3A_345 = arith.cmpi ne, %rem3A_343, %ne3A_344 : i32
    %and3A_346 = arith.andi %ne3A_342, %ne3A_345 : i1
    %sub3A_347 = arith.constant 1 : i32
    %sub3A_348 = arith.subi %div3A_327, %sub3A_347 : i32
    %select_n3A_349 = arith.select %and3A_346, %sub3A_348, %div3A_327 : i32
    %mul3A_350 = arith.constant 64 : i32
    %mul3A_351 = arith.muli %select_n3A_349, %mul3A_350 : i32
    %jit3A_352 = arith.constant 4 : i32
    %eq3A_353 = arith.constant 0 : i32
    %eq3A_354 = arith.cmpi eq, %jit3A_352, %eq3A_353 : i32
    %jit3A_355 = arith.constant 1 : i32
    %select_n3A_356 = arith.select %eq3A_354, %jit3A_355, %jit3A_352 : i32
    %rem3A_357 = arith.remsi %select_n3A_325, %select_n3A_356 : i32
    %ne3A_358 = arith.constant 0 : i32
    %ne3A_359 = arith.cmpi ne, %rem3A_357, %ne3A_358 : i32
    %lt3A_360 = arith.constant 0 : i32
    %lt3A_361 = arith.cmpi slt, %rem3A_357, %lt3A_360 : i32
    %lt3A_362 = arith.constant 0 : i32
    %lt3A_363 = arith.cmpi slt, %select_n3A_356, %lt3A_362 : i32
    %ne3A_364 = arith.xori %lt3A_361, %lt3A_363 : i1
    %and3A_365 = arith.andi %ne3A_364, %ne3A_359 : i1
    %add3A_366 = arith.addi %rem3A_357, %select_n3A_356 : i32
    %select_n3A_367 = arith.select %and3A_365, %add3A_366, %rem3A_357 : i32
    %mul3A_368 = arith.constant 128 : i32
    %mul3A_369 = arith.muli %select_n3A_367, %mul3A_368 : i32
    %dma_wait3A_370 = tpu.memref_slice %arg3[%select_n3A_309, %mul3A_351, %mul3A_369] : memref<16x512x512xf32, #tpu.memory_space<hbm>> -> memref<1x64x128xf32, #tpu.memory_space<hbm>>
    %dma_wait3A_371 = tpu.memref_squeeze %dma_wait3A_370 : memref<1x64x128xf32, #tpu.memory_space<hbm>> -> memref<64x128xf32, #tpu.memory_space<hbm>>
    %dma_wait3A_372 = tpu.memref_slice %arg3[%select_n3A_309, %mul3A_351, %mul3A_369] : memref<16x512x512xf32, #tpu.memory_space<hbm>> -> memref<1x64x128xf32, #tpu.memory_space<hbm>>
    %dma_wait3A_373 = tpu.memref_squeeze %dma_wait3A_372 : memref<1x64x128xf32, #tpu.memory_space<hbm>> -> memref<64x128xf32, #tpu.memory_space<hbm>>
    tpu.wait_dma2 semaphore(%arg17 : memref<!tpu.dma_semaphore, #tpu.memory_space<semaphore_mem>>) src(%arg7 : memref<64x128xf32, #tpu.memory_space<vmem>>) dst(%dma_wait3A_373 : memref<64x128xf32, #tpu.memory_space<hbm>>)
    tpu.wait_dma2 semaphore(%arg18 : memref<!tpu.dma_semaphore, #tpu.memory_space<semaphore_mem>>) src(%arg13 : memref<4096xf32, #tpu.memory_space<vmem_shared>>) dst(%arg8 : memref<4096xf32, #tpu.memory_space<vmem>>)
    tpu.wait_dma2 semaphore(%arg18 : memref<!tpu.dma_semaphore, #tpu.memory_space<semaphore_mem>>) src(%arg13 : memref<4096xf32, #tpu.memory_space<vmem_shared>>) dst(%arg9 : memref<4096xf32, #tpu.memory_space<vmem>>)
    return
  }
}

</mosaic_0001>

<sc_bundles>
// kernel: kernel.3.cloned.1.call-start
scs
__scs_entry_jumppad:
0x0: {  	(pc) =	sbr.rel $0x88, $3  }
0x1: {  	(tag) =	ssettag $0x0;
	lr =	simm.s32 $0x1  }
0x2: {  	[smem:$0x3FA0] =	sst lr;
	_ =	strace $0xD0000000  }
0x3: {  	_ = 	snop  }
0x4: {  	_ = 	snop  }
0x5: {  	_ = 	snop  }
0x6: {  	_ = 	snop  }
0x7: {  	_ = 	snop  }
__scs_overlays_trampoline_lowered:
0x8: {  	[smem:$0x3FAF] =	sst s0  }
0x9: {  	[smem:$0x3FB0] =	sst s1  }
0xa: {  	[smem:$0x3FB1] =	sst s2  }
0xb: {  	[smem:$0x3FB2] =	sst s3  }
0xc: {  	[smem:$0x3FB3] =	sst s4  }
0xd: {  	[smem:$0x3FB4] =	sst s5  }
0xe: {  	[smem:$0x3FB5] =	sst s6  }
0xf: {  	[smem:$0x3FB6] =	sst s7  }
0x10: {  	[smem:$0x3FB7] =	sst s8  }
0x11: {  	[smem:$0x3FB8] =	sst s9;
	s0 =	simm.s32 @!p0 $0x0  }
0x12: {  	s1 =	sld [smem:$0x3F9E];
	s0 =	simm.s32 @p0 $0x1  }
0x13: {  	[smem:$0x3FB9] =	sst s0;
	s0 =	simm.s32 @!p1 $0x0  }
0x14: {  	s2 =	sld [smem:$0x3F9D];
	s0 =	simm.s32 @p1 $0x1  }
0x15: {  	[smem:$0x3FBA] =	sst s0;
	s0 =	simm.s32 @!p2 $0x0  }
0x16: {  	s3 =	sld [smem:$0x3FDB];
	s0 =	simm.s32 @p2 $0x1  }
0x17: {  	s4 =	simm.s32 $0x1BF5;
	[smem:$0x3FBC] =	sst s0  }
0x18: {  	s0 =	sld [smem:$0x3F9F];
	_ =	swait.ge [sflag:s4], $0x0  }
0x19: {  	s7 =	sld [smem:$0x3FA0]  }
0x1a: {  	s8 =	sadd.s32 $0xFFFFE003, lr  }
0x1b: {  	s9 =	sadd.s32 $0xFFFFFEF7, lr;
	s5 =	simm.s32 $0xFFFFFFFF;
	p2 =	slt.u32 s8, $0xFFFFF086  }
0x1c: {  	p1 =	slt.u32 s9, $0xF7A;
	s5 =	simm.s32 @!p2 $0x0  }
0x1d: {  	s5 =	simm.s32 @p1 $0x1;
	p0 =	seq.s32 s7, s2  }
0x1e: {  	s7 =	smul.u32 @!p0 $0xF7A, s2;
	p2 =	seq.s32 @!p0 s5, $0x0  }
0x1f: {  	s9 =	smul.u32 $0xF7A, s1;
	s8 =	simm.s32 @!p0 $0x1BF5;
	p2 =	por !p2, p0  }
0x20: {  	[sflag:s8] =	ssyncset.s32 @!p0 $0xFFFFF086;
	s6 =	sadd.s32 @!p0 s3, s7;
	s7 =	simm.s32 @!p0 $0x108  }
0x21: {  	s3 =	sadd.s32 s3, s9;
	s6 =	sadd.s32 @!p0 $0x88, s6;
	s7 =	simm.s32 @p2 $0x1082  }
0x22: {  	[simem:s7], [sflag:s8] =	dma.local @!p0 [hbm:s6], $0xF7A  }
0x23: {  	s9 =	sor.u32 $0xD0000000, s2;
	s6 =	simm.s32 $0x108;
	_ =	swait.ge @!p0 [sflag:s8], $0x0  }
0x24: {  	s3 =	sadd.s32 $0x88, s3;
	s6 =	simm.s32 @!p1 $0x1082;
	[sflag:s4] =	ssyncset.s32 $0xFFFFF086  }
0x25: {  	[simem:s6], [sflag:s4] =	dma.local [hbm:s3], $0xF7A  }
0x26: {  	[smem:$0x3FA0] =	sst s1;
	(tag) =	ssettag s2;
	_ =	strace s9  }
0x27: {  	s1 =	sld [smem:$0x3FB0]  }
0x28: {  	s2 =	sld [smem:$0x3FB1]  }
0x29: {  	s4 =	sld [smem:$0x3FB3]  }
0x2a: {  	p0 =	seq.s32 s5, $0x0;
	s5 =	sld [smem:$0x3FB4]  }
0x2b: {  	s6 =	sld [smem:$0x3FB5]  }
0x2c: {  	s7 =	sld [smem:$0x3FB6]  }
0x2d: {  	s3 =	simm.s32 $0x108;
	s8 =	sld [smem:$0x3FB7]  }
0x2e: {  	s3 =	simm.s32 @!p0 $0x1082;
	s9 =	sld [smem:$0x3FB8]  }
0x2f: {  	lr =	sadd.s32 s0, s3;
	s0 =	sld [smem:$0x3FAF]  }
0x30: {  	s3 =	sld [smem:$0x3FB2]  }
0x31: {  	[smem:$0x3FBB] =	sst s10  }
0x32: {  	s10 =	sld [smem:$0x3FB9];
	_ =	sdelay $0x3  }
0x33: {  	p0 =	seq.s32 s10, $0x1;
	s10 =	sld [smem:$0x3FBB];
	_ =	sdelay $0x3  }
0x34: {  	[smem:$0x3FBB] =	sst s10  }
0x35: {  	s10 =	sld [smem:$0x3FBA];
	_ =	sdelay $0x3  }
0x36: {  	p1 =	seq.s32 s10, $0x1;
	s10 =	sld [smem:$0x3FBB];
	_ =	sdelay $0x3  }
0x37: {  	[smem:$0x3FBB] =	sst s10  }
0x38: {  	s10 =	sld [smem:$0x3FBC]  }
0x39: {  	_ = 	snop;
	(pc) =	sbr.ind lr, $3  }
0x3a: {  	_ = 	snop  }
0x3b: {  	_ = 	snop  }
0x3c: {  	p2 =	seq.s32 s10, $0x1;
	s10 =	sld [smem:$0x3FBB]  }
0x3d: {  	_ =	shalt  }
0x3e: {  	_ =	shalt  }
0x3f: {  	_ =	shalt  }
0x40: {  	_ =	shalt  }
0x41: {  	_ =	shalt  }
0x42: {  	_ =	shalt  }
0x43: {  	_ =	shalt  }
0x44: {  	_ =	shalt  }
0x45: {  	_ =	shalt  }
0x46: {  	_ =	shalt  }
0x47: {  	_ =	shalt  }
0x48: {  	_ =	shalt  }
0x49: {  	_ =	shalt  }
0x4a: {  	_ =	shalt  }
0x4b: {  	_ =	shalt  }
0x4c: {  	_ =	shalt  }
0x4d: {  	_ =	shalt  }
0x4e: {  	_ =	shalt  }
0x4f: {  	_ =	shalt  }
0x50: {  	_ =	shalt  }
0x51: {  	_ =	shalt  }
0x52: {  	_ =	shalt  }
0x53: {  	_ =	shalt  }
0x54: {  	_ =	shalt  }
0x55: {  	_ =	shalt  }
0x56: {  	_ =	shalt  }
0x57: {  	_ =	shalt  }
0x58: {  	_ =	shalt  }
0x59: {  	_ =	shalt  }
0x5a: {  	_ =	shalt  }
0x5b: {  	_ =	shalt  }
0x5c: {  	_ =	shalt  }
0x5d: {  	_ =	shalt  }
0x5e: {  	_ =	shalt  }
0x5f: {  	_ =	shalt  }
0x60: {  	_ =	shalt  }
0x61: {  	_ =	shalt  }
0x62: {  	_ =	shalt  }
0x63: {  	_ =	shalt  }
0x64: {  	_ =	shalt  }
0x65: {  	_ =	shalt  }
0x66: {  	_ =	shalt  }
0x67: {  	_ =	shalt  }
0x68: {  	_ =	shalt  }
0x69: {  	_ =	shalt  }
0x6a: {  	_ =	shalt  }
0x6b: {  	_ =	shalt  }
0x6c: {  	_ =	shalt  }
0x6d: {  	_ =	shalt  }
0x6e: {  	_ =	shalt  }
0x6f: {  	_ =	shalt  }
0x70: {  	_ =	shalt  }
0x71: {  	_ =	shalt  }
0x72: {  	_ =	shalt  }
0x73: {  	_ =	shalt  }
0x74: {  	_ =	shalt  }
0x75: {  	_ =	shalt  }
0x76: {  	_ =	shalt  }
0x77: {  	_ =	shalt  }
0x78: {  	_ =	shalt  }
0x79: {  	_ =	shalt  }
0x7a: {  	_ =	shalt  }
0x7b: {  	_ =	shalt  }
0x7c: {  	_ =	shalt  }
0x7d: {  	_ =	shalt  }
0x7e: {  	_ =	shalt  }
0x7f: {  	_ =	shalt  }
0x80: {  	_ =	shalt  }
0x81: {  	_ =	shalt  }
0x82: {  	_ =	shalt  }
0x83: {  	_ =	shalt  }
0x84: {  	_ =	shalt  }
0x85: {  	_ =	shalt  }
0x86: {  	_ =	shalt  }
0x87: {  	_ =	shalt  }
.Lfunc_end0:
.L_simem_size_0:
called_computation_lowered:
.L_overlay_start_0:
0x88: {  	s2 =	sld [smem:$0x3FD9]  }
0x89: {  	s3 =	sld [smem:$0x3FFE];
	_ =	sdelay $0x1  }
0x8a: {  	s1 =	srdreg.scid  }
0x8b: {  	s0 =	sand.u32 $0x1, s1  }
0x8c: {  	s18 =	sshll.u32 s0, $0xA;
	s2 =	sadd.s32 s3, s2  }
0x8d: {  	s2 =	sadd.s32 s2, s18  }
0x8e: {  	[smem:$0x3FC7] =	sst s2  }
0x8f: {  	_ = 	snop  }
0x90: {  	s2 =	sld [smem:$0x3FC9]  }
0x91: {  	s19 =	sld [smem:$0x3FD0];
	(tm) =	ssettm $0x1  }
0x92: {  	s4 =	sld [smem:$0x3FFB];
	_ =	sdelay $0x3  }
0x93: {  	_ =	strace s4  }
0x94: {  	s4 =	sld [smem:$0x3FFC];
	_ =	sdelay $0x3  }
0x95: {  	_ =	strace s4  }
0x96: {  	s4 =	sld [smem:$0x3FFD];
	_ =	sdelay $0x3  }
0x97: {  	_ =	strace s4  }
0x98: {  	_ =	strace $0x8FFFFFFF  }
0x99: {  	s20 =	sld [smem:$0x3FDB];
	_ =	sdelay $0x1  }
0x9a: {  	s5 =	simm.s32 $_scs_section_size  }
0x9b: {  	s6 =	simm.s32 $_size__tile_overlayer_lowered;
	s7 =	simm.s32 $_tile_overlayer_lowered  }
0x9c: {  	s23 =	simm.s32 $0x1BFF;
	s22 =	sshll.u32 s7, $0x1;
	s4 =	sadd.s32 s5, s20  }
0x9d: {  	s8 =	simm.s32 $0x0;
	s21 =	sshll.u32 s6, $0x1;
	s6 =	sadd.s32 s22, s4  }
0x9e: {  	[timem:s8], [sflag:s23] =	dma.local [hbm:s6], s21  }
0x9f: {  	_ =	swait.ge [sflag:s23], s21  }
0xa0: {  	s5 =	ssub.s32 $0x0, s21;
	[sflag:s23] =	ssyncset.done $0x0  }
0xa1: {  	[sflag:s23] =	ssyncadd.s32 s5;
	_ =	sdelay $0x1  }
0xa2: {  	s24 =	simm.s32 $0x1B8B  }
0xa3: {  	_ =	swait.ge [sflag:s24], $0x1  }
0xa4: {  	[sflag:s24] =	ssyncset.done $0x0  }
0xa5: {  	s25 =	simm.s32 $0x1B8E;
	[sflag:s24] =	ssyncadd.s32 $0xFFFFFFFF  }
0xa6: {  	s26 =	simm.s32 $execute0_lowered;
	[smem:$0x3FD2] =	sst s25  }
0xa7: {  	s5 =	sshll.u32 s26, $0x1;
	_ =	strace $0x80000046;
	[dreg:$0x1] =	wrdreg $0xFFFFFFFF  }
0xa8: {  	s28 =	simm.s32 $_size_execute0_lowered;
	s4 =	sadd.s32 s4, s5;
	[dreg:$0x0] =	wrdreg $0x0  }
0xa9: {  	s5 =	sshll.u32 s28, $0x1;
	[dreg:$0x2] =	wrdreg s4  }
0xaa: {  	[dreg:$0x3] =	wrdreg s5  }
0xab: {  	[dreg:$0x4] =	wrdreg $0xC0  }
0xac: {  	_ =	task [dreg:s8], $0x5FFFF  }
0xad: {  	[dreg:$0x1] =	wrdreg $0xFFFFFFFF  }
0xae: {  	[dreg:$0x0] =	wrdreg $0x60  }
0xaf: {  	[dreg:$0x2] =	wrdreg s2  }
0xb0: {  	[dreg:$0x3] =	wrdreg s19  }
0xb1: {  	[dreg:$0x4] =	wrdreg $0xA4000  }
0xb2: {  	[dreg:$0x5] =	wrdreg $0x9  }
0xb3: {  	_ =	task.clear_ibuf [dreg:s8], $0x6FFFF;
	_ =	strace $0x90000046  }
0xb4: {  	s29 =	simm.s32 $0x9;
	_ =	strace $0x80000048  }
0xb5: {  	_ =	swait.ge [sflag:s29], $0x1  }
0xb6: {  	[sflag:s29] =	ssyncadd.s32 $0xFFFFFFFF  }
0xb7: {  	_ =	strace $0x90000048  }
0xb8: {  	_ =	sfence  }
0xb9: {  	s30 =	sld [smem:$0x0];
	_ =	sdelay $0x2  }
0xba: {  	s31 =	sshll.u32 s1, $0xD;
	s1 =	sshrl.u32 s1, $0x2  }
0xbb: {  	s3 =	sand.u32 $0x4000, s31;
	s1 =	sadd.s32 s1, s30  }
0xbc: {  	s0 =	sor.u32 s3, s0;
	s1 =	sshll.u32 s1, $0x11  }
0xbd: {  	s0 =	sor.u32 s1, s0  }
0xbe: {  	s0 =	sadd.s32 $0x8F2B, s0  }
0xbf: {  	[sflag:s0] =	ssyncadd.remote.s32 $0x1  }
0xc0: {  	_ =	sfence.sel $0xFFFF  }
0xc1: {  	[dreg:$0x0] =	wrdreg $0xFFFFFFFF;
	(pc) =	sbr.abs _section_cstart, $3  }
0xc2: {  	[dreg:$0x1] =	wrdreg $0xFFFFFFFF  }
0xc3: {  	_ =	task.clear_ibuf [dreg:s8], $0x2FFFF;
	_ =	strace $0x9FFFFFFF  }
0xc4: {  	(tm) =	ssettm $0x7FFFFFFF  }
0xc5: {  	_ =	shalt  }
tec
execute0_lowered:
.L_overlay_start_1:
0x0: {  	(tag) =	ssettag $0x1  }
0x1: {  	s0 =	srdreg.scid;
	s1 =	rddreg [dreg:$0x0]  }
0x2: {  	s9 =	stileid.u32;
	s5 =	rddreg [dreg:$0x1]  }
0x3: {  	s4 =	rddreg [dreg:$0x2];
	s7 =	simm.s32 $0x0;
	s6 =	simm.s32 $0x1  }
0x4: {  	s12 =	simm.s32 $0x8000;
	s13 =	simm.s32 $0x6;
	s14 =	simm.s32 $0x9000  }
0x5: {  	s15 =	simm.s32 $0x400;
	s16 =	simm.s32 $0x1000;
	s18 =	simm.s32 $0x5  }
0x6: {  	s19 =	simm.s32 $0xA200;
	s20 =	simm.s32 $0xA300;
	s21 =	simm.s32 $0x4000  }
0x7: {  	s22 =	simm.s32 $0x2;
	s23 =	simm.s32 $0x6000;
	s0 =	sand.u32 $0x1, s0  }
0x8: {  	s24 =	simm.s32 $0x3;
	s2 =	sshll.u32 s9, $0x5;
	s3 =	sshll.u32 s0, $0x4  }
0x9: {  	s25 =	simm.s32 $0x4;
	[smem:$0x7FF] =	sst s7;
	s3 =	sor.u32 s3, s2  }
0xa: {  	s29 =	sshll.u32 s9, $0x8;
	p1 =	seq.s32 s0, $0x1;
	p0 =	seq.s32 s3, $0x0  }
0xb: {  	s30 =	sshll.u32 s9, $0xF;
	s26 =	ssub.s32 $0x2, s0;
	p0 =	por !p0, !p1  }
0xc: {  	_ =	strace $0x80000047;
	s8 =	sshll.u32 s0, $0x11;
	p0 =	por !p0, !p0  }
0xd: {  	s7 =	sadd.s32 s29, s4;
	s0 =	sshll.u32 s0, $0xE;
	s6 =	simm.s32 @!p0 $0x0  }
0xe: {  	s28 =	sshrl.u32 s26, $0x1;
	s0 =	sadd.s32 s0, s1;
	s6 =	ssub.s32 s9, s6  }
0xf: {  	[dreg:$0x4] =	wrdreg s7;
	s0 =	sadd.s32 s30, s0;
	s6 =	sshll.u32 s6, $0x12  }
0x10: {  	s2 =	ssub.s32 s26, s28;
	s0 =	sadd.s32 $0x80, s0;
	s6 =	sor.u32 s8, s6  }
0x11: {  	v1 =	vlaneseq.u32;
	s31 =	smax.u32 s2, $0x1;
	[dreg:$0x6] =	wrdreg s0;
	s6 =	sshrl.u32 s6, $0x3  }
0x12: {  	v1 =	vmul.u32 $0x100, v1;
	s10 =	sadd.s32 s5, s30;
	[dreg:$0x7] =	wrdreg s31;
	s6 =	sadd.s32 s1, s6  }
0x13: {  	v0 =	vimm.f32 $0.0e+00;
	v2 =	vimm.f32 $1.000000000e+00;
	s7 =	simm.s32 $0x1;
	s26 =	simm.s32 $0x0;
	[dreg:$0x5] =	wrdreg s6  }
.LBB2_1:
0x14: {  	[tilespmem:$0x8000] =	vst v0  }
0x15: {  	[tilespmem:$0x8010] =	vst v0  }
0x16: {  	[tilespmem:$0x8020] =	vst v0  }
0x17: {  	[tilespmem:$0x8030] =	vst v0  }
0x18: {  	[tilespmem:$0x8040] =	vst v0  }
0x19: {  	[tilespmem:$0x8050] =	vst v0  }
0x1a: {  	[tilespmem:$0x8060] =	vst v0  }
0x1b: {  	[tilespmem:$0x8070] =	vst v0  }
0x1c: {  	[tilespmem:$0x8080] =	vst v0  }
0x1d: {  	[tilespmem:$0x8090] =	vst v0  }
0x1e: {  	[tilespmem:$0x80A0] =	vst v0  }
0x1f: {  	[tilespmem:$0x80B0] =	vst v0  }
0x20: {  	[tilespmem:$0x80C0] =	vst v0  }
0x21: {  	[tilespmem:$0x80D0] =	vst v0  }
0x22: {  	[tilespmem:$0x80E0] =	vst v0  }
0x23: {  	[tilespmem:$0x80F0] =	vst v0;
	s0 =	rddreg [dreg:$0x4]  }
0x24: {  	[spmem:s0] =	stream.linear.scatter [tilespmem:s12], [sflag:$0x6], $0x100, $0x38;
	[tilespmem:$0xA500] =	vst v63  }
0x25: {  	_ =	swait.ge [sflag:s13], $0x100  }
0x26: {  	[sflag:s13] =	ssyncset.done $0x0  }
0x27: {  	[sflag:s13] =	ssyncadd.s32 $0xFFFFFF00  }
0x28: {  	[bflag:$0x0] =	sbarrier.arrive $0xFFFF  }
0x29: {  	[tilespmem:s12], [sflag:$0x5] =	stream.linear.gather [spmem:s4], $0x1000, $0x38;
	[tilespmem:$0xA500] =	vst v63  }
0x2a: {  	_ = 	snop  }
0x2b: {  	[tilespmem:s14], [sflag:$0x5] =	stream.linear.gather [spmem:s4], $0x1000, $0x38;
	[tilespmem:$0xA500] =	vst v63  }
0x2c: {  	s29 =	simm.s32 $0x0;
	s2 =	rddreg [dreg:$0x5]  }
0x2d: {  	[tilespmem:s29], [sflag:$0x1] =	stream.strided.gather [hbm4b:s2+s15], $0x2000, s16, s15, $0x38;
	[tilespmem:$0xA500] =	vst v63  }
0x2e: {  	s31 =	simm.s32 $0x2000;
	s28 =	simm.s32 $0x0;
	s30 =	rddreg [dreg:$0x6]  }
0x2f: {  	[tilespmem:s31], [sflag:$0x2] =	stream.strided.gather [hbm4b:s30+s15], $0x2000, s16, s15, $0x38;
	[tilespmem:$0xA500] =	vst v63  }
.LBB2_2:
0x30: {  	_ =	swait.ge [sflag:s7], $0x2000  }
0x31: {  	[sflag:s7] =	ssyncset.done $0x0  }
0x32: {  	[sflag:s7] =	ssyncadd.s32 $0xFFFFE000  }
0x33: {  	_ =	swait.ge [sflag:s18], $0x1000  }
0x34: {  	[sflag:s18] =	ssyncset.done $0x0  }
0x35: {  	[sflag:s18] =	ssyncadd.s32 $0xFFFFF000  }
0x36: {  	_ =	swait.ge [sflag:s18], $0x1000  }
0x37: {  	[sflag:s18] =	ssyncset.done $0x0  }
0x38: {  	s0 =	simm.s32 $0x100;
	[sflag:s18] =	ssyncadd.s32 $0xFFFFF000  }
0x39: {  	v3 =	vld [tilespmem:s0+$0x80];
	_ =	sdelay $0x1  }
0x3a: {  	v4 =	vld [tilespmem:s0+$0xFFFFFF80]  }
0x3b: {  	v5 =	vld [tilespmem:s0+$0xFFFFFF00]  }
0x3c: {  	v6 =	vld [tilespmem:s0+$0x0]  }
0x3d: {  	v3 =	vmul.f32 $2.560000000e+02, v3;
	_ =	sdelay $0x1  }
0x3e: {  	v4 =	vmul.f32 $2.560000000e+02, v4;
	v3 =	vtrunc.f32 v3  }
0x3f: {  	v5 =	vmul.f32 $2.560000000e+02, v5;
	v3 =	vcvt.f32.s32 v3  }
0x40: {  	v6 =	vmul.f32 $2.560000000e+02, v6;
	v4 =	vtrunc.f32 v4  }
0x41: {  	v5 =	vtrunc.f32 v5;
	v4 =	vcvt.f32.s32 v4;
	v3 =	vadd.s32 v1, v3  }
0x42: {  	v6 =	vtrunc.f32 v6;
	v5 =	vcvt.f32.s32 v5  }
0x43: {  	v6 =	vcvt.f32.s32 v6;
	v4 =	vadd.s32 v1, v4  }
0x44: {  	v5 =	vadd.s32 v1, v5  }
0x45: {  	v6 =	vadd.s32 v1, v6  }
0x46: {  	[tilespmem:v3+s12+$0x0] =	vst.idx.add.f32.msk $0xffff, v2  }
0x47: {  	v3 =	vld [tilespmem:s0+$0x90]  }
0x48: {  	[tilespmem:v4+s12+$0x0] =	vst.idx.add.f32.msk $0xffff, v2  }
0x49: {  	[tilespmem:v5+s12+$0x0] =	vst.idx.add.f32.msk $0xffff, v2  }
0x4a: {  	[tilespmem:v6+s12+$0x0] =	vst.idx.add.f32.msk $0xffff, v2  }
0x4b: {  	v4 =	vld [tilespmem:s0+$0xFFFFFF10]  }
0x4c: {  	v6 =	vld [tilespmem:s0+$0x10];
	v3 =	vmul.f32 $2.560000000e+02, v3  }
0x4d: {  	v5 =	vld [tilespmem:s0+$0xFFFFFF90]  }
0x4e: {  	v3 =	vtrunc.f32 v3  }
0x4f: {  	v3 =	vcvt.f32.s32 v3  }
0x50: {  	v4 =	vmul.f32 $2.560000000e+02, v4  }
0x51: {  	v6 =	vmul.f32 $2.560000000e+02, v6;
	v3 =	vadd.s32 v1, v3  }
0x52: {  	v5 =	vmul.f32 $2.560000000e+02, v5;
	v4 =	vtrunc.f32 v4  }
0x53: {  	v6 =	vtrunc.f32 v6;
	v4 =	vcvt.f32.s32 v4  }
0x54: {  	v5 =	vtrunc.f32 v5;
	v6 =	vcvt.f32.s32 v6  }
0x55: {  	v5 =	vcvt.f32.s32 v5;
	v4 =	vadd.s32 v1, v4  }
0x56: {  	v6 =	vadd.s32 v1, v6;
	[tilespmem:v3+s12+$0x0] =	vst.idx.add.f32.msk $0xffff, v2  }
0x57: {  	v3 =	vadd.s32 v1, v5;
	v5 =	vld [tilespmem:s0+$0xA0];
	_ =	sdelay $0x2  }
0x58: {  	[tilespmem:v4+s12+$0x0] =	vst.idx.add.f32.msk $0xffff, v2  }
0x59: {  	[tilespmem:v6+s12+$0x0] =	vst.idx.add.f32.msk $0xffff, v2  }
0x5a: {  	[tilespmem:v3+s12+$0x0] =	vst.idx.add.f32.msk $0xffff, v2;
	v3 =	vmul.f32 $2.560000000e+02, v5  }
0x5b: {  	v4 =	vld [tilespmem:s0+$0xFFFFFF20]  }
0x5c: {  	v5 =	vld [tilespmem:s0+$0xFFFFFFA0];
	v3 =	vtrunc.f32 v3  }
0x5d: {  	v6 =	vld [tilespmem:s0+$0x20];
	v3 =	vcvt.f32.s32 v3;
	_ =	sdelay $0x1  }
0x5e: {  	v3 =	vadd.s32 v1, v3  }
0x5f: {  	v4 =	vmul.f32 $2.560000000e+02, v4  }
0x60: {  	v5 =	vmul.f32 $2.560000000e+02, v5  }
0x61: {  	v6 =	vmul.f32 $2.560000000e+02, v6;
	v4 =	vtrunc.f32 v4  }
0x62: {  	v4 =	vcvt.f32.s32 v4;
	v5 =	vtrunc.f32 v5  }
0x63: {  	[tilespmem:v3+s12+$0x0] =	vst.idx.add.f32.msk $0xffff, v2;
	v3 =	vcvt.f32.s32 v5;
	v5 =	vtrunc.f32 v6  }
0x64: {  	v4 =	vadd.s32 v1, v4;
	v5 =	vcvt.f32.s32 v5  }
0x65: {  	v6 =	vld [tilespmem:s0+$0xB0];
	v3 =	vadd.s32 v1, v3  }
0x66: {  	v5 =	vadd.s32 v1, v5;
	_ =	sdelay $0x2  }
0x67: {  	[tilespmem:v4+s12+$0x0] =	vst.idx.add.f32.msk $0xffff, v2  }
0x68: {  	v6 =	vmul.f32 $2.560000000e+02, v6;
	[tilespmem:v3+s12+$0x0] =	vst.idx.add.f32.msk $0xffff, v2  }
0x69: {  	[tilespmem:v5+s12+$0x0] =	vst.idx.add.f32.msk $0xffff, v2  }
0x6a: {  	v3 =	vtrunc.f32 v6;
	v5 =	vld [tilespmem:s0+$0xFFFFFFB0]  }
0x6b: {  	v4 =	vld [tilespmem:s0+$0xFFFFFF30];
	v3 =	vcvt.f32.s32 v3;
	_ =	sdelay $0x1  }
0x6c: {  	v3 =	vadd.s32 v1, v3  }
0x6d: {  	v6 =	vld [tilespmem:s0+$0x30]  }
0x6e: {  	s2 =	simm.s32 $0x300;
	v5 =	vmul.f32 $2.560000000e+02, v5  }
0x6f: {  	v7 =	vld [tilespmem:s2+$0x80];
	v4 =	vmul.f32 $2.560000000e+02, v4  }
0x70: {  	v5 =	vtrunc.f32 v5  }
0x71: {  	[tilespmem:v3+s12+$0x0] =	vst.idx.add.f32.msk $0xffff, v2;
	v3 =	vtrunc.f32 v4;
	v5 =	vcvt.f32.s32 v5  }
0x72: {  	v4 =	vmul.f32 $2.560000000e+02, v6;
	v3 =	vcvt.f32.s32 v3;
	v6 =	vld [tilespmem:s0+$0xC0]  }
0x73: {  	v8 =	vld [tilespmem:s2+$0xFFFFFF80];
	v5 =	vadd.s32 v1, v5  }
0x74: {  	v10 =	vld [tilespmem:s2+$0x0];
	v7 =	vmul.f32 $2.560000000e+02, v7;
	v4 =	vtrunc.f32 v4;
	v3 =	vadd.s32 v1, v3  }
0x75: {  	v9 =	vld [tilespmem:s2+$0xFFFFFF00];
	v4 =	vcvt.f32.s32 v4  }
0x76: {  	v7 =	vtrunc.f32 v7  }
0x77: {  	v7 =	vcvt.f32.s32 v7;
	v4 =	vadd.s32 v1, v4;
	v6 =	vmul.f32 $2.560000000e+02, v6  }
0x78: {  	v8 =	vmul.f32 $2.560000000e+02, v8;
	[tilespmem:v5+s12+$0x0] =	vst.idx.add.f32.msk $0xffff, v2  }
0x79: {  	v7 =	vadd.s32 v1, v7;
	v5 =	vmul.f32 $2.560000000e+02, v10;
	[tilespmem:v3+s12+$0x0] =	vst.idx.add.f32.msk $0xffff, v2;
	v3 =	vtrunc.f32 v6  }
0x7a: {  	v6 =	vmul.f32 $2.560000000e+02, v9;
	v3 =	vcvt.f32.s32 v3  }
0x7b: {  	v8 =	vtrunc.f32 v8;
	v9 =	vld [tilespmem:s0+$0xFFFFFFC0];
	v5 =	vtrunc.f32 v5  }
0x7c: {  	[tilespmem:v4+s12+$0x0] =	vst.idx.add.f32.msk $0xffff, v2;
	v4 =	vtrunc.f32 v6;
	v6 =	vcvt.f32.s32 v8;
	v3 =	vadd.s32 v1, v3  }
0x7d: {  	v8 =	vld [tilespmem:s0+$0xFFFFFF40];
	v5 =	vcvt.f32.s32 v5  }
0x7e: {  	[tilespmem:v7+s12+$0x0] =	vst.idx.add.f32.msk $0xffff, v2;
	v4 =	vcvt.f32.s32 v4;
	v6 =	vadd.s32 v1, v6  }
0x7f: {  	v10 =	vld [tilespmem:s0+$0x40];
	v5 =	vadd.s32 v1, v5  }
0x80: {  	v7 =	vld [tilespmem:s2+$0x90];
	v4 =	vadd.s32 v1, v4  }
0x81: {  	[tilespmem:v3+s14+$0x0] =	vst.idx.add.f32.msk $0xffff, v2  }
0x82: {  	v8 =	vmul.f32 $2.560000000e+02, v8;
	v3 =	vmul.f32 $2.560000000e+02, v9;
	v9 =	vld [tilespmem:s0+$0xD0]  }
0x83: {  	[tilespmem:v6+s12+$0x0] =	vst.idx.add.f32.msk $0xffff, v2  }
0x84: {  	v6 =	vtrunc.f32 v8;
	v8 =	vmul.f32 $2.560000000e+02, v10;
	[tilespmem:v5+s12+$0x0] =	vst.idx.add.f32.msk $0xffff, v2  }
0x85: {  	v5 =	vmul.f32 $2.560000000e+02, v7;
	[tilespmem:v4+s12+$0x0] =	vst.idx.add.f32.msk $0xffff, v2;
	v4 =	vcvt.f32.s32 v6  }
0x86: {  	v3 =	vtrunc.f32 v3;
	v6 =	vtrunc.f32 v8  }
0x87: {  	v7 =	vld [tilespmem:s2+$0xFFFFFF10];
	v3 =	vcvt.f32.s32 v3;
	v5 =	vtrunc.f32 v5;
	v4 =	vadd.s32 v1, v4  }
0x88: {  	v8 =	vld [tilespmem:s2+$0xFFFFFF90];
	v6 =	vcvt.f32.s32 v6;
	v9 =	vmul.f32 $2.560000000e+02, v9  }
0x89: {  	v10 =	vld [tilespmem:s2+$0x10];
	v5 =	vcvt.f32.s32 v5;
	v3 =	vadd.s32 v1, v3  }
0x8a: {  	v6 =	vadd.s32 v1, v6;
	v9 =	vtrunc.f32 v9  }
0x8b: {  	v5 =	vadd.s32 v1, v5;
	v9 =	vcvt.f32.s32 v9  }
0x8c: {  	v7 =	vmul.f32 $2.560000000e+02, v7;
	[tilespmem:v4+s14+$0x0] =	vst.idx.add.f32.msk $0xffff, v2  }
0x8d: {  	v4 =	vmul.f32 $2.560000000e+02, v8;
	v8 =	vld [tilespmem:s0+$0xFFFFFF50];
	v9 =	vadd.s32 v1, v9  }
0x8e: {  	v10 =	vmul.f32 $2.560000000e+02, v10;
	v7 =	vtrunc.f32 v7;
	[tilespmem:v3+s14+$0x0] =	vst.idx.add.f32.msk $0xffff, v2  }
0x8f: {  	v3 =	vcvt.f32.s32 v7;
	v4 =	vtrunc.f32 v4;
	[tilespmem:v6+s14+$0x0] =	vst.idx.add.f32.msk $0xffff, v2  }
0x90: {  	v6 =	vtrunc.f32 v10;
	[tilespmem:v5+s12+$0x0] =	vst.idx.add.f32.msk $0xffff, v2;
	v4 =	vcvt.f32.s32 v4  }
0x91: {  	v5 =	vcvt.f32.s32 v6;
	v6 =	vld [tilespmem:s2+$0xA0];
	v3 =	vadd.s32 v1, v3  }
0x92: {  	v4 =	vadd.s32 v1, v4;
	[tilespmem:v9+s14+$0x0] =	vst.idx.add.f32.msk $0xffff, v2  }
0x93: {  	v5 =	vadd.s32 v1, v5;
	v7 =	vld [tilespmem:s0+$0xE0]  }
0x94: {  	v8 =	vmul.f32 $2.560000000e+02, v8;
	v9 =	vld [tilespmem:s0+$0xFFFFFFD0]  }
0x95: {  	v10 =	vld [tilespmem:s0+$0x50]  }
0x96: {  	v8 =	vtrunc.f32 v8;
	[tilespmem:v3+s12+$0x0] =	vst.idx.add.f32.msk $0xffff, v2;
	v3 =	vmul.f32 $2.560000000e+02, v6  }
0x97: {  	v6 =	vcvt.f32.s32 v8;
	[tilespmem:v4+s12+$0x0] =	vst.idx.add.f32.msk $0xffff, v2  }
0x98: {  	[tilespmem:v5+s12+$0x0] =	vst.idx.add.f32.msk $0xffff, v2;
	v3 =	vtrunc.f32 v3;
	v4 =	vmul.f32 $2.560000000e+02, v7  }
0x99: {  	v5 =	vadd.s32 v1, v6;
	v6 =	vld [tilespmem:s2+$0xFFFFFF20];
	v3 =	vcvt.f32.s32 v3;
	v7 =	vmul.f32 $2.560000000e+02, v9  }
0x9a: {  	v8 =	vld [tilespmem:s2+$0xFFFFFFA0];
	v9 =	vmul.f32 $2.560000000e+02, v10;
	v4 =	vtrunc.f32 v4  }
0x9b: {  	v10 =	vld [tilespmem:s2+$0x20];
	v3 =	vadd.s32 v1, v3;
	v7 =	vtrunc.f32 v7;
	v4 =	vcvt.f32.s32 v4  }
0x9c: {  	v7 =	vcvt.f32.s32 v7  }
0x9d: {  	v9 =	vtrunc.f32 v9;
	v4 =	vadd.s32 v1, v4  }
0x9e: {  	[tilespmem:v5+s14+$0x0] =	vst.idx.add.f32.msk $0xffff, v2;
	v5 =	vcvt.f32.s32 v9;
	v6 =	vmul.f32 $2.560000000e+02, v6;
	v7 =	vadd.s32 v1, v7  }
0x9f: {  	v8 =	vmul.f32 $2.560000000e+02, v8;
	v9 =	vld [tilespmem:s0+$0xFFFFFF60]  }
0xa0: {  	v5 =	vadd.s32 v1, v5;
	v6 =	vtrunc.f32 v6;
	v10 =	vmul.f32 $2.560000000e+02, v10;
	[tilespmem:v3+s12+$0x0] =	vst.idx.add.f32.msk $0xffff, v2  }
0xa1: {  	v3 =	vcvt.f32.s32 v6;
	v6 =	vtrunc.f32 v8;
	v8 =	vld [tilespmem:s2+$0xB0]  }
0xa2: {  	v6 =	vcvt.f32.s32 v6;
	[tilespmem:v4+s14+$0x0] =	vst.idx.add.f32.msk $0xffff, v2  }
0xa3: {  	v10 =	vtrunc.f32 v10;
	v3 =	vadd.s32 v1, v3;
	[tilespmem:v7+s14+$0x0] =	vst.idx.add.f32.msk $0xffff, v2  }
0xa4: {  	v9 =	vmul.f32 $2.560000000e+02, v9;
	v6 =	vadd.s32 v1, v6;
	v4 =	vcvt.f32.s32 v10;
	v10 =	vld [tilespmem:s0+$0xF0]  }
0xa5: {  	[tilespmem:v5+s14+$0x0] =	vst.idx.add.f32.msk $0xffff, v2  }
0xa6: {  	v5 =	vtrunc.f32 v9;
	v7 =	vld [tilespmem:s0+$0xFFFFFFE0];
	v4 =	vadd.s32 v1, v4  }
0xa7: {  	v11 =	vld [tilespmem:s0+$0x60];
	v5 =	vcvt.f32.s32 v5  }
0xa8: {  	v8 =	vmul.f32 $2.560000000e+02, v8;
	[tilespmem:v3+s12+$0x0] =	vst.idx.add.f32.msk $0xffff, v2  }
0xa9: {  	v3 =	vadd.s32 v1, v5;
	[tilespmem:v6+s12+$0x0] =	vst.idx.add.f32.msk $0xffff, v2;
	v5 =	vmul.f32 $2.560000000e+02, v10  }
0xaa: {  	v6 =	vtrunc.f32 v8;
	v8 =	vld [tilespmem:s2+$0xFFFFFF30]  }
0xab: {  	[tilespmem:v4+s12+$0x0] =	vst.idx.add.f32.msk $0xffff, v2;
	v4 =	vcvt.f32.s32 v6;
	v5 =	vtrunc.f32 v5  }
0xac: {  	v9 =	vld [tilespmem:s2+$0xFFFFFFB0];
	v6 =	vmul.f32 $2.560000000e+02, v7;
	v5 =	vcvt.f32.s32 v5  }
0xad: {  	v11 =	vmul.f32 $2.560000000e+02, v11;
	v10 =	vld [tilespmem:s2+$0x30];
	v7 =	vadd.s32 v1, v4  }
0xae: {  	v4 =	vtrunc.f32 v6;
	[tilespmem:v3+s14+$0x0] =	vst.idx.add.f32.msk $0xffff, v2;
	v3 =	vadd.s32 v1, v5  }
0xaf: {  	v6 =	vtrunc.f32 v11;
	v5 =	vcvt.f32.s32 v4  }
0xb0: {  	s5 =	simm.s32 $0x4;
	s6 =	simm.s32 $0x500;
	v6 =	vcvt.f32.s32 v6;
	v4 =	vld [tilespmem:s0+$0xFFFFFF70]  }
.LBB2_3:
0xb1: {  	v11 =	vld [tilespmem:s6+$0x80];
	v8 =	vmul.f32 $2.560000000e+02, v8;
	v5 =	vadd.s32 v1, v5  }
0xb2: {  	v9 =	vmul.f32 $2.560000000e+02, v9;
	[tilespmem:v7+s12+$0x0] =	vst.idx.add.f32.msk $0xffff, v2;
	v6 =	vadd.s32 v1, v6  }
0xb3: {  	v7 =	vtrunc.f32 v8;
	v8 =	vmul.f32 $2.560000000e+02, v10;
	[tilespmem:v3+s14+$0x0] =	vst.idx.add.f32.msk $0xffff, v2  }
0xb4: {  	s5 =	sadd.s32 $0x4, s5;
	v3 =	vcvt.f32.s32 v7;
	v7 =	vtrunc.f32 v9;
	v9 =	vld [tilespmem:s2+$0xC0]  }
0xb5: {  	p0 =	slt.u32 s5, $0x3C;
	v10 =	vld [tilespmem:s6+$0xFFFFFF80];
	v7 =	vcvt.f32.s32 v7;
	v8 =	vtrunc.f32 v8  }
0xb6: {  	v4 =	vmul.f32 $2.560000000e+02, v4;
	v12 =	vld [tilespmem:s6+$0x0];
	v3 =	vadd.s32 v1, v3;
	v8 =	vcvt.f32.s32 v8  }
0xb7: {  	v11 =	vmul.f32 $2.560000000e+02, v11;
	v13 =	vld [tilespmem:s6+$0xFFFFFF00];
	v7 =	vadd.s32 v1, v7  }
0xb8: {  	v4 =	vtrunc.f32 v4;
	v8 =	vadd.s32 v1, v8;
	[tilespmem:v5+s14+$0x0] =	vst.idx.add.f32.msk $0xffff, v2  }
0xb9: {  	v5 =	vtrunc.f32 v11;
	v9 =	vmul.f32 $2.560000000e+02, v9;
	[tilespmem:v6+s14+$0x0] =	vst.idx.add.f32.msk $0xffff, v2  }
0xba: {  	v5 =	vcvt.f32.s32 v5;
	v6 =	vmul.f32 $2.560000000e+02, v10;
	v10 =	vld [tilespmem:s0+$0xFFFFFFF0]  }
0xbb: {  	v11 =	vmul.f32 $2.560000000e+02, v12;
	[tilespmem:v3+s12+$0x0] =	vst.idx.add.f32.msk $0xffff, v2;
	v3 =	vtrunc.f32 v9  }
0xbc: {  	v5 =	vadd.s32 v1, v5;
	v9 =	vmul.f32 $2.560000000e+02, v13;
	[tilespmem:v7+s12+$0x0] =	vst.idx.add.f32.msk $0xffff, v2;
	v3 =	vcvt.f32.s32 v3  }
0xbd: {  	v6 =	vtrunc.f32 v6;
	v7 =	vtrunc.f32 v11;
	[tilespmem:v8+s12+$0x0] =	vst.idx.add.f32.msk $0xffff, v2  }
0xbe: {  	v6 =	vcvt.f32.s32 v6;
	v8 =	vtrunc.f32 v9;
	v9 =	vld [tilespmem:s2+$0xFFFFFF40];
	v3 =	vadd.s32 v1, v3  }
0xbf: {  	v7 =	vcvt.f32.s32 v7;
	v8 =	vcvt.f32.s32 v8;
	v11 =	vld [tilespmem:s2+$0xFFFFFFC0]  }
0xc0: {  	v4 =	vcvt.f32.s32 v4;
	v6 =	vadd.s32 v1, v6;
	v10 =	vmul.f32 $2.560000000e+02, v10;
	v12 =	vld [tilespmem:s2+$0x40]  }
0xc1: {  	v7 =	vadd.s32 v1, v7;
	v8 =	vadd.s32 v1, v8;
	[tilespmem:v5+s12+$0x0] =	vst.idx.add.f32.msk $0xffff, v2  }
0xc2: {  	v4 =	vadd.s32 v1, v4;
	v10 =	vtrunc.f32 v10;
	v5 =	vld [tilespmem:s6+$0x90]  }
0xc3: {  	v9 =	vmul.f32 $2.560000000e+02, v9;
	[tilespmem:v3+s14+$0x0] =	vst.idx.add.f32.msk $0xffff, v2;
	v3 =	vcvt.f32.s32 v10  }
0xc4: {  	v10 =	vmul.f32 $2.560000000e+02, v11;
	v11 =	vld [tilespmem:s2+$0xD0]  }
0xc5: {  	[tilespmem:v6+s12+$0x0] =	vst.idx.add.f32.msk $0xffff, v2;
	v6 =	vtrunc.f32 v9;
	v9 =	vmul.f32 $2.560000000e+02, v12;
	v3 =	vadd.s32 v1, v3  }
0xc6: {  	[tilespmem:v8+s12+$0x0] =	vst.idx.add.f32.msk $0xffff, v2;
	v6 =	vcvt.f32.s32 v6;
	v8 =	vtrunc.f32 v10  }
0xc7: {  	[tilespmem:v7+s12+$0x0] =	vst.idx.add.f32.msk $0xffff, v2;
	v5 =	vmul.f32 $2.560000000e+02, v5;
	v7 =	vtrunc.f32 v9  }
0xc8: {  	v8 =	vcvt.f32.s32 v8;
	v9 =	vld [tilespmem:s6+$0xFFFFFF10];
	v6 =	vadd.s32 v1, v6;
	v7 =	vcvt.f32.s32 v7  }
0xc9: {  	v10 =	vld [tilespmem:s6+$0xFFFFFF90];
	v5 =	vtrunc.f32 v5;
	v11 =	vmul.f32 $2.560000000e+02, v11  }
0xca: {  	v8 =	vadd.s32 v1, v8;
	v12 =	vld [tilespmem:s6+$0x10];
	v5 =	vcvt.f32.s32 v5;
	v7 =	vadd.s32 v1, v7  }
0xcb: {  	v11 =	vtrunc.f32 v11;
	v13 =	vld [tilespmem:s0+$0x70];
	s0 =	smov.u32 s2;
	s2 =	smov.u32 s6  }
0xcc: {  	v5 =	vadd.s32 v1, v5;
	v11 =	vcvt.f32.s32 v11;
	[tilespmem:v4+s14+$0x0] =	vst.idx.add.f32.msk $0xffff, v2  }
0xcd: {  	v4 =	vmul.f32 $2.560000000e+02, v9;
	[tilespmem:v6+s14+$0x0] =	vst.idx.add.f32.msk $0xffff, v2  }
0xce: {  	v6 =	vmul.f32 $2.560000000e+02, v10;
	v9 =	vld [tilespmem:s0+$0xFFFFFF50];
	v10 =	vadd.s32 v1, v11  }
0xcf: {  	v4 =	vtrunc.f32 v4;
	v11 =	vmul.f32 $2.560000000e+02, v12;
	[tilespmem:v8+s14+$0x0] =	vst.idx.add.f32.msk $0xffff, v2  }
0xd0: {  	v4 =	vcvt.f32.s32 v4;
	v6 =	vtrunc.f32 v6;
	[tilespmem:v7+s14+$0x0] =	vst.idx.add.f32.msk $0xffff, v2  }
0xd1: {  	v6 =	vcvt.f32.s32 v6;
	v7 =	vtrunc.f32 v11;
	[tilespmem:v5+s12+$0x0] =	vst.idx.add.f32.msk $0xffff, v2  }
0xd2: {  	v8 =	vmul.f32 $2.560000000e+02, v13;
	v4 =	vadd.s32 v1, v4;
	v5 =	vcvt.f32.s32 v7;
	v7 =	vld [tilespmem:s6+$0xA0]  }
0xd3: {  	v6 =	vadd.s32 v1, v6;
	v9 =	vmul.f32 $2.560000000e+02, v9;
	[tilespmem:v10+s14+$0x0] =	vst.idx.add.f32.msk $0xffff, v2  }
0xd4: {  	v8 =	vtrunc.f32 v8;
	v5 =	vadd.s32 v1, v5;
	v10 =	vld [tilespmem:s0+$0xE0]  }
0xd5: {  	v8 =	vcvt.f32.s32 v8;
	v9 =	vtrunc.f32 v9;
	v11 =	vld [tilespmem:s0+$0xFFFFFFD0]  }
0xd6: {  	v9 =	vcvt.f32.s32 v9;
	v12 =	vld [tilespmem:s0+$0x50]  }
0xd7: {  	[tilespmem:v4+s12+$0x0] =	vst.idx.add.f32.msk $0xffff, v2;
	v4 =	vmul.f32 $2.560000000e+02, v7;
	v7 =	vadd.s32 v1, v8  }
0xd8: {  	[tilespmem:v6+s12+$0x0] =	vst.idx.add.f32.msk $0xffff, v2;
	v6 =	vadd.s32 v1, v9  }
0xd9: {  	[tilespmem:v5+s12+$0x0] =	vst.idx.add.f32.msk $0xffff, v2;
	v4 =	vtrunc.f32 v4;
	v5 =	vmul.f32 $2.560000000e+02, v10  }
0xda: {  	v8 =	vld [tilespmem:s6+$0xFFFFFF20];
	v4 =	vcvt.f32.s32 v4;
	v9 =	vmul.f32 $2.560000000e+02, v11  }
0xdb: {  	v10 =	vld [tilespmem:s6+$0xFFFFFFA0];
	v11 =	vmul.f32 $2.560000000e+02, v12;
	v5 =	vtrunc.f32 v5  }
0xdc: {  	v12 =	vld [tilespmem:s6+$0x20];
	v4 =	vadd.s32 v1, v4;
	v9 =	vtrunc.f32 v9;
	v5 =	vcvt.f32.s32 v5  }
0xdd: {  	[tilespmem:v6+s14+$0x0] =	vst.idx.add.f32.msk $0xffff, v2;
	v6 =	vcvt.f32.s32 v9;
	v9 =	vtrunc.f32 v11  }
0xde: {  	v11 =	vld [tilespmem:s0+$0xFFFFFF60];
	v9 =	vcvt.f32.s32 v9;
	v5 =	vadd.s32 v1, v5  }
0xdf: {  	v8 =	vmul.f32 $2.560000000e+02, v8;
	v6 =	vadd.s32 v1, v6;
	[tilespmem:v3+s14+$0x0] =	vst.idx.add.f32.msk $0xffff, v2  }
0xe0: {  	v3 =	vmul.f32 $2.560000000e+02, v10;
	v9 =	vadd.s32 v1, v9;
	[tilespmem:v7+s14+$0x0] =	vst.idx.add.f32.msk $0xffff, v2  }
0xe1: {  	v7 =	vtrunc.f32 v8;
	v8 =	vmul.f32 $2.560000000e+02, v12;
	[tilespmem:v4+s12+$0x0] =	vst.idx.add.f32.msk $0xffff, v2  }
0xe2: {  	v4 =	vcvt.f32.s32 v7;
	v3 =	vtrunc.f32 v3;
	v7 =	vld [tilespmem:s6+$0xB0]  }
0xe3: {  	v3 =	vcvt.f32.s32 v3;
	v8 =	vtrunc.f32 v8;
	[tilespmem:v5+s14+$0x0] =	vst.idx.add.f32.msk $0xffff, v2  }
0xe4: {  	v4 =	vadd.s32 v1, v4;
	v5 =	vcvt.f32.s32 v8;
	v8 =	vmul.f32 $2.560000000e+02, v11;
	v10 =	vld [tilespmem:s0+$0xF0]  }
0xe5: {  	v3 =	vadd.s32 v1, v3;
	[tilespmem:v6+s14+$0x0] =	vst.idx.add.f32.msk $0xffff, v2  }
0xe6: {  	v5 =	vadd.s32 v1, v5;
	v6 =	vtrunc.f32 v8;
	[tilespmem:v9+s14+$0x0] =	vst.idx.add.f32.msk $0xffff, v2  }
0xe7: {  	v6 =	vcvt.f32.s32 v6;
	v9 =	vld [tilespmem:s0+$0xFFFFFFE0]  }
0xe8: {  	v7 =	vmul.f32 $2.560000000e+02, v7;
	v11 =	vld [tilespmem:s0+$0x60]  }
0xe9: {  	[tilespmem:v4+s12+$0x0] =	vst.idx.add.f32.msk $0xffff, v2;
	v4 =	vadd.s32 v1, v6;
	v6 =	vmul.f32 $2.560000000e+02, v10  }
0xea: {  	[tilespmem:v3+s12+$0x0] =	vst.idx.add.f32.msk $0xffff, v2;
	v3 =	vtrunc.f32 v7  }
0xeb: {  	[tilespmem:v5+s12+$0x0] =	vst.idx.add.f32.msk $0xffff, v2;
	v3 =	vcvt.f32.s32 v3;
	v5 =	vtrunc.f32 v6  }
.Ltmp0:
0xec: {  	v8 =	vld [tilespmem:s6+$0xFFFFFF30];
	v6 =	vmul.f32 $2.560000000e+02, v9;
	v5 =	vcvt.f32.s32 v5;
	(pc) =	sbr.rel @p0 .LBB2_3-.Ltmp0, $4  }
0xed: {  	v9 =	vld [tilespmem:s6+$0xFFFFFFB0];
	v7 =	vadd.s32 v1, v3;
	v11 =	vmul.f32 $2.560000000e+02, v11  }
0xee: {  	v10 =	vld [tilespmem:s6+$0x30];
	v6 =	vtrunc.f32 v6;
	v3 =	vadd.s32 v1, v5  }
0xef: {  	[tilespmem:v4+s14+$0x0] =	vst.idx.add.f32.msk $0xffff, v2;
	v5 =	vcvt.f32.s32 v6;
	v6 =	vtrunc.f32 v11  }
0xf0: {  	s6 =	sadd.s32 $0x200, s6;
	v4 =	vld [tilespmem:s0+$0xFFFFFF70];
	v6 =	vcvt.f32.s32 v6  }
0xf1: {  	v8 =	vmul.f32 $2.560000000e+02, v8  }
0xf2: {  	v9 =	vmul.f32 $2.560000000e+02, v9  }
0xf3: {  	v8 =	vtrunc.f32 v8;
	v10 =	vmul.f32 $2.560000000e+02, v10  }
0xf4: {  	v8 =	vcvt.f32.s32 v8;
	v9 =	vtrunc.f32 v9  }
0xf5: {  	v9 =	vcvt.f32.s32 v9  }
0xf6: {  	v10 =	vtrunc.f32 v10;
	v8 =	vadd.s32 v1, v8  }
0xf7: {  	v10 =	vcvt.f32.s32 v10;
	v9 =	vadd.s32 v1, v9;
	_ =	sdelay $0x1  }
0xf8: {  	[tilespmem:v7+s12+$0x0] =	vst.idx.add.f32.msk $0xffff, v2;
	v7 =	vadd.s32 v1, v10  }
0xf9: {  	v10 =	vld [tilespmem:s2+$0xC0]  }
0xfa: {  	[tilespmem:v8+s12+$0x0] =	vst.idx.add.f32.msk $0xffff, v2  }
0xfb: {  	[tilespmem:v9+s12+$0x0] =	vst.idx.add.f32.msk $0xffff, v2  }
0xfc: {  	v8 =	vld [tilespmem:s2+$0xFFFFFF40]  }
0xfd: {  	[tilespmem:v7+s12+$0x0] =	vst.idx.add.f32.msk $0xffff, v2  }
0xfe: {  	v7 =	vld [tilespmem:s2+$0xFFFFFFC0]  }
0xff: {  	v9 =	vmul.f32 $2.560000000e+02, v10;
	v10 =	vld [tilespmem:s2+$0x40];
	_ =	sdelay $0x1  }
0x100: {  	v9 =	vtrunc.f32 v9;
	v8 =	vmul.f32 $2.560000000e+02, v8  }
0x101: {  	v9 =	vcvt.f32.s32 v9  }
0x102: {  	v7 =	vmul.f32 $2.560000000e+02, v7;
	v8 =	vtrunc.f32 v8  }
0x103: {  	v9 =	vadd.s32 v1, v9;
	v10 =	vmul.f32 $2.560000000e+02, v10;
	v8 =	vcvt.f32.s32 v8  }
0x104: {  	v7 =	vtrunc.f32 v7  }
0x105: {  	v10 =	vtrunc.f32 v10;
	v7 =	vcvt.f32.s32 v7;
	v8 =	vadd.s32 v1, v8  }
0x106: {  	v10 =	vcvt.f32.s32 v10  }
0x107: {  	v7 =	vadd.s32 v1, v7  }
0x108: {  	[tilespmem:v9+s14+$0x0] =	vst.idx.add.f32.msk $0xffff, v2;
	v9 =	vadd.s32 v1, v10  }
0x109: {  	v10 =	vld [tilespmem:s2+$0xD0]  }
0x10a: {  	[tilespmem:v8+s14+$0x0] =	vst.idx.add.f32.msk $0xffff, v2  }
0x10b: {  	v8 =	vld [tilespmem:s2+$0xFFFFFF50]  }
0x10c: {  	[tilespmem:v7+s14+$0x0] =	vst.idx.add.f32.msk $0xffff, v2  }
0x10d: {  	[tilespmem:v9+s14+$0x0] =	vst.idx.add.f32.msk $0xffff, v2  }
0x10e: {  	v7 =	vld [tilespmem:s2+$0xFFFFFFD0]  }
0x10f: {  	v9 =	vmul.f32 $2.560000000e+02, v10;
	v10 =	vld [tilespmem:s2+$0x50];
	_ =	sdelay $0x1  }
0x110: {  	v9 =	vtrunc.f32 v9;
	v8 =	vmul.f32 $2.560000000e+02, v8  }
0x111: {  	v9 =	vcvt.f32.s32 v9  }
0x112: {  	v7 =	vmul.f32 $2.560000000e+02, v7;
	v8 =	vtrunc.f32 v8  }
0x113: {  	v9 =	vadd.s32 v1, v9;
	v10 =	vmul.f32 $2.560000000e+02, v10;
	v8 =	vcvt.f32.s32 v8  }
0x114: {  	v7 =	vtrunc.f32 v7  }
0x115: {  	v7 =	vcvt.f32.s32 v7;
	v10 =	vtrunc.f32 v10;
	v8 =	vadd.s32 v1, v8  }
0x116: {  	v10 =	vcvt.f32.s32 v10  }
0x117: {  	v7 =	vadd.s32 v1, v7  }
0x118: {  	[tilespmem:v9+s14+$0x0] =	vst.idx.add.f32.msk $0xffff, v2;
	v9 =	vadd.s32 v1, v10  }
0x119: {  	v10 =	vld [tilespmem:s2+$0xE0]  }
0x11a: {  	[tilespmem:v8+s14+$0x0] =	vst.idx.add.f32.msk $0xffff, v2  }
0x11b: {  	v8 =	vld [tilespmem:s2+$0xFFFFFF60]  }
0x11c: {  	[tilespmem:v7+s14+$0x0] =	vst.idx.add.f32.msk $0xffff, v2  }
0x11d: {  	[tilespmem:v9+s14+$0x0] =	vst.idx.add.f32.msk $0xffff, v2  }
0x11e: {  	v7 =	vld [tilespmem:s2+$0xFFFFFFE0]  }
0x11f: {  	v9 =	vmul.f32 $2.560000000e+02, v10;
	v10 =	vld [tilespmem:s2+$0x60]  }
0x120: {  	v5 =	vadd.s32 v1, v5  }
0x121: {  	v6 =	vadd.s32 v1, v6;
	v9 =	vtrunc.f32 v9;
	v8 =	vmul.f32 $2.560000000e+02, v8  }
0x122: {  	v9 =	vcvt.f32.s32 v9  }
0x123: {  	v7 =	vmul.f32 $2.560000000e+02, v7;
	v8 =	vtrunc.f32 v8  }
0x124: {  	v9 =	vadd.s32 v1, v9;
	v10 =	vmul.f32 $2.560000000e+02, v10;
	v8 =	vcvt.f32.s32 v8  }
0x125: {  	[tilespmem:v5+s14+$0x0] =	vst.idx.add.f32.msk $0xffff, v2;
	v5 =	vtrunc.f32 v7  }
0x126: {  	[tilespmem:v6+s14+$0x0] =	vst.idx.add.f32.msk $0xffff, v2;
	v5 =	vcvt.f32.s32 v5;
	v7 =	vtrunc.f32 v10;
	v6 =	vadd.s32 v1, v8  }
0x127: {  	v10 =	vld [tilespmem:s0+$0x70];
	v7 =	vcvt.f32.s32 v7  }
0x128: {  	v8 =	vld [tilespmem:s0+$0xFFFFFFF0];
	v5 =	vadd.s32 v1, v5  }
0x129: {  	[tilespmem:v9+s14+$0x0] =	vst.idx.add.f32.msk $0xffff, v2;
	v7 =	vadd.s32 v1, v7  }
0x12a: {  	v9 =	vld [tilespmem:s2+$0xF0]  }
0x12b: {  	[tilespmem:v6+s14+$0x0] =	vst.idx.add.f32.msk $0xffff, v2  }
0x12c: {  	v4 =	vmul.f32 $2.560000000e+02, v4;
	v6 =	vld [tilespmem:s2+$0xFFFFFF70]  }
0x12d: {  	[tilespmem:v5+s14+$0x0] =	vst.idx.add.f32.msk $0xffff, v2  }
0x12e: {  	v4 =	vtrunc.f32 v4;
	[tilespmem:v7+s14+$0x0] =	vst.idx.add.f32.msk $0xffff, v2  }
0x12f: {  	v5 =	vmul.f32 $2.560000000e+02, v8;
	v7 =	vmul.f32 $2.560000000e+02, v10;
	v8 =	vld [tilespmem:s2+$0xFFFFFFF0]  }
0x130: {  	v4 =	vcvt.f32.s32 v4;
	v9 =	vmul.f32 $2.560000000e+02, v9;
	v10 =	vld [tilespmem:s2+$0x70]  }
0x131: {  	v5 =	vtrunc.f32 v5;
	v7 =	vtrunc.f32 v7  }
0x132: {  	v5 =	vcvt.f32.s32 v5;
	v9 =	vtrunc.f32 v9  }
0x133: {  	v7 =	vcvt.f32.s32 v7;
	v6 =	vmul.f32 $2.560000000e+02, v6  }
0x134: {  	v4 =	vadd.s32 v1, v4;
	v9 =	vcvt.f32.s32 v9;
	v8 =	vmul.f32 $2.560000000e+02, v8  }
0x135: {  	v5 =	vadd.s32 v1, v5;
	v6 =	vtrunc.f32 v6;
	v10 =	vmul.f32 $2.560000000e+02, v10  }
0x136: {  	v7 =	vadd.s32 v1, v7;
	v6 =	vcvt.f32.s32 v6;
	v8 =	vtrunc.f32 v8  }
0x137: {  	v9 =	vadd.s32 v1, v9;
	v8 =	vcvt.f32.s32 v8;
	v10 =	vtrunc.f32 v10  }
0x138: {  	[tilespmem:v3+s14+$0x0] =	vst.idx.add.f32.msk $0xffff, v2;
	v3 =	vadd.s32 v1, v6;
	v6 =	vcvt.f32.s32 v10  }
0x139: {  	[tilespmem:v4+s14+$0x0] =	vst.idx.add.f32.msk $0xffff, v2;
	v4 =	vadd.s32 v1, v8  }
0x13a: {  	[tilespmem:v5+s14+$0x0] =	vst.idx.add.f32.msk $0xffff, v2;
	v5 =	vadd.s32 v1, v6  }
0x13b: {  	[tilespmem:v7+s14+$0x0] =	vst.idx.add.f32.msk $0xffff, v2  }
0x13c: {  	[tilespmem:v9+s14+$0x0] =	vst.idx.add.f32.msk $0xffff, v2  }
0x13d: {  	[tilespmem:v3+s14+$0x0] =	vst.idx.add.f32.msk $0xffff, v2  }
0x13e: {  	[tilespmem:v4+s14+$0x0] =	vst.idx.add.f32.msk $0xffff, v2  }
0x13f: {  	s0 =	simm.s32 $0x0;
	[tilespmem:v5+s14+$0x0] =	vst.idx.add.f32.msk $0xffff, v2  }
0x140: {  	v3 =	vld [tilespmem:s0+$0x9000]  }
0x141: {  	v4 =	vld [tilespmem:s0+$0x9100]  }
0x142: {  	v5 =	vld [tilespmem:s0+$0x9200]  }
0x143: {  	v6 =	vld [tilespmem:s0+$0x9300]  }
0x144: {  	v7 =	vld [tilespmem:s0+$0x9400]  }
0x145: {  	v8 =	vld [tilespmem:s0+$0x9500]  }
0x146: {  	v9 =	vld [tilespmem:s0+$0x9600]  }
0x147: {  	v10 =	vld [tilespmem:s0+$0x9700]  }
0x148: {  	v11 =	vld [tilespmem:s0+$0x9800]  }
0x149: {  	v12 =	vld [tilespmem:s0+$0x9900]  }
0x14a: {  	v13 =	vld [tilespmem:s0+$0x9A00]  }
0x14b: {  	v14 =	vld [tilespmem:s0+$0x9B00]  }
0x14c: {  	v15 =	vld [tilespmem:s0+$0x9C00]  }
0x14d: {  	v16 =	vld [tilespmem:s0+$0x9D00]  }
0x14e: {  	v17 =	vld [tilespmem:s0+$0x9E00]  }
0x14f: {  	v18 =	vld [tilespmem:s0+$0x9F00]  }
0x150: {  	v19 =	vld [tilespmem:s0+$0x8000]  }
0x151: {  	v20 =	vld [tilespmem:s0+$0x8100]  }
0x152: {  	v21 =	vld [tilespmem:s0+$0x8200]  }
0x153: {  	v22 =	vld [tilespmem:s0+$0x8300]  }
0x154: {  	v23 =	vld [tilespmem:s0+$0x8400]  }
0x155: {  	v24 =	vld [tilespmem:s0+$0x8500]  }
0x156: {  	v25 =	vld [tilespmem:s0+$0x8600]  }
0x157: {  	v26 =	vld [tilespmem:s0+$0x8700]  }
0x158: {  	v27 =	vld [tilespmem:s0+$0x8800]  }
0x159: {  	v28 =	vld [tilespmem:s0+$0x8900]  }
0x15a: {  	v29 =	vld [tilespmem:s0+$0x8A00];
	v3 =	vadd.f32 v4, v3;
	v4 =	vadd.f32 v6, v5  }
0x15b: {  	v5 =	vadd.f32 v8, v7;
	v6 =	vadd.f32 v10, v9;
	v8 =	vld [tilespmem:s0+$0x8B00]  }
0x15c: {  	v7 =	vadd.f32 v12, v11;
	v9 =	vadd.f32 v14, v13;
	v10 =	vld [tilespmem:s0+$0x8C00]  }
0x15d: {  	v11 =	vadd.f32 v16, v15;
	v12 =	vadd.f32 v18, v17;
	v13 =	vld [tilespmem:s0+$0x8D00]  }
0x15e: {  	v14 =	vld [tilespmem:s0+$0x8E00];
	v3 =	vadd.f32 v4, v3;
	v4 =	vadd.f32 v6, v5  }
0x15f: {  	s2 =	simm.s32 $0x10;
	v6 =	vadd.f32 v9, v7;
	v7 =	vadd.f32 v12, v11;
	v11 =	vld [tilespmem:s0+$0x8F00]  }
0x160: {  	v15 =	vadd.f32 v22, v21;
	v16 =	vadd.f32 v24, v23;
	v21 =	vld [tilespmem:s2+$0x9E00]  }
0x161: {  	v17 =	vadd.f32 v26, v25;
	v18 =	vadd.f32 v28, v27;
	v5 =	vld [tilespmem:s2+$0x9000]  }
0x162: {  	v12 =	vadd.f32 v20, v19;
	v9 =	vld [tilespmem:s2+$0x9300];
	v3 =	vadd.f32 v4, v3  }
0x163: {  	v20 =	vld [tilespmem:s2+$0x9D00];
	v4 =	vadd.f32 v7, v6;
	v19 =	vadd.f32 v8, v29  }
0x164: {  	v6 =	vld [tilespmem:s2+$0x9100];
	v13 =	vadd.f32 v13, v10;
	v14 =	vadd.f32 v11, v14  }
0x165: {  	v7 =	vld [tilespmem:s2+$0x9200];
	v12 =	vadd.f32 v15, v12;
	v15 =	vadd.f32 v17, v16  }
0x166: {  	v17 =	vld [tilespmem:s2+$0x9C00];
	v16 =	vadd.f32 v19, v18;
	v14 =	vadd.f32 v14, v13  }
0x167: {  	v8 =	vld [tilespmem:s2+$0x9400];
	v3 =	vadd.f32 v4, v3  }
0x168: {  	v10 =	vld [tilespmem:s2+$0x9500];
	v4 =	vadd.f32 v15, v12;
	v14 =	vadd.f32 v14, v16  }
0x169: {  	v12 =	vld [tilespmem:s2+$0x9800];
	v19 =	vmul.f32 $2.441406250e-04, v3  }
0x16a: {  	v15 =	vld [tilespmem:s2+$0x9900];
	v3 =	vadd.f32 v14, v4  }
0x16b: {  	v11 =	vld [tilespmem:s2+$0x9600];
	v4 =	vadd.f32 $-7.812500000e-03, v19  }
0x16c: {  	v18 =	vld [tilespmem:s2+$0x9B00];
	v22 =	vmul.f32 $2.441406250e-04, v3  }
0x16d: {  	v13 =	vld [tilespmem:s2+$0x9700];
	v14 =	vmin.f32 v19, $7.812500000e-03;
	v3 =	vimm.f32 $0.0e+00;
	v4 =	vmax.f32 v4, $0.0e+00  }
0x16e: {  	s5 =	simm.s32 $0x80;
	v16 =	vld [tilespmem:s2+$0x9A00];
	[tilespmem:s0+$0xA100] =	vst v14;
	v4 =	vadd.f32 v4, v3;
	v14 =	vmin.f32 v22, $7.812500000e-03;
	v19 =	vadd.f32 $-7.812500000e-03, v22  }
.LBB2_5:
0x16f: {  	p0 =	sne.s32 s5, $0x3C0;
	v22 =	vld [tilespmem:s2+$0x9F00];
	[tilespmem:s0+$0xA000] =	vst v14;
	s0 =	smov.u32 s2  }
0x170: {  	v14 =	vld [tilespmem:s0+$0x8000];
	v19 =	vmax.f32 v19, $0.0e+00  }
0x171: {  	v5 =	vadd.f32 v6, v5;
	v6 =	vadd.f32 v9, v7;
	v23 =	vld [tilespmem:s0+$0x8100]  }
0x172: {  	v8 =	vadd.f32 v10, v8;
	v9 =	vadd.f32 v13, v11;
	v7 =	vld [tilespmem:s0+$0x8200]  }
0x173: {  	v11 =	vadd.f32 v15, v12;
	v12 =	vadd.f32 v18, v16;
	v10 =	vld [tilespmem:s0+$0x8300]  }
0x174: {  	v15 =	vadd.f32 v20, v17;
	v13 =	vld [tilespmem:s0+$0x8400];
	v16 =	vadd.f32 v22, v21  }
0x175: {  	v5 =	vadd.f32 v6, v5;
	v6 =	vadd.f32 v9, v8;
	v17 =	vld [tilespmem:s0+$0x8500]  }
0x176: {  	v9 =	vadd.f32 v12, v11;
	v8 =	vld [tilespmem:s0+$0x8600];
	v11 =	vadd.f32 v16, v15  }
0x177: {  	v3 =	vadd.f32 v19, v3;
	v14 =	vadd.f32 v23, v14;
	v12 =	vld [tilespmem:s0+$0x8700]  }
0x178: {  	v5 =	vadd.f32 v6, v5;
	v15 =	vld [tilespmem:s0+$0x8800];
	v6 =	vadd.f32 v11, v9  }
0x179: {  	v7 =	vadd.f32 v10, v7;
	v9 =	vld [tilespmem:s0+$0x8900]  }
0x17a: {  	v10 =	vld [tilespmem:s0+$0x8A00];
	v11 =	vadd.f32 v17, v13;
	v5 =	vadd.f32 v6, v5  }
0x17b: {  	v7 =	vadd.f32 v7, v14;
	v6 =	vld [tilespmem:s0+$0x8B00]  }
0x17c: {  	v13 =	vld [tilespmem:s0+$0x8C00];
	v8 =	vadd.f32 v12, v8;
	v5 =	vmul.f32 $2.441406250e-04, v5  }
0x17d: {  	v12 =	vld [tilespmem:s0+$0x8D00]  }
0x17e: {  	v14 =	vld [tilespmem:s0+$0x8E00];
	v9 =	vadd.f32 v9, v15;
	v15 =	vmin.f32 v5, $7.812500000e-03;
	v16 =	vadd.f32 $-7.812500000e-03, v5  }
0x17f: {  	s2 =	sshra.s32 s5, $0x2;
	v8 =	vadd.f32 v8, v11;
	v17 =	vld [tilespmem:s0+$0x8F00];
	[tilespmem:s0+$0xA100] =	vst v15  }
0x180: {  	v5 =	vld [tilespmem:s2+$0x9000];
	v10 =	vadd.f32 v6, v10;
	v11 =	vmax.f32 v16, $0.0e+00  }
0x181: {  	v18 =	vadd.f32 v8, v7;
	v6 =	vld [tilespmem:s2+$0x9100];
	v4 =	vadd.f32 v11, v4  }
0x182: {  	v7 =	vld [tilespmem:s2+$0x9200];
	v12 =	vadd.f32 v12, v13;
	v15 =	vadd.f32 v10, v9  }
0x183: {  	v9 =	vld [tilespmem:s2+$0x9300]  }
0x184: {  	v8 =	vld [tilespmem:s2+$0x9400];
	v13 =	vadd.f32 v17, v14  }
0x185: {  	v10 =	vld [tilespmem:s2+$0x9500]  }
0x186: {  	v11 =	vld [tilespmem:s2+$0x9600];
	v14 =	vadd.f32 v13, v12  }
0x187: {  	v13 =	vld [tilespmem:s2+$0x9700]  }
0x188: {  	v12 =	vld [tilespmem:s2+$0x9800];
	v14 =	vadd.f32 v14, v15  }
0x189: {  	v15 =	vld [tilespmem:s2+$0x9900]  }
.Ltmp1:
0x18a: {  	v16 =	vld [tilespmem:s2+$0x9A00];
	v14 =	vadd.f32 v14, v18;
	(pc) =	sbr.rel @p0 .LBB2_5-.Ltmp1, $4  }
0x18b: {  	v18 =	vld [tilespmem:s2+$0x9B00]  }
0x18c: {  	v17 =	vld [tilespmem:s2+$0x9C00];
	v19 =	vmul.f32 $2.441406250e-04, v14  }
0x18d: {  	v20 =	vld [tilespmem:s2+$0x9D00]  }
0x18e: {  	s5 =	sadd.s32 $0x40, s5;
	v21 =	vld [tilespmem:s2+$0x9E00];
	v14 =	vmin.f32 v19, $7.812500000e-03;
	v19 =	vadd.f32 $-7.812500000e-03, v19  }
0x18f: {  	v22 =	vld [tilespmem:s2+$0x9F00]  }
0x190: {  	v23 =	vld [tilespmem:s2+$0x8000]  }
0x191: {  	v24 =	vld [tilespmem:s2+$0x8100]  }
0x192: {  	v25 =	vld [tilespmem:s2+$0x8200]  }
0x193: {  	v26 =	vld [tilespmem:s2+$0x8300]  }
0x194: {  	v27 =	vld [tilespmem:s2+$0x8400]  }
0x195: {  	v28 =	vld [tilespmem:s2+$0x8500]  }
0x196: {  	v29 =	vld [tilespmem:s2+$0x8600]  }
0x197: {  	v30 =	vld [tilespmem:s2+$0x8700]  }
0x198: {  	v31 =	vld [tilespmem:s2+$0x8800]  }
0x199: {  	v32 =	vld [tilespmem:s2+$0x8900]  }
0x19a: {  	v33 =	vld [tilespmem:s2+$0x8A00]  }
0x19b: {  	v34 =	vld [tilespmem:s2+$0x8B00]  }
0x19c: {  	v5 =	vadd.f32 v6, v5;
	v6 =	vadd.f32 v9, v7;
	v7 =	vld [tilespmem:s2+$0x8C00]  }
0x19d: {  	v8 =	vadd.f32 v10, v8;
	v44 =	vadd.f32 v13, v11;
	v45 =	vld [tilespmem:s2+$0x8D00]  }
0x19e: {  	v46 =	vadd.f32 v15, v12;
	v48 =	vld [tilespmem:s2+$0x8E00];
	v47 =	vadd.f32 v18, v16  }
0x19f: {  	v51 =	vld [tilespmem:s2+$0x8F00];
	v5 =	vadd.f32 v6, v5;
	v6 =	vadd.f32 v44, v8  }
0x1a0: {  	v49 =	vadd.f32 v20, v17;
	v50 =	vadd.f32 v22, v21  }
0x1a1: {  	v52 =	vadd.f32 v24, v23;
	v53 =	vadd.f32 v26, v25  }
0x1a2: {  	v54 =	vadd.f32 v28, v27;
	v55 =	vadd.f32 v30, v29  }
0x1a3: {  	v56 =	vadd.f32 v32, v31;
	v57 =	vadd.f32 v34, v33  }
0x1a4: {  	v7 =	vadd.f32 v45, v7;
	v58 =	vadd.f32 v51, v48  }
0x1a5: {  	v8 =	vadd.f32 v53, v52;
	v59 =	vadd.f32 v55, v54  }
0x1a6: {  	v60 =	vadd.f32 v57, v56;
	v7 =	vadd.f32 v58, v7  }
0x1a7: {  	v61 =	vadd.f32 v47, v46;
	v62 =	vadd.f32 v50, v49  }
0x1a8: {  	v8 =	vadd.f32 v59, v8;
	v7 =	vadd.f32 v7, v60  }
0x1a9: {  	v5 =	vadd.f32 v6, v5;
	v6 =	vadd.f32 v62, v61  }
0x1aa: {  	v7 =	vadd.f32 v7, v8  }
0x1ab: {  	v5 =	vadd.f32 v6, v5  }
0x1ac: {  	v6 =	vmul.f32 $2.441406250e-04, v7  }
0x1ad: {  	v5 =	vmul.f32 $2.441406250e-04, v5  }
0x1ae: {  	v7 =	vmax.f32 v19, $0.0e+00;
	v63 =	vadd.f32 $-7.812500000e-03, v6  }
0x1af: {  	v3 =	vadd.f32 v7, v3;
	v7 =	vadd.f32 $-7.812500000e-03, v5  }
0x1b0: {  	v8 =	vmax.f32 v63, $0.0e+00  }
0x1b1: {  	v7 =	vmax.f32 v7, $0.0e+00;
	v3 =	vadd.f32 v8, v3  }
0x1b2: {  	v4 =	vadd.f32 v7, v4  }
0x1b3: {  	(xrf2) =	vadd.scan.msk.f32 $0xffff, v3  }
0x1b4: {  	(xrf2) =	vadd.scan.msk.f32 $0xffff, v4;
	_ =	sdelay $0x8  }
0x1b5: {  	v3, _, _ =	vpop (xrf2)  }
0x1b6: {  	(v2sf) =	vpush v3, $0xF;
	v3, _, _ =	vpop (xrf2)  }
0x1b7: {  	(v2sf) =	vpush v3, $0xF;
	_ =	sdelay $0x9  }
0x1b8: {  	[tilespmem:s0+$0xA000] =	vst v14;
	v3 =	vmin.f32 v5, $7.812500000e-03  }
0x1b9: {  	[tilespmem:s2+$0xA100] =	vst v3;
	v3 =	vmin.f32 v6, $7.812500000e-03  }
0x1ba: {  	s9 =	simm.s32 $0x0;
	s11 =	simm.s32 $0xA000;
	[tilespmem:s2+$0xA000] =	vst v3  }
0x1bb: {  	s0 =	sand.u32 $0xF0, s9;
	v5 =	vld [tilespmem:s11+$0x0]  }
0x1bc: {  	v6 =	vld [tilespmem:s0+$0xA100];
	s17 =	spop (v2sf)  }
0x1bd: {  	s29 =	smul.f32 $3.906250000e-03, s17;
	s30 =	spop (v2sf)  }
0x1be: {  	s2 =	smul.f32 $3.906250000e-03, s30  }
0x1bf: {  	v3 =	vmov s29  }
0x1c0: {  	v4 =	vmov s2;
	v5 =	vadd.f32 v5, v3  }
0x1c1: {  	v6 =	vadd.f32 v6, v4  }
0x1c2: {  	(xrf2) =	vadd.scan.msk.f32 $0xffff, v5  }
0x1c3: {  	(xrf2) =	vadd.scan.msk.f32 $0xffff, v6;
	_ =	sdelay $0x8  }
0x1c4: {  	v5, _, _ =	vpop (xrf2)  }
0x1c5: {  	s0 =	simm.f32 $0.0e+00;
	(v2sf) =	vpush v5, $0xF;
	v6, _, _ =	vpop (xrf2)  }
0x1c6: {  	v5 =	vadd.f32 s0, v5;
	(v2sf) =	vpush v6, $0xF  }
0x1c7: {  	s2 =	simm.s32 $0xA200;
	v6 =	vadd.f32 s0, v6  }
0x1c8: {  	s5 =	simm.s32 $0xA300;
	[tilespmem:s2+$0x0] =	vst v5  }
0x1c9: {  	[tilespmem:s5+$0x0] =	vst v6;
	s5 =	simm.s32 $0xA010  }
0x1ca: {  	v5 =	vld [tilespmem:s5+$0x0]  }
0x1cb: {  	s6 =	simm.s32 $0x10  }
0x1cc: {  	s6 =	sand.u32 $0xF0, s6  }
0x1cd: {  	v6 =	vld [tilespmem:s6+$0xA100];
	_ =	sdelay $0x1  }
0x1ce: {  	v5 =	vadd.f32 v5, v3;
	_ =	sdelay $0x1  }
0x1cf: {  	(xrf2) =	vadd.scan.msk.f32 $0xffff, v5  }
0x1d0: {  	v6 =	vadd.f32 v6, v4;
	_ =	sdelay $0x1  }
0x1d1: {  	s9 =	simm.s32 $0x20;
	(xrf2) =	vadd.scan.msk.f32 $0xffff, v6;
	s31 =	spop (v2sf)  }
0x1d2: {  	s6 =	simm.s32 $0xA310;
	s8 =	sadd.f32 s31, s0;
	s11 =	spop (v2sf)  }
.LBB2_7:
0x1d3: {  	s0 =	sadd.f32 s11, s0  }
0x1d4: {  	s2 =	sadd.s32 $0x10, s2;
	s11 =	smov.u32 s9;
	s17 =	sadd.s32 $0x10, s9  }
0x1d5: {  	p0 =	sne.s32 s9, $0xF0;
	_ =	sdelay $0x2  }
0x1d6: {  	v5, _, _ =	vpop (xrf2)  }
0x1d7: {  	v6 =	vadd.f32 s8, v5;
	(v2sf) =	vpush v5, $0xF;
	_ =	sdelay $0x1  }
0x1d8: {  	[tilespmem:s2+$0x0] =	vst v6;
	v5, _, _ =	vpop (xrf2)  }
0x1d9: {  	v6 =	vadd.f32 s0, v5;
	(v2sf) =	vpush v5, $0xF;
	_ =	sdelay $0x1  }
0x1da: {  	s5 =	sadd.s32 $0x10, s5;
	[tilespmem:s6+$0x0] =	vst v6  }
0x1db: {  	v5 =	vld [tilespmem:s5+$0x0];
	_ =	sdelay $0x1  }
0x1dc: {  	s9 =	sand.u32 $0xF0, s11  }
0x1dd: {  	v6 =	vld [tilespmem:s9+$0xA100];
	_ =	sdelay $0x1  }
0x1de: {  	v5 =	vadd.f32 v5, v3;
	_ =	sdelay $0x1  }
0x1df: {  	(xrf2) =	vadd.scan.msk.f32 $0xffff, v5  }
.Ltmp2:
0x1e0: {  	v5 =	vadd.f32 v6, v4;
	(pc) =	sbr.rel @p0 .LBB2_7-.Ltmp2, $3  }
0x1e1: {  	s9 =	spop (v2sf)  }
0x1e2: {  	(xrf2) =	vadd.scan.msk.f32 $0xffff, v5;
	s8 =	sadd.f32 s9, s8;
	_ =	sdelay $0x1  }
0x1e3: {  	s6 =	sadd.s32 $0x10, s6;
	s9 =	smov.u32 s17;
	s11 =	spop (v2sf)  }
0x1e4: {  	_ =	sdelay $0x5  }
0x1e5: {  	v3, _, _ =	vpop (xrf2)  }
0x1e6: {  	(v2sf) =	vpush v3, $0xF;
	v4, _, _ =	vpop (xrf2)  }
0x1e7: {  	(v2sf) =	vpush v4, $0xF;
	_ =	sdelay $0x5  }
0x1e8: {  	s0 =	sadd.f32 s11, s0  }
0x1e9: {  	v3 =	vadd.f32 s8, v3  }
0x1ea: {  	s2 =	sadd.s32 $0x10, s2;
	v4 =	vadd.f32 s0, v4  }
0x1eb: {  	[tilespmem:s2+$0x0] =	vst v3  }
0x1ec: {  	[tilespmem:s6+$0x0] =	vst v4  }
0x1ed: {  	[tilespmem:s12], [sflag:$0x5] =	stream.linear.gather [spmem:s4], $0x1000, $0x38;
	[tilespmem:$0xA500] =	vst v63  }
0x1ee: {  	_ = 	snop  }
0x1ef: {  	[tilespmem:s14], [sflag:$0x5] =	stream.linear.gather [spmem:s4], $0x1000, $0x38;
	[tilespmem:$0xA500] =	vst v63  }
0x1f0: {  	p1 =	seq.s32 s28, $0x0;
	s11 =	spop (v2sf)  }
0x1f1: {  	s0 =	simm.s32 @!p1 $0x3;
	s17 =	spop (v2sf)  }
0x1f2: {  	_ =	swait.ge @!p1 [sflag:s0], $0x2000  }
0x1f3: {  	[sflag:s0] =	ssyncset.done @!p1 $0x0  }
0x1f4: {  	s5 =	simm.s32 $0x100;
	[sflag:s0] =	ssyncadd.s32 @!p1 $0xFFFFE000  }
0x1f5: {  	v3 =	vld [tilespmem:s5+$0x80];
	_ =	sdelay $0x4  }
0x1f6: {  	v3 =	vmul.f32 $2.550000000e+02, v3;
	_ =	sdelay $0x1  }
0x1f7: {  	v3 =	vtrunc.f32 v3  }
0x1f8: {  	v3 =	vcvt.f32.s32 v3;
	_ =	sdelay $0x3  }
0x1f9: {  	v4 =	vld [tilespmem:s5+$0xFFFFFF00]  }
0x1fa: {  	v5 =	vld [tilespmem:s5+$0xFFFFFF80]  }
0x1fb: {  	v3 =	vld.idx.msk [tilespmem:v3+s19+$0x0], $0xffff;
	_ =	sdelay $0x2  }
0x1fc: {  	v6 =	vld [tilespmem:s5+$0x0];
	v4 =	vmul.f32 $2.550000000e+02, v4  }
0x1fd: {  	s30 =	simm.s32 $0x4100;
	v5 =	vmul.f32 $2.550000000e+02, v5  }
0x1fe: {  	v4 =	vtrunc.f32 v4;
	[tilespmem:s30+$0x80] =	vst v3  }
0x1ff: {  	v4 =	vcvt.f32.s32 v4;
	v3 =	vtrunc.f32 v5;
	v5 =	vld [tilespmem:s5+$0x90]  }
0x200: {  	v3 =	vcvt.f32.s32 v3  }
0x201: {  	v6 =	vmul.f32 $2.550000000e+02, v6;
	_ =	sdelay $0x1  }
0x202: {  	v6 =	vtrunc.f32 v6  }
0x203: {  	v6 =	vcvt.f32.s32 v6;
	v5 =	vmul.f32 $2.550000000e+02, v5  }
0x204: {  	v4 =	vld.idx.msk [tilespmem:v4+s19+$0x0], $0xffff  }
0x205: {  	v3 =	vld.idx.msk [tilespmem:v3+s19+$0x0], $0xffff;
	v5 =	vtrunc.f32 v5  }
0x206: {  	v5 =	vcvt.f32.s32 v5;
	_ =	sdelay $0x2  }
0x207: {  	v6 =	vld.idx.msk [tilespmem:v6+s19+$0x0], $0xffff;
	[tilespmem:s30+$0xFFFFFF00] =	vst v4  }
0x208: {  	v4 =	vld [tilespmem:s5+$0xFFFFFF10];
	[tilespmem:s30+$0xFFFFFF80] =	vst v3  }
0x209: {  	v3 =	vld [tilespmem:s5+$0xFFFFFF90]  }
0x20a: {  	v5 =	vld.idx.msk [tilespmem:v5+s19+$0x0], $0xffff;
	_ =	sdelay $0x1  }
0x20b: {  	[tilespmem:s30+$0x0] =	vst v6  }
0x20c: {  	v6 =	vld [tilespmem:s5+$0x10];
	v4 =	vmul.f32 $2.550000000e+02, v4  }
0x20d: {  	v3 =	vmul.f32 $2.550000000e+02, v3  }
0x20e: {  	v4 =	vtrunc.f32 v4;
	[tilespmem:s30+$0x90] =	vst v5  }
0x20f: {  	v4 =	vcvt.f32.s32 v4;
	v3 =	vtrunc.f32 v3;
	v5 =	vld [tilespmem:s5+$0xA0]  }
0x210: {  	v3 =	vcvt.f32.s32 v3  }
0x211: {  	v6 =	vmul.f32 $2.550000000e+02, v6;
	_ =	sdelay $0x1  }
0x212: {  	v6 =	vtrunc.f32 v6  }
0x213: {  	v6 =	vcvt.f32.s32 v6;
	v5 =	vmul.f32 $2.550000000e+02, v5  }
0x214: {  	v4 =	vld.idx.msk [tilespmem:v4+s19+$0x0], $0xffff  }
0x215: {  	v3 =	vld.idx.msk [tilespmem:v3+s19+$0x0], $0xffff;
	v5 =	vtrunc.f32 v5  }
0x216: {  	v5 =	vcvt.f32.s32 v5;
	_ =	sdelay $0x2  }
0x217: {  	v6 =	vld.idx.msk [tilespmem:v6+s19+$0x0], $0xffff;
	[tilespmem:s30+$0xFFFFFF10] =	vst v4  }
0x218: {  	v4 =	vld [tilespmem:s5+$0xFFFFFF20];
	[tilespmem:s30+$0xFFFFFF90] =	vst v3  }
0x219: {  	v3 =	vld [tilespmem:s5+$0xFFFFFFA0]  }
0x21a: {  	v5 =	vld.idx.msk [tilespmem:v5+s19+$0x0], $0xffff;
	_ =	sdelay $0x1  }
0x21b: {  	[tilespmem:s30+$0x10] =	vst v6  }
0x21c: {  	v6 =	vld [tilespmem:s5+$0x20];
	v4 =	vmul.f32 $2.550000000e+02, v4;
	_ =	sdelay $0x1  }
0x21d: {  	v4 =	vtrunc.f32 v4;
	v3 =	vmul.f32 $2.550000000e+02, v3;
	[tilespmem:s30+$0xA0] =	vst v5  }
0x21e: {  	s2 =	simm.s32 $0x300;
	v4 =	vcvt.f32.s32 v4;
	v5 =	vld [tilespmem:s5+$0xB0]  }
0x21f: {  	v7 =	vld [tilespmem:s2+$0x80];
	v3 =	vtrunc.f32 v3  }
0x220: {  	v6 =	vmul.f32 $2.550000000e+02, v6;
	v3 =	vcvt.f32.s32 v3;
	_ =	sdelay $0x1  }
0x221: {  	v6 =	vtrunc.f32 v6  }
0x222: {  	v6 =	vcvt.f32.s32 v6;
	v5 =	vmul.f32 $2.550000000e+02, v5  }
0x223: {  	v7 =	vmul.f32 $2.550000000e+02, v7;
	v4 =	vld.idx.msk [tilespmem:v4+s19+$0x0], $0xffff  }
0x224: {  	v8 =	vld [tilespmem:s2+$0xFFFFFF00];
	v5 =	vtrunc.f32 v5  }
0x225: {  	v7 =	vtrunc.f32 v7;
	v3 =	vld.idx.msk [tilespmem:v3+s19+$0x0], $0xffff;
	v5 =	vcvt.f32.s32 v5  }
0x226: {  	v9 =	vld [tilespmem:s2+$0xFFFFFF80];
	v7 =	vcvt.f32.s32 v7  }
0x227: {  	v10 =	vld [tilespmem:s2+$0x0]  }
0x228: {  	[tilespmem:s30+$0xFFFFFF20] =	vst v4;
	v4 =	vld.idx.msk [tilespmem:v6+s19+$0x0], $0xffff;
	_ =	sdelay $0x1  }
0x229: {  	v6 =	vld [tilespmem:s5+$0xFFFFFF30];
	[tilespmem:s30+$0xFFFFFFA0] =	vst v3;
	v3 =	vmul.f32 $2.550000000e+02, v8  }
0x22a: {  	v9 =	vmul.f32 $2.550000000e+02, v9;
	v5 =	vld.idx.msk [tilespmem:v5+s19+$0x0], $0xffff  }
0x22b: {  	v10 =	vmul.f32 $2.550000000e+02, v10;
	v7 =	vld.idx.msk [tilespmem:v7+s19+$0x0], $0xffff;
	v3 =	vtrunc.f32 v3  }
0x22c: {  	v9 =	vtrunc.f32 v9;
	[tilespmem:s30+$0x20] =	vst v4;
	v8 =	vld [tilespmem:s5+$0xFFFFFFB0];
	v3 =	vcvt.f32.s32 v3  }
0x22d: {  	v10 =	vtrunc.f32 v10;
	v4 =	vcvt.f32.s32 v9;
	v9 =	vld [tilespmem:s5+$0x30]  }
0x22e: {  	v10 =	vcvt.f32.s32 v10;
	v6 =	vmul.f32 $2.550000000e+02, v6  }
0x22f: {  	s31 =	simm.s32 $0x4300;
	[tilespmem:s30+$0xB0] =	vst v5  }
0x230: {  	[tilespmem:s31+$0x80] =	vst v7;
	v5 =	vtrunc.f32 v6;
	v7 =	vld [tilespmem:s5+$0xC0]  }
0x231: {  	v6 =	vmul.f32 $2.550000000e+02, v8;
	v8 =	vld [tilespmem:s2+$0x90];
	v5 =	vcvt.f32.s32 v5  }
0x232: {  	v9 =	vmul.f32 $2.550000000e+02, v9;
	v3 =	vld.idx.msk [tilespmem:v3+s19+$0x0], $0xffff  }
0x233: {  	v4 =	vld.idx.msk [tilespmem:v4+s19+$0x0], $0xffff  }
0x234: {  	v10 =	vld.idx.msk [tilespmem:v10+s19+$0x0], $0xffff;
	v9 =	vtrunc.f32 v9;
	v6 =	vtrunc.f32 v6  }
0x235: {  	v6 =	vcvt.f32.s32 v6;
	v7 =	vmul.f32 $2.550000000e+02, v7  }
0x236: {  	v9 =	vcvt.f32.s32 v9;
	v8 =	vmul.f32 $2.550000000e+02, v8  }
0x237: {  	[tilespmem:s31+$0xFFFFFF00] =	vst v3;
	v3 =	vld.idx.msk [tilespmem:v5+s19+$0x0], $0xffff;
	v5 =	vtrunc.f32 v7  }
0x238: {  	[tilespmem:s31+$0xFFFFFF80] =	vst v4;
	v8 =	vtrunc.f32 v8;
	v7 =	vld [tilespmem:s2+$0xFFFFFF10];
	v5 =	vcvt.f32.s32 v5  }
0x239: {  	[tilespmem:s31+$0x0] =	vst v10;
	v4 =	vcvt.f32.s32 v8;
	v8 =	vld [tilespmem:s2+$0xFFFFFF90]  }
0x23a: {  	v10 =	vld [tilespmem:s2+$0x10]  }
0x23b: {  	v6 =	vld.idx.msk [tilespmem:v6+s19+$0x0], $0xffff  }
0x23c: {  	[tilespmem:s30+$0xFFFFFF30] =	vst v3;
	v3 =	vld.idx.msk [tilespmem:v9+s19+$0x0], $0xffff  }
0x23d: {  	v7 =	vmul.f32 $2.550000000e+02, v7;
	v9 =	vld [tilespmem:s5+$0xFFFFFF40]  }
0x23e: {  	v8 =	vmul.f32 $2.550000000e+02, v8;
	v5 =	vld.idx.msk [tilespmem:v5+s20+$0x0], $0xffff  }
0x23f: {  	v4 =	vld.idx.msk [tilespmem:v4+s19+$0x0], $0xffff;
	v7 =	vtrunc.f32 v7  }
0x240: {  	[tilespmem:s30+$0xFFFFFFB0] =	vst v6;
	v8 =	vtrunc.f32 v8;
	v6 =	vcvt.f32.s32 v7  }
0x241: {  	v7 =	vmul.f32 $2.550000000e+02, v10;
	v10 =	vld [tilespmem:s5+$0xFFFFFFC0];
	v8 =	vcvt.f32.s32 v8  }
0x242: {  	[tilespmem:s30+$0x30] =	vst v3  }
0x243: {  	v3 =	vtrunc.f32 v7;
	v7 =	vld [tilespmem:s5+$0x40];
	[tilespmem:s30+$0xC0] =	vst v5  }
0x244: {  	v3 =	vcvt.f32.s32 v3;
	[tilespmem:s31+$0x90] =	vst v4;
	v5 =	vmul.f32 $2.550000000e+02, v9;
	v4 =	vld [tilespmem:s5+$0xD0]  }
0x245: {  	v9 =	vld [tilespmem:s2+$0xA0]  }
0x246: {  	v10 =	vmul.f32 $2.550000000e+02, v10;
	v6 =	vld.idx.msk [tilespmem:v6+s19+$0x0], $0xffff;
	v5 =	vtrunc.f32 v5  }
0x247: {  	v8 =	vld.idx.msk [tilespmem:v8+s19+$0x0], $0xffff;
	v5 =	vcvt.f32.s32 v5  }
0x248: {  	v10 =	vtrunc.f32 v10;
	v7 =	vmul.f32 $2.550000000e+02, v7  }
0x249: {  	v10 =	vcvt.f32.s32 v10;
	v4 =	vmul.f32 $2.550000000e+02, v4  }
0x24a: {  	v3 =	vld.idx.msk [tilespmem:v3+s19+$0x0], $0xffff;
	v7 =	vtrunc.f32 v7;
	v9 =	vmul.f32 $2.550000000e+02, v9  }
0x24b: {  	[tilespmem:s31+$0xFFFFFF10] =	vst v6;
	v6 =	vcvt.f32.s32 v7;
	v4 =	vtrunc.f32 v4  }
0x24c: {  	v9 =	vtrunc.f32 v9;
	[tilespmem:s31+$0xFFFFFF90] =	vst v8;
	v7 =	vld [tilespmem:s2+$0xFFFFFF20];
	v4 =	vcvt.f32.s32 v4  }
0x24d: {  	v8 =	vcvt.f32.s32 v9;
	v9 =	vld [tilespmem:s2+$0xFFFFFFA0]  }
0x24e: {  	v5 =	vld.idx.msk [tilespmem:v5+s20+$0x0], $0xffff  }
0x24f: {  	s0 =	simm.s32 $0x500;
	[tilespmem:s31+$0x10] =	vst v3;
	v3 =	vld.idx.msk [tilespmem:v10+s20+$0x0], $0xffff  }
0x250: {  	v12 =	vld [tilespmem:s0+$0xFFFFFF80]  }
0x251: {  	v10 =	vld [tilespmem:s2+$0x20]  }
0x252: {  	v7 =	vmul.f32 $2.550000000e+02, v7;
	v4 =	vld.idx.msk [tilespmem:v4+s20+$0x0], $0xffff  }
0x253: {  	v9 =	vmul.f32 $2.550000000e+02, v9;
	[tilespmem:s30+$0xFFFFFF40] =	vst v5;
	v5 =	vld.idx.msk [tilespmem:v8+s19+$0x0], $0xffff  }
0x254: {  	v11 =	vld [tilespmem:s0+$0x80];
	[tilespmem:s30+$0xFFFFFFC0] =	vst v3;
	v3 =	vtrunc.f32 v7  }
0x255: {  	v8 =	vld [tilespmem:s5+$0xFFFFFF50];
	v9 =	vtrunc.f32 v9;
	v3 =	vcvt.f32.s32 v3  }
0x256: {  	v13 =	vld [tilespmem:s0+$0xFFFFFF00];
	v12 =	vmul.f32 $2.550000000e+02, v12;
	v9 =	vcvt.f32.s32 v9  }
0x257: {  	v7 =	vld [tilespmem:s5+$0xFFFFFFD0];
	[tilespmem:s30+$0xD0] =	vst v4  }
0x258: {  	v12 =	vtrunc.f32 v12;
	[tilespmem:s31+$0xA0] =	vst v5;
	v4 =	vmul.f32 $2.550000000e+02, v10;
	v5 =	vld [tilespmem:s5+$0xE0]  }
0x259: {  	v11 =	vmul.f32 $2.550000000e+02, v11;
	v12 =	vcvt.f32.s32 v12;
	v10 =	vld [tilespmem:s2+$0xB0]  }
0x25a: {  	v6 =	vld.idx.msk [tilespmem:v6+s20+$0x0], $0xffff;
	v8 =	vmul.f32 $2.550000000e+02, v8;
	v4 =	vtrunc.f32 v4  }
0x25b: {  	v13 =	vmul.f32 $2.550000000e+02, v13;
	v3 =	vld.idx.msk [tilespmem:v3+s19+$0x0], $0xffff;
	v4 =	vcvt.f32.s32 v4  }
0x25c: {  	v7 =	vmul.f32 $2.550000000e+02, v7;
	v8 =	vtrunc.f32 v8;
	v9 =	vld.idx.msk [tilespmem:v9+s19+$0x0], $0xffff  }
0x25d: {  	v8 =	vcvt.f32.s32 v8;
	v5 =	vmul.f32 $2.550000000e+02, v5  }
0x25e: {  	v14 =	vld [tilespmem:s0+$0x0];
	v7 =	vtrunc.f32 v7;
	v10 =	vmul.f32 $2.550000000e+02, v10  }
0x25f: {  	v12 =	vld.idx.msk [tilespmem:v12+s19+$0x0], $0xffff;
	[tilespmem:s30+$0x40] =	vst v6;
	v7 =	vcvt.f32.s32 v7;
	v5 =	vtrunc.f32 v5  }
0x260: {  	v6 =	vld [tilespmem:s5+$0x50];
	v10 =	vtrunc.f32 v10;
	[tilespmem:s31+$0xFFFFFF20] =	vst v3;
	v5 =	vcvt.f32.s32 v5  }
0x261: {  	[tilespmem:s31+$0xFFFFFFA0] =	vst v9;
	v10 =	vcvt.f32.s32 v10;
	v3 =	vld.idx.msk [tilespmem:v4+s19+$0x0], $0xffff;
	v4 =	vtrunc.f32 v11  }
0x262: {  	v9 =	vtrunc.f32 v13;
	v13 =	vld [tilespmem:s2+$0xFFFFFFB0];
	v4 =	vcvt.f32.s32 v4  }
0x263: {  	v11 =	vld [tilespmem:s2+$0xFFFFFF30]  }
0x264: {  	v9 =	vcvt.f32.s32 v9;
	v8 =	vld.idx.msk [tilespmem:v8+s20+$0x0], $0xffff  }
0x265: {  	v7 =	vld.idx.msk [tilespmem:v7+s20+$0x0], $0xffff  }
0x266: {  	v6 =	vmul.f32 $2.550000000e+02, v6;
	v5 =	vld.idx.msk [tilespmem:v5+s20+$0x0], $0xffff  }
0x267: {  	v14 =	vmul.f32 $2.550000000e+02, v14;
	v10 =	vld.idx.msk [tilespmem:v10+s19+$0x0], $0xffff  }
0x268: {  	v6 =	vtrunc.f32 v6;
	[tilespmem:s31+$0x20] =	vst v3;
	v3 =	vld.idx.msk [tilespmem:v4+s19+$0x0], $0xffff  }
0x269: {  	v11 =	vmul.f32 $2.550000000e+02, v11;
	v4 =	vtrunc.f32 v14;
	v14 =	vld [tilespmem:s2+$0x30]  }
0x26a: {  	v6 =	vcvt.f32.s32 v6;
	[tilespmem:s30+$0xFFFFFF50] =	vst v8;
	v9 =	vld.idx.msk [tilespmem:v9+s19+$0x0], $0xffff;
	v4 =	vcvt.f32.s32 v4  }
0x26b: {  	v8 =	vtrunc.f32 v11;
	v11 =	vmul.f32 $2.550000000e+02, v13;
	v13 =	vld [tilespmem:s5+$0xFFFFFF60];
	[tilespmem:s30+$0xE0] =	vst v5  }
0x26c: {  	s8 =	simm.s32 $0x4500;
	[tilespmem:s31+$0xB0] =	vst v10;
	v10 =	vld [tilespmem:s5+$0xF0]  }
0x26d: {  	v8 =	vcvt.f32.s32 v8;
	v5 =	vtrunc.f32 v11;
	[tilespmem:s8+$0x80] =	vst v3;
	v3 =	vld [tilespmem:s2+$0xC0]  }
0x26e: {  	[tilespmem:s8+$0xFFFFFF80] =	vst v12;
	v5 =	vcvt.f32.s32 v5;
	v11 =	vmul.f32 $2.550000000e+02, v14;
	v14 =	vld [tilespmem:s0+$0x90]  }
0x26f: {  	v12 =	vld [tilespmem:s0+$0xFFFFFF90]  }
0x270: {  	v13 =	vmul.f32 $2.550000000e+02, v13;
	v4 =	vld.idx.msk [tilespmem:v4+s19+$0x0], $0xffff  }
0x271: {  	v6 =	vld.idx.msk [tilespmem:v6+s20+$0x0], $0xffff;
	[tilespmem:s8+$0xFFFFFF00] =	vst v9;
	v11 =	vtrunc.f32 v11;
	v9 =	vmul.f32 $2.550000000e+02, v10  }
0x272: {  	v10 =	vcvt.f32.s32 v11;
	v11 =	vld [tilespmem:s0+$0xFFFFFF10];
	v3 =	vmul.f32 $2.550000000e+02, v3  }
0x273: {  	[tilespmem:s30+$0xFFFFFFD0] =	vst v7;
	v8 =	vld.idx.msk [tilespmem:v8+s19+$0x0], $0xffff;
	v7 =	vmul.f32 $2.550000000e+02, v14;
	v9 =	vtrunc.f32 v9  }
0x274: {  	v5 =	vld.idx.msk [tilespmem:v5+s19+$0x0], $0xffff;
	v3 =	vtrunc.f32 v3;
	v9 =	vcvt.f32.s32 v9  }
0x275: {  	v14 =	vld [tilespmem:s5+$0xFFFFFFE0];
	[tilespmem:s8+$0x0] =	vst v4;
	v7 =	vtrunc.f32 v7;
	v3 =	vcvt.f32.s32 v3  }
0x276: {  	[tilespmem:s30+$0x50] =	vst v6;
	v6 =	vld [tilespmem:s0+$0x10];
	v4 =	vcvt.f32.s32 v7  }
0x277: {  	v7 =	vtrunc.f32 v13;
	v13 =	vld [tilespmem:s5+$0x60];
	v11 =	vmul.f32 $2.550000000e+02, v11  }
0x278: {  	[tilespmem:s31+$0xFFFFFF30] =	vst v8;
	v8 =	vld.idx.msk [tilespmem:v10+s19+$0x0], $0xffff  }
0x279: {  	v7 =	vcvt.f32.s32 v7;
	v10 =	vtrunc.f32 v11;
	v11 =	vld [tilespmem:s2+$0xFFFFFF40]  }
0x27a: {  	v14 =	vmul.f32 $2.550000000e+02, v14;
	v15 =	vld.idx.msk [tilespmem:v9+s20+$0x0], $0xffff  }
0x27b: {  	[tilespmem:s31+$0xFFFFFFB0] =	vst v5;
	v10 =	vcvt.f32.s32 v10;
	v9 =	vmul.f32 $2.550000000e+02, v12;
	v3 =	vld.idx.msk [tilespmem:v3+s20+$0x0], $0xffff  }
0x27c: {  	v6 =	vmul.f32 $2.550000000e+02, v6;
	v5 =	vtrunc.f32 v14;
	v12 =	vld [tilespmem:s2+$0xFFFFFFC0]  }
0x27d: {  	v5 =	vcvt.f32.s32 v5;
	v4 =	vld.idx.msk [tilespmem:v4+s19+$0x0], $0xffff;
	v9 =	vtrunc.f32 v9  }
0x27e: {  	v6 =	vtrunc.f32 v6;
	v9 =	vcvt.f32.s32 v9  }
0x27f: {  	[tilespmem:s31+$0x30] =	vst v8;
	v7 =	vld.idx.msk [tilespmem:v7+s20+$0x0], $0xffff;
	v8 =	vmul.f32 $2.550000000e+02, v11;
	v11 =	vmul.f32 $2.550000000e+02, v13  }
0x280: {  	v6 =	vcvt.f32.s32 v6;
	v13 =	vld [tilespmem:s2+$0x40]  }
0x281: {  	v10 =	vld.idx.msk [tilespmem:v10+s19+$0x0], $0xffff;
	v8 =	vtrunc.f32 v8;
	[tilespmem:s31+$0xC0] =	vst v3;
	v3 =	vtrunc.f32 v11  }
0x282: {  	v11 =	vmul.f32 $2.550000000e+02, v12;
	[tilespmem:s8+$0x90] =	vst v4;
	v4 =	vcvt.f32.s32 v8;
	v8 =	vld [tilespmem:s2+$0xD0]  }
0x283: {  	v3 =	vcvt.f32.s32 v3;
	v5 =	vld.idx.msk [tilespmem:v5+s20+$0x0], $0xffff  }
0x284: {  	v12 =	vld [tilespmem:s0+$0xA0];
	v11 =	vtrunc.f32 v11  }
0x285: {  	v13 =	vmul.f32 $2.550000000e+02, v13;
	v11 =	vcvt.f32.s32 v11;
	v9 =	vld.idx.msk [tilespmem:v9+s19+$0x0], $0xffff  }
0x286: {  	v6 =	vld.idx.msk [tilespmem:v6+s19+$0x0], $0xffff;
	[tilespmem:s8+$0xFFFFFF10] =	vst v10  }
0x287: {  	v10 =	vtrunc.f32 v13;
	v13 =	vld [tilespmem:s0+$0xFFFFFF20]  }
0x288: {  	v8 =	vmul.f32 $2.550000000e+02, v8;
	v10 =	vcvt.f32.s32 v10;
	v4 =	vld.idx.msk [tilespmem:v4+s20+$0x0], $0xffff  }
0x289: {  	[tilespmem:s30+$0xFFFFFF60] =	vst v7;
	v12 =	vmul.f32 $2.550000000e+02, v12;
	v3 =	vld.idx.msk [tilespmem:v3+s20+$0x0], $0xffff  }
0x28a: {  	v7 =	vtrunc.f32 v8;
	[tilespmem:s8+$0xFFFFFF90] =	vst v9;
	v9 =	vld [tilespmem:s5+$0xFFFFFF70]  }
0x28b: {  	v8 =	vtrunc.f32 v12;
	v7 =	vcvt.f32.s32 v7;
	v11 =	vld.idx.msk [tilespmem:v11+s20+$0x0], $0xffff  }
0x28c: {  	[tilespmem:s8+$0x10] =	vst v6;
	v12 =	vld [tilespmem:s0+$0xFFFFFFA0];
	v6 =	vcvt.f32.s32 v8;
	v8 =	vmul.f32 $2.550000000e+02, v13  }
0x28d: {  	v13 =	vld [tilespmem:s0+$0x20]  }
0x28e: {  	[tilespmem:s31+$0xFFFFFF40] =	vst v4;
	v4 =	vld.idx.msk [tilespmem:v10+s20+$0x0], $0xffff;
	v8 =	vtrunc.f32 v8  }
0x28f: {  	[tilespmem:s30+$0xFFFFFFE0] =	vst v5;
	v14 =	vcvt.f32.s32 v8;
	v8 =	vld [tilespmem:s2+$0xFFFFFF50]  }
0x290: {  	v16 =	vld [tilespmem:s5+$0xFFFFFFF0]  }
0x291: {  	v5 =	vmul.f32 $2.550000000e+02, v9;
	v7 =	vld.idx.msk [tilespmem:v7+s20+$0x0], $0xffff  }
0x292: {  	[tilespmem:s30+$0x60] =	vst v3;
	v3 =	vmul.f32 $2.550000000e+02, v12;
	v6 =	vld.idx.msk [tilespmem:v6+s19+$0x0], $0xffff  }
0x293: {  	v17 =	vld [tilespmem:s5+$0x70];
	[tilespmem:s31+$0xFFFFFFC0] =	vst v11;
	v9 =	vmul.f32 $2.550000000e+02, v13;
	v5 =	vtrunc.f32 v5  }
0x294: {  	v10 =	vtrunc.f32 v3;
	[tilespmem:s31+$0x40] =	vst v4;
	v11 =	vmul.f32 $2.550000000e+02, v8;
	v8 =	vld [tilespmem:s2+$0xFFFFFFD0]  }
0x295: {  	v3 =	vcvt.f32.s32 v5;
	v4 =	vtrunc.f32 v9;
	v9 =	vld [tilespmem:s2+$0x50]  }
0x296: {  	s29 =	sshll.u32 s28, $0x1;
	v10 =	vcvt.f32.s32 v10;
	v12 =	vld.idx.msk [tilespmem:v14+s19+$0x0], $0xffff;
	[tilespmem:s31+$0xD0] =	vst v7;
	v5 =	vtrunc.f32 v11  }
0x297: {  	s9 =	simm.s32 $0x8;
	s5 =	sor.u32 s3, s29;
	v11 =	vcvt.f32.s32 v4;
	[tilespmem:s8+$0xA0] =	vst v6;
	v6 =	vld [tilespmem:s2+$0xE0];
	v4 =	vmul.f32 $2.550000000e+02, v16  }
0x298: {  	s6 =	simm.s32 $0x4500;
	s11 =	simm.s32 $0x700;
	[tilespmem:s30+$0xF0] =	vst v15;
	s17 =	sand.u32 $0x1E, s5;
	v7 =	vcvt.f32.s32 v5;
	v13 =	vld [tilespmem:s0+$0xB0];
	v5 =	vmul.f32 $2.550000000e+02, v17  }
.LBB2_9:
0x299: {  	v14 =	vld [tilespmem:s11+$0x80];
	s9 =	sadd.s32 $0x4, s9;
	v8 =	vmul.f32 $2.550000000e+02, v8;
	v4 =	vtrunc.f32 v4  }
0x29a: {  	v15 =	vld [tilespmem:s11+$0xFFFFFF80];
	p0 =	slt.u32 s9, $0x3C;
	v4 =	vcvt.f32.s32 v4;
	v5 =	vtrunc.f32 v5  }
0x29b: {  	v16 =	vld [tilespmem:s11+$0x0];
	[tilespmem:s8+$0xFFFFFF20] =	vst v12;
	v8 =	vtrunc.f32 v8;
	v9 =	vmul.f32 $2.550000000e+02, v9  }
0x29c: {  	v12 =	vld [tilespmem:s11+$0xFFFFFF00];
	v8 =	vcvt.f32.s32 v8;
	v6 =	vmul.f32 $2.550000000e+02, v6  }
0x29d: {  	v10 =	vld.idx.msk [tilespmem:v10+s19+$0x0], $0xffff;
	v13 =	vmul.f32 $2.550000000e+02, v13;
	v9 =	vtrunc.f32 v9  }
0x29e: {  	v14 =	vmul.f32 $2.550000000e+02, v14;
	v11 =	vld.idx.msk [tilespmem:v11+s19+$0x0], $0xffff;
	v6 =	vtrunc.f32 v6  }
0x29f: {  	v17 =	vld [tilespmem:s0+$0xFFFFFF30];
	v13 =	vtrunc.f32 v13;
	v6 =	vcvt.f32.s32 v6  }
0x2a0: {  	v14 =	vtrunc.f32 v14;
	v13 =	vcvt.f32.s32 v13;
	v7 =	vld.idx.msk [tilespmem:v7+s20+$0x0], $0xffff  }
0x2a1: {  	v12 =	vmul.f32 $2.550000000e+02, v12;
	v14 =	vcvt.f32.s32 v14;
	v3 =	vld.idx.msk [tilespmem:v3+s20+$0x0], $0xffff  }
0x2a2: {  	v15 =	vmul.f32 $2.550000000e+02, v15;
	v16 =	vmul.f32 $2.550000000e+02, v16;
	v8 =	vld.idx.msk [tilespmem:v8+s20+$0x0], $0xffff  }
0x2a3: {  	v9 =	vcvt.f32.s32 v9;
	v12 =	vtrunc.f32 v12;
	[tilespmem:s8+$0xFFFFFFA0] =	vst v10;
	v4 =	vld.idx.msk [tilespmem:v4+s20+$0x0], $0xffff  }
0x2a4: {  	v10 =	vtrunc.f32 v15;
	v15 =	vtrunc.f32 v16;
	v16 =	vld [tilespmem:s0+$0xFFFFFFB0];
	[tilespmem:s8+$0x20] =	vst v11  }
0x2a5: {  	v11 =	vcvt.f32.s32 v12;
	v10 =	vcvt.f32.s32 v10;
	v6 =	vld.idx.msk [tilespmem:v6+s20+$0x0], $0xffff  }
0x2a6: {  	v12 =	vcvt.f32.s32 v15;
	v15 =	vmul.f32 $2.550000000e+02, v17;
	v13 =	vld.idx.msk [tilespmem:v13+s19+$0x0], $0xffff;
	[tilespmem:s31+$0xFFFFFF50] =	vst v7  }
0x2a7: {  	v7 =	vld.idx.msk [tilespmem:v14+s19+$0x0], $0xffff;
	[tilespmem:s30+$0xFFFFFF70] =	vst v3;
	v3 =	vcvt.f32.s32 v5  }
0x2a8: {  	v5 =	vtrunc.f32 v15;
	v14 =	vld [tilespmem:s0+$0x30];
	[tilespmem:s31+$0xFFFFFFD0] =	vst v8  }
0x2a9: {  	v5 =	vcvt.f32.s32 v5;
	v8 =	vmul.f32 $2.550000000e+02, v16;
	v9 =	vld.idx.msk [tilespmem:v9+s20+$0x0], $0xffff;
	[tilespmem:s30+$0xFFFFFFF0] =	vst v4  }
0x2aa: {  	v4 =	vld [tilespmem:s2+$0xFFFFFF60]  }
0x2ab: {  	v11 =	vld.idx.msk [tilespmem:v11+s19+$0x0], $0xffff;
	v8 =	vtrunc.f32 v8;
	[tilespmem:s31+$0xE0] =	vst v6  }
0x2ac: {  	s8 =	sadd.s32 $0x200, s8;
	v6 =	vcvt.f32.s32 v8;
	[tilespmem:s6+$0xB0] =	vst v13;
	v8 =	vld [tilespmem:s2+$0xF0]  }
0x2ad: {  	[tilespmem:s8+$0x80] =	vst v7;
	v7 =	vmul.f32 $2.550000000e+02, v14;
	v13 =	vld [tilespmem:s0+$0xC0]  }
0x2ae: {  	v14 =	vld [tilespmem:s11+$0x90]  }
0x2af: {  	v10 =	vld.idx.msk [tilespmem:v10+s19+$0x0], $0xffff;
	v7 =	vtrunc.f32 v7;
	v4 =	vmul.f32 $2.550000000e+02, v4;
	[tilespmem:s31+$0x50] =	vst v9  }
0x2b0: {  	v9 =	vld.idx.msk [tilespmem:v12+s19+$0x0], $0xffff;
	v7 =	vcvt.f32.s32 v7  }
0x2b1: {  	[tilespmem:s8+$0xFFFFFF00] =	vst v11;
	v5 =	vld.idx.msk [tilespmem:v5+s19+$0x0], $0xffff;
	v4 =	vtrunc.f32 v4;
	v8 =	vmul.f32 $2.550000000e+02, v8  }
0x2b2: {  	v11 =	vld [tilespmem:s11+$0xFFFFFF10];
	v12 =	vmul.f32 $2.550000000e+02, v13;
	v4 =	vcvt.f32.s32 v4  }
0x2b3: {  	v13 =	vmul.f32 $2.550000000e+02, v14;
	v6 =	vld.idx.msk [tilespmem:v6+s19+$0x0], $0xffff;
	v8 =	vtrunc.f32 v8  }
0x2b4: {  	v12 =	vtrunc.f32 v12;
	v14 =	vld [tilespmem:s2+$0xFFFFFFE0];
	v8 =	vcvt.f32.s32 v8  }
0x2b5: {  	[tilespmem:s8+$0xFFFFFF80] =	vst v10;
	v10 =	vtrunc.f32 v13;
	v12 =	vcvt.f32.s32 v12;
	v13 =	vld [tilespmem:s2+$0x60]  }
0x2b6: {  	v15 =	vld [tilespmem:s11+$0xFFFFFF90];
	[tilespmem:s8+$0x0] =	vst v9;
	v9 =	vcvt.f32.s32 v10  }
0x2b7: {  	v10 =	vmul.f32 $2.550000000e+02, v11;
	v11 =	vld [tilespmem:s11+$0x10];
	[tilespmem:s6+$0xFFFFFF30] =	vst v5  }
0x2b8: {  	v5 =	vld.idx.msk [tilespmem:v7+s19+$0x0], $0xffff  }
0x2b9: {  	v7 =	vtrunc.f32 v10;
	v10 =	vld [tilespmem:s0+$0xFFFFFF40];
	[tilespmem:s6+$0xFFFFFFB0] =	vst v6;
	v6 =	vmul.f32 $2.550000000e+02, v14  }
0x2ba: {  	v7 =	vcvt.f32.s32 v7;
	v13 =	vmul.f32 $2.550000000e+02, v13;
	v8 =	vld.idx.msk [tilespmem:v8+s20+$0x0], $0xffff  }
0x2bb: {  	v14 =	vmul.f32 $2.550000000e+02, v15;
	v12 =	vld.idx.msk [tilespmem:v12+s20+$0x0], $0xffff;
	v6 =	vtrunc.f32 v6  }
0x2bc: {  	v11 =	vmul.f32 $2.550000000e+02, v11;
	v9 =	vld.idx.msk [tilespmem:v9+s19+$0x0], $0xffff;
	v13 =	vtrunc.f32 v13  }
0x2bd: {  	v6 =	vcvt.f32.s32 v6;
	v14 =	vtrunc.f32 v14;
	v15 =	vld [tilespmem:s0+$0xFFFFFFC0]  }
0x2be: {  	v14 =	vcvt.f32.s32 v14;
	v11 =	vtrunc.f32 v11;
	[tilespmem:s6+$0x30] =	vst v5;
	v4 =	vld.idx.msk [tilespmem:v4+s20+$0x0], $0xffff  }
0x2bf: {  	v10 =	vmul.f32 $2.550000000e+02, v10;
	v5 =	vcvt.f32.s32 v11;
	v11 =	vld [tilespmem:s0+$0x40]  }
0x2c0: {  	v13 =	vcvt.f32.s32 v13;
	v7 =	vld.idx.msk [tilespmem:v7+s19+$0x0], $0xffff;
	[tilespmem:s31+$0xF0] =	vst v8  }
0x2c1: {  	v8 =	vtrunc.f32 v10;
	[tilespmem:s6+$0xC0] =	vst v12;
	v3 =	vld.idx.msk [tilespmem:v3+s20+$0x0], $0xffff  }
0x2c2: {  	v8 =	vcvt.f32.s32 v8;
	[tilespmem:s8+$0x90] =	vst v9;
	v9 =	vmul.f32 $2.550000000e+02, v15;
	v10 =	vld [tilespmem:s0+$0xD0]  }
0x2c3: {  	v12 =	vld [tilespmem:s11+$0xA0]  }
0x2c4: {  	v14 =	vld.idx.msk [tilespmem:v14+s19+$0x0], $0xffff;
	v9 =	vtrunc.f32 v9;
	v11 =	vmul.f32 $2.550000000e+02, v11;
	[tilespmem:s31+$0xFFFFFF60] =	vst v4  }
0x2c5: {  	v4 =	vld.idx.msk [tilespmem:v5+s19+$0x0], $0xffff;
	v5 =	vcvt.f32.s32 v9  }
0x2c6: {  	[tilespmem:s8+$0xFFFFFF10] =	vst v7;
	v7 =	vtrunc.f32 v11;
	v6 =	vld.idx.msk [tilespmem:v6+s20+$0x0], $0xffff  }
0x2c7: {  	v9 =	vld [tilespmem:s11+$0xFFFFFF20];
	v7 =	vcvt.f32.s32 v7;
	v10 =	vmul.f32 $2.550000000e+02, v10;
	[tilespmem:s30+$0x70] =	vst v3;
	s30 =	smov.u32 s31;
	s31 =	smov.u32 s6;
	s6 =	smov.u32 s8  }
0x2c8: {  	v3 =	vmul.f32 $2.550000000e+02, v12;
	v8 =	vld.idx.msk [tilespmem:v8+s20+$0x0], $0xffff  }
0x2c9: {  	v10 =	vtrunc.f32 v10;
	v11 =	vld.idx.msk [tilespmem:v13+s20+$0x0], $0xffff  }
0x2ca: {  	[tilespmem:s8+$0xFFFFFF90] =	vst v14;
	v3 =	vtrunc.f32 v3;
	v10 =	vcvt.f32.s32 v10;
	v12 =	vld [tilespmem:s2+$0xFFFFFF70]  }
0x2cb: {  	v13 =	vld [tilespmem:s11+$0xFFFFFFA0];
	[tilespmem:s8+$0x10] =	vst v4;
	v3 =	vcvt.f32.s32 v3  }
0x2cc: {  	v4 =	vmul.f32 $2.550000000e+02, v9;
	v9 =	vld [tilespmem:s11+$0x20];
	[tilespmem:s30+$0xFFFFFFE0] =	vst v6  }
0x2cd: {  	v5 =	vld.idx.msk [tilespmem:v5+s20+$0x0], $0xffff  }
0x2ce: {  	v4 =	vtrunc.f32 v4;
	[tilespmem:s31+$0xFFFFFF40] =	vst v8;
	v6 =	vld.idx.msk [tilespmem:v7+s20+$0x0], $0xffff  }
0x2cf: {  	v4 =	vcvt.f32.s32 v4;
	v7 =	vld [tilespmem:s0+$0xFFFFFF50];
	v8 =	vmul.f32 $2.550000000e+02, v12;
	[tilespmem:s30+$0x60] =	vst v11  }
0x2d0: {  	v11 =	vmul.f32 $2.550000000e+02, v13;
	v13 =	vld.idx.msk [tilespmem:v10+s20+$0x0], $0xffff  }
0x2d1: {  	v9 =	vmul.f32 $2.550000000e+02, v9;
	v14 =	vld.idx.msk [tilespmem:v3+s19+$0x0], $0xffff;
	v3 =	vtrunc.f32 v8  }
0x2d2: {  	v8 =	vtrunc.f32 v11;
	v3 =	vcvt.f32.s32 v3;
	v15 =	vld [tilespmem:s2+$0xFFFFFFF0]  }
0x2d3: {  	v10 =	vcvt.f32.s32 v8;
	v8 =	vtrunc.f32 v9;
	[tilespmem:s31+$0xFFFFFFC0] =	vst v5;
	v5 =	vld [tilespmem:s2+$0x70];
	s2 =	smov.u32 s0;
	s0 =	smov.u32 s11  }
.Ltmp3:
0x2d4: {  	v11 =	vcvt.f32.s32 v8;
	v7 =	vmul.f32 $2.550000000e+02, v7;
	v8 =	vld [tilespmem:s2+$0xFFFFFFD0];
	[tilespmem:s31+$0x40] =	vst v6;
	(pc) =	sbr.rel @p0 .LBB2_9-.Ltmp3, $4  }
0x2d5: {  	v12 =	vld.idx.msk [tilespmem:v4+s19+$0x0], $0xffff  }
0x2d6: {  	v4 =	vtrunc.f32 v7;
	v9 =	vld [tilespmem:s2+$0x50];
	[tilespmem:s31+$0xD0] =	vst v13  }
0x2d7: {  	[tilespmem:s8+$0xA0] =	vst v14;
	v7 =	vcvt.f32.s32 v4;
	v6 =	vld [tilespmem:s2+$0xE0];
	v4 =	vmul.f32 $2.550000000e+02, v15  }
0x2d8: {  	s11 =	sadd.s32 $0x200, s11;
	v13 =	vld [tilespmem:s0+$0xB0];
	v5 =	vmul.f32 $2.550000000e+02, v5  }
0x2d9: {  	_ =	sdelay $0x3  }
0x2da: {  	v10 =	vld.idx.msk [tilespmem:v10+s19+$0x0], $0xffff  }
0x2db: {  	v11 =	vld.idx.msk [tilespmem:v11+s19+$0x0], $0xffff;
	_ =	sdelay $0x1  }
0x2dc: {  	[tilespmem:s8+$0xFFFFFF20] =	vst v12  }
0x2dd: {  	v12 =	vld [tilespmem:s0+$0xFFFFFF30];
	v13 =	vmul.f32 $2.550000000e+02, v13  }
0x2de: {  	[tilespmem:s8+$0xFFFFFFA0] =	vst v10  }
0x2df: {  	[tilespmem:s8+$0x20] =	vst v11;
	v10 =	vld [tilespmem:s0+$0xFFFFFFB0];
	v13 =	vtrunc.f32 v13  }
0x2e0: {  	v11 =	vld [tilespmem:s0+$0x30];
	v13 =	vcvt.f32.s32 v13;
	_ =	sdelay $0x1  }
0x2e1: {  	v12 =	vmul.f32 $2.550000000e+02, v12;
	_ =	sdelay $0x1  }
0x2e2: {  	v12 =	vtrunc.f32 v12;
	v10 =	vmul.f32 $2.550000000e+02, v10  }
0x2e3: {  	v12 =	vcvt.f32.s32 v12;
	v11 =	vmul.f32 $2.550000000e+02, v11  }
0x2e4: {  	v10 =	vtrunc.f32 v10;
	v13 =	vld.idx.msk [tilespmem:v13+s19+$0x0], $0xffff  }
0x2e5: {  	v11 =	vtrunc.f32 v11;
	v10 =	vcvt.f32.s32 v10  }
0x2e6: {  	v11 =	vcvt.f32.s32 v11;
	_ =	sdelay $0x2  }
0x2e7: {  	v12 =	vld.idx.msk [tilespmem:v12+s19+$0x0], $0xffff;
	[tilespmem:s6+$0xB0] =	vst v13  }
0x2e8: {  	v13 =	vld [tilespmem:s0+$0xC0]  }
0x2e9: {  	v10 =	vld.idx.msk [tilespmem:v10+s19+$0x0], $0xffff  }
0x2ea: {  	v11 =	vld.idx.msk [tilespmem:v11+s19+$0x0], $0xffff;
	_ =	sdelay $0x1  }
0x2eb: {  	[tilespmem:s6+$0xFFFFFF30] =	vst v12  }
0x2ec: {  	v12 =	vld [tilespmem:s0+$0xFFFFFF40];
	v13 =	vmul.f32 $2.550000000e+02, v13  }
0x2ed: {  	[tilespmem:s6+$0xFFFFFFB0] =	vst v10  }
0x2ee: {  	[tilespmem:s6+$0x30] =	vst v11;
	v10 =	vld [tilespmem:s0+$0xFFFFFFC0];
	v13 =	vtrunc.f32 v13  }
0x2ef: {  	v11 =	vld [tilespmem:s0+$0x40];
	v13 =	vcvt.f32.s32 v13;
	_ =	sdelay $0x1  }
0x2f0: {  	v12 =	vmul.f32 $2.550000000e+02, v12;
	_ =	sdelay $0x1  }
0x2f1: {  	v12 =	vtrunc.f32 v12;
	v10 =	vmul.f32 $2.550000000e+02, v10  }
0x2f2: {  	v12 =	vcvt.f32.s32 v12;
	v11 =	vmul.f32 $2.550000000e+02, v11  }
0x2f3: {  	v10 =	vtrunc.f32 v10;
	v13 =	vld.idx.msk [tilespmem:v13+s20+$0x0], $0xffff  }
0x2f4: {  	v11 =	vtrunc.f32 v11;
	v10 =	vcvt.f32.s32 v10  }
0x2f5: {  	v11 =	vcvt.f32.s32 v11;
	_ =	sdelay $0x2  }
0x2f6: {  	v12 =	vld.idx.msk [tilespmem:v12+s20+$0x0], $0xffff;
	[tilespmem:s6+$0xC0] =	vst v13  }
0x2f7: {  	v13 =	vld [tilespmem:s0+$0xD0]  }
0x2f8: {  	v8 =	vmul.f32 $2.550000000e+02, v8;
	v10 =	vld.idx.msk [tilespmem:v10+s20+$0x0], $0xffff  }
0x2f9: {  	v9 =	vmul.f32 $2.550000000e+02, v9;
	v11 =	vld.idx.msk [tilespmem:v11+s20+$0x0], $0xffff  }
0x2fa: {  	v8 =	vtrunc.f32 v8  }
0x2fb: {  	v8 =	vcvt.f32.s32 v8;
	v9 =	vtrunc.f32 v9  }
0x2fc: {  	v9 =	vcvt.f32.s32 v9;
	[tilespmem:s6+$0xFFFFFF40] =	vst v12  }
0x2fd: {  	v12 =	vld [tilespmem:s0+$0xFFFFFF50];
	[tilespmem:s6+$0xFFFFFFC0] =	vst v10  }
0x2fe: {  	v13 =	vmul.f32 $2.550000000e+02, v13;
	[tilespmem:s6+$0x40] =	vst v11;
	v10 =	vld [tilespmem:s0+$0xFFFFFFD0]  }
0x2ff: {  	v11 =	vld [tilespmem:s0+$0x50]  }
0x300: {  	v7 =	vld.idx.msk [tilespmem:v7+s20+$0x0], $0xffff;
	v13 =	vtrunc.f32 v13  }
0x301: {  	v8 =	vld.idx.msk [tilespmem:v8+s20+$0x0], $0xffff;
	v13 =	vcvt.f32.s32 v13  }
0x302: {  	v9 =	vld.idx.msk [tilespmem:v9+s20+$0x0], $0xffff;
	v12 =	vmul.f32 $2.550000000e+02, v12  }
0x303: {  	v10 =	vmul.f32 $2.550000000e+02, v10  }
0x304: {  	v12 =	vtrunc.f32 v12;
	v11 =	vmul.f32 $2.550000000e+02, v11  }
0x305: {  	[tilespmem:s31+$0xFFFFFF50] =	vst v7;
	v7 =	vcvt.f32.s32 v12;
	v10 =	vtrunc.f32 v10  }
0x306: {  	v58 =	vld [tilespmem:s2+$0xFFFFFF60];
	[tilespmem:s31+$0xFFFFFFD0] =	vst v8;
	v11 =	vtrunc.f32 v11;
	v10 =	vcvt.f32.s32 v10  }
0x307: {  	v6 =	vmul.f32 $2.550000000e+02, v6;
	[tilespmem:s31+$0x50] =	vst v9;
	v9 =	vld.idx.msk [tilespmem:v13+s20+$0x0], $0xffff;
	v8 =	vcvt.f32.s32 v11  }
0x308: {  	v11 =	vld [tilespmem:s2+$0xFFFFFFE0]  }
0x309: {  	v6 =	vtrunc.f32 v6;
	v59 =	vld [tilespmem:s2+$0x60]  }
0x30a: {  	v6 =	vcvt.f32.s32 v6  }
0x30b: {  	v12 =	vmul.f32 $2.550000000e+02, v58;
	v7 =	vld.idx.msk [tilespmem:v7+s20+$0x0], $0xffff  }
0x30c: {  	v10 =	vld.idx.msk [tilespmem:v10+s20+$0x0], $0xffff  }
0x30d: {  	v12 =	vtrunc.f32 v12;
	[tilespmem:s6+$0xD0] =	vst v9;
	v11 =	vmul.f32 $2.550000000e+02, v11;
	v8 =	vld.idx.msk [tilespmem:v8+s20+$0x0], $0xffff  }
0x30e: {  	v12 =	vcvt.f32.s32 v12;
	v9 =	vmul.f32 $2.550000000e+02, v59;
	v60 =	vld [tilespmem:s0+$0xE0]  }
0x30f: {  	v11 =	vtrunc.f32 v11  }
0x310: {  	v6 =	vld.idx.msk [tilespmem:v6+s20+$0x0], $0xffff;
	[tilespmem:s6+$0xFFFFFF50] =	vst v7;
	v7 =	vtrunc.f32 v9;
	v11 =	vcvt.f32.s32 v11  }
0x311: {  	v9 =	vld [tilespmem:s0+$0xFFFFFF60];
	v7 =	vcvt.f32.s32 v7;
	[tilespmem:s6+$0xFFFFFFD0] =	vst v10  }
0x312: {  	[tilespmem:s6+$0x50] =	vst v8;
	v8 =	vld [tilespmem:s0+$0xFFFFFFE0]  }
0x313: {  	v13 =	vmul.f32 $2.550000000e+02, v60;
	v10 =	vld [tilespmem:s0+$0x60]  }
0x314: {  	v12 =	vld.idx.msk [tilespmem:v12+s20+$0x0], $0xffff  }
0x315: {  	v13 =	vtrunc.f32 v13  }
0x316: {  	v9 =	vmul.f32 $2.550000000e+02, v9;
	v13 =	vcvt.f32.s32 v13;
	v11 =	vld.idx.msk [tilespmem:v11+s20+$0x0], $0xffff  }
0x317: {  	v7 =	vld.idx.msk [tilespmem:v7+s20+$0x0], $0xffff;
	v8 =	vmul.f32 $2.550000000e+02, v8  }
0x318: {  	[tilespmem:s31+$0xE0] =	vst v6;
	v9 =	vtrunc.f32 v9;
	v10 =	vmul.f32 $2.550000000e+02, v10  }
0x319: {  	[tilespmem:s31+$0xFFFFFF60] =	vst v12;
	v6 =	vcvt.f32.s32 v9;
	v8 =	vtrunc.f32 v8  }
0x31a: {  	v12 =	vld [tilespmem:s2+$0xFFFFFF70];
	v10 =	vtrunc.f32 v10;
	v8 =	vcvt.f32.s32 v8  }
0x31b: {  	v9 =	vld [tilespmem:s2+$0xF0];
	[tilespmem:s31+$0xFFFFFFE0] =	vst v11;
	v10 =	vcvt.f32.s32 v10  }
0x31c: {  	[tilespmem:s31+$0x60] =	vst v7;
	v7 =	vld.idx.msk [tilespmem:v13+s20+$0x0], $0xffff  }
0x31d: {  	v11 =	vld [tilespmem:s2+$0xFFFFFFF0]  }
0x31e: {  	v61 =	vld [tilespmem:s2+$0x70]  }
0x31f: {  	v6 =	vld.idx.msk [tilespmem:v6+s20+$0x0], $0xffff  }
0x320: {  	v8 =	vld.idx.msk [tilespmem:v8+s20+$0x0], $0xffff  }
0x321: {  	v9 =	vmul.f32 $2.550000000e+02, v9;
	[tilespmem:s6+$0xE0] =	vst v7;
	v10 =	vld.idx.msk [tilespmem:v10+s20+$0x0], $0xffff  }
0x322: {  	v4 =	vtrunc.f32 v4;
	v5 =	vtrunc.f32 v5;
	v7 =	vld [tilespmem:s0+$0xF0]  }
0x323: {  	v4 =	vcvt.f32.s32 v4;
	v9 =	vtrunc.f32 v9  }
0x324: {  	[tilespmem:s6+$0xFFFFFF60] =	vst v6;
	v6 =	vcvt.f32.s32 v9;
	v9 =	vmul.f32 $2.550000000e+02, v11  }
0x325: {  	v5 =	vcvt.f32.s32 v5;
	v12 =	vmul.f32 $2.550000000e+02, v12;
	v11 =	vld [tilespmem:s0+$0xFFFFFF70];
	[tilespmem:s6+$0xFFFFFFE0] =	vst v8  }
0x326: {  	v62 =	vmul.f32 $2.550000000e+02, v61;
	v9 =	vtrunc.f32 v9;
	[tilespmem:s6+$0x60] =	vst v10;
	v10 =	vld [tilespmem:s0+$0xFFFFFFF0]  }
0x327: {  	v7 =	vmul.f32 $2.550000000e+02, v7;
	v9 =	vcvt.f32.s32 v9;
	v63 =	vld [tilespmem:s0+$0x70]  }
0x328: {  	v8 =	vtrunc.f32 v12;
	v12 =	vtrunc.f32 v62  }
0x329: {  	v8 =	vcvt.f32.s32 v8;
	v12 =	vcvt.f32.s32 v12  }
0x32a: {  	v3 =	vld.idx.msk [tilespmem:v3+s20+$0x0], $0xffff;
	v7 =	vtrunc.f32 v7;
	v11 =	vmul.f32 $2.550000000e+02, v11  }
0x32b: {  	v7 =	vcvt.f32.s32 v7;
	v10 =	vmul.f32 $2.550000000e+02, v10  }
0x32c: {  	v6 =	vld.idx.msk [tilespmem:v6+s20+$0x0], $0xffff;
	v11 =	vtrunc.f32 v11;
	v13 =	vmul.f32 $2.550000000e+02, v63  }
0x32d: {  	v4 =	vld.idx.msk [tilespmem:v4+s20+$0x0], $0xffff;
	v11 =	vcvt.f32.s32 v11;
	v10 =	vtrunc.f32 v10  }
0x32e: {  	v5 =	vld.idx.msk [tilespmem:v5+s20+$0x0], $0xffff;
	v13 =	vtrunc.f32 v13;
	v10 =	vcvt.f32.s32 v10  }
0x32f: {  	[tilespmem:s30+$0xFFFFFF70] =	vst v3;
	v3 =	vld.idx.msk [tilespmem:v9+s20+$0x0], $0xffff;
	v13 =	vcvt.f32.s32 v13  }
0x330: {  	v8 =	vld.idx.msk [tilespmem:v8+s20+$0x0], $0xffff  }
0x331: {  	[tilespmem:s31+$0xF0] =	vst v6;
	v6 =	vld.idx.msk [tilespmem:v12+s20+$0x0], $0xffff  }
0x332: {  	[tilespmem:s30+$0xFFFFFFF0] =	vst v4;
	v4 =	vld.idx.msk [tilespmem:v7+s20+$0x0], $0xffff  }
0x333: {  	[tilespmem:s30+$0x70] =	vst v5;
	v5 =	vld.idx.msk [tilespmem:v11+s20+$0x0], $0xffff  }
0x334: {  	p0 =	seq.s32 s28, $0x7;
	[tilespmem:s31+$0xFFFFFFF0] =	vst v3;
	v7 =	vld.idx.msk [tilespmem:v10+s20+$0x0], $0xffff  }
0x335: {  	s0 =	sadd.s32 @!p0 $0x2, s5;
	[tilespmem:s31+$0xFFFFFF70] =	vst v8;
	v3 =	vld.idx.msk [tilespmem:v13+s20+$0x0], $0xffff  }
0x336: {  	s2 =	sshll.u32 @!p0 s0, $0x7;
	[tilespmem:s31+$0x70] =	vst v6  }
0x337: {  	s0 =	sshll.u32 @!p0 s0, $0xA;
	s2 =	sand.u32 @!p0 $0x100, s2;
	[tilespmem:s6+$0xF0] =	vst v4  }
0x338: {  	s0 =	sand.u32 @!p0 $0xFFFF000, s0;
	s2 =	sadd.s32 @!p0 s1, s2;
	[tilespmem:s6+$0xFFFFFF70] =	vst v5  }
0x339: {  	s30 =	sshll.u32 s17, $0xA;
	s5 =	simm.s32 @!p0 $0x1000;
	s0 =	sadd.s32 @!p0 s0, s2;
	[tilespmem:s6+$0xFFFFFFF0] =	vst v7  }
0x33a: {  	s2 =	simm.s32 @!p0 $0x400;
	s31 =	sshll.u32 s17, $0x7;
	[tilespmem:s6+$0x70] =	vst v3;
	s6 =	simm.s32 @!p0 $0x0  }
0x33b: {  	[tilespmem:s6], [sflag:$0x1] =	stream.strided.gather @!p0 [hbm4b:s0+s2], $0x2000, s5, s2, $0x38;
	[tilespmem:$0xA500] =	vst v63  }
0x33c: {  	s0 =	sor.u32 s31, s30  }
0x33d: {  	s0 =	sand.u32 $0x7100, s0  }
0x33e: {  	s0 =	sadd.s32 s0, s10  }
0x33f: {  	[hbm4b:s0+s15] =	stream.strided.scatter [tilespmem:s21], [sflag:$0x3], $0x2000, s16, s15, $0x38;
	[tilespmem:$0xA500] =	vst v63  }
0x340: {  	_ =	swait.ge [sflag:s22], $0x2000  }
0x341: {  	[sflag:s22] =	ssyncset.done $0x0  }
0x342: {  	[sflag:s22] =	ssyncadd.s32 $0xFFFFE000  }
0x343: {  	_ =	swait.ge [sflag:s18], $0x1000  }
0x344: {  	[sflag:s18] =	ssyncset.done $0x0  }
0x345: {  	[sflag:s18] =	ssyncadd.s32 $0xFFFFF000  }
0x346: {  	_ =	swait.ge [sflag:s18], $0x1000  }
0x347: {  	[sflag:s18] =	ssyncset.done $0x0  }
0x348: {  	s0 =	simm.s32 $0x2100;
	[sflag:s18] =	ssyncadd.s32 $0xFFFFF000  }
0x349: {  	v3 =	vld [tilespmem:s0+$0x80];
	_ =	sdelay $0x1  }
0x34a: {  	v4 =	vld [tilespmem:s0+$0xFFFFFF80]  }
0x34b: {  	v5 =	vld [tilespmem:s0+$0xFFFFFF00]  }
0x34c: {  	v6 =	vld [tilespmem:s0+$0x0]  }
0x34d: {  	v3 =	vmul.f32 $2.560000000e+02, v3;
	_ =	sdelay $0x1  }
0x34e: {  	v4 =	vmul.f32 $2.560000000e+02, v4;
	v3 =	vtrunc.f32 v3  }
0x34f: {  	v5 =	vmul.f32 $2.560000000e+02, v5;
	v3 =	vcvt.f32.s32 v3  }
0x350: {  	v6 =	vmul.f32 $2.560000000e+02, v6;
	v4 =	vtrunc.f32 v4  }
0x351: {  	v5 =	vtrunc.f32 v5;
	v4 =	vcvt.f32.s32 v4;
	v3 =	vadd.s32 v1, v3  }
0x352: {  	v6 =	vtrunc.f32 v6;
	v5 =	vcvt.f32.s32 v5  }
0x353: {  	v6 =	vcvt.f32.s32 v6;
	v4 =	vadd.s32 v1, v4  }
0x354: {  	v5 =	vadd.s32 v1, v5  }
0x355: {  	v6 =	vadd.s32 v1, v6  }
0x356: {  	[tilespmem:v3+s12+$0x0] =	vst.idx.add.f32.msk $0xffff, v2  }
0x357: {  	v3 =	vld [tilespmem:s0+$0x90]  }
0x358: {  	[tilespmem:v4+s12+$0x0] =	vst.idx.add.f32.msk $0xffff, v2  }
0x359: {  	[tilespmem:v5+s12+$0x0] =	vst.idx.add.f32.msk $0xffff, v2  }
0x35a: {  	[tilespmem:v6+s12+$0x0] =	vst.idx.add.f32.msk $0xffff, v2  }
0x35b: {  	v4 =	vld [tilespmem:s0+$0xFFFFFF10]  }
0x35c: {  	v6 =	vld [tilespmem:s0+$0x10];
	v3 =	vmul.f32 $2.560000000e+02, v3  }
0x35d: {  	v5 =	vld [tilespmem:s0+$0xFFFFFF90]  }
0x35e: {  	v3 =	vtrunc.f32 v3  }
0x35f: {  	v3 =	vcvt.f32.s32 v3  }
0x360: {  	v4 =	vmul.f32 $2.560000000e+02, v4  }
0x361: {  	v6 =	vmul.f32 $2.560000000e+02, v6;
	v3 =	vadd.s32 v1, v3  }
0x362: {  	v5 =	vmul.f32 $2.560000000e+02, v5;
	v4 =	vtrunc.f32 v4  }
0x363: {  	v6 =	vtrunc.f32 v6;
	v4 =	vcvt.f32.s32 v4  }
0x364: {  	v5 =	vtrunc.f32 v5;
	v6 =	vcvt.f32.s32 v6  }
0x365: {  	v5 =	vcvt.f32.s32 v5;
	v4 =	vadd.s32 v1, v4  }
0x366: {  	v6 =	vadd.s32 v1, v6;
	[tilespmem:v3+s12+$0x0] =	vst.idx.add.f32.msk $0xffff, v2  }
0x367: {  	v3 =	vadd.s32 v1, v5;
	v5 =	vld [tilespmem:s0+$0xA0];
	_ =	sdelay $0x2  }
0x368: {  	[tilespmem:v4+s12+$0x0] =	vst.idx.add.f32.msk $0xffff, v2  }
0x369: {  	[tilespmem:v6+s12+$0x0] =	vst.idx.add.f32.msk $0xffff, v2  }
0x36a: {  	[tilespmem:v3+s12+$0x0] =	vst.idx.add.f32.msk $0xffff, v2;
	v3 =	vmul.f32 $2.560000000e+02, v5  }
0x36b: {  	v4 =	vld [tilespmem:s0+$0xFFFFFF20]  }
0x36c: {  	v5 =	vld [tilespmem:s0+$0xFFFFFFA0];
	v3 =	vtrunc.f32 v3  }
0x36d: {  	v6 =	vld [tilespmem:s0+$0x20];
	v3 =	vcvt.f32.s32 v3;
	_ =	sdelay $0x1  }
0x36e: {  	v3 =	vadd.s32 v1, v3  }
0x36f: {  	v4 =	vmul.f32 $2.560000000e+02, v4  }
0x370: {  	v5 =	vmul.f32 $2.560000000e+02, v5  }
0x371: {  	v6 =	vmul.f32 $2.560000000e+02, v6;
	v4 =	vtrunc.f32 v4  }
0x372: {  	v4 =	vcvt.f32.s32 v4;
	v5 =	vtrunc.f32 v5  }
0x373: {  	[tilespmem:v3+s12+$0x0] =	vst.idx.add.f32.msk $0xffff, v2;
	v3 =	vcvt.f32.s32 v5;
	v5 =	vtrunc.f32 v6  }
0x374: {  	v4 =	vadd.s32 v1, v4;
	v5 =	vcvt.f32.s32 v5  }
0x375: {  	v6 =	vld [tilespmem:s0+$0xB0];
	v3 =	vadd.s32 v1, v3  }
0x376: {  	v5 =	vadd.s32 v1, v5;
	_ =	sdelay $0x2  }
0x377: {  	[tilespmem:v4+s12+$0x0] =	vst.idx.add.f32.msk $0xffff, v2  }
0x378: {  	v6 =	vmul.f32 $2.560000000e+02, v6;
	[tilespmem:v3+s12+$0x0] =	vst.idx.add.f32.msk $0xffff, v2  }
0x379: {  	[tilespmem:v5+s12+$0x0] =	vst.idx.add.f32.msk $0xffff, v2  }
0x37a: {  	v3 =	vtrunc.f32 v6;
	v5 =	vld [tilespmem:s0+$0xFFFFFFB0]  }
0x37b: {  	v4 =	vld [tilespmem:s0+$0xFFFFFF30];
	v3 =	vcvt.f32.s32 v3;
	_ =	sdelay $0x1  }
0x37c: {  	v3 =	vadd.s32 v1, v3  }
0x37d: {  	v6 =	vld [tilespmem:s0+$0x30]  }
0x37e: {  	s2 =	simm.s32 $0x2300;
	v5 =	vmul.f32 $2.560000000e+02, v5  }
0x37f: {  	v7 =	vld [tilespmem:s2+$0x80];
	v4 =	vmul.f32 $2.560000000e+02, v4  }
0x380: {  	v5 =	vtrunc.f32 v5  }
0x381: {  	[tilespmem:v3+s12+$0x0] =	vst.idx.add.f32.msk $0xffff, v2;
	v3 =	vtrunc.f32 v4;
	v5 =	vcvt.f32.s32 v5  }
0x382: {  	v4 =	vmul.f32 $2.560000000e+02, v6;
	v3 =	vcvt.f32.s32 v3;
	v6 =	vld [tilespmem:s0+$0xC0]  }
0x383: {  	v8 =	vld [tilespmem:s2+$0xFFFFFF80];
	v5 =	vadd.s32 v1, v5  }
0x384: {  	v10 =	vld [tilespmem:s2+$0x0];
	v7 =	vmul.f32 $2.560000000e+02, v7;
	v4 =	vtrunc.f32 v4;
	v3 =	vadd.s32 v1, v3  }
0x385: {  	v9 =	vld [tilespmem:s2+$0xFFFFFF00];
	v4 =	vcvt.f32.s32 v4  }
0x386: {  	v7 =	vtrunc.f32 v7  }
0x387: {  	v7 =	vcvt.f32.s32 v7;
	v4 =	vadd.s32 v1, v4;
	v6 =	vmul.f32 $2.560000000e+02, v6  }
0x388: {  	v8 =	vmul.f32 $2.560000000e+02, v8;
	[tilespmem:v5+s12+$0x0] =	vst.idx.add.f32.msk $0xffff, v2  }
0x389: {  	v7 =	vadd.s32 v1, v7;
	v5 =	vmul.f32 $2.560000000e+02, v10;
	[tilespmem:v3+s12+$0x0] =	vst.idx.add.f32.msk $0xffff, v2;
	v3 =	vtrunc.f32 v6  }
0x38a: {  	v6 =	vmul.f32 $2.560000000e+02, v9;
	v3 =	vcvt.f32.s32 v3  }
0x38b: {  	v8 =	vtrunc.f32 v8;
	v9 =	vld [tilespmem:s0+$0xFFFFFFC0];
	v5 =	vtrunc.f32 v5  }
0x38c: {  	[tilespmem:v4+s12+$0x0] =	vst.idx.add.f32.msk $0xffff, v2;
	v4 =	vtrunc.f32 v6;
	v6 =	vcvt.f32.s32 v8;
	v3 =	vadd.s32 v1, v3  }
0x38d: {  	v8 =	vld [tilespmem:s0+$0xFFFFFF40];
	v5 =	vcvt.f32.s32 v5  }
0x38e: {  	[tilespmem:v7+s12+$0x0] =	vst.idx.add.f32.msk $0xffff, v2;
	v4 =	vcvt.f32.s32 v4;
	v6 =	vadd.s32 v1, v6  }
0x38f: {  	v10 =	vld [tilespmem:s0+$0x40];
	v5 =	vadd.s32 v1, v5  }
0x390: {  	v7 =	vld [tilespmem:s2+$0x90];
	v4 =	vadd.s32 v1, v4  }
0x391: {  	[tilespmem:v3+s14+$0x0] =	vst.idx.add.f32.msk $0xffff, v2  }
0x392: {  	v8 =	vmul.f32 $2.560000000e+02, v8;
	v3 =	vmul.f32 $2.560000000e+02, v9;
	v9 =	vld [tilespmem:s0+$0xD0]  }
0x393: {  	[tilespmem:v6+s12+$0x0] =	vst.idx.add.f32.msk $0xffff, v2  }
0x394: {  	v6 =	vtrunc.f32 v8;
	v8 =	vmul.f32 $2.560000000e+02, v10;
	[tilespmem:v5+s12+$0x0] =	vst.idx.add.f32.msk $0xffff, v2  }
0x395: {  	v5 =	vmul.f32 $2.560000000e+02, v7;
	[tilespmem:v4+s12+$0x0] =	vst.idx.add.f32.msk $0xffff, v2;
	v4 =	vcvt.f32.s32 v6  }
0x396: {  	v3 =	vtrunc.f32 v3;
	v6 =	vtrunc.f32 v8  }
0x397: {  	v7 =	vld [tilespmem:s2+$0xFFFFFF10];
	v3 =	vcvt.f32.s32 v3;
	v5 =	vtrunc.f32 v5;
	v4 =	vadd.s32 v1, v4  }
0x398: {  	v8 =	vld [tilespmem:s2+$0xFFFFFF90];
	v6 =	vcvt.f32.s32 v6;
	v9 =	vmul.f32 $2.560000000e+02, v9  }
0x399: {  	v10 =	vld [tilespmem:s2+$0x10];
	v5 =	vcvt.f32.s32 v5;
	v3 =	vadd.s32 v1, v3  }
0x39a: {  	v6 =	vadd.s32 v1, v6;
	v9 =	vtrunc.f32 v9  }
0x39b: {  	v5 =	vadd.s32 v1, v5;
	v9 =	vcvt.f32.s32 v9  }
0x39c: {  	v7 =	vmul.f32 $2.560000000e+02, v7;
	[tilespmem:v4+s14+$0x0] =	vst.idx.add.f32.msk $0xffff, v2  }
0x39d: {  	v4 =	vmul.f32 $2.560000000e+02, v8;
	v8 =	vld [tilespmem:s0+$0xFFFFFF50];
	v9 =	vadd.s32 v1, v9  }
0x39e: {  	v10 =	vmul.f32 $2.560000000e+02, v10;
	v7 =	vtrunc.f32 v7;
	[tilespmem:v3+s14+$0x0] =	vst.idx.add.f32.msk $0xffff, v2  }
0x39f: {  	v3 =	vcvt.f32.s32 v7;
	v4 =	vtrunc.f32 v4;
	[tilespmem:v6+s14+$0x0] =	vst.idx.add.f32.msk $0xffff, v2  }
0x3a0: {  	v6 =	vtrunc.f32 v10;
	[tilespmem:v5+s12+$0x0] =	vst.idx.add.f32.msk $0xffff, v2;
	v4 =	vcvt.f32.s32 v4  }
0x3a1: {  	v5 =	vcvt.f32.s32 v6;
	v6 =	vld [tilespmem:s2+$0xA0];
	v3 =	vadd.s32 v1, v3  }
0x3a2: {  	v4 =	vadd.s32 v1, v4;
	[tilespmem:v9+s14+$0x0] =	vst.idx.add.f32.msk $0xffff, v2  }
0x3a3: {  	v5 =	vadd.s32 v1, v5;
	v7 =	vld [tilespmem:s0+$0xE0]  }
0x3a4: {  	v8 =	vmul.f32 $2.560000000e+02, v8;
	v9 =	vld [tilespmem:s0+$0xFFFFFFD0]  }
0x3a5: {  	v10 =	vld [tilespmem:s0+$0x50]  }
0x3a6: {  	v8 =	vtrunc.f32 v8;
	[tilespmem:v3+s12+$0x0] =	vst.idx.add.f32.msk $0xffff, v2;
	v3 =	vmul.f32 $2.560000000e+02, v6  }
0x3a7: {  	v6 =	vcvt.f32.s32 v8;
	[tilespmem:v4+s12+$0x0] =	vst.idx.add.f32.msk $0xffff, v2  }
0x3a8: {  	[tilespmem:v5+s12+$0x0] =	vst.idx.add.f32.msk $0xffff, v2;
	v3 =	vtrunc.f32 v3;
	v4 =	vmul.f32 $2.560000000e+02, v7  }
0x3a9: {  	v5 =	vadd.s32 v1, v6;
	v6 =	vld [tilespmem:s2+$0xFFFFFF20];
	v3 =	vcvt.f32.s32 v3;
	v7 =	vmul.f32 $2.560000000e+02, v9  }
0x3aa: {  	v8 =	vld [tilespmem:s2+$0xFFFFFFA0];
	v9 =	vmul.f32 $2.560000000e+02, v10;
	v4 =	vtrunc.f32 v4  }
0x3ab: {  	v10 =	vld [tilespmem:s2+$0x20];
	v3 =	vadd.s32 v1, v3;
	v7 =	vtrunc.f32 v7;
	v4 =	vcvt.f32.s32 v4  }
0x3ac: {  	v7 =	vcvt.f32.s32 v7  }
0x3ad: {  	v9 =	vtrunc.f32 v9;
	v4 =	vadd.s32 v1, v4  }
0x3ae: {  	[tilespmem:v5+s14+$0x0] =	vst.idx.add.f32.msk $0xffff, v2;
	v5 =	vcvt.f32.s32 v9;
	v6 =	vmul.f32 $2.560000000e+02, v6;
	v7 =	vadd.s32 v1, v7  }
0x3af: {  	v8 =	vmul.f32 $2.560000000e+02, v8;
	v9 =	vld [tilespmem:s0+$0xFFFFFF60]  }
0x3b0: {  	v5 =	vadd.s32 v1, v5;
	v6 =	vtrunc.f32 v6;
	v10 =	vmul.f32 $2.560000000e+02, v10;
	[tilespmem:v3+s12+$0x0] =	vst.idx.add.f32.msk $0xffff, v2  }
0x3b1: {  	v3 =	vcvt.f32.s32 v6;
	v6 =	vtrunc.f32 v8;
	v8 =	vld [tilespmem:s2+$0xB0]  }
0x3b2: {  	v6 =	vcvt.f32.s32 v6;
	[tilespmem:v4+s14+$0x0] =	vst.idx.add.f32.msk $0xffff, v2  }
0x3b3: {  	v10 =	vtrunc.f32 v10;
	v3 =	vadd.s32 v1, v3;
	[tilespmem:v7+s14+$0x0] =	vst.idx.add.f32.msk $0xffff, v2  }
0x3b4: {  	v9 =	vmul.f32 $2.560000000e+02, v9;
	v6 =	vadd.s32 v1, v6;
	v4 =	vcvt.f32.s32 v10;
	v10 =	vld [tilespmem:s0+$0xF0]  }
0x3b5: {  	[tilespmem:v5+s14+$0x0] =	vst.idx.add.f32.msk $0xffff, v2  }
0x3b6: {  	v5 =	vtrunc.f32 v9;
	v7 =	vld [tilespmem:s0+$0xFFFFFFE0];
	v4 =	vadd.s32 v1, v4  }
0x3b7: {  	v11 =	vld [tilespmem:s0+$0x60];
	v5 =	vcvt.f32.s32 v5  }
0x3b8: {  	v8 =	vmul.f32 $2.560000000e+02, v8;
	[tilespmem:v3+s12+$0x0] =	vst.idx.add.f32.msk $0xffff, v2  }
0x3b9: {  	v3 =	vadd.s32 v1, v5;
	[tilespmem:v6+s12+$0x0] =	vst.idx.add.f32.msk $0xffff, v2;
	v5 =	vmul.f32 $2.560000000e+02, v10  }
0x3ba: {  	v6 =	vtrunc.f32 v8;
	v8 =	vld [tilespmem:s2+$0xFFFFFF30]  }
0x3bb: {  	[tilespmem:v4+s12+$0x0] =	vst.idx.add.f32.msk $0xffff, v2;
	v4 =	vcvt.f32.s32 v6;
	v5 =	vtrunc.f32 v5  }
0x3bc: {  	v9 =	vld [tilespmem:s2+$0xFFFFFFB0];
	v6 =	vmul.f32 $2.560000000e+02, v7;
	v5 =	vcvt.f32.s32 v5  }
0x3bd: {  	v11 =	vmul.f32 $2.560000000e+02, v11;
	v10 =	vld [tilespmem:s2+$0x30];
	v7 =	vadd.s32 v1, v4  }
0x3be: {  	v4 =	vtrunc.f32 v6;
	[tilespmem:v3+s14+$0x0] =	vst.idx.add.f32.msk $0xffff, v2;
	v3 =	vadd.s32 v1, v5  }
0x3bf: {  	v6 =	vtrunc.f32 v11;
	v5 =	vcvt.f32.s32 v4  }
0x3c0: {  	s5 =	simm.s32 $0x4;
	s6 =	simm.s32 $0x2500;
	v6 =	vcvt.f32.s32 v6;
	v4 =	vld [tilespmem:s0+$0xFFFFFF70]  }
.LBB2_11:
0x3c1: {  	v11 =	vld [tilespmem:s6+$0x80];
	v8 =	vmul.f32 $2.560000000e+02, v8;
	v5 =	vadd.s32 v1, v5  }
0x3c2: {  	v9 =	vmul.f32 $2.560000000e+02, v9;
	[tilespmem:v7+s12+$0x0] =	vst.idx.add.f32.msk $0xffff, v2;
	v6 =	vadd.s32 v1, v6  }
0x3c3: {  	v7 =	vtrunc.f32 v8;
	v8 =	vmul.f32 $2.560000000e+02, v10;
	[tilespmem:v3+s14+$0x0] =	vst.idx.add.f32.msk $0xffff, v2  }
0x3c4: {  	s5 =	sadd.s32 $0x4, s5;
	v3 =	vcvt.f32.s32 v7;
	v7 =	vtrunc.f32 v9;
	v9 =	vld [tilespmem:s2+$0xC0]  }
0x3c5: {  	p2 =	slt.u32 s5, $0x3C;
	v10 =	vld [tilespmem:s6+$0xFFFFFF80];
	v7 =	vcvt.f32.s32 v7;
	v8 =	vtrunc.f32 v8  }
0x3c6: {  	v4 =	vmul.f32 $2.560000000e+02, v4;
	v12 =	vld [tilespmem:s6+$0x0];
	v3 =	vadd.s32 v1, v3;
	v8 =	vcvt.f32.s32 v8  }
0x3c7: {  	v11 =	vmul.f32 $2.560000000e+02, v11;
	v13 =	vld [tilespmem:s6+$0xFFFFFF00];
	v7 =	vadd.s32 v1, v7  }
0x3c8: {  	v4 =	vtrunc.f32 v4;
	v8 =	vadd.s32 v1, v8;
	[tilespmem:v5+s14+$0x0] =	vst.idx.add.f32.msk $0xffff, v2  }
0x3c9: {  	v5 =	vtrunc.f32 v11;
	v9 =	vmul.f32 $2.560000000e+02, v9;
	[tilespmem:v6+s14+$0x0] =	vst.idx.add.f32.msk $0xffff, v2  }
0x3ca: {  	v5 =	vcvt.f32.s32 v5;
	v6 =	vmul.f32 $2.560000000e+02, v10;
	v10 =	vld [tilespmem:s0+$0xFFFFFFF0]  }
0x3cb: {  	v11 =	vmul.f32 $2.560000000e+02, v12;
	[tilespmem:v3+s12+$0x0] =	vst.idx.add.f32.msk $0xffff, v2;
	v3 =	vtrunc.f32 v9  }
0x3cc: {  	v5 =	vadd.s32 v1, v5;
	v9 =	vmul.f32 $2.560000000e+02, v13;
	[tilespmem:v7+s12+$0x0] =	vst.idx.add.f32.msk $0xffff, v2;
	v3 =	vcvt.f32.s32 v3  }
0x3cd: {  	v6 =	vtrunc.f32 v6;
	v7 =	vtrunc.f32 v11;
	[tilespmem:v8+s12+$0x0] =	vst.idx.add.f32.msk $0xffff, v2  }
0x3ce: {  	v6 =	vcvt.f32.s32 v6;
	v8 =	vtrunc.f32 v9;
	v9 =	vld [tilespmem:s2+$0xFFFFFF40];
	v3 =	vadd.s32 v1, v3  }
0x3cf: {  	v7 =	vcvt.f32.s32 v7;
	v8 =	vcvt.f32.s32 v8;
	v11 =	vld [tilespmem:s2+$0xFFFFFFC0]  }
0x3d0: {  	v4 =	vcvt.f32.s32 v4;
	v6 =	vadd.s32 v1, v6;
	v10 =	vmul.f32 $2.560000000e+02, v10;
	v12 =	vld [tilespmem:s2+$0x40]  }
0x3d1: {  	v7 =	vadd.s32 v1, v7;
	v8 =	vadd.s32 v1, v8;
	[tilespmem:v5+s12+$0x0] =	vst.idx.add.f32.msk $0xffff, v2  }
0x3d2: {  	v4 =	vadd.s32 v1, v4;
	v10 =	vtrunc.f32 v10;
	v5 =	vld [tilespmem:s6+$0x90]  }
0x3d3: {  	v9 =	vmul.f32 $2.560000000e+02, v9;
	[tilespmem:v3+s14+$0x0] =	vst.idx.add.f32.msk $0xffff, v2;
	v3 =	vcvt.f32.s32 v10  }
0x3d4: {  	v10 =	vmul.f32 $2.560000000e+02, v11;
	v11 =	vld [tilespmem:s2+$0xD0]  }
0x3d5: {  	[tilespmem:v6+s12+$0x0] =	vst.idx.add.f32.msk $0xffff, v2;
	v6 =	vtrunc.f32 v9;
	v9 =	vmul.f32 $2.560000000e+02, v12;
	v3 =	vadd.s32 v1, v3  }
0x3d6: {  	[tilespmem:v8+s12+$0x0] =	vst.idx.add.f32.msk $0xffff, v2;
	v6 =	vcvt.f32.s32 v6;
	v8 =	vtrunc.f32 v10  }
0x3d7: {  	[tilespmem:v7+s12+$0x0] =	vst.idx.add.f32.msk $0xffff, v2;
	v5 =	vmul.f32 $2.560000000e+02, v5;
	v7 =	vtrunc.f32 v9  }
0x3d8: {  	v8 =	vcvt.f32.s32 v8;
	v9 =	vld [tilespmem:s6+$0xFFFFFF10];
	v6 =	vadd.s32 v1, v6;
	v7 =	vcvt.f32.s32 v7  }
0x3d9: {  	v10 =	vld [tilespmem:s6+$0xFFFFFF90];
	v5 =	vtrunc.f32 v5;
	v11 =	vmul.f32 $2.560000000e+02, v11  }
0x3da: {  	v8 =	vadd.s32 v1, v8;
	v12 =	vld [tilespmem:s6+$0x10];
	v5 =	vcvt.f32.s32 v5;
	v7 =	vadd.s32 v1, v7  }
0x3db: {  	v11 =	vtrunc.f32 v11;
	v13 =	vld [tilespmem:s0+$0x70];
	s0 =	smov.u32 s2;
	s2 =	smov.u32 s6  }
0x3dc: {  	v5 =	vadd.s32 v1, v5;
	v11 =	vcvt.f32.s32 v11;
	[tilespmem:v4+s14+$0x0] =	vst.idx.add.f32.msk $0xffff, v2  }
0x3dd: {  	v4 =	vmul.f32 $2.560000000e+02, v9;
	[tilespmem:v6+s14+$0x0] =	vst.idx.add.f32.msk $0xffff, v2  }
0x3de: {  	v6 =	vmul.f32 $2.560000000e+02, v10;
	v9 =	vld [tilespmem:s0+$0xFFFFFF50];
	v10 =	vadd.s32 v1, v11  }
0x3df: {  	v4 =	vtrunc.f32 v4;
	v11 =	vmul.f32 $2.560000000e+02, v12;
	[tilespmem:v8+s14+$0x0] =	vst.idx.add.f32.msk $0xffff, v2  }
0x3e0: {  	v4 =	vcvt.f32.s32 v4;
	v6 =	vtrunc.f32 v6;
	[tilespmem:v7+s14+$0x0] =	vst.idx.add.f32.msk $0xffff, v2  }
0x3e1: {  	v6 =	vcvt.f32.s32 v6;
	v7 =	vtrunc.f32 v11;
	[tilespmem:v5+s12+$0x0] =	vst.idx.add.f32.msk $0xffff, v2  }
0x3e2: {  	v8 =	vmul.f32 $2.560000000e+02, v13;
	v4 =	vadd.s32 v1, v4;
	v5 =	vcvt.f32.s32 v7;
	v7 =	vld [tilespmem:s6+$0xA0]  }
0x3e3: {  	v6 =	vadd.s32 v1, v6;
	v9 =	vmul.f32 $2.560000000e+02, v9;
	[tilespmem:v10+s14+$0x0] =	vst.idx.add.f32.msk $0xffff, v2  }
0x3e4: {  	v8 =	vtrunc.f32 v8;
	v5 =	vadd.s32 v1, v5;
	v10 =	vld [tilespmem:s0+$0xE0]  }
0x3e5: {  	v8 =	vcvt.f32.s32 v8;
	v9 =	vtrunc.f32 v9;
	v11 =	vld [tilespmem:s0+$0xFFFFFFD0]  }
0x3e6: {  	v9 =	vcvt.f32.s32 v9;
	v12 =	vld [tilespmem:s0+$0x50]  }
0x3e7: {  	[tilespmem:v4+s12+$0x0] =	vst.idx.add.f32.msk $0xffff, v2;
	v4 =	vmul.f32 $2.560000000e+02, v7;
	v7 =	vadd.s32 v1, v8  }
0x3e8: {  	[tilespmem:v6+s12+$0x0] =	vst.idx.add.f32.msk $0xffff, v2;
	v6 =	vadd.s32 v1, v9  }
0x3e9: {  	[tilespmem:v5+s12+$0x0] =	vst.idx.add.f32.msk $0xffff, v2;
	v4 =	vtrunc.f32 v4;
	v5 =	vmul.f32 $2.560000000e+02, v10  }
0x3ea: {  	v8 =	vld [tilespmem:s6+$0xFFFFFF20];
	v4 =	vcvt.f32.s32 v4;
	v9 =	vmul.f32 $2.560000000e+02, v11  }
0x3eb: {  	v10 =	vld [tilespmem:s6+$0xFFFFFFA0];
	v11 =	vmul.f32 $2.560000000e+02, v12;
	v5 =	vtrunc.f32 v5  }
0x3ec: {  	v12 =	vld [tilespmem:s6+$0x20];
	v4 =	vadd.s32 v1, v4;
	v9 =	vtrunc.f32 v9;
	v5 =	vcvt.f32.s32 v5  }
0x3ed: {  	[tilespmem:v6+s14+$0x0] =	vst.idx.add.f32.msk $0xffff, v2;
	v6 =	vcvt.f32.s32 v9;
	v9 =	vtrunc.f32 v11  }
0x3ee: {  	v11 =	vld [tilespmem:s0+$0xFFFFFF60];
	v9 =	vcvt.f32.s32 v9;
	v5 =	vadd.s32 v1, v5  }
0x3ef: {  	v8 =	vmul.f32 $2.560000000e+02, v8;
	v6 =	vadd.s32 v1, v6;
	[tilespmem:v3+s14+$0x0] =	vst.idx.add.f32.msk $0xffff, v2  }
0x3f0: {  	v3 =	vmul.f32 $2.560000000e+02, v10;
	v9 =	vadd.s32 v1, v9;
	[tilespmem:v7+s14+$0x0] =	vst.idx.add.f32.msk $0xffff, v2  }
0x3f1: {  	v7 =	vtrunc.f32 v8;
	v8 =	vmul.f32 $2.560000000e+02, v12;
	[tilespmem:v4+s12+$0x0] =	vst.idx.add.f32.msk $0xffff, v2  }
0x3f2: {  	v4 =	vcvt.f32.s32 v7;
	v3 =	vtrunc.f32 v3;
	v7 =	vld [tilespmem:s6+$0xB0]  }
0x3f3: {  	v3 =	vcvt.f32.s32 v3;
	v8 =	vtrunc.f32 v8;
	[tilespmem:v5+s14+$0x0] =	vst.idx.add.f32.msk $0xffff, v2  }
0x3f4: {  	v4 =	vadd.s32 v1, v4;
	v5 =	vcvt.f32.s32 v8;
	v8 =	vmul.f32 $2.560000000e+02, v11;
	v10 =	vld [tilespmem:s0+$0xF0]  }
0x3f5: {  	v3 =	vadd.s32 v1, v3;
	[tilespmem:v6+s14+$0x0] =	vst.idx.add.f32.msk $0xffff, v2  }
0x3f6: {  	v5 =	vadd.s32 v1, v5;
	v6 =	vtrunc.f32 v8;
	[tilespmem:v9+s14+$0x0] =	vst.idx.add.f32.msk $0xffff, v2  }
0x3f7: {  	v6 =	vcvt.f32.s32 v6;
	v9 =	vld [tilespmem:s0+$0xFFFFFFE0]  }
0x3f8: {  	v7 =	vmul.f32 $2.560000000e+02, v7;
	v11 =	vld [tilespmem:s0+$0x60]  }
0x3f9: {  	[tilespmem:v4+s12+$0x0] =	vst.idx.add.f32.msk $0xffff, v2;
	v4 =	vadd.s32 v1, v6;
	v6 =	vmul.f32 $2.560000000e+02, v10  }
0x3fa: {  	[tilespmem:v3+s12+$0x0] =	vst.idx.add.f32.msk $0xffff, v2;
	v3 =	vtrunc.f32 v7  }
0x3fb: {  	[tilespmem:v5+s12+$0x0] =	vst.idx.add.f32.msk $0xffff, v2;
	v3 =	vcvt.f32.s32 v3;
	v5 =	vtrunc.f32 v6  }
.Ltmp4:
0x3fc: {  	v8 =	vld [tilespmem:s6+$0xFFFFFF30];
	v6 =	vmul.f32 $2.560000000e+02, v9;
	v5 =	vcvt.f32.s32 v5;
	(pc) =	sbr.rel @p2 .LBB2_11-.Ltmp4, $4  }
0x3fd: {  	v9 =	vld [tilespmem:s6+$0xFFFFFFB0];
	v7 =	vadd.s32 v1, v3;
	v11 =	vmul.f32 $2.560000000e+02, v11  }
0x3fe: {  	v10 =	vld [tilespmem:s6+$0x30];
	v6 =	vtrunc.f32 v6;
	v3 =	vadd.s32 v1, v5  }
0x3ff: {  	[tilespmem:v4+s14+$0x0] =	vst.idx.add.f32.msk $0xffff, v2;
	v5 =	vcvt.f32.s32 v6;
	v6 =	vtrunc.f32 v11  }
0x400: {  	s6 =	sadd.s32 $0x200, s6;
	v4 =	vld [tilespmem:s0+$0xFFFFFF70];
	v6 =	vcvt.f32.s32 v6  }
0x401: {  	v8 =	vmul.f32 $2.560000000e+02, v8  }
0x402: {  	v9 =	vmul.f32 $2.560000000e+02, v9  }
0x403: {  	v8 =	vtrunc.f32 v8;
	v10 =	vmul.f32 $2.560000000e+02, v10  }
0x404: {  	v8 =	vcvt.f32.s32 v8;
	v9 =	vtrunc.f32 v9  }
0x405: {  	v9 =	vcvt.f32.s32 v9  }
0x406: {  	v10 =	vtrunc.f32 v10;
	v8 =	vadd.s32 v1, v8  }
0x407: {  	v10 =	vcvt.f32.s32 v10;
	v9 =	vadd.s32 v1, v9;
	_ =	sdelay $0x1  }
0x408: {  	[tilespmem:v7+s12+$0x0] =	vst.idx.add.f32.msk $0xffff, v2;
	v7 =	vadd.s32 v1, v10  }
0x409: {  	v10 =	vld [tilespmem:s2+$0xC0]  }
0x40a: {  	[tilespmem:v8+s12+$0x0] =	vst.idx.add.f32.msk $0xffff, v2  }
0x40b: {  	[tilespmem:v9+s12+$0x0] =	vst.idx.add.f32.msk $0xffff, v2  }
0x40c: {  	v8 =	vld [tilespmem:s2+$0xFFFFFF40]  }
0x40d: {  	[tilespmem:v7+s12+$0x0] =	vst.idx.add.f32.msk $0xffff, v2  }
0x40e: {  	v7 =	vld [tilespmem:s2+$0xFFFFFFC0]  }
0x40f: {  	v9 =	vmul.f32 $2.560000000e+02, v10;
	v10 =	vld [tilespmem:s2+$0x40];
	_ =	sdelay $0x1  }
0x410: {  	v9 =	vtrunc.f32 v9;
	v8 =	vmul.f32 $2.560000000e+02, v8  }
0x411: {  	v9 =	vcvt.f32.s32 v9  }
0x412: {  	v7 =	vmul.f32 $2.560000000e+02, v7;
	v8 =	vtrunc.f32 v8  }
0x413: {  	v9 =	vadd.s32 v1, v9;
	v10 =	vmul.f32 $2.560000000e+02, v10;
	v8 =	vcvt.f32.s32 v8  }
0x414: {  	v7 =	vtrunc.f32 v7  }
0x415: {  	v10 =	vtrunc.f32 v10;
	v7 =	vcvt.f32.s32 v7;
	v8 =	vadd.s32 v1, v8  }
0x416: {  	v10 =	vcvt.f32.s32 v10  }
0x417: {  	v7 =	vadd.s32 v1, v7  }
0x418: {  	[tilespmem:v9+s14+$0x0] =	vst.idx.add.f32.msk $0xffff, v2;
	v9 =	vadd.s32 v1, v10  }
0x419: {  	v10 =	vld [tilespmem:s2+$0xD0]  }
0x41a: {  	[tilespmem:v8+s14+$0x0] =	vst.idx.add.f32.msk $0xffff, v2  }
0x41b: {  	v8 =	vld [tilespmem:s2+$0xFFFFFF50]  }
0x41c: {  	[tilespmem:v7+s14+$0x0] =	vst.idx.add.f32.msk $0xffff, v2  }
0x41d: {  	[tilespmem:v9+s14+$0x0] =	vst.idx.add.f32.msk $0xffff, v2  }
0x41e: {  	v7 =	vld [tilespmem:s2+$0xFFFFFFD0]  }
0x41f: {  	v9 =	vmul.f32 $2.560000000e+02, v10;
	v10 =	vld [tilespmem:s2+$0x50];
	_ =	sdelay $0x1  }
0x420: {  	v9 =	vtrunc.f32 v9;
	v8 =	vmul.f32 $2.560000000e+02, v8  }
0x421: {  	v9 =	vcvt.f32.s32 v9  }
0x422: {  	v7 =	vmul.f32 $2.560000000e+02, v7;
	v8 =	vtrunc.f32 v8  }
0x423: {  	v9 =	vadd.s32 v1, v9;
	v10 =	vmul.f32 $2.560000000e+02, v10;
	v8 =	vcvt.f32.s32 v8  }
0x424: {  	v7 =	vtrunc.f32 v7  }
0x425: {  	v7 =	vcvt.f32.s32 v7;
	v10 =	vtrunc.f32 v10;
	v8 =	vadd.s32 v1, v8  }
0x426: {  	v10 =	vcvt.f32.s32 v10  }
0x427: {  	v7 =	vadd.s32 v1, v7  }
0x428: {  	[tilespmem:v9+s14+$0x0] =	vst.idx.add.f32.msk $0xffff, v2;
	v9 =	vadd.s32 v1, v10  }
0x429: {  	v10 =	vld [tilespmem:s2+$0xE0]  }
0x42a: {  	[tilespmem:v8+s14+$0x0] =	vst.idx.add.f32.msk $0xffff, v2  }
0x42b: {  	v8 =	vld [tilespmem:s2+$0xFFFFFF60]  }
0x42c: {  	[tilespmem:v7+s14+$0x0] =	vst.idx.add.f32.msk $0xffff, v2  }
0x42d: {  	[tilespmem:v9+s14+$0x0] =	vst.idx.add.f32.msk $0xffff, v2  }
0x42e: {  	v7 =	vld [tilespmem:s2+$0xFFFFFFE0]  }
0x42f: {  	v9 =	vmul.f32 $2.560000000e+02, v10;
	v10 =	vld [tilespmem:s2+$0x60]  }
0x430: {  	v5 =	vadd.s32 v1, v5  }
0x431: {  	v6 =	vadd.s32 v1, v6;
	v9 =	vtrunc.f32 v9;
	v8 =	vmul.f32 $2.560000000e+02, v8  }
0x432: {  	v9 =	vcvt.f32.s32 v9  }
0x433: {  	v7 =	vmul.f32 $2.560000000e+02, v7;
	v8 =	vtrunc.f32 v8  }
0x434: {  	v9 =	vadd.s32 v1, v9;
	v10 =	vmul.f32 $2.560000000e+02, v10;
	v8 =	vcvt.f32.s32 v8  }
0x435: {  	[tilespmem:v5+s14+$0x0] =	vst.idx.add.f32.msk $0xffff, v2;
	v5 =	vtrunc.f32 v7  }
0x436: {  	[tilespmem:v6+s14+$0x0] =	vst.idx.add.f32.msk $0xffff, v2;
	v5 =	vcvt.f32.s32 v5;
	v7 =	vtrunc.f32 v10;
	v6 =	vadd.s32 v1, v8  }
0x437: {  	v10 =	vld [tilespmem:s0+$0x70];
	v7 =	vcvt.f32.s32 v7  }
0x438: {  	v8 =	vld [tilespmem:s0+$0xFFFFFFF0];
	v5 =	vadd.s32 v1, v5  }
0x439: {  	[tilespmem:v9+s14+$0x0] =	vst.idx.add.f32.msk $0xffff, v2;
	v7 =	vadd.s32 v1, v7  }
0x43a: {  	v9 =	vld [tilespmem:s2+$0xF0]  }
0x43b: {  	[tilespmem:v6+s14+$0x0] =	vst.idx.add.f32.msk $0xffff, v2  }
0x43c: {  	v4 =	vmul.f32 $2.560000000e+02, v4;
	v6 =	vld [tilespmem:s2+$0xFFFFFF70]  }
0x43d: {  	[tilespmem:v5+s14+$0x0] =	vst.idx.add.f32.msk $0xffff, v2  }
0x43e: {  	v4 =	vtrunc.f32 v4;
	[tilespmem:v7+s14+$0x0] =	vst.idx.add.f32.msk $0xffff, v2  }
0x43f: {  	v5 =	vmul.f32 $2.560000000e+02, v8;
	v7 =	vmul.f32 $2.560000000e+02, v10;
	v8 =	vld [tilespmem:s2+$0xFFFFFFF0]  }
0x440: {  	v4 =	vcvt.f32.s32 v4;
	v9 =	vmul.f32 $2.560000000e+02, v9;
	v10 =	vld [tilespmem:s2+$0x70]  }
0x441: {  	v5 =	vtrunc.f32 v5;
	v7 =	vtrunc.f32 v7  }
0x442: {  	v5 =	vcvt.f32.s32 v5;
	v9 =	vtrunc.f32 v9  }
0x443: {  	v7 =	vcvt.f32.s32 v7;
	v6 =	vmul.f32 $2.560000000e+02, v6  }
0x444: {  	v4 =	vadd.s32 v1, v4;
	v9 =	vcvt.f32.s32 v9;
	v8 =	vmul.f32 $2.560000000e+02, v8  }
0x445: {  	v5 =	vadd.s32 v1, v5;
	v6 =	vtrunc.f32 v6;
	v10 =	vmul.f32 $2.560000000e+02, v10  }
0x446: {  	v7 =	vadd.s32 v1, v7;
	v6 =	vcvt.f32.s32 v6;
	v8 =	vtrunc.f32 v8  }
0x447: {  	v9 =	vadd.s32 v1, v9;
	v8 =	vcvt.f32.s32 v8;
	v10 =	vtrunc.f32 v10  }
0x448: {  	[tilespmem:v3+s14+$0x0] =	vst.idx.add.f32.msk $0xffff, v2;
	v3 =	vadd.s32 v1, v6;
	v6 =	vcvt.f32.s32 v10  }
0x449: {  	[tilespmem:v4+s14+$0x0] =	vst.idx.add.f32.msk $0xffff, v2;
	v4 =	vadd.s32 v1, v8  }
0x44a: {  	[tilespmem:v5+s14+$0x0] =	vst.idx.add.f32.msk $0xffff, v2;
	v5 =	vadd.s32 v1, v6  }
0x44b: {  	[tilespmem:v7+s14+$0x0] =	vst.idx.add.f32.msk $0xffff, v2  }
0x44c: {  	[tilespmem:v9+s14+$0x0] =	vst.idx.add.f32.msk $0xffff, v2  }
0x44d: {  	[tilespmem:v3+s14+$0x0] =	vst.idx.add.f32.msk $0xffff, v2  }
0x44e: {  	[tilespmem:v4+s14+$0x0] =	vst.idx.add.f32.msk $0xffff, v2  }
0x44f: {  	s0 =	simm.s32 $0x0;
	[tilespmem:v5+s14+$0x0] =	vst.idx.add.f32.msk $0xffff, v2  }
0x450: {  	v3 =	vld [tilespmem:s0+$0x9000]  }
0x451: {  	v4 =	vld [tilespmem:s0+$0x9100]  }
0x452: {  	v5 =	vld [tilespmem:s0+$0x9200]  }
0x453: {  	v6 =	vld [tilespmem:s0+$0x9300]  }
0x454: {  	v7 =	vld [tilespmem:s0+$0x9400]  }
0x455: {  	v8 =	vld [tilespmem:s0+$0x9500]  }
0x456: {  	v9 =	vld [tilespmem:s0+$0x9600]  }
0x457: {  	v10 =	vld [tilespmem:s0+$0x9700]  }
0x458: {  	v11 =	vld [tilespmem:s0+$0x9800]  }
0x459: {  	v12 =	vld [tilespmem:s0+$0x9900]  }
0x45a: {  	v13 =	vld [tilespmem:s0+$0x9A00]  }
0x45b: {  	v14 =	vld [tilespmem:s0+$0x9B00]  }
0x45c: {  	v15 =	vld [tilespmem:s0+$0x9C00]  }
0x45d: {  	v16 =	vld [tilespmem:s0+$0x9D00]  }
0x45e: {  	v17 =	vld [tilespmem:s0+$0x9E00]  }
0x45f: {  	v18 =	vld [tilespmem:s0+$0x9F00]  }
0x460: {  	v19 =	vld [tilespmem:s0+$0x8000]  }
0x461: {  	v20 =	vld [tilespmem:s0+$0x8100]  }
0x462: {  	v21 =	vld [tilespmem:s0+$0x8200]  }
0x463: {  	v22 =	vld [tilespmem:s0+$0x8300]  }
0x464: {  	v23 =	vld [tilespmem:s0+$0x8400]  }
0x465: {  	v24 =	vld [tilespmem:s0+$0x8500]  }
0x466: {  	v25 =	vld [tilespmem:s0+$0x8600]  }
0x467: {  	v26 =	vld [tilespmem:s0+$0x8700]  }
0x468: {  	v27 =	vld [tilespmem:s0+$0x8800]  }
0x469: {  	v28 =	vld [tilespmem:s0+$0x8900]  }
0x46a: {  	v29 =	vld [tilespmem:s0+$0x8A00];
	v3 =	vadd.f32 v4, v3;
	v4 =	vadd.f32 v6, v5  }
0x46b: {  	v5 =	vadd.f32 v8, v7;
	v6 =	vadd.f32 v10, v9;
	v8 =	vld [tilespmem:s0+$0x8B00]  }
0x46c: {  	v7 =	vadd.f32 v12, v11;
	v9 =	vadd.f32 v14, v13;
	v10 =	vld [tilespmem:s0+$0x8C00]  }
0x46d: {  	v11 =	vadd.f32 v16, v15;
	v12 =	vadd.f32 v18, v17;
	v13 =	vld [tilespmem:s0+$0x8D00]  }
0x46e: {  	v14 =	vld [tilespmem:s0+$0x8E00];
	v3 =	vadd.f32 v4, v3;
	v4 =	vadd.f32 v6, v5  }
0x46f: {  	s2 =	simm.s32 $0x10;
	v6 =	vadd.f32 v9, v7;
	v7 =	vadd.f32 v12, v11;
	v11 =	vld [tilespmem:s0+$0x8F00]  }
0x470: {  	v15 =	vadd.f32 v22, v21;
	v16 =	vadd.f32 v24, v23;
	v21 =	vld [tilespmem:s2+$0x9E00]  }
0x471: {  	v17 =	vadd.f32 v26, v25;
	v18 =	vadd.f32 v28, v27;
	v5 =	vld [tilespmem:s2+$0x9000]  }
0x472: {  	v12 =	vadd.f32 v20, v19;
	v9 =	vld [tilespmem:s2+$0x9300];
	v3 =	vadd.f32 v4, v3  }
0x473: {  	v20 =	vld [tilespmem:s2+$0x9D00];
	v4 =	vadd.f32 v7, v6;
	v19 =	vadd.f32 v8, v29  }
0x474: {  	v6 =	vld [tilespmem:s2+$0x9100];
	v13 =	vadd.f32 v13, v10;
	v14 =	vadd.f32 v11, v14  }
0x475: {  	v7 =	vld [tilespmem:s2+$0x9200];
	v12 =	vadd.f32 v15, v12;
	v15 =	vadd.f32 v17, v16  }
0x476: {  	v17 =	vld [tilespmem:s2+$0x9C00];
	v16 =	vadd.f32 v19, v18;
	v14 =	vadd.f32 v14, v13  }
0x477: {  	v8 =	vld [tilespmem:s2+$0x9400];
	v3 =	vadd.f32 v4, v3  }
0x478: {  	v10 =	vld [tilespmem:s2+$0x9500];
	v4 =	vadd.f32 v15, v12;
	v14 =	vadd.f32 v14, v16  }
0x479: {  	v12 =	vld [tilespmem:s2+$0x9800];
	v19 =	vmul.f32 $2.441406250e-04, v3  }
0x47a: {  	v15 =	vld [tilespmem:s2+$0x9900];
	v3 =	vadd.f32 v14, v4  }
0x47b: {  	v11 =	vld [tilespmem:s2+$0x9600];
	v4 =	vadd.f32 $-7.812500000e-03, v19  }
0x47c: {  	v18 =	vld [tilespmem:s2+$0x9B00];
	v22 =	vmul.f32 $2.441406250e-04, v3  }
0x47d: {  	v13 =	vld [tilespmem:s2+$0x9700];
	v14 =	vmin.f32 v19, $7.812500000e-03;
	v3 =	vimm.f32 $0.0e+00;
	v4 =	vmax.f32 v4, $0.0e+00  }
0x47e: {  	s5 =	simm.s32 $0x80;
	v16 =	vld [tilespmem:s2+$0x9A00];
	[tilespmem:s0+$0xA100] =	vst v14;
	v4 =	vadd.f32 v4, v3;
	v14 =	vmin.f32 v22, $7.812500000e-03;
	v19 =	vadd.f32 $-7.812500000e-03, v22  }
.LBB2_13:
0x47f: {  	p2 =	sne.s32 s5, $0x3C0;
	v22 =	vld [tilespmem:s2+$0x9F00];
	[tilespmem:s0+$0xA000] =	vst v14;
	s0 =	smov.u32 s2  }
0x480: {  	v14 =	vld [tilespmem:s0+$0x8000];
	v19 =	vmax.f32 v19, $0.0e+00  }
0x481: {  	v5 =	vadd.f32 v6, v5;
	v6 =	vadd.f32 v9, v7;
	v23 =	vld [tilespmem:s0+$0x8100]  }
0x482: {  	v8 =	vadd.f32 v10, v8;
	v9 =	vadd.f32 v13, v11;
	v7 =	vld [tilespmem:s0+$0x8200]  }
0x483: {  	v11 =	vadd.f32 v15, v12;
	v12 =	vadd.f32 v18, v16;
	v10 =	vld [tilespmem:s0+$0x8300]  }
0x484: {  	v15 =	vadd.f32 v20, v17;
	v13 =	vld [tilespmem:s0+$0x8400];
	v16 =	vadd.f32 v22, v21  }
0x485: {  	v5 =	vadd.f32 v6, v5;
	v6 =	vadd.f32 v9, v8;
	v17 =	vld [tilespmem:s0+$0x8500]  }
0x486: {  	v9 =	vadd.f32 v12, v11;
	v8 =	vld [tilespmem:s0+$0x8600];
	v11 =	vadd.f32 v16, v15  }
0x487: {  	v3 =	vadd.f32 v19, v3;
	v14 =	vadd.f32 v23, v14;
	v12 =	vld [tilespmem:s0+$0x8700]  }
0x488: {  	v5 =	vadd.f32 v6, v5;
	v15 =	vld [tilespmem:s0+$0x8800];
	v6 =	vadd.f32 v11, v9  }
0x489: {  	v7 =	vadd.f32 v10, v7;
	v9 =	vld [tilespmem:s0+$0x8900]  }
0x48a: {  	v10 =	vld [tilespmem:s0+$0x8A00];
	v11 =	vadd.f32 v17, v13;
	v5 =	vadd.f32 v6, v5  }
0x48b: {  	v7 =	vadd.f32 v7, v14;
	v6 =	vld [tilespmem:s0+$0x8B00]  }
0x48c: {  	v13 =	vld [tilespmem:s0+$0x8C00];
	v8 =	vadd.f32 v12, v8;
	v5 =	vmul.f32 $2.441406250e-04, v5  }
0x48d: {  	v12 =	vld [tilespmem:s0+$0x8D00]  }
0x48e: {  	v14 =	vld [tilespmem:s0+$0x8E00];
	v9 =	vadd.f32 v9, v15;
	v15 =	vmin.f32 v5, $7.812500000e-03;
	v16 =	vadd.f32 $-7.812500000e-03, v5  }
0x48f: {  	s2 =	sshra.s32 s5, $0x2;
	v8 =	vadd.f32 v8, v11;
	v17 =	vld [tilespmem:s0+$0x8F00];
	[tilespmem:s0+$0xA100] =	vst v15  }
0x490: {  	v5 =	vld [tilespmem:s2+$0x9000];
	v10 =	vadd.f32 v6, v10;
	v11 =	vmax.f32 v16, $0.0e+00  }
0x491: {  	v18 =	vadd.f32 v8, v7;
	v6 =	vld [tilespmem:s2+$0x9100];
	v4 =	vadd.f32 v11, v4  }
0x492: {  	v7 =	vld [tilespmem:s2+$0x9200];
	v12 =	vadd.f32 v12, v13;
	v15 =	vadd.f32 v10, v9  }
0x493: {  	v9 =	vld [tilespmem:s2+$0x9300]  }
0x494: {  	v8 =	vld [tilespmem:s2+$0x9400];
	v13 =	vadd.f32 v17, v14  }
0x495: {  	v10 =	vld [tilespmem:s2+$0x9500]  }
0x496: {  	v11 =	vld [tilespmem:s2+$0x9600];
	v14 =	vadd.f32 v13, v12  }
0x497: {  	v13 =	vld [tilespmem:s2+$0x9700]  }
0x498: {  	v12 =	vld [tilespmem:s2+$0x9800];
	v14 =	vadd.f32 v14, v15  }
0x499: {  	v15 =	vld [tilespmem:s2+$0x9900]  }
.Ltmp5:
0x49a: {  	v16 =	vld [tilespmem:s2+$0x9A00];
	v14 =	vadd.f32 v14, v18;
	(pc) =	sbr.rel @p2 .LBB2_13-.Ltmp5, $4  }
0x49b: {  	v18 =	vld [tilespmem:s2+$0x9B00]  }
0x49c: {  	v17 =	vld [tilespmem:s2+$0x9C00];
	v19 =	vmul.f32 $2.441406250e-04, v14  }
0x49d: {  	v20 =	vld [tilespmem:s2+$0x9D00]  }
0x49e: {  	s5 =	sadd.s32 $0x40, s5;
	v21 =	vld [tilespmem:s2+$0x9E00];
	v14 =	vmin.f32 v19, $7.812500000e-03;
	v19 =	vadd.f32 $-7.812500000e-03, v19  }
0x49f: {  	v22 =	vld [tilespmem:s2+$0x9F00]  }
0x4a0: {  	v23 =	vld [tilespmem:s2+$0x8000]  }
0x4a1: {  	v24 =	vld [tilespmem:s2+$0x8100]  }
0x4a2: {  	v25 =	vld [tilespmem:s2+$0x8200]  }
0x4a3: {  	v26 =	vld [tilespmem:s2+$0x8300]  }
0x4a4: {  	v27 =	vld [tilespmem:s2+$0x8400]  }
0x4a5: {  	v28 =	vld [tilespmem:s2+$0x8500]  }
0x4a6: {  	v29 =	vld [tilespmem:s2+$0x8600]  }
0x4a7: {  	v30 =	vld [tilespmem:s2+$0x8700]  }
0x4a8: {  	v31 =	vld [tilespmem:s2+$0x8800]  }
0x4a9: {  	v32 =	vld [tilespmem:s2+$0x8900]  }
0x4aa: {  	v33 =	vld [tilespmem:s2+$0x8A00]  }
0x4ab: {  	v34 =	vld [tilespmem:s2+$0x8B00]  }
0x4ac: {  	v5 =	vadd.f32 v6, v5;
	v6 =	vadd.f32 v9, v7;
	v7 =	vld [tilespmem:s2+$0x8C00]  }
0x4ad: {  	v8 =	vadd.f32 v10, v8;
	v44 =	vadd.f32 v13, v11;
	v45 =	vld [tilespmem:s2+$0x8D00]  }
0x4ae: {  	v46 =	vadd.f32 v15, v12;
	v48 =	vld [tilespmem:s2+$0x8E00];
	v47 =	vadd.f32 v18, v16  }
0x4af: {  	v51 =	vld [tilespmem:s2+$0x8F00];
	v5 =	vadd.f32 v6, v5;
	v6 =	vadd.f32 v44, v8  }
0x4b0: {  	v49 =	vadd.f32 v20, v17;
	v50 =	vadd.f32 v22, v21  }
0x4b1: {  	v52 =	vadd.f32 v24, v23;
	v53 =	vadd.f32 v26, v25  }
0x4b2: {  	v54 =	vadd.f32 v28, v27;
	v55 =	vadd.f32 v30, v29  }
0x4b3: {  	v56 =	vadd.f32 v32, v31;
	v57 =	vadd.f32 v34, v33  }
0x4b4: {  	v7 =	vadd.f32 v45, v7;
	v58 =	vadd.f32 v51, v48  }
0x4b5: {  	v8 =	vadd.f32 v53, v52;
	v59 =	vadd.f32 v55, v54  }
0x4b6: {  	v60 =	vadd.f32 v57, v56;
	v7 =	vadd.f32 v58, v7  }
0x4b7: {  	v61 =	vadd.f32 v47, v46;
	v62 =	vadd.f32 v50, v49  }
0x4b8: {  	v8 =	vadd.f32 v59, v8;
	v7 =	vadd.f32 v7, v60  }
0x4b9: {  	v5 =	vadd.f32 v6, v5;
	v6 =	vadd.f32 v62, v61  }
0x4ba: {  	v7 =	vadd.f32 v7, v8  }
0x4bb: {  	v5 =	vadd.f32 v6, v5  }
0x4bc: {  	v6 =	vmul.f32 $2.441406250e-04, v7  }
0x4bd: {  	v5 =	vmul.f32 $2.441406250e-04, v5  }
0x4be: {  	v7 =	vmax.f32 v19, $0.0e+00;
	v63 =	vadd.f32 $-7.812500000e-03, v6  }
0x4bf: {  	v3 =	vadd.f32 v7, v3;
	v7 =	vadd.f32 $-7.812500000e-03, v5  }
0x4c0: {  	v8 =	vmax.f32 v63, $0.0e+00  }
0x4c1: {  	v7 =	vmax.f32 v7, $0.0e+00;
	v3 =	vadd.f32 v8, v3  }
0x4c2: {  	v4 =	vadd.f32 v7, v4  }
0x4c3: {  	(xrf2) =	vadd.scan.msk.f32 $0xffff, v3  }
0x4c4: {  	(xrf2) =	vadd.scan.msk.f32 $0xffff, v4;
	_ =	sdelay $0x8  }
0x4c5: {  	v3, _, _ =	vpop (xrf2)  }
0x4c6: {  	(v2sf) =	vpush v3, $0xF;
	v3, _, _ =	vpop (xrf2)  }
0x4c7: {  	(v2sf) =	vpush v3, $0xF;
	_ =	sdelay $0x9  }
0x4c8: {  	[tilespmem:s0+$0xA000] =	vst v14;
	v3 =	vmin.f32 v5, $7.812500000e-03  }
0x4c9: {  	[tilespmem:s2+$0xA100] =	vst v3;
	v3 =	vmin.f32 v6, $7.812500000e-03  }
0x4ca: {  	s8 =	simm.s32 $0x0;
	s9 =	simm.s32 $0xA000;
	[tilespmem:s2+$0xA000] =	vst v3  }
0x4cb: {  	s0 =	sand.u32 $0xF0, s8;
	v5 =	vld [tilespmem:s9+$0x0]  }
0x4cc: {  	v6 =	vld [tilespmem:s0+$0xA100];
	s11 =	spop (v2sf)  }
0x4cd: {  	s17 =	smul.f32 $3.906250000e-03, s11;
	s30 =	spop (v2sf)  }
0x4ce: {  	s2 =	smul.f32 $3.906250000e-03, s30  }
0x4cf: {  	v3 =	vmov s17  }
0x4d0: {  	v4 =	vmov s2;
	v5 =	vadd.f32 v5, v3  }
0x4d1: {  	v6 =	vadd.f32 v6, v4  }
0x4d2: {  	(xrf2) =	vadd.scan.msk.f32 $0xffff, v5  }
0x4d3: {  	(xrf2) =	vadd.scan.msk.f32 $0xffff, v6;
	_ =	sdelay $0x8  }
0x4d4: {  	v5, _, _ =	vpop (xrf2)  }
0x4d5: {  	s0 =	simm.f32 $0.0e+00;
	(v2sf) =	vpush v5, $0xF;
	v6, _, _ =	vpop (xrf2)  }
0x4d6: {  	v5 =	vadd.f32 s0, v5;
	(v2sf) =	vpush v6, $0xF  }
0x4d7: {  	s2 =	simm.s32 $0xA200;
	v6 =	vadd.f32 s0, v6  }
0x4d8: {  	s5 =	simm.s32 $0xA300;
	[tilespmem:s2+$0x0] =	vst v5  }
0x4d9: {  	[tilespmem:s5+$0x0] =	vst v6;
	s5 =	simm.s32 $0xA010  }
0x4da: {  	v5 =	vld [tilespmem:s5+$0x0]  }
0x4db: {  	s6 =	simm.s32 $0x10  }
0x4dc: {  	s6 =	sand.u32 $0xF0, s6  }
0x4dd: {  	v6 =	vld [tilespmem:s6+$0xA100];
	_ =	sdelay $0x1  }
0x4de: {  	v5 =	vadd.f32 v5, v3;
	_ =	sdelay $0x1  }
0x4df: {  	(xrf2) =	vadd.scan.msk.f32 $0xffff, v5  }
0x4e0: {  	v6 =	vadd.f32 v6, v4;
	_ =	sdelay $0x1  }
0x4e1: {  	s9 =	simm.s32 $0x20;
	(xrf2) =	vadd.scan.msk.f32 $0xffff, v6;
	s31 =	spop (v2sf)  }
0x4e2: {  	s6 =	simm.s32 $0xA310;
	s8 =	sadd.f32 s31, s0;
	s11 =	spop (v2sf)  }
.LBB2_15:
0x4e3: {  	s0 =	sadd.f32 s11, s0  }
0x4e4: {  	s2 =	sadd.s32 $0x10, s2;
	s11 =	smov.u32 s9;
	s17 =	sadd.s32 $0x10, s9  }
0x4e5: {  	p2 =	sne.s32 s9, $0xF0;
	_ =	sdelay $0x2  }
0x4e6: {  	v5, _, _ =	vpop (xrf2)  }
0x4e7: {  	v6 =	vadd.f32 s8, v5;
	(v2sf) =	vpush v5, $0xF;
	_ =	sdelay $0x1  }
0x4e8: {  	[tilespmem:s2+$0x0] =	vst v6;
	v5, _, _ =	vpop (xrf2)  }
0x4e9: {  	v6 =	vadd.f32 s0, v5;
	(v2sf) =	vpush v5, $0xF;
	_ =	sdelay $0x1  }
0x4ea: {  	s5 =	sadd.s32 $0x10, s5;
	[tilespmem:s6+$0x0] =	vst v6  }
0x4eb: {  	v5 =	vld [tilespmem:s5+$0x0];
	_ =	sdelay $0x1  }
0x4ec: {  	s9 =	sand.u32 $0xF0, s11  }
0x4ed: {  	v6 =	vld [tilespmem:s9+$0xA100];
	_ =	sdelay $0x1  }
0x4ee: {  	v5 =	vadd.f32 v5, v3;
	_ =	sdelay $0x1  }
0x4ef: {  	(xrf2) =	vadd.scan.msk.f32 $0xffff, v5  }
.Ltmp6:
0x4f0: {  	v5 =	vadd.f32 v6, v4;
	(pc) =	sbr.rel @p2 .LBB2_15-.Ltmp6, $3  }
0x4f1: {  	s9 =	spop (v2sf)  }
0x4f2: {  	(xrf2) =	vadd.scan.msk.f32 $0xffff, v5;
	s8 =	sadd.f32 s9, s8;
	_ =	sdelay $0x1  }
0x4f3: {  	s6 =	sadd.s32 $0x10, s6;
	s9 =	smov.u32 s17;
	s11 =	spop (v2sf)  }
0x4f4: {  	_ =	sdelay $0x5  }
0x4f5: {  	v3, _, _ =	vpop (xrf2)  }
0x4f6: {  	(v2sf) =	vpush v3, $0xF;
	v4, _, _ =	vpop (xrf2)  }
0x4f7: {  	(v2sf) =	vpush v4, $0xF;
	_ =	sdelay $0x5  }
0x4f8: {  	s0 =	sadd.f32 s11, s0  }
0x4f9: {  	v3 =	vadd.f32 s8, v3  }
0x4fa: {  	s2 =	sadd.s32 $0x10, s2;
	v4 =	vadd.f32 s0, v4  }
0x4fb: {  	[tilespmem:s2+$0x0] =	vst v3  }
0x4fc: {  	[tilespmem:s6+$0x0] =	vst v4  }
0x4fd: {  	[tilespmem:s12], [sflag:$0x5] =	stream.linear.gather [spmem:s4], $0x1000, $0x38;
	[tilespmem:$0xA500] =	vst v63  }
0x4fe: {  	_ = 	snop  }
0x4ff: {  	[tilespmem:s14], [sflag:$0x5] =	stream.linear.gather [spmem:s4], $0x1000, $0x38;
	[tilespmem:$0xA500] =	vst v63  }
0x500: {  	s11 =	spop (v2sf)  }
0x501: {  	s0 =	simm.s32 @!p1 $0x4;
	s17 =	spop (v2sf)  }
0x502: {  	_ =	swait.ge @!p1 [sflag:s0], $0x2000  }
0x503: {  	[sflag:s0] =	ssyncset.done @!p1 $0x0  }
0x504: {  	s5 =	simm.s32 $0x2100;
	[sflag:s0] =	ssyncadd.s32 @!p1 $0xFFFFE000  }
0x505: {  	v3 =	vld [tilespmem:s5+$0x80];
	_ =	sdelay $0x4  }
0x506: {  	v3 =	vmul.f32 $2.550000000e+02, v3;
	_ =	sdelay $0x1  }
0x507: {  	v3 =	vtrunc.f32 v3  }
0x508: {  	v3 =	vcvt.f32.s32 v3;
	_ =	sdelay $0x3  }
0x509: {  	v4 =	vld [tilespmem:s5+$0xFFFFFF00]  }
0x50a: {  	v5 =	vld [tilespmem:s5+$0xFFFFFF80]  }
0x50b: {  	v3 =	vld.idx.msk [tilespmem:v3+s19+$0x0], $0xffff;
	_ =	sdelay $0x2  }
0x50c: {  	v6 =	vld [tilespmem:s5+$0x0];
	v4 =	vmul.f32 $2.550000000e+02, v4  }
0x50d: {  	s30 =	simm.s32 $0x6100;
	v5 =	vmul.f32 $2.550000000e+02, v5  }
0x50e: {  	v4 =	vtrunc.f32 v4;
	[tilespmem:s30+$0x80] =	vst v3  }
0x50f: {  	v4 =	vcvt.f32.s32 v4;
	v3 =	vtrunc.f32 v5;
	v5 =	vld [tilespmem:s5+$0x90]  }
0x510: {  	v3 =	vcvt.f32.s32 v3  }
0x511: {  	v6 =	vmul.f32 $2.550000000e+02, v6;
	_ =	sdelay $0x1  }
0x512: {  	v6 =	vtrunc.f32 v6  }
0x513: {  	v6 =	vcvt.f32.s32 v6;
	v5 =	vmul.f32 $2.550000000e+02, v5  }
0x514: {  	v4 =	vld.idx.msk [tilespmem:v4+s19+$0x0], $0xffff  }
0x515: {  	v3 =	vld.idx.msk [tilespmem:v3+s19+$0x0], $0xffff;
	v5 =	vtrunc.f32 v5  }
0x516: {  	v5 =	vcvt.f32.s32 v5;
	_ =	sdelay $0x2  }
0x517: {  	v6 =	vld.idx.msk [tilespmem:v6+s19+$0x0], $0xffff;
	[tilespmem:s30+$0xFFFFFF00] =	vst v4  }
0x518: {  	v4 =	vld [tilespmem:s5+$0xFFFFFF10];
	[tilespmem:s30+$0xFFFFFF80] =	vst v3  }
0x519: {  	v3 =	vld [tilespmem:s5+$0xFFFFFF90]  }
0x51a: {  	v5 =	vld.idx.msk [tilespmem:v5+s19+$0x0], $0xffff;
	_ =	sdelay $0x1  }
0x51b: {  	[tilespmem:s30+$0x0] =	vst v6  }
0x51c: {  	v6 =	vld [tilespmem:s5+$0x10];
	v4 =	vmul.f32 $2.550000000e+02, v4  }
0x51d: {  	v3 =	vmul.f32 $2.550000000e+02, v3  }
0x51e: {  	v4 =	vtrunc.f32 v4;
	[tilespmem:s30+$0x90] =	vst v5  }
0x51f: {  	v4 =	vcvt.f32.s32 v4;
	v3 =	vtrunc.f32 v3;
	v5 =	vld [tilespmem:s5+$0xA0]  }
0x520: {  	v3 =	vcvt.f32.s32 v3  }
0x521: {  	v6 =	vmul.f32 $2.550000000e+02, v6;
	_ =	sdelay $0x1  }
0x522: {  	v6 =	vtrunc.f32 v6  }
0x523: {  	v6 =	vcvt.f32.s32 v6;
	v5 =	vmul.f32 $2.550000000e+02, v5  }
0x524: {  	v4 =	vld.idx.msk [tilespmem:v4+s19+$0x0], $0xffff  }
0x525: {  	v3 =	vld.idx.msk [tilespmem:v3+s19+$0x0], $0xffff;
	v5 =	vtrunc.f32 v5  }
0x526: {  	v5 =	vcvt.f32.s32 v5;
	_ =	sdelay $0x2  }
0x527: {  	v6 =	vld.idx.msk [tilespmem:v6+s19+$0x0], $0xffff;
	[tilespmem:s30+$0xFFFFFF10] =	vst v4  }
0x528: {  	v4 =	vld [tilespmem:s5+$0xFFFFFF20];
	[tilespmem:s30+$0xFFFFFF90] =	vst v3  }
0x529: {  	v3 =	vld [tilespmem:s5+$0xFFFFFFA0]  }
0x52a: {  	v5 =	vld.idx.msk [tilespmem:v5+s19+$0x0], $0xffff;
	_ =	sdelay $0x1  }
0x52b: {  	[tilespmem:s30+$0x10] =	vst v6  }
0x52c: {  	v6 =	vld [tilespmem:s5+$0x20];
	v4 =	vmul.f32 $2.550000000e+02, v4;
	_ =	sdelay $0x1  }
0x52d: {  	v4 =	vtrunc.f32 v4;
	v3 =	vmul.f32 $2.550000000e+02, v3;
	[tilespmem:s30+$0xA0] =	vst v5  }
0x52e: {  	s2 =	simm.s32 $0x2300;
	v4 =	vcvt.f32.s32 v4;
	v5 =	vld [tilespmem:s5+$0xB0]  }
0x52f: {  	v7 =	vld [tilespmem:s2+$0x80];
	v3 =	vtrunc.f32 v3  }
0x530: {  	v6 =	vmul.f32 $2.550000000e+02, v6;
	v3 =	vcvt.f32.s32 v3;
	_ =	sdelay $0x1  }
0x531: {  	v6 =	vtrunc.f32 v6  }
0x532: {  	v6 =	vcvt.f32.s32 v6;
	v5 =	vmul.f32 $2.550000000e+02, v5  }
0x533: {  	v7 =	vmul.f32 $2.550000000e+02, v7;
	v4 =	vld.idx.msk [tilespmem:v4+s19+$0x0], $0xffff  }
0x534: {  	v8 =	vld [tilespmem:s2+$0xFFFFFF00];
	v5 =	vtrunc.f32 v5  }
0x535: {  	v7 =	vtrunc.f32 v7;
	v3 =	vld.idx.msk [tilespmem:v3+s19+$0x0], $0xffff;
	v5 =	vcvt.f32.s32 v5  }
0x536: {  	v9 =	vld [tilespmem:s2+$0xFFFFFF80];
	v7 =	vcvt.f32.s32 v7  }
0x537: {  	v10 =	vld [tilespmem:s2+$0x0]  }
0x538: {  	[tilespmem:s30+$0xFFFFFF20] =	vst v4;
	v4 =	vld.idx.msk [tilespmem:v6+s19+$0x0], $0xffff;
	_ =	sdelay $0x1  }
0x539: {  	v6 =	vld [tilespmem:s5+$0xFFFFFF30];
	[tilespmem:s30+$0xFFFFFFA0] =	vst v3;
	v3 =	vmul.f32 $2.550000000e+02, v8  }
0x53a: {  	v9 =	vmul.f32 $2.550000000e+02, v9;
	v5 =	vld.idx.msk [tilespmem:v5+s19+$0x0], $0xffff  }
0x53b: {  	v10 =	vmul.f32 $2.550000000e+02, v10;
	v7 =	vld.idx.msk [tilespmem:v7+s19+$0x0], $0xffff;
	v3 =	vtrunc.f32 v3  }
0x53c: {  	v9 =	vtrunc.f32 v9;
	[tilespmem:s30+$0x20] =	vst v4;
	v8 =	vld [tilespmem:s5+$0xFFFFFFB0];
	v3 =	vcvt.f32.s32 v3  }
0x53d: {  	v10 =	vtrunc.f32 v10;
	v4 =	vcvt.f32.s32 v9;
	v9 =	vld [tilespmem:s5+$0x30]  }
0x53e: {  	v10 =	vcvt.f32.s32 v10;
	v6 =	vmul.f32 $2.550000000e+02, v6  }
0x53f: {  	s31 =	simm.s32 $0x6300;
	[tilespmem:s30+$0xB0] =	vst v5  }
0x540: {  	[tilespmem:s31+$0x80] =	vst v7;
	v5 =	vtrunc.f32 v6;
	v7 =	vld [tilespmem:s5+$0xC0]  }
0x541: {  	v6 =	vmul.f32 $2.550000000e+02, v8;
	v8 =	vld [tilespmem:s2+$0x90];
	v5 =	vcvt.f32.s32 v5  }
0x542: {  	v9 =	vmul.f32 $2.550000000e+02, v9;
	v3 =	vld.idx.msk [tilespmem:v3+s19+$0x0], $0xffff  }
0x543: {  	v4 =	vld.idx.msk [tilespmem:v4+s19+$0x0], $0xffff  }
0x544: {  	v10 =	vld.idx.msk [tilespmem:v10+s19+$0x0], $0xffff;
	v9 =	vtrunc.f32 v9;
	v6 =	vtrunc.f32 v6  }
0x545: {  	v6 =	vcvt.f32.s32 v6;
	v7 =	vmul.f32 $2.550000000e+02, v7  }
0x546: {  	v9 =	vcvt.f32.s32 v9;
	v8 =	vmul.f32 $2.550000000e+02, v8  }
0x547: {  	[tilespmem:s31+$0xFFFFFF00] =	vst v3;
	v3 =	vld.idx.msk [tilespmem:v5+s19+$0x0], $0xffff;
	v5 =	vtrunc.f32 v7  }
0x548: {  	[tilespmem:s31+$0xFFFFFF80] =	vst v4;
	v8 =	vtrunc.f32 v8;
	v7 =	vld [tilespmem:s2+$0xFFFFFF10];
	v5 =	vcvt.f32.s32 v5  }
0x549: {  	[tilespmem:s31+$0x0] =	vst v10;
	v4 =	vcvt.f32.s32 v8;
	v8 =	vld [tilespmem:s2+$0xFFFFFF90]  }
0x54a: {  	v10 =	vld [tilespmem:s2+$0x10]  }
0x54b: {  	v6 =	vld.idx.msk [tilespmem:v6+s19+$0x0], $0xffff  }
0x54c: {  	[tilespmem:s30+$0xFFFFFF30] =	vst v3;
	v3 =	vld.idx.msk [tilespmem:v9+s19+$0x0], $0xffff  }
0x54d: {  	v7 =	vmul.f32 $2.550000000e+02, v7;
	v9 =	vld [tilespmem:s5+$0xFFFFFF40]  }
0x54e: {  	v8 =	vmul.f32 $2.550000000e+02, v8;
	v5 =	vld.idx.msk [tilespmem:v5+s20+$0x0], $0xffff  }
0x54f: {  	v4 =	vld.idx.msk [tilespmem:v4+s19+$0x0], $0xffff;
	v7 =	vtrunc.f32 v7  }
0x550: {  	[tilespmem:s30+$0xFFFFFFB0] =	vst v6;
	v8 =	vtrunc.f32 v8;
	v6 =	vcvt.f32.s32 v7  }
0x551: {  	v7 =	vmul.f32 $2.550000000e+02, v10;
	v10 =	vld [tilespmem:s5+$0xFFFFFFC0];
	v8 =	vcvt.f32.s32 v8  }
0x552: {  	[tilespmem:s30+$0x30] =	vst v3  }
0x553: {  	v3 =	vtrunc.f32 v7;
	v7 =	vld [tilespmem:s5+$0x40];
	[tilespmem:s30+$0xC0] =	vst v5  }
0x554: {  	v3 =	vcvt.f32.s32 v3;
	[tilespmem:s31+$0x90] =	vst v4;
	v5 =	vmul.f32 $2.550000000e+02, v9;
	v4 =	vld [tilespmem:s5+$0xD0]  }
0x555: {  	v9 =	vld [tilespmem:s2+$0xA0]  }
0x556: {  	v10 =	vmul.f32 $2.550000000e+02, v10;
	v6 =	vld.idx.msk [tilespmem:v6+s19+$0x0], $0xffff;
	v5 =	vtrunc.f32 v5  }
0x557: {  	v8 =	vld.idx.msk [tilespmem:v8+s19+$0x0], $0xffff;
	v5 =	vcvt.f32.s32 v5  }
0x558: {  	v10 =	vtrunc.f32 v10;
	v7 =	vmul.f32 $2.550000000e+02, v7  }
0x559: {  	v10 =	vcvt.f32.s32 v10;
	v4 =	vmul.f32 $2.550000000e+02, v4  }
0x55a: {  	v3 =	vld.idx.msk [tilespmem:v3+s19+$0x0], $0xffff;
	v7 =	vtrunc.f32 v7;
	v9 =	vmul.f32 $2.550000000e+02, v9  }
0x55b: {  	[tilespmem:s31+$0xFFFFFF10] =	vst v6;
	v6 =	vcvt.f32.s32 v7;
	v4 =	vtrunc.f32 v4  }
0x55c: {  	v9 =	vtrunc.f32 v9;
	[tilespmem:s31+$0xFFFFFF90] =	vst v8;
	v7 =	vld [tilespmem:s2+$0xFFFFFF20];
	v4 =	vcvt.f32.s32 v4  }
0x55d: {  	v8 =	vcvt.f32.s32 v9;
	v9 =	vld [tilespmem:s2+$0xFFFFFFA0]  }
0x55e: {  	v5 =	vld.idx.msk [tilespmem:v5+s20+$0x0], $0xffff  }
0x55f: {  	s0 =	simm.s32 $0x2500;
	[tilespmem:s31+$0x10] =	vst v3;
	v3 =	vld.idx.msk [tilespmem:v10+s20+$0x0], $0xffff  }
0x560: {  	v12 =	vld [tilespmem:s0+$0xFFFFFF80]  }
0x561: {  	v10 =	vld [tilespmem:s2+$0x20]  }
0x562: {  	v7 =	vmul.f32 $2.550000000e+02, v7;
	v4 =	vld.idx.msk [tilespmem:v4+s20+$0x0], $0xffff  }
0x563: {  	v9 =	vmul.f32 $2.550000000e+02, v9;
	[tilespmem:s30+$0xFFFFFF40] =	vst v5;
	v5 =	vld.idx.msk [tilespmem:v8+s19+$0x0], $0xffff  }
0x564: {  	v11 =	vld [tilespmem:s0+$0x80];
	[tilespmem:s30+$0xFFFFFFC0] =	vst v3;
	v3 =	vtrunc.f32 v7  }
0x565: {  	v8 =	vld [tilespmem:s5+$0xFFFFFF50];
	v9 =	vtrunc.f32 v9;
	v3 =	vcvt.f32.s32 v3  }
0x566: {  	v13 =	vld [tilespmem:s0+$0xFFFFFF00];
	v12 =	vmul.f32 $2.550000000e+02, v12;
	v9 =	vcvt.f32.s32 v9  }
0x567: {  	v7 =	vld [tilespmem:s5+$0xFFFFFFD0];
	[tilespmem:s30+$0xD0] =	vst v4  }
0x568: {  	v12 =	vtrunc.f32 v12;
	[tilespmem:s31+$0xA0] =	vst v5;
	v4 =	vmul.f32 $2.550000000e+02, v10;
	v5 =	vld [tilespmem:s5+$0xE0]  }
0x569: {  	v11 =	vmul.f32 $2.550000000e+02, v11;
	v12 =	vcvt.f32.s32 v12;
	v10 =	vld [tilespmem:s2+$0xB0]  }
0x56a: {  	v6 =	vld.idx.msk [tilespmem:v6+s20+$0x0], $0xffff;
	v8 =	vmul.f32 $2.550000000e+02, v8;
	v4 =	vtrunc.f32 v4  }
0x56b: {  	v13 =	vmul.f32 $2.550000000e+02, v13;
	v3 =	vld.idx.msk [tilespmem:v3+s19+$0x0], $0xffff;
	v4 =	vcvt.f32.s32 v4  }
0x56c: {  	v7 =	vmul.f32 $2.550000000e+02, v7;
	v8 =	vtrunc.f32 v8;
	v9 =	vld.idx.msk [tilespmem:v9+s19+$0x0], $0xffff  }
0x56d: {  	v8 =	vcvt.f32.s32 v8;
	v5 =	vmul.f32 $2.550000000e+02, v5  }
0x56e: {  	v14 =	vld [tilespmem:s0+$0x0];
	v7 =	vtrunc.f32 v7;
	v10 =	vmul.f32 $2.550000000e+02, v10  }
0x56f: {  	v12 =	vld.idx.msk [tilespmem:v12+s19+$0x0], $0xffff;
	[tilespmem:s30+$0x40] =	vst v6;
	v7 =	vcvt.f32.s32 v7;
	v5 =	vtrunc.f32 v5  }
0x570: {  	v6 =	vld [tilespmem:s5+$0x50];
	v10 =	vtrunc.f32 v10;
	[tilespmem:s31+$0xFFFFFF20] =	vst v3;
	v5 =	vcvt.f32.s32 v5  }
0x571: {  	[tilespmem:s31+$0xFFFFFFA0] =	vst v9;
	v10 =	vcvt.f32.s32 v10;
	v3 =	vld.idx.msk [tilespmem:v4+s19+$0x0], $0xffff;
	v4 =	vtrunc.f32 v11  }
0x572: {  	v9 =	vtrunc.f32 v13;
	v13 =	vld [tilespmem:s2+$0xFFFFFFB0];
	v4 =	vcvt.f32.s32 v4  }
0x573: {  	v11 =	vld [tilespmem:s2+$0xFFFFFF30]  }
0x574: {  	v9 =	vcvt.f32.s32 v9;
	v8 =	vld.idx.msk [tilespmem:v8+s20+$0x0], $0xffff  }
0x575: {  	v7 =	vld.idx.msk [tilespmem:v7+s20+$0x0], $0xffff  }
0x576: {  	v14 =	vmul.f32 $2.550000000e+02, v14;
	v6 =	vmul.f32 $2.550000000e+02, v6;
	v5 =	vld.idx.msk [tilespmem:v5+s20+$0x0], $0xffff  }
0x577: {  	v10 =	vld.idx.msk [tilespmem:v10+s19+$0x0], $0xffff  }
0x578: {  	v6 =	vtrunc.f32 v6;
	[tilespmem:s31+$0x20] =	vst v3;
	v3 =	vld.idx.msk [tilespmem:v4+s19+$0x0], $0xffff;
	v4 =	vtrunc.f32 v14  }
0x579: {  	v11 =	vmul.f32 $2.550000000e+02, v11;
	v14 =	vld [tilespmem:s2+$0x30];
	v4 =	vcvt.f32.s32 v4  }
0x57a: {  	v6 =	vcvt.f32.s32 v6;
	[tilespmem:s30+$0xFFFFFF50] =	vst v8;
	v9 =	vld.idx.msk [tilespmem:v9+s19+$0x0], $0xffff  }
0x57b: {  	v8 =	vtrunc.f32 v11;
	v11 =	vmul.f32 $2.550000000e+02, v13;
	v13 =	vld [tilespmem:s5+$0xFFFFFF60];
	[tilespmem:s30+$0xE0] =	vst v5  }
0x57c: {  	s6 =	simm.s32 $0x6500;
	[tilespmem:s31+$0xB0] =	vst v10;
	v10 =	vld [tilespmem:s5+$0xF0]  }
0x57d: {  	v8 =	vcvt.f32.s32 v8;
	[tilespmem:s6+$0x80] =	vst v3;
	v3 =	vld [tilespmem:s2+$0xC0]  }
0x57e: {  	v5 =	vtrunc.f32 v11;
	v11 =	vmul.f32 $2.550000000e+02, v14;
	v14 =	vld [tilespmem:s0+$0x90]  }
0x57f: {  	v4 =	vld.idx.msk [tilespmem:v4+s19+$0x0], $0xffff  }
0x580: {  	[tilespmem:s6+$0xFFFFFF80] =	vst v12;
	v6 =	vld.idx.msk [tilespmem:v6+s20+$0x0], $0xffff;
	v5 =	vcvt.f32.s32 v5;
	v13 =	vmul.f32 $2.550000000e+02, v13  }
0x581: {  	v12 =	vld [tilespmem:s0+$0xFFFFFF90];
	[tilespmem:s6+$0xFFFFFF00] =	vst v9;
	v11 =	vtrunc.f32 v11;
	v9 =	vmul.f32 $2.550000000e+02, v10  }
0x582: {  	v10 =	vcvt.f32.s32 v11;
	v11 =	vld [tilespmem:s0+$0xFFFFFF10];
	v3 =	vmul.f32 $2.550000000e+02, v3  }
0x583: {  	[tilespmem:s30+$0xFFFFFFD0] =	vst v7;
	v8 =	vld.idx.msk [tilespmem:v8+s19+$0x0], $0xffff;
	v7 =	vmul.f32 $2.550000000e+02, v14;
	v9 =	vtrunc.f32 v9  }
0x584: {  	v14 =	vld [tilespmem:s5+$0xFFFFFFE0];
	v3 =	vtrunc.f32 v3;
	[tilespmem:s6+$0x0] =	vst v4;
	v9 =	vcvt.f32.s32 v9  }
0x585: {  	[tilespmem:s30+$0x50] =	vst v6;
	v7 =	vtrunc.f32 v7;
	v3 =	vcvt.f32.s32 v3;
	v6 =	vld [tilespmem:s0+$0x10]  }
0x586: {  	v5 =	vld.idx.msk [tilespmem:v5+s19+$0x0], $0xffff;
	v4 =	vcvt.f32.s32 v7  }
0x587: {  	v7 =	vtrunc.f32 v13;
	v13 =	vld [tilespmem:s5+$0x60];
	v11 =	vmul.f32 $2.550000000e+02, v11  }
0x588: {  	[tilespmem:s31+$0xFFFFFF30] =	vst v8;
	v7 =	vcvt.f32.s32 v7;
	v8 =	vld.idx.msk [tilespmem:v10+s19+$0x0], $0xffff  }
0x589: {  	v14 =	vmul.f32 $2.550000000e+02, v14;
	v10 =	vtrunc.f32 v11;
	v11 =	vld [tilespmem:s2+$0xFFFFFF40]  }
0x58a: {  	v10 =	vcvt.f32.s32 v10;
	v6 =	vmul.f32 $2.550000000e+02, v6;
	v15 =	vld.idx.msk [tilespmem:v9+s20+$0x0], $0xffff  }
0x58b: {  	[tilespmem:s31+$0xFFFFFFB0] =	vst v5;
	v5 =	vtrunc.f32 v14;
	v9 =	vmul.f32 $2.550000000e+02, v12;
	v3 =	vld.idx.msk [tilespmem:v3+s20+$0x0], $0xffff  }
0x58c: {  	v5 =	vcvt.f32.s32 v5;
	v4 =	vld.idx.msk [tilespmem:v4+s19+$0x0], $0xffff  }
0x58d: {  	v12 =	vld [tilespmem:s2+$0xFFFFFFC0];
	v6 =	vtrunc.f32 v6;
	v9 =	vtrunc.f32 v9  }
0x58e: {  	[tilespmem:s31+$0x30] =	vst v8;
	v7 =	vld.idx.msk [tilespmem:v7+s20+$0x0], $0xffff;
	v6 =	vcvt.f32.s32 v6;
	v8 =	vmul.f32 $2.550000000e+02, v11  }
0x58f: {  	v9 =	vcvt.f32.s32 v9;
	v11 =	vmul.f32 $2.550000000e+02, v13;
	v13 =	vld [tilespmem:s2+$0x40]  }
0x590: {  	v10 =	vld.idx.msk [tilespmem:v10+s19+$0x0], $0xffff;
	v8 =	vtrunc.f32 v8;
	[tilespmem:s31+$0xC0] =	vst v3  }
0x591: {  	v3 =	vtrunc.f32 v11;
	[tilespmem:s6+$0x90] =	vst v4;
	v4 =	vcvt.f32.s32 v8;
	v8 =	vld [tilespmem:s2+$0xD0]  }
0x592: {  	v11 =	vmul.f32 $2.550000000e+02, v12;
	v3 =	vcvt.f32.s32 v3;
	v5 =	vld.idx.msk [tilespmem:v5+s20+$0x0], $0xffff  }
0x593: {  	v12 =	vld [tilespmem:s0+$0xA0]  }
0x594: {  	v11 =	vtrunc.f32 v11;
	v13 =	vmul.f32 $2.550000000e+02, v13;
	v6 =	vld.idx.msk [tilespmem:v6+s19+$0x0], $0xffff  }
0x595: {  	v11 =	vcvt.f32.s32 v11;
	v9 =	vld.idx.msk [tilespmem:v9+s19+$0x0], $0xffff;
	[tilespmem:s6+$0xFFFFFF10] =	vst v10  }
0x596: {  	v10 =	vtrunc.f32 v13;
	v13 =	vld [tilespmem:s0+$0xFFFFFF20]  }
0x597: {  	v8 =	vmul.f32 $2.550000000e+02, v8;
	v4 =	vld.idx.msk [tilespmem:v4+s20+$0x0], $0xffff  }
0x598: {  	v10 =	vcvt.f32.s32 v10;
	[tilespmem:s30+$0xFFFFFFE0] =	vst v5;
	v12 =	vmul.f32 $2.550000000e+02, v12;
	v3 =	vld.idx.msk [tilespmem:v3+s20+$0x0], $0xffff  }
0x599: {  	[tilespmem:s30+$0xFFFFFF60] =	vst v7;
	v14 =	vld [tilespmem:s5+$0xFFFFFFF0];
	v7 =	vtrunc.f32 v8  }
0x59a: {  	[tilespmem:s6+$0xFFFFFF90] =	vst v9;
	v8 =	vtrunc.f32 v12;
	v7 =	vcvt.f32.s32 v7;
	v9 =	vld [tilespmem:s5+$0xFFFFFF70]  }
0x59b: {  	[tilespmem:s6+$0x10] =	vst v6;
	v11 =	vld.idx.msk [tilespmem:v11+s20+$0x0], $0xffff;
	v6 =	vcvt.f32.s32 v8;
	v8 =	vmul.f32 $2.550000000e+02, v13  }
0x59c: {  	v12 =	vld [tilespmem:s0+$0xFFFFFFA0]  }
0x59d: {  	v13 =	vld [tilespmem:s0+$0x20];
	v8 =	vtrunc.f32 v8  }
0x59e: {  	[tilespmem:s31+$0xFFFFFF40] =	vst v4;
	v4 =	vld.idx.msk [tilespmem:v10+s20+$0x0], $0xffff;
	v8 =	vcvt.f32.s32 v8  }
0x59f: {  	v10 =	vld [tilespmem:s2+$0xFFFFFF50]  }
0x5a0: {  	v5 =	vmul.f32 $2.550000000e+02, v9;
	v7 =	vld.idx.msk [tilespmem:v7+s20+$0x0], $0xffff  }
0x5a1: {  	[tilespmem:s30+$0x60] =	vst v3;
	v3 =	vmul.f32 $2.550000000e+02, v12;
	v6 =	vld.idx.msk [tilespmem:v6+s19+$0x0], $0xffff  }
0x5a2: {  	v16 =	vld [tilespmem:s5+$0x70];
	[tilespmem:s31+$0xFFFFFFC0] =	vst v11;
	v13 =	vmul.f32 $2.550000000e+02, v13;
	v5 =	vtrunc.f32 v5  }
0x5a3: {  	v9 =	vld [tilespmem:s2+$0xFFFFFFD0];
	v11 =	vtrunc.f32 v3;
	v3 =	vcvt.f32.s32 v5  }
0x5a4: {  	[tilespmem:s31+$0x40] =	vst v4;
	v17 =	vmul.f32 $2.550000000e+02, v10;
	v4 =	vtrunc.f32 v13;
	v12 =	vld.idx.msk [tilespmem:v8+s19+$0x0], $0xffff  }
0x5a5: {  	v10 =	vcvt.f32.s32 v11;
	v11 =	vcvt.f32.s32 v4;
	v8 =	vld [tilespmem:s2+$0x50];
	[tilespmem:s31+$0xD0] =	vst v7  }
0x5a6: {  	s29 =	sor.u32 $0x1, s29;
	s9 =	simm.s32 $0x2700;
	v4 =	vmul.f32 $2.550000000e+02, v14;
	v5 =	vtrunc.f32 v17;
	[tilespmem:s6+$0xA0] =	vst v6;
	v6 =	vld [tilespmem:s2+$0xE0]  }
0x5a7: {  	s8 =	simm.s32 $0x8;
	s17 =	sor.u32 s3, s29;
	[tilespmem:s30+$0xF0] =	vst v15;
	s5 =	simm.s32 $0x6500;
	v7 =	vcvt.f32.s32 v5;
	v5 =	vmul.f32 $2.550000000e+02, v16;
	v13 =	vld [tilespmem:s0+$0xB0]  }
.LBB2_17:
0x5a8: {  	v14 =	vld [tilespmem:s9+$0x80];
	s8 =	sadd.s32 $0x4, s8;
	v9 =	vmul.f32 $2.550000000e+02, v9;
	v4 =	vtrunc.f32 v4  }
0x5a9: {  	v15 =	vld [tilespmem:s9+$0xFFFFFF80];
	p1 =	slt.u32 s8, $0x3C;
	v4 =	vcvt.f32.s32 v4;
	v5 =	vtrunc.f32 v5  }
0x5aa: {  	v16 =	vld [tilespmem:s9+$0x0];
	[tilespmem:s6+$0xFFFFFF20] =	vst v12;
	v9 =	vtrunc.f32 v9;
	v8 =	vmul.f32 $2.550000000e+02, v8  }
0x5ab: {  	v12 =	vld [tilespmem:s9+$0xFFFFFF00];
	v9 =	vcvt.f32.s32 v9;
	v6 =	vmul.f32 $2.550000000e+02, v6  }
0x5ac: {  	v10 =	vld.idx.msk [tilespmem:v10+s19+$0x0], $0xffff;
	v13 =	vmul.f32 $2.550000000e+02, v13;
	v8 =	vtrunc.f32 v8  }
0x5ad: {  	v14 =	vmul.f32 $2.550000000e+02, v14;
	v11 =	vld.idx.msk [tilespmem:v11+s19+$0x0], $0xffff;
	v6 =	vtrunc.f32 v6  }
0x5ae: {  	v17 =	vld [tilespmem:s0+$0xFFFFFF30];
	v13 =	vtrunc.f32 v13;
	v6 =	vcvt.f32.s32 v6  }
0x5af: {  	v14 =	vtrunc.f32 v14;
	v13 =	vcvt.f32.s32 v13;
	v7 =	vld.idx.msk [tilespmem:v7+s20+$0x0], $0xffff  }
0x5b0: {  	v12 =	vmul.f32 $2.550000000e+02, v12;
	v14 =	vcvt.f32.s32 v14;
	v3 =	vld.idx.msk [tilespmem:v3+s20+$0x0], $0xffff  }
0x5b1: {  	v15 =	vmul.f32 $2.550000000e+02, v15;
	v16 =	vmul.f32 $2.550000000e+02, v16;
	v9 =	vld.idx.msk [tilespmem:v9+s20+$0x0], $0xffff  }
0x5b2: {  	v8 =	vcvt.f32.s32 v8;
	v12 =	vtrunc.f32 v12;
	[tilespmem:s6+$0xFFFFFFA0] =	vst v10;
	v4 =	vld.idx.msk [tilespmem:v4+s20+$0x0], $0xffff  }
0x5b3: {  	v10 =	vtrunc.f32 v15;
	v15 =	vtrunc.f32 v16;
	v16 =	vld [tilespmem:s0+$0xFFFFFFB0];
	[tilespmem:s6+$0x20] =	vst v11  }
0x5b4: {  	v11 =	vcvt.f32.s32 v12;
	v10 =	vcvt.f32.s32 v10;
	v6 =	vld.idx.msk [tilespmem:v6+s20+$0x0], $0xffff  }
0x5b5: {  	v12 =	vcvt.f32.s32 v15;
	v15 =	vmul.f32 $2.550000000e+02, v17;
	v13 =	vld.idx.msk [tilespmem:v13+s19+$0x0], $0xffff;
	[tilespmem:s31+$0xFFFFFF50] =	vst v7  }
0x5b6: {  	v7 =	vld.idx.msk [tilespmem:v14+s19+$0x0], $0xffff;
	[tilespmem:s30+$0xFFFFFF70] =	vst v3;
	v3 =	vcvt.f32.s32 v5  }
0x5b7: {  	v5 =	vtrunc.f32 v15;
	v14 =	vld [tilespmem:s0+$0x30];
	[tilespmem:s31+$0xFFFFFFD0] =	vst v9  }
0x5b8: {  	v5 =	vcvt.f32.s32 v5;
	v9 =	vmul.f32 $2.550000000e+02, v16;
	v8 =	vld.idx.msk [tilespmem:v8+s20+$0x0], $0xffff;
	[tilespmem:s30+$0xFFFFFFF0] =	vst v4  }
0x5b9: {  	v4 =	vld [tilespmem:s2+$0xFFFFFF60]  }
0x5ba: {  	v11 =	vld.idx.msk [tilespmem:v11+s19+$0x0], $0xffff;
	v9 =	vtrunc.f32 v9;
	[tilespmem:s31+$0xE0] =	vst v6  }
0x5bb: {  	s6 =	sadd.s32 $0x200, s6;
	v6 =	vcvt.f32.s32 v9;
	[tilespmem:s5+$0xB0] =	vst v13;
	v9 =	vld [tilespmem:s2+$0xF0]  }
0x5bc: {  	[tilespmem:s6+$0x80] =	vst v7;
	v7 =	vmul.f32 $2.550000000e+02, v14;
	v13 =	vld [tilespmem:s0+$0xC0]  }
0x5bd: {  	v14 =	vld [tilespmem:s9+$0x90]  }
0x5be: {  	v10 =	vld.idx.msk [tilespmem:v10+s19+$0x0], $0xffff;
	v7 =	vtrunc.f32 v7;
	v4 =	vmul.f32 $2.550000000e+02, v4;
	[tilespmem:s31+$0x50] =	vst v8  }
0x5bf: {  	v8 =	vld.idx.msk [tilespmem:v12+s19+$0x0], $0xffff;
	v7 =	vcvt.f32.s32 v7  }
0x5c0: {  	[tilespmem:s6+$0xFFFFFF00] =	vst v11;
	v5 =	vld.idx.msk [tilespmem:v5+s19+$0x0], $0xffff;
	v4 =	vtrunc.f32 v4;
	v9 =	vmul.f32 $2.550000000e+02, v9  }
0x5c1: {  	v11 =	vld [tilespmem:s9+$0xFFFFFF10];
	v12 =	vmul.f32 $2.550000000e+02, v13;
	v4 =	vcvt.f32.s32 v4  }
0x5c2: {  	v13 =	vmul.f32 $2.550000000e+02, v14;
	v6 =	vld.idx.msk [tilespmem:v6+s19+$0x0], $0xffff;
	v9 =	vtrunc.f32 v9  }
0x5c3: {  	v12 =	vtrunc.f32 v12;
	v14 =	vld [tilespmem:s2+$0xFFFFFFE0];
	v9 =	vcvt.f32.s32 v9  }
0x5c4: {  	[tilespmem:s6+$0xFFFFFF80] =	vst v10;
	v10 =	vtrunc.f32 v13;
	v12 =	vcvt.f32.s32 v12;
	v13 =	vld [tilespmem:s2+$0x60]  }
0x5c5: {  	v15 =	vld [tilespmem:s9+$0xFFFFFF90];
	[tilespmem:s6+$0x0] =	vst v8;
	v8 =	vcvt.f32.s32 v10  }
0x5c6: {  	v10 =	vmul.f32 $2.550000000e+02, v11;
	v11 =	vld [tilespmem:s9+$0x10];
	[tilespmem:s5+$0xFFFFFF30] =	vst v5  }
0x5c7: {  	v5 =	vld.idx.msk [tilespmem:v7+s19+$0x0], $0xffff  }
0x5c8: {  	v7 =	vtrunc.f32 v10;
	v10 =	vld [tilespmem:s0+$0xFFFFFF40];
	[tilespmem:s5+$0xFFFFFFB0] =	vst v6;
	v6 =	vmul.f32 $2.550000000e+02, v14  }
0x5c9: {  	v7 =	vcvt.f32.s32 v7;
	v13 =	vmul.f32 $2.550000000e+02, v13;
	v9 =	vld.idx.msk [tilespmem:v9+s20+$0x0], $0xffff  }
0x5ca: {  	v14 =	vmul.f32 $2.550000000e+02, v15;
	v12 =	vld.idx.msk [tilespmem:v12+s20+$0x0], $0xffff;
	v6 =	vtrunc.f32 v6  }
0x5cb: {  	v11 =	vmul.f32 $2.550000000e+02, v11;
	v8 =	vld.idx.msk [tilespmem:v8+s19+$0x0], $0xffff;
	v13 =	vtrunc.f32 v13  }
0x5cc: {  	v6 =	vcvt.f32.s32 v6;
	v14 =	vtrunc.f32 v14;
	v15 =	vld [tilespmem:s0+$0xFFFFFFC0]  }
0x5cd: {  	v14 =	vcvt.f32.s32 v14;
	v11 =	vtrunc.f32 v11;
	[tilespmem:s5+$0x30] =	vst v5;
	v4 =	vld.idx.msk [tilespmem:v4+s20+$0x0], $0xffff  }
0x5ce: {  	v10 =	vmul.f32 $2.550000000e+02, v10;
	v5 =	vcvt.f32.s32 v11;
	v11 =	vld [tilespmem:s0+$0x40]  }
0x5cf: {  	v13 =	vcvt.f32.s32 v13;
	v7 =	vld.idx.msk [tilespmem:v7+s19+$0x0], $0xffff;
	[tilespmem:s31+$0xF0] =	vst v9  }
0x5d0: {  	v9 =	vtrunc.f32 v10;
	[tilespmem:s5+$0xC0] =	vst v12;
	v3 =	vld.idx.msk [tilespmem:v3+s20+$0x0], $0xffff  }
0x5d1: {  	[tilespmem:s6+$0x90] =	vst v8;
	v8 =	vcvt.f32.s32 v9;
	v9 =	vmul.f32 $2.550000000e+02, v15;
	v10 =	vld [tilespmem:s0+$0xD0]  }
0x5d2: {  	v12 =	vld [tilespmem:s9+$0xA0]  }
0x5d3: {  	v14 =	vld.idx.msk [tilespmem:v14+s19+$0x0], $0xffff;
	v9 =	vtrunc.f32 v9;
	v11 =	vmul.f32 $2.550000000e+02, v11;
	[tilespmem:s31+$0xFFFFFF60] =	vst v4  }
0x5d4: {  	v4 =	vld.idx.msk [tilespmem:v5+s19+$0x0], $0xffff;
	v5 =	vcvt.f32.s32 v9  }
0x5d5: {  	[tilespmem:s6+$0xFFFFFF10] =	vst v7;
	v7 =	vtrunc.f32 v11;
	v6 =	vld.idx.msk [tilespmem:v6+s20+$0x0], $0xffff  }
0x5d6: {  	v9 =	vld [tilespmem:s9+$0xFFFFFF20];
	v7 =	vcvt.f32.s32 v7;
	v10 =	vmul.f32 $2.550000000e+02, v10;
	[tilespmem:s30+$0x70] =	vst v3;
	s30 =	smov.u32 s31;
	s31 =	smov.u32 s5;
	s5 =	smov.u32 s6  }
0x5d7: {  	v3 =	vmul.f32 $2.550000000e+02, v12;
	v8 =	vld.idx.msk [tilespmem:v8+s20+$0x0], $0xffff  }
0x5d8: {  	v10 =	vtrunc.f32 v10;
	v11 =	vld.idx.msk [tilespmem:v13+s20+$0x0], $0xffff  }
0x5d9: {  	[tilespmem:s6+$0xFFFFFF90] =	vst v14;
	v3 =	vtrunc.f32 v3;
	v10 =	vcvt.f32.s32 v10;
	v12 =	vld [tilespmem:s2+$0xFFFFFF70]  }
0x5da: {  	v13 =	vld [tilespmem:s9+$0xFFFFFFA0];
	[tilespmem:s6+$0x10] =	vst v4;
	v3 =	vcvt.f32.s32 v3  }
0x5db: {  	v4 =	vmul.f32 $2.550000000e+02, v9;
	v9 =	vld [tilespmem:s9+$0x20];
	[tilespmem:s30+$0xFFFFFFE0] =	vst v6  }
0x5dc: {  	v5 =	vld.idx.msk [tilespmem:v5+s20+$0x0], $0xffff  }
0x5dd: {  	v4 =	vtrunc.f32 v4;
	[tilespmem:s31+$0xFFFFFF40] =	vst v8;
	v6 =	vld.idx.msk [tilespmem:v7+s20+$0x0], $0xffff  }
0x5de: {  	v4 =	vcvt.f32.s32 v4;
	v7 =	vld [tilespmem:s0+$0xFFFFFF50];
	v8 =	vmul.f32 $2.550000000e+02, v12;
	[tilespmem:s30+$0x60] =	vst v11  }
0x5df: {  	v11 =	vmul.f32 $2.550000000e+02, v13;
	v13 =	vld.idx.msk [tilespmem:v10+s20+$0x0], $0xffff  }
0x5e0: {  	v9 =	vmul.f32 $2.550000000e+02, v9;
	v14 =	vld.idx.msk [tilespmem:v3+s19+$0x0], $0xffff;
	v3 =	vtrunc.f32 v8  }
0x5e1: {  	v8 =	vtrunc.f32 v11;
	v3 =	vcvt.f32.s32 v3;
	v15 =	vld [tilespmem:s2+$0xFFFFFFF0]  }
0x5e2: {  	v10 =	vcvt.f32.s32 v8;
	v8 =	vtrunc.f32 v9;
	[tilespmem:s31+$0xFFFFFFC0] =	vst v5;
	v5 =	vld [tilespmem:s2+$0x70];
	s2 =	smov.u32 s0;
	s0 =	smov.u32 s9  }
.Ltmp7:
0x5e3: {  	v11 =	vcvt.f32.s32 v8;
	v7 =	vmul.f32 $2.550000000e+02, v7;
	v9 =	vld [tilespmem:s2+$0xFFFFFFD0];
	[tilespmem:s31+$0x40] =	vst v6;
	(pc) =	sbr.rel @p1 .LBB2_17-.Ltmp7, $4  }
0x5e4: {  	v12 =	vld.idx.msk [tilespmem:v4+s19+$0x0], $0xffff  }
0x5e5: {  	v4 =	vtrunc.f32 v7;
	v8 =	vld [tilespmem:s2+$0x50];
	[tilespmem:s31+$0xD0] =	vst v13  }
0x5e6: {  	[tilespmem:s6+$0xA0] =	vst v14;
	v7 =	vcvt.f32.s32 v4;
	v6 =	vld [tilespmem:s2+$0xE0];
	v4 =	vmul.f32 $2.550000000e+02, v15  }
0x5e7: {  	s9 =	sadd.s32 $0x200, s9;
	v13 =	vld [tilespmem:s0+$0xB0];
	v5 =	vmul.f32 $2.550000000e+02, v5  }
0x5e8: {  	_ =	sdelay $0x3  }
0x5e9: {  	v10 =	vld.idx.msk [tilespmem:v10+s19+$0x0], $0xffff  }
0x5ea: {  	v11 =	vld.idx.msk [tilespmem:v11+s19+$0x0], $0xffff;
	_ =	sdelay $0x2  }
0x5eb: {  	[tilespmem:s6+$0xFFFFFF20] =	vst v12  }
0x5ec: {  	v12 =	vld [tilespmem:s0+$0xFFFFFF30];
	[tilespmem:s6+$0xFFFFFFA0] =	vst v10  }
0x5ed: {  	[tilespmem:s6+$0x20] =	vst v11;
	v10 =	vld [tilespmem:s0+$0xFFFFFFB0]  }
0x5ee: {  	v11 =	vld [tilespmem:s0+$0x30]  }
0x5ef: {  	v13 =	vmul.f32 $2.550000000e+02, v13;
	_ =	sdelay $0x1  }
0x5f0: {  	v13 =	vtrunc.f32 v13;
	v12 =	vmul.f32 $2.550000000e+02, v12  }
0x5f1: {  	v13 =	vcvt.f32.s32 v13;
	v10 =	vmul.f32 $2.550000000e+02, v10  }
0x5f2: {  	v12 =	vtrunc.f32 v12;
	v11 =	vmul.f32 $2.550000000e+02, v11  }
0x5f3: {  	v12 =	vcvt.f32.s32 v12;
	v10 =	vtrunc.f32 v10  }
0x5f4: {  	v11 =	vtrunc.f32 v11;
	v10 =	vcvt.f32.s32 v10  }
0x5f5: {  	v11 =	vcvt.f32.s32 v11;
	_ =	sdelay $0x1  }
0x5f6: {  	v13 =	vld.idx.msk [tilespmem:v13+s19+$0x0], $0xffff;
	_ =	sdelay $0x1  }
0x5f7: {  	v12 =	vld.idx.msk [tilespmem:v12+s19+$0x0], $0xffff  }
0x5f8: {  	v10 =	vld.idx.msk [tilespmem:v10+s19+$0x0], $0xffff  }
0x5f9: {  	v11 =	vld.idx.msk [tilespmem:v11+s19+$0x0], $0xffff  }
0x5fa: {  	[tilespmem:s5+$0xB0] =	vst v13  }
0x5fb: {  	v13 =	vld [tilespmem:s0+$0xC0]  }
0x5fc: {  	[tilespmem:s5+$0xFFFFFF30] =	vst v12  }
0x5fd: {  	v12 =	vld [tilespmem:s0+$0xFFFFFF40];
	[tilespmem:s5+$0xFFFFFFB0] =	vst v10  }
0x5fe: {  	[tilespmem:s5+$0x30] =	vst v11;
	v10 =	vld [tilespmem:s0+$0xFFFFFFC0]  }
0x5ff: {  	v11 =	vld [tilespmem:s0+$0x40]  }
0x600: {  	v13 =	vmul.f32 $2.550000000e+02, v13;
	_ =	sdelay $0x1  }
0x601: {  	v13 =	vtrunc.f32 v13;
	v12 =	vmul.f32 $2.550000000e+02, v12  }
0x602: {  	v13 =	vcvt.f32.s32 v13;
	v10 =	vmul.f32 $2.550000000e+02, v10  }
0x603: {  	v12 =	vtrunc.f32 v12;
	v11 =	vmul.f32 $2.550000000e+02, v11  }
0x604: {  	v12 =	vcvt.f32.s32 v12;
	v10 =	vtrunc.f32 v10  }
0x605: {  	v11 =	vtrunc.f32 v11;
	v10 =	vcvt.f32.s32 v10  }
0x606: {  	v11 =	vcvt.f32.s32 v11;
	_ =	sdelay $0x1  }
0x607: {  	v13 =	vld.idx.msk [tilespmem:v13+s20+$0x0], $0xffff;
	_ =	sdelay $0x1  }
0x608: {  	v12 =	vld.idx.msk [tilespmem:v12+s20+$0x0], $0xffff  }
0x609: {  	v9 =	vmul.f32 $2.550000000e+02, v9;
	v10 =	vld.idx.msk [tilespmem:v10+s20+$0x0], $0xffff  }
0x60a: {  	v8 =	vmul.f32 $2.550000000e+02, v8;
	v11 =	vld.idx.msk [tilespmem:v11+s20+$0x0], $0xffff  }
0x60b: {  	v9 =	vtrunc.f32 v9;
	[tilespmem:s5+$0xC0] =	vst v13  }
0x60c: {  	v9 =	vcvt.f32.s32 v9;
	v8 =	vtrunc.f32 v8;
	v13 =	vld [tilespmem:s0+$0xD0]  }
0x60d: {  	v8 =	vcvt.f32.s32 v8;
	[tilespmem:s5+$0xFFFFFF40] =	vst v12  }
0x60e: {  	v12 =	vld [tilespmem:s0+$0xFFFFFF50];
	[tilespmem:s5+$0xFFFFFFC0] =	vst v10  }
0x60f: {  	[tilespmem:s5+$0x40] =	vst v11;
	v10 =	vld [tilespmem:s0+$0xFFFFFFD0]  }
0x610: {  	v11 =	vld [tilespmem:s0+$0x50]  }
0x611: {  	v7 =	vld.idx.msk [tilespmem:v7+s20+$0x0], $0xffff;
	v13 =	vmul.f32 $2.550000000e+02, v13  }
0x612: {  	v9 =	vld.idx.msk [tilespmem:v9+s20+$0x0], $0xffff  }
0x613: {  	v8 =	vld.idx.msk [tilespmem:v8+s20+$0x0], $0xffff;
	v13 =	vtrunc.f32 v13;
	v12 =	vmul.f32 $2.550000000e+02, v12  }
0x614: {  	v13 =	vcvt.f32.s32 v13;
	v10 =	vmul.f32 $2.550000000e+02, v10  }
0x615: {  	v12 =	vtrunc.f32 v12;
	v11 =	vmul.f32 $2.550000000e+02, v11  }
0x616: {  	[tilespmem:s31+$0xFFFFFF50] =	vst v7;
	v36 =	vcvt.f32.s32 v12;
	v10 =	vtrunc.f32 v10  }
0x617: {  	v37 =	vld [tilespmem:s2+$0xFFFFFF60];
	[tilespmem:s31+$0xFFFFFFD0] =	vst v9;
	v11 =	vtrunc.f32 v11;
	v10 =	vcvt.f32.s32 v10  }
0x618: {  	v39 =	vld [tilespmem:s2+$0xFFFFFFE0];
	[tilespmem:s31+$0x50] =	vst v8;
	v38 =	vcvt.f32.s32 v11  }
0x619: {  	v41 =	vld [tilespmem:s2+$0x60]  }
0x61a: {  	v40 =	vld.idx.msk [tilespmem:v13+s20+$0x0], $0xffff  }
0x61b: {  	v6 =	vmul.f32 $2.550000000e+02, v6  }
0x61c: {  	v7 =	vld.idx.msk [tilespmem:v36+s20+$0x0], $0xffff  }
0x61d: {  	v6 =	vtrunc.f32 v6;
	v12 =	vmul.f32 $2.550000000e+02, v37;
	v10 =	vld.idx.msk [tilespmem:v10+s20+$0x0], $0xffff  }
0x61e: {  	v6 =	vcvt.f32.s32 v6;
	v11 =	vmul.f32 $2.550000000e+02, v39;
	v9 =	vld.idx.msk [tilespmem:v38+s20+$0x0], $0xffff  }
0x61f: {  	v42 =	vmul.f32 $2.550000000e+02, v41;
	v12 =	vtrunc.f32 v12;
	[tilespmem:s5+$0xD0] =	vst v40  }
0x620: {  	v12 =	vcvt.f32.s32 v12;
	v11 =	vtrunc.f32 v11;
	v43 =	vld [tilespmem:s0+$0xE0]  }
0x621: {  	v11 =	vcvt.f32.s32 v11;
	[tilespmem:s5+$0xFFFFFF50] =	vst v7  }
0x622: {  	v44 =	vtrunc.f32 v42;
	v45 =	vld [tilespmem:s0+$0xFFFFFF60];
	[tilespmem:s5+$0xFFFFFFD0] =	vst v10  }
0x623: {  	v7 =	vcvt.f32.s32 v44;
	[tilespmem:s5+$0x50] =	vst v9;
	v46 =	vld [tilespmem:s0+$0xFFFFFFE0]  }
0x624: {  	v47 =	vld [tilespmem:s0+$0x60]  }
0x625: {  	v6 =	vld.idx.msk [tilespmem:v6+s20+$0x0], $0xffff;
	v13 =	vmul.f32 $2.550000000e+02, v43  }
0x626: {  	v12 =	vld.idx.msk [tilespmem:v12+s20+$0x0], $0xffff  }
0x627: {  	v11 =	vld.idx.msk [tilespmem:v11+s20+$0x0], $0xffff;
	v13 =	vtrunc.f32 v13;
	v8 =	vmul.f32 $2.550000000e+02, v45  }
0x628: {  	v13 =	vcvt.f32.s32 v13;
	v9 =	vmul.f32 $2.550000000e+02, v46  }
0x629: {  	v7 =	vld.idx.msk [tilespmem:v7+s20+$0x0], $0xffff;
	v8 =	vtrunc.f32 v8;
	v10 =	vmul.f32 $2.550000000e+02, v47  }
0x62a: {  	[tilespmem:s31+$0xE0] =	vst v6;
	v48 =	vcvt.f32.s32 v8;
	v49 =	vtrunc.f32 v9  }
0x62b: {  	v50 =	vld [tilespmem:s2+$0xF0];
	[tilespmem:s31+$0xFFFFFF60] =	vst v12;
	v10 =	vtrunc.f32 v10;
	v8 =	vcvt.f32.s32 v49  }
0x62c: {  	v12 =	vld [tilespmem:s2+$0xFFFFFF70];
	[tilespmem:s31+$0xFFFFFFE0] =	vst v11;
	v10 =	vcvt.f32.s32 v10  }
0x62d: {  	v11 =	vld [tilespmem:s2+$0xFFFFFFF0]  }
0x62e: {  	[tilespmem:s31+$0x60] =	vst v7;
	v51 =	vld.idx.msk [tilespmem:v13+s20+$0x0], $0xffff  }
0x62f: {  	v52 =	vld [tilespmem:s2+$0x70]  }
0x630: {  	v6 =	vld.idx.msk [tilespmem:v48+s20+$0x0], $0xffff  }
0x631: {  	v8 =	vld.idx.msk [tilespmem:v8+s20+$0x0], $0xffff  }
0x632: {  	v4 =	vtrunc.f32 v4;
	v10 =	vld.idx.msk [tilespmem:v10+s20+$0x0], $0xffff  }
0x633: {  	v5 =	vtrunc.f32 v5;
	v9 =	vmul.f32 $2.550000000e+02, v50;
	[tilespmem:s5+$0xE0] =	vst v51  }
0x634: {  	v4 =	vcvt.f32.s32 v4;
	v5 =	vcvt.f32.s32 v5;
	v7 =	vld [tilespmem:s0+$0xF0]  }
0x635: {  	v54 =	vmul.f32 $2.550000000e+02, v11;
	v9 =	vtrunc.f32 v9;
	[tilespmem:s5+$0xFFFFFF60] =	vst v6  }
0x636: {  	v12 =	vmul.f32 $2.550000000e+02, v12;
	v53 =	vcvt.f32.s32 v9;
	v55 =	vld [tilespmem:s0+$0xFFFFFF70];
	[tilespmem:s5+$0xFFFFFFE0] =	vst v8  }
0x637: {  	v9 =	vtrunc.f32 v54;
	v57 =	vmul.f32 $2.550000000e+02, v52;
	[tilespmem:s5+$0x60] =	vst v10;
	v58 =	vld [tilespmem:s0+$0xFFFFFFF0]  }
0x638: {  	v56 =	vtrunc.f32 v12;
	v9 =	vcvt.f32.s32 v9;
	v59 =	vld [tilespmem:s0+$0x70]  }
0x639: {  	v12 =	vtrunc.f32 v57;
	v7 =	vmul.f32 $2.550000000e+02, v7  }
0x63a: {  	v12 =	vcvt.f32.s32 v12;
	v8 =	vcvt.f32.s32 v56  }
0x63b: {  	v3 =	vld.idx.msk [tilespmem:v3+s20+$0x0], $0xffff;
	v7 =	vtrunc.f32 v7;
	v11 =	vmul.f32 $2.550000000e+02, v55  }
0x63c: {  	v7 =	vcvt.f32.s32 v7;
	v10 =	vmul.f32 $2.550000000e+02, v58  }
0x63d: {  	v4 =	vld.idx.msk [tilespmem:v4+s20+$0x0], $0xffff;
	v11 =	vtrunc.f32 v11;
	v13 =	vmul.f32 $2.550000000e+02, v59  }
0x63e: {  	v5 =	vld.idx.msk [tilespmem:v5+s20+$0x0], $0xffff;
	v11 =	vcvt.f32.s32 v11;
	v10 =	vtrunc.f32 v10  }
0x63f: {  	v6 =	vld.idx.msk [tilespmem:v53+s20+$0x0], $0xffff;
	v13 =	vtrunc.f32 v13;
	v10 =	vcvt.f32.s32 v10  }
0x640: {  	[tilespmem:s30+$0xFFFFFF70] =	vst v3;
	v3 =	vld.idx.msk [tilespmem:v9+s20+$0x0], $0xffff;
	v13 =	vcvt.f32.s32 v13  }
0x641: {  	v61 =	vld.idx.msk [tilespmem:v12+s20+$0x0], $0xffff  }
0x642: {  	[tilespmem:s30+$0xFFFFFFF0] =	vst v4;
	v8 =	vld.idx.msk [tilespmem:v8+s20+$0x0], $0xffff  }
0x643: {  	[tilespmem:s30+$0x70] =	vst v5;
	v60 =	vld.idx.msk [tilespmem:v7+s20+$0x0], $0xffff  }
0x644: {  	[tilespmem:s31+$0xF0] =	vst v6;
	v62 =	vld.idx.msk [tilespmem:v11+s20+$0x0], $0xffff  }
0x645: {  	[tilespmem:s31+$0xFFFFFFF0] =	vst v3;
	v63 =	vld.idx.msk [tilespmem:v10+s20+$0x0], $0xffff  }
0x646: {  	[tilespmem:s31+$0x70] =	vst v61;
	v3 =	vld.idx.msk [tilespmem:v13+s20+$0x0], $0xffff  }
0x647: {  	s0 =	sadd.s32 @!p0 $0x2, s17;
	[tilespmem:s31+$0xFFFFFF70] =	vst v8  }
0x648: {  	s2 =	sshll.u32 @!p0 s0, $0x7;
	[tilespmem:s5+$0xF0] =	vst v60  }
0x649: {  	s28 =	sadd.s32 $0x1, s28;
	s0 =	sshll.u32 @!p0 s0, $0xA;
	s2 =	sand.u32 @!p0 $0x180, s2;
	[tilespmem:s5+$0xFFFFFF70] =	vst v62  }
0x64a: {  	s6 =	simm.s32 @!p0 $0x2000;
	s0 =	sand.u32 @!p0 $0xFFFF000, s0;
	s2 =	sadd.s32 @!p0 s1, s2;
	[tilespmem:s5+$0xFFFFFFF0] =	vst v63  }
0x64b: {  	s0 =	sadd.s32 @!p0 s0, s2;
	s2 =	simm.s32 @!p0 $0x400;
	[tilespmem:s5+$0x70] =	vst v3;
	s5 =	simm.s32 @!p0 $0x1000  }
0x64c: {  	[tilespmem:s6], [sflag:$0x2] =	stream.strided.gather @!p0 [hbm4b:s0+s2], $0x2000, s5, s2, $0x38;
	[tilespmem:$0xA500] =	vst v63  }
0x64d: {  	p0 =	sne.s32 s28, $0x8  }
.Ltmp8:
0x64e: {  	s30 =	sshll.u32 s17, $0xA;
	s31 =	sshll.u32 s29, $0x7;
	(pc) =	sbr.rel @p0 .LBB2_2-.Ltmp8, $4  }
0x64f: {  	s0 =	sand.u32 $0x7000, s30;
	s2 =	sand.u32 $0x180, s31  }
0x650: {  	s0 =	sor.u32 s0, s2  }
0x651: {  	s0 =	sadd.s32 s0, s10  }
0x652: {  	[hbm4b:s0+s15] =	stream.strided.scatter [tilespmem:s23], [sflag:$0x4], $0x2000, s16, s15, $0x38;
	[tilespmem:$0xA500] =	vst v63  }
0x653: {  	_ =	swait.ge [sflag:s24], $0x2000  }
0x654: {  	[sflag:s24] =	ssyncset.done $0x0  }
0x655: {  	[sflag:s24] =	ssyncadd.s32 $0xFFFFE000  }
0x656: {  	_ =	swait.ge [sflag:s25], $0x2000  }
0x657: {  	[sflag:s25] =	ssyncset.done $0x0  }
0x658: {  	[sflag:s25] =	ssyncadd.s32 $0xFFFFE000  }
0x659: {  	_ =	swait.ge [sflag:s18], $0x1000  }
0x65a: {  	[sflag:s18] =	ssyncset.done $0x0  }
0x65b: {  	[sflag:s18] =	ssyncadd.s32 $0xFFFFF000  }
0x65c: {  	_ =	swait.ge [sflag:s18], $0x1000  }
0x65d: {  	s26 =	sadd.s32 $0x1, s26;
	s0 =	rddreg [dreg:$0x7]  }
0x65e: {  	p0 =	sne.s32 s26, s0  }
.Ltmp9:
0x65f: {  	_ = 	snop;
	(pc) =	sbr.rel @p0 .LBB2_1-.Ltmp9, $3  }
0x660: {  	_ =	sdelay $0x1  }
0x661: {  	[sflag:s18] =	ssyncset.done $0x0  }
0x662: {  	[sflag:s18] =	ssyncadd.s32 $0xFFFFF000  }
0x663: {  	_ =	sfence.sel $0x180000  }
0x664: {  	[bflag:$0x0] =	sbarrier.arrive $0xFFFF  }
0x665: {  	_ =	strace $0x90000047  }
0x666: {  	s0 =	stileid.u32;
	[bflag:$0x2] =	sbarrier.arrive $0xFFFF  }
0x667: {  	p0 =	sne.s32 s0, $0x0;
	s0 =	rddreg [dreg:$0x3]  }
0x668: {  	s0 =	sadd.s32 @!p0 $0x100000, s0  }
0x669: {  	[sflag:s0] =	ssyncadd.tile.s32 @!p0 $0x1;
	_ =	shalt  }
.Lfunc_end2:
_tile_overlayer_lowered:
.L_overlay_start_2:
0x66a: {  	(tag) =	ssettag $0x2  }
0x66b: {  	s0 =	rddreg [dreg:$0x0];
	s2 =	stileid.u32  }
0x66c: {  	s1 =	rddreg [dreg:$0x1];
	p0 =	sne.s32 s2, $0x0  }
0x66d: {  	s3 =	rddreg [dreg:$0x2];
	[bflag:$0x3] =	sbarrier.arrive $0xFFFF;
	s2 =	simm.s32 @!p0 $0x1C06  }
0x66e: {  	[timem:s3], [sflag:s2] =	dma.local @!p0 [hbm:s0], s1  }
0x66f: {  	s0 =	simm.s32 @!p0 $0x6  }
0x670: {  	_ =	swait.ge @!p0 [sflag:s0], s1  }
0x671: {  	s1 =	ssub.s32 @!p0 $0x0, s1;
	[sflag:s0] =	ssyncset.done @!p0 $0x0  }
0x672: {  	[sflag:s0] =	ssyncadd.s32 @!p0 s1  }
0x673: {  	[bflag:$0x3] =	sbarrier.arrive $0xFFFF  }
0x674: {  	_ =	shalt  }

</sc_bundles>
